<compile_context>
chip_gen: v7x
topology: tpu7x:2x2x1
jax: 0.10.2.dev20260603
libtpu: 0.0.44.dev20260713+nightly
codegen_flags: <defaults>
</compile_context>

<pallas_src>
import functools

import jax
import jax.numpy as jnp
import numpy as np
from jax import lax
from jax.experimental import pallas as pl
from jax.experimental.pallas import tpu as pltpu
from jax.experimental.pallas import tpu_sc as plsc

_R_CUT = 5.0
_N_POINTS = 600
_N_MAX_L = (20, 18, 16, 14)
_OFFS = (0, 20, 38, 54, 68)
_TOTAL_N = 68
_HID = 32

_NC, _NSUB = 2, 16
_NW = _NC * _NSUB
_CHUNK = 128
_ROW = 256
_BLK = 1280
_ROFF = (0, 24, 48, 64, 80)

_SCALE = np.float32((_N_POINTS - 1) / _R_CUT)
_H = np.float32(_R_CUT / (_N_POINTS - 1))


def _sc_gather(r, ftab):
    n = r.shape[0]
    per_w = n // _NW
    n_chunks = (per_w + _CHUNK - 1) // _CHUNK
    last_off = per_w - _CHUNK
    mesh = plsc.VectorSubcoreMesh(core_axis_name="c", subcore_axis_name="s")

    @functools.partial(
        pl.kernel,
        out_type=jax.ShapeDtypeStruct((2, n, 128), jnp.int32),
        mesh=mesh,
        scratch_types=[
            pltpu.VMEM((_CHUNK,), jnp.float32),
            pltpu.VMEM((_CHUNK,), jnp.int32),
            pltpu.VMEM((_CHUNK,), jnp.int32),
            pltpu.VMEM((_CHUNK, _ROW), jnp.int32),
            pltpu.VMEM((_CHUNK, _ROW), jnp.int32),
            pltpu.SemaphoreType.DMA,
            pltpu.SemaphoreType.DMA,
        ],
    )
    def k(r_hbm, tab_hbm, out_hbm, r_v, idx0, idx1, rows0, rows1, sem0, sem1):
        wid = lax.axis_index("s") * _NC + lax.axis_index("c")
        base = wid * per_w

        def chunk_off(c):
            return base + jnp.minimum(c * _CHUNK, last_off)

        def load_idx(c, idx_v):
            off = chunk_off(c)
            pltpu.sync_copy(r_hbm.at[pl.ds(off, _CHUNK)], r_v)
            for kk in range(_CHUNK // 16):
                rv = r_v[pl.ds(kk * 16, 16)]
                i0 = (rv * _SCALE).astype(jnp.int32)
                i0 = jnp.minimum(jnp.maximum(i0, 0), _N_POINTS - 2)
                idx_v[pl.ds(kk * 16, 16)] = i0

        bufs = ((idx0, rows0, sem0), (idx1, rows1, sem1))

        for b in range(2):
            idx_v, rows_v, sem = bufs[b]
            load_idx(b, idx_v)
            pltpu.async_copy(tab_hbm.at[idx_v], rows_v, sem)

        def body(i, carry):
            for b in range(2):
                c = 2 * i + b
                idx_v, rows_v, sem = bufs[b]
                pltpu.make_async_copy(tab_hbm.at[idx_v], rows_v, sem).wait()
                off = chunk_off(c)
                pltpu.sync_copy(rows_v.at[:, pl.ds(0, 128)],
                                out_hbm.at[0, pl.ds(off, _CHUNK)])
                pltpu.sync_copy(rows_v.at[:, pl.ds(128, 128)],
                                out_hbm.at[1, pl.ds(off, _CHUNK)])

                @pl.when(c + 2 < n_chunks)
                def _():
                    load_idx(c + 2, idx_v)
                    pltpu.async_copy(tab_hbm.at[idx_v], rows_v, sem)

            return carry

        lax.fori_loop(0, (n_chunks + 1) // 2, body, 0)

    return k(r, ftab)


def _tc_body(g_ref, r_ref, s_ref, w1t_ref, w23t_ref, w4t_ref, comb_ref,
             o0, o1, o2, o3):
    gw0 = jnp.transpose(g_ref[0])
    gw1 = jnp.transpose(g_ref[1])
    mask = jnp.int32(-65536)

    def unpack(gw):
        lo = lax.bitcast_convert_type(jnp.left_shift(gw, 16), jnp.float32)
        hi = lax.bitcast_convert_type(jnp.bitwise_and(gw, mask), jnp.float32)
        return lo, hi

    v0, v1 = unpack(gw0)
    d0, d1 = unpack(gw1)
    t = r_ref[0] * _SCALE
    i0 = t.astype(jnp.int32)
    i0 = jnp.minimum(jnp.maximum(i0, 0), _N_POINTS - 2)
    f = t - i0.astype(jnp.float32)
    f2 = f * f
    f3 = f2 * f
    h00 = 2.0 * f3 - 3.0 * f2 + 1.0
    h10 = _H * (f3 - 2.0 * f2 + f)
    h01 = -2.0 * f3 + 3.0 * f2
    h11 = _H * (f3 - f2)
    radial = h00 * v0 + h10 * d0 + h01 * v1 + h11 * d1

    s = s_ref[0]
    pa = []
    for aj in range(4):
        v = jnp.where(s == 0, comb_ref[aj, 0],
            jnp.where(s == 1, comb_ref[aj, 1],
            jnp.where(s == 2, comb_ref[aj, 2], comb_ref[aj, 3])))
        pa.append(v)

    def silu(x):
        xh = 0.5 * x
        return xh * jnp.tanh(xh) + xh

    outs = (o0, o1, o2, o3)
    nq = radial.shape[1] // 256
    for aj in range(4):
        hh = silu(jnp.dot(w1t_ref[aj], radial * pa[aj],
                          preferred_element_type=jnp.float32))
        for layer in range(2):
            hh = silu(jnp.dot(w23t_ref[layer, aj], hh,
                              preferred_element_type=jnp.float32))
        y = jnp.dot(w4t_ref[aj], hh, preferred_element_type=jnp.float32)
        for l in range(4):
            n = _N_MAX_L[l]
            yl = y[_ROFF[l]:_ROFF[l] + n]
            if l == 2:
                for tj in range(2):
                    for nbl in range(2 * nq):
                        outs[l][aj, tj, nbl] = (
                            yl[tj * 8:tj * 8 + 8, nbl * 128:nbl * 128 + 128])
            else:
                for qq in range(nq):
                    outs[l][:, qq, aj, :] = (
                        yl[:, 2 * qq * 128:2 * qq * 128 + 128])
                    outs[l][:, qq, aj + 4, :] = (
                        yl[:, (2 * qq + 1) * 128:(2 * qq + 1) * 128 + 128])


def _tc_mlp(G, r3, sp3, W1T, W23T, W4T, comb_W):
    npad = G.shape[1]
    nb = npad // _BLK
    nq = _BLK // 256
    out_shapes = tuple(
        jax.ShapeDtypeStruct((4, 2, npad // 128, 8, 128), jnp.float32)
        if l == 2 else
        jax.ShapeDtypeStruct((_N_MAX_L[l], npad // 256, 8, 128), jnp.float32)
        for l in range(4))
    return pl.pallas_call(
        _tc_body,
        grid=(nb,),
        in_specs=[
            pl.BlockSpec((2, _BLK, 128), lambda i: (0, i, 0)),
            pl.BlockSpec((1, 1, _BLK), lambda i: (i, 0, 0)),
            pl.BlockSpec((1, 1, _BLK), lambda i: (i, 0, 0)),
            pl.BlockSpec((4, 128, 128), lambda i: (0, 0, 0)),
            pl.BlockSpec((2, 4, 128, 128), lambda i: (0, 0, 0, 0)),
            pl.BlockSpec((4, 80, 128), lambda i: (0, 0, 0)),
            pl.BlockSpec(memory_space=pltpu.SMEM),
        ],
        out_specs=tuple(
            pl.BlockSpec((4, 2, 2 * nq, 8, 128), lambda i: (0, 0, i, 0, 0))
            if l == 2 else
            pl.BlockSpec((_N_MAX_L[l], nq, 8, 128), lambda i: (0, i, 0, 0))
            for l in range(4)),
        out_shape=out_shapes,
    )(G, r3, sp3, W1T, W23T, W4T, comb_W)


def _pack_weights(mlp_params):
    eye4 = jnp.eye(4, dtype=jnp.float32)
    w1_aj, w23_aj, w4_aj = [], [[], []], []
    for aj in range(4):
        p = [mlp_params[str(l) + '_' + str(aj)] for l in range(4)]
        blocks = [jnp.pad(p[l][0],
                          ((0, 0), (_OFFS[l], 128 - _OFFS[l] - _N_MAX_L[l])))
                  for l in range(4)]
        w1_aj.append(jnp.concatenate(blocks, axis=0))
        for layer in range(2):
            S = jnp.stack([p[l][1 + layer] for l in range(4)])
            bd = jnp.einsum('lij,lm->limj', S, eye4).reshape(128, 128)
            w23_aj[layer].append(bd)
        blocks = []
        for l in range(4):
            n = _N_MAX_L[l]
            rows = _ROFF[l + 1] - _ROFF[l]
            b = jnp.pad(p[l][3], ((0, rows - n), (l * 32, 96 - l * 32)))
            blocks.append(b)
        w4_aj.append(jnp.concatenate(blocks, axis=0))
    W1T = jnp.stack(w1_aj)
    W23T = jnp.stack([jnp.stack(w23_aj[0]), jnp.stack(w23_aj[1])])
    W4T = jnp.stack(w4_aj)
    return W1T, W23T, W4T


def _fused_table(spline_values, spline_derivs):
    def slab(x):
        xb = x.astype(jnp.bfloat16)
        u = lax.bitcast_convert_type(xb, jnp.uint16).astype(jnp.uint32)
        return jnp.pad(u, ((0, 0), (0, 128 - _TOTAL_N)))

    sv1 = jnp.concatenate([spline_values[1:], spline_values[:1]], axis=0)
    sd1 = jnp.concatenate([spline_derivs[1:], spline_derivs[:1]], axis=0)
    lo = jnp.concatenate([slab(spline_values), slab(spline_derivs)], axis=1)
    hi = jnp.concatenate([slab(sv1), slab(sd1)], axis=1)
    return lax.bitcast_convert_type((hi << 16) | lo, jnp.int32)


def kernel(r, species_neighbor_idx, spline_values, spline_derivs, comb_W,
           mlp_params):
    n = r.shape[0]
    ftab = _fused_table(spline_values, spline_derivs)
    W1T, W23T, W4T = _pack_weights(mlp_params)
    G = _sc_gather(r, ftab)
    nb = n // _BLK
    outs = _tc_mlp(G, r.reshape(nb, 1, _BLK),
                   species_neighbor_idx.reshape(nb, 1, _BLK),
                   W1T, W23T, W4T, comb_W)
    res = []
    for l in range(4):
        nl = _N_MAX_L[l]
        if l == 2:
            t = outs[l].transpose(2, 4, 0, 1, 3)
            res.append(t.reshape(n, 4, nl))
        else:
            t = outs[l].reshape(nl, n // 256, 2, 4, 128)
            res.append(t.transpose(1, 2, 4, 3, 0).reshape(n, 4, nl))
    return tuple(res)

# --- scband reference (transcript-rebuilt; emitter-appended) ---
"""Pipeline reference for scband-radial-basis-85203561218507 (READ-ONLY COPY).

The authoritative reference and input builder live on the scoring server;
editing this copy changes nothing except your own understanding.
"""

import jax, jax.numpy as jnp
import numpy as np

N = 160000
R_CUT = 5.0
N_POINTS = 600
N_MAX_L = [20, 18, 16, 14]
TOTAL_N = sum(N_MAX_L)
N_SPECIES = 4
N_PSEUDO = 4
HIDDEN = 32


def setup_inputs(seed: int = 0) -> dict:
    key = jax.random.key(seed)
    ks = jax.random.split(key, 6)
    r = jax.random.uniform(ks[0], (N,), dtype=jnp.float32) * R_CUT
    species_neighbor_idx = jax.random.randint(ks[1], (N,), 0, N_SPECIES, dtype=jnp.int32)
    spline_values = jax.random.normal(ks[2], (N_POINTS, TOTAL_N), dtype=jnp.float32)
    spline_derivs = jax.random.normal(ks[3], (N_POINTS, TOTAL_N), dtype=jnp.float32)
    comb_W = jax.random.normal(ks[4], (N_PSEUDO, N_SPECIES), dtype=jnp.float32) / np.sqrt(N_SPECIES)
    mlp_params = {}
    k = ks[5]
    for l in range(len(N_MAX_L)):
        n = N_MAX_L[l]
        for aj in range(N_PSEUDO):
            k, k1, k2, k3, k4 = jax.random.split(k, 5)
            mlp_params[str(l) + '_' + str(aj)] = [
                jax.random.normal(k1, (HIDDEN, n), dtype=jnp.float32) / np.sqrt(n),
                jax.random.normal(k2, (HIDDEN, HIDDEN), dtype=jnp.float32) / np.sqrt(HIDDEN),
                jax.random.normal(k3, (HIDDEN, HIDDEN), dtype=jnp.float32) / np.sqrt(HIDDEN),
                jax.random.normal(k4, (n, HIDDEN), dtype=jnp.float32) / np.sqrt(HIDDEN),
            ]
    return {
        'r': r,
        'species_neighbor_idx': species_neighbor_idx,
        'spline_values': spline_values,
        'spline_derivs': spline_derivs,
        'comb_W': comb_W,
        'mlp_params': mlp_params,
    }


def _spline_compute(x, vals, ders):
    # cubic Hermite spline evaluation from precomputed knot values/derivatives
    n_points = vals.shape[0]
    h = R_CUT / (n_points - 1)
    t = x / R_CUT * (n_points - 1)
    i0 = jnp.clip(jnp.floor(t).astype(jnp.int32), 0, n_points - 2)
    f = (t - i0.astype(x.dtype))[:, None]
    v0 = jnp.take(vals, i0, axis=0)
    v1 = jnp.take(vals, i0 + 1, axis=0)
    d0 = jnp.take(ders, i0, axis=0)
    d1 = jnp.take(ders, i0 + 1, axis=0)
    f2 = f * f
    f3 = f2 * f
    h00 = 2 * f3 - 3 * f2 + 1
    h10 = f3 - 2 * f2 + f
    h01 = -2 * f3 + 3 * f2
    h11 = f3 - f2
    return h00 * v0 + h * h10 * d0 + h01 * v1 + h * h11 * d1


def reference(r, species_neighbor_idx, spline_values, spline_derivs, comb_W, mlp_params):
    # radial_transform is identity for non-physical ('le') basis
    radial_functions = _spline_compute(r, spline_values, spline_derivs)  # [N, TOTAL_N]
    # alchemical branch: one-hot neighbor species -> pseudo-species weights
    one_hot_aj = jax.nn.one_hot(species_neighbor_idx, N_SPECIES, dtype=radial_functions.dtype)  # [N, S]
    pseudo = one_hot_aj @ comb_W.T  # [N, N_PSEUDO]
    rf = radial_functions[:, None, :] * pseudo[:, :, None]  # [N, N_PSEUDO, TOTAL_N]
    offsets = np.cumsum([0] + N_MAX_L)
    outs = []
    for l in range(len(N_MAX_L)):
        rb_l = rf[:, :, offsets[l]:offsets[l + 1]]  # [N, N_PSEUDO, n_l]
        out_l = jnp.zeros_like(rb_l)
        for aj in range(N_PSEUDO):
            W1, W2, W3, W4 = mlp_params[str(l) + '_' + str(aj)]
            hdd = jax.nn.silu(rb_l[:, aj, :] @ W1.T)
            hdd = jax.nn.silu(hdd @ W2.T)
            hdd = jax.nn.silu(hdd @ W3.T)
            y = hdd @ W4.T
            out_l = out_l.at[:, aj, :].set(y)
        outs.append(out_l)
    return tuple(outs)

if __name__ == "__main__":
    import jax
    _d = setup_inputs()
    print(jax.jit(kernel)(*tuple(_d.values())))

</pallas_src>

<mosaic_0001>
#map = affine_map<(d0, d1) -> (0)>
#map1 = affine_map<(d0, d1) -> (0, 0)>
#map2 = affine_map<(d0, d1) -> (0, 0, 0)>
module attributes {stable_mosaic.version = 14 : i64} {
  func.func @k(%arg0: i32, %arg1: i32, %arg2: memref<160000xf32, #tpu.memory_space<hbm>>, %arg3: memref<600x256xi32, #tpu.memory_space<hbm>>, %arg4: memref<2x160000x128xi32, #tpu.memory_space<hbm>>, %arg5: memref<128xf32, #tpu.memory_space<vmem>>, %arg6: memref<128xi32, #tpu.memory_space<vmem>>, %arg7: memref<128xi32, #tpu.memory_space<vmem>>, %arg8: memref<128x256xi32, #tpu.memory_space<vmem>>, %arg9: memref<128x256xi32, #tpu.memory_space<vmem>>, %arg10: memref<!tpu.dma_semaphore, #tpu.memory_space<semaphore_mem>>, %arg11: memref<!tpu.dma_semaphore, #tpu.memory_space<semaphore_mem>>) attributes {dimension_semantics = [#tpu.dimension_semantics<core_parallel>, #tpu.dimension_semantics<subcore_parallel>], iteration_bounds = array<i64: 2, 16>, scalar_prefetch = 0 : i64, scratch_operands = 7 : i64, tpu.core_type = #tpu.core_type<sc_vector_subcore>, window_params = [{transform_indices = #map}, {transform_indices = #map1}, {transform_indices = #map2}]} {
    %mul3A = arith.constant 2 : i32
    %mul3A_0 = arith.muli %arg1, %mul3A : i32
    %add3A = arith.addi %mul3A_0, %arg0 : i32
    %mul3A_1 = arith.constant 5000 : i32
    %mul3A_2 = arith.muli %add3A, %mul3A_1 : i32
    %min3A = arith.constant 0 : i32
    %min3A_3 = arith.constant 4872 : i32
    %min3A_4 = arith.minsi %min3A, %min3A_3 : i32
    %add3A_5 = arith.addi %mul3A_2, %min3A_4 : i32
    "tpu.region"() ({
      %run_scoped3A = tpu.sem_alloc : memref<!tpu.dma_semaphore, #tpu.memory_space<semaphore_mem>>
      %dma_start3A_288 = tpu.memref_slice %arg2[%add3A_5] : memref<160000xf32, #tpu.memory_space<hbm>> -> memref<128xf32, #tpu.memory_space<hbm>>
      %dma_start3A_289 = tpu.memref_slice %arg2[%add3A_5] : memref<160000xf32, #tpu.memory_space<hbm>> -> memref<128xf32, #tpu.memory_space<hbm>>
      tpu.enqueue_dma source(%dma_start3A_289 : memref<128xf32, #tpu.memory_space<hbm>>) target(%arg5 : memref<128xf32, #tpu.memory_space<vmem>>) target_semaphore(%run_scoped3A : memref<!tpu.dma_semaphore, #tpu.memory_space<semaphore_mem>>)
      %dma_wait3A = tpu.memref_slice %arg2[%add3A_5] : memref<160000xf32, #tpu.memory_space<hbm>> -> memref<128xf32, #tpu.memory_space<hbm>>
      %dma_wait3A_290 = tpu.memref_slice %arg2[%add3A_5] : memref<160000xf32, #tpu.memory_space<hbm>> -> memref<128xf32, #tpu.memory_space<hbm>>
      tpu.wait_dma2 semaphore(%run_scoped3A : memref<!tpu.dma_semaphore, #tpu.memory_space<semaphore_mem>>) src(%dma_wait3A_290 : memref<128xf32, #tpu.memory_space<hbm>>) dst(%arg5 : memref<128xf32, #tpu.memory_space<vmem>>)
      tpu.yield
    }) : () -> ()
    %get3A = arith.constant 0 : index
    %get3A_6 = tpu.vector_load %arg5[%get3A] {strides = array<i32>} : memref<128xf32, #tpu.memory_space<vmem>>, vector<16xf32>,
    %get3A_7 = vector.shape_cast %get3A_6 : vector<16xf32> to vector<16xf32>
    %mul3A_8 = arith.constant 1.198000e+02 : f32
    %mul3A_9 = vector.broadcast %mul3A_8 : f32 to vector<16xf32>
    %mul3A_10 = arith.mulf %get3A_7, %mul3A_9 : vector<16xf32>
    %convert_element_type3A = arith.fptosi %mul3A_10 : vector<16xf32> to vector<16xi32>
    %max3A = arith.constant 0 : i32
    %max3A_11 = vector.broadcast %max3A : i32 to vector<16xi32>
    %max3A_12 = arith.maxsi %convert_element_type3A, %max3A_11 : vector<16xi32>
    %min3A_13 = arith.constant 598 : i32
    %min3A_14 = vector.broadcast %min3A_13 : i32 to vector<16xi32>
    %min3A_15 = arith.minsi %max3A_12, %min3A_14 : vector<16xi32>
    %swap3A = arith.constant 0 : index
    %swap3A_16 = tpu.vector_load %arg6[%swap3A] {strides = array<i32>} : memref<128xi32, #tpu.memory_space<vmem>>, vector<16xi32>,
    %swap3A_17 = vector.shape_cast %swap3A_16 : vector<16xi32> to vector<16xi32>
    %swap3A_18 = vector.shape_cast %min3A_15 : vector<16xi32> to vector<16xi32>
    tpu.vector_store %arg6[%swap3A], %swap3A_18 {strides = array<i32>} : memref<128xi32, #tpu.memory_space<vmem>>, vector<16xi32>,
    %get3A_19 = arith.constant 16 : index
    %get3A_20 = tpu.vector_load %arg5[%get3A_19] {strides = array<i32>} : memref<128xf32, #tpu.memory_space<vmem>>, vector<16xf32>,
    %get3A_21 = vector.shape_cast %get3A_20 : vector<16xf32> to vector<16xf32>
    %mul3A_22 = arith.constant 1.198000e+02 : f32
    %mul3A_23 = vector.broadcast %mul3A_22 : f32 to vector<16xf32>
    %mul3A_24 = arith.mulf %get3A_21, %mul3A_23 : vector<16xf32>
    %convert_element_type3A_25 = arith.fptosi %mul3A_24 : vector<16xf32> to vector<16xi32>
    %max3A_26 = arith.constant 0 : i32
    %max3A_27 = vector.broadcast %max3A_26 : i32 to vector<16xi32>
    %max3A_28 = arith.maxsi %convert_element_type3A_25, %max3A_27 : vector<16xi32>
    %min3A_29 = arith.constant 598 : i32
    %min3A_30 = vector.broadcast %min3A_29 : i32 to vector<16xi32>
    %min3A_31 = arith.minsi %max3A_28, %min3A_30 : vector<16xi32>
    %swap3A_32 = arith.constant 16 : index
    %swap3A_33 = tpu.vector_load %arg6[%swap3A_32] {strides = array<i32>} : memref<128xi32, #tpu.memory_space<vmem>>, vector<16xi32>,
    %swap3A_34 = vector.shape_cast %swap3A_33 : vector<16xi32> to vector<16xi32>
    %swap3A_35 = vector.shape_cast %min3A_31 : vector<16xi32> to vector<16xi32>
    tpu.vector_store %arg6[%swap3A_32], %swap3A_35 {strides = array<i32>} : memref<128xi32, #tpu.memory_space<vmem>>, vector<16xi32>,
    %get3A_36 = arith.constant 32 : index
    %get3A_37 = tpu.vector_load %arg5[%get3A_36] {strides = array<i32>} : memref<128xf32, #tpu.memory_space<vmem>>, vector<16xf32>,
    %get3A_38 = vector.shape_cast %get3A_37 : vector<16xf32> to vector<16xf32>
    %mul3A_39 = arith.constant 1.198000e+02 : f32
    %mul3A_40 = vector.broadcast %mul3A_39 : f32 to vector<16xf32>
    %mul3A_41 = arith.mulf %get3A_38, %mul3A_40 : vector<16xf32>
    %convert_element_type3A_42 = arith.fptosi %mul3A_41 : vector<16xf32> to vector<16xi32>
    %max3A_43 = arith.constant 0 : i32
    %max3A_44 = vector.broadcast %max3A_43 : i32 to vector<16xi32>
    %max3A_45 = arith.maxsi %convert_element_type3A_42, %max3A_44 : vector<16xi32>
    %min3A_46 = arith.constant 598 : i32
    %min3A_47 = vector.broadcast %min3A_46 : i32 to vector<16xi32>
    %min3A_48 = arith.minsi %max3A_45, %min3A_47 : vector<16xi32>
    %swap3A_49 = arith.constant 32 : index
    %swap3A_50 = tpu.vector_load %arg6[%swap3A_49] {strides = array<i32>} : memref<128xi32, #tpu.memory_space<vmem>>, vector<16xi32>,
    %swap3A_51 = vector.shape_cast %swap3A_50 : vector<16xi32> to vector<16xi32>
    %swap3A_52 = vector.shape_cast %min3A_48 : vector<16xi32> to vector<16xi32>
    tpu.vector_store %arg6[%swap3A_49], %swap3A_52 {strides = array<i32>} : memref<128xi32, #tpu.memory_space<vmem>>, vector<16xi32>,
    %get3A_53 = arith.constant 48 : index
    %get3A_54 = tpu.vector_load %arg5[%get3A_53] {strides = array<i32>} : memref<128xf32, #tpu.memory_space<vmem>>, vector<16xf32>,
    %get3A_55 = vector.shape_cast %get3A_54 : vector<16xf32> to vector<16xf32>
    %mul3A_56 = arith.constant 1.198000e+02 : f32
    %mul3A_57 = vector.broadcast %mul3A_56 : f32 to vector<16xf32>
    %mul3A_58 = arith.mulf %get3A_55, %mul3A_57 : vector<16xf32>
    %convert_element_type3A_59 = arith.fptosi %mul3A_58 : vector<16xf32> to vector<16xi32>
    %max3A_60 = arith.constant 0 : i32
    %max3A_61 = vector.broadcast %max3A_60 : i32 to vector<16xi32>
    %max3A_62 = arith.maxsi %convert_element_type3A_59, %max3A_61 : vector<16xi32>
    %min3A_63 = arith.constant 598 : i32
    %min3A_64 = vector.broadcast %min3A_63 : i32 to vector<16xi32>
    %min3A_65 = arith.minsi %max3A_62, %min3A_64 : vector<16xi32>
    %swap3A_66 = arith.constant 48 : index
    %swap3A_67 = tpu.vector_load %arg6[%swap3A_66] {strides = array<i32>} : memref<128xi32, #tpu.memory_space<vmem>>, vector<16xi32>,
    %swap3A_68 = vector.shape_cast %swap3A_67 : vector<16xi32> to vector<16xi32>
    %swap3A_69 = vector.shape_cast %min3A_65 : vector<16xi32> to vector<16xi32>
    tpu.vector_store %arg6[%swap3A_66], %swap3A_69 {strides = array<i32>} : memref<128xi32, #tpu.memory_space<vmem>>, vector<16xi32>,
    %get3A_70 = arith.constant 64 : index
    %get3A_71 = tpu.vector_load %arg5[%get3A_70] {strides = array<i32>} : memref<128xf32, #tpu.memory_space<vmem>>, vector<16xf32>,
    %get3A_72 = vector.shape_cast %get3A_71 : vector<16xf32> to vector<16xf32>
    %mul3A_73 = arith.constant 1.198000e+02 : f32
    %mul3A_74 = vector.broadcast %mul3A_73 : f32 to vector<16xf32>
    %mul3A_75 = arith.mulf %get3A_72, %mul3A_74 : vector<16xf32>
    %convert_element_type3A_76 = arith.fptosi %mul3A_75 : vector<16xf32> to vector<16xi32>
    %max3A_77 = arith.constant 0 : i32
    %max3A_78 = vector.broadcast %max3A_77 : i32 to vector<16xi32>
    %max3A_79 = arith.maxsi %convert_element_type3A_76, %max3A_78 : vector<16xi32>
    %min3A_80 = arith.constant 598 : i32
    %min3A_81 = vector.broadcast %min3A_80 : i32 to vector<16xi32>
    %min3A_82 = arith.minsi %max3A_79, %min3A_81 : vector<16xi32>
    %swap3A_83 = arith.constant 64 : index
    %swap3A_84 = tpu.vector_load %arg6[%swap3A_83] {strides = array<i32>} : memref<128xi32, #tpu.memory_space<vmem>>, vector<16xi32>,
    %swap3A_85 = vector.shape_cast %swap3A_84 : vector<16xi32> to vector<16xi32>
    %swap3A_86 = vector.shape_cast %min3A_82 : vector<16xi32> to vector<16xi32>
    tpu.vector_store %arg6[%swap3A_83], %swap3A_86 {strides = array<i32>} : memref<128xi32, #tpu.memory_space<vmem>>, vector<16xi32>,
    %get3A_87 = arith.constant 80 : index
    %get3A_88 = tpu.vector_load %arg5[%get3A_87] {strides = array<i32>} : memref<128xf32, #tpu.memory_space<vmem>>, vector<16xf32>,
    %get3A_89 = vector.shape_cast %get3A_88 : vector<16xf32> to vector<16xf32>
    %mul3A_90 = arith.constant 1.198000e+02 : f32
    %mul3A_91 = vector.broadcast %mul3A_90 : f32 to vector<16xf32>
    %mul3A_92 = arith.mulf %get3A_89, %mul3A_91 : vector<16xf32>
    %convert_element_type3A_93 = arith.fptosi %mul3A_92 : vector<16xf32> to vector<16xi32>
    %max3A_94 = arith.constant 0 : i32
    %max3A_95 = vector.broadcast %max3A_94 : i32 to vector<16xi32>
    %max3A_96 = arith.maxsi %convert_element_type3A_93, %max3A_95 : vector<16xi32>
    %min3A_97 = arith.constant 598 : i32
    %min3A_98 = vector.broadcast %min3A_97 : i32 to vector<16xi32>
    %min3A_99 = arith.minsi %max3A_96, %min3A_98 : vector<16xi32>
    %swap3A_100 = arith.constant 80 : index
    %swap3A_101 = tpu.vector_load %arg6[%swap3A_100] {strides = array<i32>} : memref<128xi32, #tpu.memory_space<vmem>>, vector<16xi32>,
    %swap3A_102 = vector.shape_cast %swap3A_101 : vector<16xi32> to vector<16xi32>
    %swap3A_103 = vector.shape_cast %min3A_99 : vector<16xi32> to vector<16xi32>
    tpu.vector_store %arg6[%swap3A_100], %swap3A_103 {strides = array<i32>} : memref<128xi32, #tpu.memory_space<vmem>>, vector<16xi32>,
    %get3A_104 = arith.constant 96 : index
    %get3A_105 = tpu.vector_load %arg5[%get3A_104] {strides = array<i32>} : memref<128xf32, #tpu.memory_space<vmem>>, vector<16xf32>,
    %get3A_106 = vector.shape_cast %get3A_105 : vector<16xf32> to vector<16xf32>
    %mul3A_107 = arith.constant 1.198000e+02 : f32
    %mul3A_108 = vector.broadcast %mul3A_107 : f32 to vector<16xf32>
    %mul3A_109 = arith.mulf %get3A_106, %mul3A_108 : vector<16xf32>
    %convert_element_type3A_110 = arith.fptosi %mul3A_109 : vector<16xf32> to vector<16xi32>
    %max3A_111 = arith.constant 0 : i32
    %max3A_112 = vector.broadcast %max3A_111 : i32 to vector<16xi32>
    %max3A_113 = arith.maxsi %convert_element_type3A_110, %max3A_112 : vector<16xi32>
    %min3A_114 = arith.constant 598 : i32
    %min3A_115 = vector.broadcast %min3A_114 : i32 to vector<16xi32>
    %min3A_116 = arith.minsi %max3A_113, %min3A_115 : vector<16xi32>
    %swap3A_117 = arith.constant 96 : index
    %swap3A_118 = tpu.vector_load %arg6[%swap3A_117] {strides = array<i32>} : memref<128xi32, #tpu.memory_space<vmem>>, vector<16xi32>,
    %swap3A_119 = vector.shape_cast %swap3A_118 : vector<16xi32> to vector<16xi32>
    %swap3A_120 = vector.shape_cast %min3A_116 : vector<16xi32> to vector<16xi32>
    tpu.vector_store %arg6[%swap3A_117], %swap3A_120 {strides = array<i32>} : memref<128xi32, #tpu.memory_space<vmem>>, vector<16xi32>,
    %get3A_121 = arith.constant 112 : index
    %get3A_122 = tpu.vector_load %arg5[%get3A_121] {strides = array<i32>} : memref<128xf32, #tpu.memory_space<vmem>>, vector<16xf32>,
    %get3A_123 = vector.shape_cast %get3A_122 : vector<16xf32> to vector<16xf32>
    %mul3A_124 = arith.constant 1.198000e+02 : f32
    %mul3A_125 = vector.broadcast %mul3A_124 : f32 to vector<16xf32>
    %mul3A_126 = arith.mulf %get3A_123, %mul3A_125 : vector<16xf32>
    %convert_element_type3A_127 = arith.fptosi %mul3A_126 : vector<16xf32> to vector<16xi32>
    %max3A_128 = arith.constant 0 : i32
    %max3A_129 = vector.broadcast %max3A_128 : i32 to vector<16xi32>
    %max3A_130 = arith.maxsi %convert_element_type3A_127, %max3A_129 : vector<16xi32>
    %min3A_131 = arith.constant 598 : i32
    %min3A_132 = vector.broadcast %min3A_131 : i32 to vector<16xi32>
    %min3A_133 = arith.minsi %max3A_130, %min3A_132 : vector<16xi32>
    %swap3A_134 = arith.constant 112 : index
    %swap3A_135 = tpu.vector_load %arg6[%swap3A_134] {strides = array<i32>} : memref<128xi32, #tpu.memory_space<vmem>>, vector<16xi32>,
    %swap3A_136 = vector.shape_cast %swap3A_135 : vector<16xi32> to vector<16xi32>
    %swap3A_137 = vector.shape_cast %min3A_133 : vector<16xi32> to vector<16xi32>
    tpu.vector_store %arg6[%swap3A_134], %swap3A_137 {strides = array<i32>} : memref<128xi32, #tpu.memory_space<vmem>>, vector<16xi32>,
    %dma_start3A = arith.constant 0 : i32
    %dma_start3A_138 = arith.constant 0 : i32
    %dma_start3A_139 = tpu.memref_slice %arg3[%dma_start3A, %dma_start3A_138] : memref<600x256xi32, #tpu.memory_space<hbm>> -> memref<600x256xi32, #tpu.memory_space<hbm>>
    tpu.enqueue_indirect_dma source(%dma_start3A_139 : memref<600x256xi32, #tpu.memory_space<hbm>>) target(%arg8 : memref<128x256xi32, #tpu.memory_space<vmem>>) offsets(%arg6 : memref<128xi32, #tpu.memory_space<vmem>>) semaphore(%arg10 : memref<!tpu.dma_semaphore, #tpu.memory_space<semaphore_mem>>)
    %min3A_140 = arith.constant 128 : i32
    %min3A_141 = arith.constant 4872 : i32
    %min3A_142 = arith.minsi %min3A_140, %min3A_141 : i32
    %add3A_143 = arith.addi %mul3A_2, %min3A_142 : i32
    "tpu.region"() ({
      %run_scoped3A = tpu.sem_alloc : memref<!tpu.dma_semaphore, #tpu.memory_space<semaphore_mem>>
      %dma_start3A_288 = tpu.memref_slice %arg2[%add3A_143] : memref<160000xf32, #tpu.memory_space<hbm>> -> memref<128xf32, #tpu.memory_space<hbm>>
      %dma_start3A_289 = tpu.memref_slice %arg2[%add3A_143] : memref<160000xf32, #tpu.memory_space<hbm>> -> memref<128xf32, #tpu.memory_space<hbm>>
      tpu.enqueue_dma source(%dma_start3A_289 : memref<128xf32, #tpu.memory_space<hbm>>) target(%arg5 : memref<128xf32, #tpu.memory_space<vmem>>) target_semaphore(%run_scoped3A : memref<!tpu.dma_semaphore, #tpu.memory_space<semaphore_mem>>)
      %dma_wait3A = tpu.memref_slice %arg2[%add3A_143] : memref<160000xf32, #tpu.memory_space<hbm>> -> memref<128xf32, #tpu.memory_space<hbm>>
      %dma_wait3A_290 = tpu.memref_slice %arg2[%add3A_143] : memref<160000xf32, #tpu.memory_space<hbm>> -> memref<128xf32, #tpu.memory_space<hbm>>
      tpu.wait_dma2 semaphore(%run_scoped3A : memref<!tpu.dma_semaphore, #tpu.memory_space<semaphore_mem>>) src(%dma_wait3A_290 : memref<128xf32, #tpu.memory_space<hbm>>) dst(%arg5 : memref<128xf32, #tpu.memory_space<vmem>>)
      tpu.yield
    }) : () -> ()
    %get3A_144 = arith.constant 0 : index
    %get3A_145 = tpu.vector_load %arg5[%get3A_144] {strides = array<i32>} : memref<128xf32, #tpu.memory_space<vmem>>, vector<16xf32>,
    %get3A_146 = vector.shape_cast %get3A_145 : vector<16xf32> to vector<16xf32>
    %mul3A_147 = arith.constant 1.198000e+02 : f32
    %mul3A_148 = vector.broadcast %mul3A_147 : f32 to vector<16xf32>
    %mul3A_149 = arith.mulf %get3A_146, %mul3A_148 : vector<16xf32>
    %convert_element_type3A_150 = arith.fptosi %mul3A_149 : vector<16xf32> to vector<16xi32>
    %max3A_151 = arith.constant 0 : i32
    %max3A_152 = vector.broadcast %max3A_151 : i32 to vector<16xi32>
    %max3A_153 = arith.maxsi %convert_element_type3A_150, %max3A_152 : vector<16xi32>
    %min3A_154 = arith.constant 598 : i32
    %min3A_155 = vector.broadcast %min3A_154 : i32 to vector<16xi32>
    %min3A_156 = arith.minsi %max3A_153, %min3A_155 : vector<16xi32>
    %swap3A_157 = arith.constant 0 : index
    %swap3A_158 = tpu.vector_load %arg7[%swap3A_157] {strides = array<i32>} : memref<128xi32, #tpu.memory_space<vmem>>, vector<16xi32>,
    %swap3A_159 = vector.shape_cast %swap3A_158 : vector<16xi32> to vector<16xi32>
    %swap3A_160 = vector.shape_cast %min3A_156 : vector<16xi32> to vector<16xi32>
    tpu.vector_store %arg7[%swap3A_157], %swap3A_160 {strides = array<i32>} : memref<128xi32, #tpu.memory_space<vmem>>, vector<16xi32>,
    %get3A_161 = arith.constant 16 : index
    %get3A_162 = tpu.vector_load %arg5[%get3A_161] {strides = array<i32>} : memref<128xf32, #tpu.memory_space<vmem>>, vector<16xf32>,
    %get3A_163 = vector.shape_cast %get3A_162 : vector<16xf32> to vector<16xf32>
    %mul3A_164 = arith.constant 1.198000e+02 : f32
    %mul3A_165 = vector.broadcast %mul3A_164 : f32 to vector<16xf32>
    %mul3A_166 = arith.mulf %get3A_163, %mul3A_165 : vector<16xf32>
    %convert_element_type3A_167 = arith.fptosi %mul3A_166 : vector<16xf32> to vector<16xi32>
    %max3A_168 = arith.constant 0 : i32
    %max3A_169 = vector.broadcast %max3A_168 : i32 to vector<16xi32>
    %max3A_170 = arith.maxsi %convert_element_type3A_167, %max3A_169 : vector<16xi32>
    %min3A_171 = arith.constant 598 : i32
    %min3A_172 = vector.broadcast %min3A_171 : i32 to vector<16xi32>
    %min3A_173 = arith.minsi %max3A_170, %min3A_172 : vector<16xi32>
    %swap3A_174 = arith.constant 16 : index
    %swap3A_175 = tpu.vector_load %arg7[%swap3A_174] {strides = array<i32>} : memref<128xi32, #tpu.memory_space<vmem>>, vector<16xi32>,
    %swap3A_176 = vector.shape_cast %swap3A_175 : vector<16xi32> to vector<16xi32>
    %swap3A_177 = vector.shape_cast %min3A_173 : vector<16xi32> to vector<16xi32>
    tpu.vector_store %arg7[%swap3A_174], %swap3A_177 {strides = array<i32>} : memref<128xi32, #tpu.memory_space<vmem>>, vector<16xi32>,
    %get3A_178 = arith.constant 32 : index
    %get3A_179 = tpu.vector_load %arg5[%get3A_178] {strides = array<i32>} : memref<128xf32, #tpu.memory_space<vmem>>, vector<16xf32>,
    %get3A_180 = vector.shape_cast %get3A_179 : vector<16xf32> to vector<16xf32>
    %mul3A_181 = arith.constant 1.198000e+02 : f32
    %mul3A_182 = vector.broadcast %mul3A_181 : f32 to vector<16xf32>
    %mul3A_183 = arith.mulf %get3A_180, %mul3A_182 : vector<16xf32>
    %convert_element_type3A_184 = arith.fptosi %mul3A_183 : vector<16xf32> to vector<16xi32>
    %max3A_185 = arith.constant 0 : i32
    %max3A_186 = vector.broadcast %max3A_185 : i32 to vector<16xi32>
    %max3A_187 = arith.maxsi %convert_element_type3A_184, %max3A_186 : vector<16xi32>
    %min3A_188 = arith.constant 598 : i32
    %min3A_189 = vector.broadcast %min3A_188 : i32 to vector<16xi32>
    %min3A_190 = arith.minsi %max3A_187, %min3A_189 : vector<16xi32>
    %swap3A_191 = arith.constant 32 : index
    %swap3A_192 = tpu.vector_load %arg7[%swap3A_191] {strides = array<i32>} : memref<128xi32, #tpu.memory_space<vmem>>, vector<16xi32>,
    %swap3A_193 = vector.shape_cast %swap3A_192 : vector<16xi32> to vector<16xi32>
    %swap3A_194 = vector.shape_cast %min3A_190 : vector<16xi32> to vector<16xi32>
    tpu.vector_store %arg7[%swap3A_191], %swap3A_194 {strides = array<i32>} : memref<128xi32, #tpu.memory_space<vmem>>, vector<16xi32>,
    %get3A_195 = arith.constant 48 : index
    %get3A_196 = tpu.vector_load %arg5[%get3A_195] {strides = array<i32>} : memref<128xf32, #tpu.memory_space<vmem>>, vector<16xf32>,
    %get3A_197 = vector.shape_cast %get3A_196 : vector<16xf32> to vector<16xf32>
    %mul3A_198 = arith.constant 1.198000e+02 : f32
    %mul3A_199 = vector.broadcast %mul3A_198 : f32 to vector<16xf32>
    %mul3A_200 = arith.mulf %get3A_197, %mul3A_199 : vector<16xf32>
    %convert_element_type3A_201 = arith.fptosi %mul3A_200 : vector<16xf32> to vector<16xi32>
    %max3A_202 = arith.constant 0 : i32
    %max3A_203 = vector.broadcast %max3A_202 : i32 to vector<16xi32>
    %max3A_204 = arith.maxsi %convert_element_type3A_201, %max3A_203 : vector<16xi32>
    %min3A_205 = arith.constant 598 : i32
    %min3A_206 = vector.broadcast %min3A_205 : i32 to vector<16xi32>
    %min3A_207 = arith.minsi %max3A_204, %min3A_206 : vector<16xi32>
    %swap3A_208 = arith.constant 48 : index
    %swap3A_209 = tpu.vector_load %arg7[%swap3A_208] {strides = array<i32>} : memref<128xi32, #tpu.memory_space<vmem>>, vector<16xi32>,
    %swap3A_210 = vector.shape_cast %swap3A_209 : vector<16xi32> to vector<16xi32>
    %swap3A_211 = vector.shape_cast %min3A_207 : vector<16xi32> to vector<16xi32>
    tpu.vector_store %arg7[%swap3A_208], %swap3A_211 {strides = array<i32>} : memref<128xi32, #tpu.memory_space<vmem>>, vector<16xi32>,
    %get3A_212 = arith.constant 64 : index
    %get3A_213 = tpu.vector_load %arg5[%get3A_212] {strides = array<i32>} : memref<128xf32, #tpu.memory_space<vmem>>, vector<16xf32>,
    %get3A_214 = vector.shape_cast %get3A_213 : vector<16xf32> to vector<16xf32>
    %mul3A_215 = arith.constant 1.198000e+02 : f32
    %mul3A_216 = vector.broadcast %mul3A_215 : f32 to vector<16xf32>
    %mul3A_217 = arith.mulf %get3A_214, %mul3A_216 : vector<16xf32>
    %convert_element_type3A_218 = arith.fptosi %mul3A_217 : vector<16xf32> to vector<16xi32>
    %max3A_219 = arith.constant 0 : i32
    %max3A_220 = vector.broadcast %max3A_219 : i32 to vector<16xi32>
    %max3A_221 = arith.maxsi %convert_element_type3A_218, %max3A_220 : vector<16xi32>
    %min3A_222 = arith.constant 598 : i32
    %min3A_223 = vector.broadcast %min3A_222 : i32 to vector<16xi32>
    %min3A_224 = arith.minsi %max3A_221, %min3A_223 : vector<16xi32>
    %swap3A_225 = arith.constant 64 : index
    %swap3A_226 = tpu.vector_load %arg7[%swap3A_225] {strides = array<i32>} : memref<128xi32, #tpu.memory_space<vmem>>, vector<16xi32>,
    %swap3A_227 = vector.shape_cast %swap3A_226 : vector<16xi32> to vector<16xi32>
    %swap3A_228 = vector.shape_cast %min3A_224 : vector<16xi32> to vector<16xi32>
    tpu.vector_store %arg7[%swap3A_225], %swap3A_228 {strides = array<i32>} : memref<128xi32, #tpu.memory_space<vmem>>, vector<16xi32>,
    %get3A_229 = arith.constant 80 : index
    %get3A_230 = tpu.vector_load %arg5[%get3A_229] {strides = array<i32>} : memref<128xf32, #tpu.memory_space<vmem>>, vector<16xf32>,
    %get3A_231 = vector.shape_cast %get3A_230 : vector<16xf32> to vector<16xf32>
    %mul3A_232 = arith.constant 1.198000e+02 : f32
    %mul3A_233 = vector.broadcast %mul3A_232 : f32 to vector<16xf32>
    %mul3A_234 = arith.mulf %get3A_231, %mul3A_233 : vector<16xf32>
    %convert_element_type3A_235 = arith.fptosi %mul3A_234 : vector<16xf32> to vector<16xi32>
    %max3A_236 = arith.constant 0 : i32
    %max3A_237 = vector.broadcast %max3A_236 : i32 to vector<16xi32>
    %max3A_238 = arith.maxsi %convert_element_type3A_235, %max3A_237 : vector<16xi32>
    %min3A_239 = arith.constant 598 : i32
    %min3A_240 = vector.broadcast %min3A_239 : i32 to vector<16xi32>
    %min3A_241 = arith.minsi %max3A_238, %min3A_240 : vector<16xi32>
    %swap3A_242 = arith.constant 80 : index
    %swap3A_243 = tpu.vector_load %arg7[%swap3A_242] {strides = array<i32>} : memref<128xi32, #tpu.memory_space<vmem>>, vector<16xi32>,
    %swap3A_244 = vector.shape_cast %swap3A_243 : vector<16xi32> to vector<16xi32>
    %swap3A_245 = vector.shape_cast %min3A_241 : vector<16xi32> to vector<16xi32>
    tpu.vector_store %arg7[%swap3A_242], %swap3A_245 {strides = array<i32>} : memref<128xi32, #tpu.memory_space<vmem>>, vector<16xi32>,
    %get3A_246 = arith.constant 96 : index
    %get3A_247 = tpu.vector_load %arg5[%get3A_246] {strides = array<i32>} : memref<128xf32, #tpu.memory_space<vmem>>, vector<16xf32>,
    %get3A_248 = vector.shape_cast %get3A_247 : vector<16xf32> to vector<16xf32>
    %mul3A_249 = arith.constant 1.198000e+02 : f32
    %mul3A_250 = vector.broadcast %mul3A_249 : f32 to vector<16xf32>
    %mul3A_251 = arith.mulf %get3A_248, %mul3A_250 : vector<16xf32>
    %convert_element_type3A_252 = arith.fptosi %mul3A_251 : vector<16xf32> to vector<16xi32>
    %max3A_253 = arith.constant 0 : i32
    %max3A_254 = vector.broadcast %max3A_253 : i32 to vector<16xi32>
    %max3A_255 = arith.maxsi %convert_element_type3A_252, %max3A_254 : vector<16xi32>
    %min3A_256 = arith.constant 598 : i32
    %min3A_257 = vector.broadcast %min3A_256 : i32 to vector<16xi32>
    %min3A_258 = arith.minsi %max3A_255, %min3A_257 : vector<16xi32>
    %swap3A_259 = arith.constant 96 : index
    %swap3A_260 = tpu.vector_load %arg7[%swap3A_259] {strides = array<i32>} : memref<128xi32, #tpu.memory_space<vmem>>, vector<16xi32>,
    %swap3A_261 = vector.shape_cast %swap3A_260 : vector<16xi32> to vector<16xi32>
    %swap3A_262 = vector.shape_cast %min3A_258 : vector<16xi32> to vector<16xi32>
    tpu.vector_store %arg7[%swap3A_259], %swap3A_262 {strides = array<i32>} : memref<128xi32, #tpu.memory_space<vmem>>, vector<16xi32>,
    %get3A_263 = arith.constant 112 : index
    %get3A_264 = tpu.vector_load %arg5[%get3A_263] {strides = array<i32>} : memref<128xf32, #tpu.memory_space<vmem>>, vector<16xf32>,
    %get3A_265 = vector.shape_cast %get3A_264 : vector<16xf32> to vector<16xf32>
    %mul3A_266 = arith.constant 1.198000e+02 : f32
    %mul3A_267 = vector.broadcast %mul3A_266 : f32 to vector<16xf32>
    %mul3A_268 = arith.mulf %get3A_265, %mul3A_267 : vector<16xf32>
    %convert_element_type3A_269 = arith.fptosi %mul3A_268 : vector<16xf32> to vector<16xi32>
    %max3A_270 = arith.constant 0 : i32
    %max3A_271 = vector.broadcast %max3A_270 : i32 to vector<16xi32>
    %max3A_272 = arith.maxsi %convert_element_type3A_269, %max3A_271 : vector<16xi32>
    %min3A_273 = arith.constant 598 : i32
    %min3A_274 = vector.broadcast %min3A_273 : i32 to vector<16xi32>
    %min3A_275 = arith.minsi %max3A_272, %min3A_274 : vector<16xi32>
    %swap3A_276 = arith.constant 112 : index
    %swap3A_277 = tpu.vector_load %arg7[%swap3A_276] {strides = array<i32>} : memref<128xi32, #tpu.memory_space<vmem>>, vector<16xi32>,
    %swap3A_278 = vector.shape_cast %swap3A_277 : vector<16xi32> to vector<16xi32>
    %swap3A_279 = vector.shape_cast %min3A_275 : vector<16xi32> to vector<16xi32>
    tpu.vector_store %arg7[%swap3A_276], %swap3A_279 {strides = array<i32>} : memref<128xi32, #tpu.memory_space<vmem>>, vector<16xi32>,
    %dma_start3A_280 = arith.constant 0 : i32
    %dma_start3A_281 = arith.constant 0 : i32
    %dma_start3A_282 = tpu.memref_slice %arg3[%dma_start3A_280, %dma_start3A_281] : memref<600x256xi32, #tpu.memory_space<hbm>> -> memref<600x256xi32, #tpu.memory_space<hbm>>
    tpu.enqueue_indirect_dma source(%dma_start3A_282 : memref<600x256xi32, #tpu.memory_space<hbm>>) target(%arg9 : memref<128x256xi32, #tpu.memory_space<vmem>>) offsets(%arg7 : memref<128xi32, #tpu.memory_space<vmem>>) semaphore(%arg11 : memref<!tpu.dma_semaphore, #tpu.memory_space<semaphore_mem>>)
    %scan3A = arith.constant 0 : i32
    %scan3A_283 = arith.constant 0 : i32
    %scan3A_284 = arith.constant 20 : i32
    %scan3A_285 = arith.addi %scan3A_283, %scan3A_284 : i32
    %scan3A_286 = arith.constant 1 : i32
    scf.for %scan3A_288 = %scan3A_283 to %scan3A_285 step %scan3A_286  : i32 {
      %mul3A_289 = arith.constant 2 : i32
      %mul3A_290 = arith.muli %mul3A_289, %scan3A_288 : i32
      %add3A_291 = arith.constant 0 : i32
      %add3A_292 = arith.addi %mul3A_290, %add3A_291 : i32
      %dma_wait3A = arith.constant 0 : i32
      %dma_wait3A_293 = arith.constant 0 : i32
      %dma_wait3A_294 = tpu.memref_slice %arg3[%dma_wait3A, %dma_wait3A_293] : memref<600x256xi32, #tpu.memory_space<hbm>> -> memref<600x256xi32, #tpu.memory_space<hbm>>
      tpu.wait_indirect_dma semaphore(%arg10 : memref<!tpu.dma_semaphore, #tpu.memory_space<semaphore_mem>>) src(%dma_wait3A_294 : memref<600x256xi32, #tpu.memory_space<hbm>>) dst(%arg8 : memref<128x256xi32, #tpu.memory_space<vmem>>)
      %mul3A_295 = arith.constant 128 : i32
      %mul3A_296 = arith.muli %add3A_292, %mul3A_295 : i32
      %min3A_297 = arith.constant 4872 : i32
      %min3A_298 = arith.minsi %mul3A_296, %min3A_297 : i32
      %add3A_299 = arith.addi %mul3A_2, %min3A_298 : i32
      %run_scoped3A = arith.constant 0 : i32
      "tpu.region"() ({
        %run_scoped3A_327 = tpu.sem_alloc : memref<!tpu.dma_semaphore, #tpu.memory_space<semaphore_mem>>
        %dma_start3A_328 = arith.constant 0 : i32
        %dma_start3A_329 = arith.constant 0 : i32
        %dma_start3A_330 = tpu.memref_slice %arg8[%dma_start3A_328, %dma_start3A_329] : memref<128x256xi32, #tpu.memory_space<vmem>> -> memref<128x128xi32, #tpu.memory_space<vmem>>
        %dma_start3A_331 = arith.constant 0 : i32
        %dma_start3A_332 = tpu.memref_slice %arg4[%run_scoped3A, %add3A_299, %dma_start3A_331] : memref<2x160000x128xi32, #tpu.memory_space<hbm>> -> memref<1x128x128xi32, #tpu.memory_space<hbm>>
        %dma_start3A_333 = tpu.memref_squeeze %dma_start3A_332 : memref<1x128x128xi32, #tpu.memory_space<hbm>> -> memref<128x128xi32, #tpu.memory_space<hbm>>
        %dma_start3A_334 = arith.constant 0 : i32
        %dma_start3A_335 = tpu.memref_slice %arg4[%run_scoped3A, %add3A_299, %dma_start3A_334] : memref<2x160000x128xi32, #tpu.memory_space<hbm>> -> memref<1x128x128xi32, #tpu.memory_space<hbm>>
        %dma_start3A_336 = tpu.memref_squeeze %dma_start3A_335 : memref<1x128x128xi32, #tpu.memory_space<hbm>> -> memref<128x128xi32, #tpu.memory_space<hbm>>
        %dma_start3A_337 = arith.constant 0 : i32
        %dma_start3A_338 = arith.constant 0 : i32
        %dma_start3A_339 = tpu.memref_slice %arg8[%dma_start3A_337, %dma_start3A_338] : memref<128x256xi32, #tpu.memory_space<vmem>> -> memref<128x128xi32, #tpu.memory_space<vmem>>
        tpu.enqueue_dma source(%dma_start3A_339 : memref<128x128xi32, #tpu.memory_space<vmem>>) target(%dma_start3A_336 : memref<128x128xi32, #tpu.memory_space<hbm>>) target_semaphore(%run_scoped3A_327 : memref<!tpu.dma_semaphore, #tpu.memory_space<semaphore_mem>>)
        %dma_wait3A_340 = arith.constant 0 : i32
        %dma_wait3A_341 = arith.constant 0 : i32
        %dma_wait3A_342 = tpu.memref_slice %arg8[%dma_wait3A_340, %dma_wait3A_341] : memref<128x256xi32, #tpu.memory_space<vmem>> -> memref<128x128xi32, #tpu.memory_space<vmem>>
        %dma_wait3A_343 = arith.constant 0 : i32
        %dma_wait3A_344 = tpu.memref_slice %arg4[%run_scoped3A, %add3A_299, %dma_wait3A_343] : memref<2x160000x128xi32, #tpu.memory_space<hbm>> -> memref<1x128x128xi32, #tpu.memory_space<hbm>>
        %dma_wait3A_345 = tpu.memref_squeeze %dma_wait3A_344 : memref<1x128x128xi32, #tpu.memory_space<hbm>> -> memref<128x128xi32, #tpu.memory_space<hbm>>
        %dma_wait3A_346 = arith.constant 0 : i32
        %dma_wait3A_347 = tpu.memref_slice %arg4[%run_scoped3A, %add3A_299, %dma_wait3A_346] : memref<2x160000x128xi32, #tpu.memory_space<hbm>> -> memref<1x128x128xi32, #tpu.memory_space<hbm>>
        %dma_wait3A_348 = tpu.memref_squeeze %dma_wait3A_347 : memref<1x128x128xi32, #tpu.memory_space<hbm>> -> memref<128x128xi32, #tpu.memory_space<hbm>>
        %dma_wait3A_349 = arith.constant 0 : i32
        %dma_wait3A_350 = arith.constant 0 : i32
        %dma_wait3A_351 = tpu.memref_slice %arg8[%dma_wait3A_349, %dma_wait3A_350] : memref<128x256xi32, #tpu.memory_space<vmem>> -> memref<128x128xi32, #tpu.memory_space<vmem>>
        tpu.wait_dma2 semaphore(%run_scoped3A_327 : memref<!tpu.dma_semaphore, #tpu.memory_space<semaphore_mem>>) src(%dma_wait3A_351 : memref<128x128xi32, #tpu.memory_space<vmem>>) dst(%dma_wait3A_348 : memref<128x128xi32, #tpu.memory_space<hbm>>)
        tpu.yield
      }) : () -> ()
      %run_scoped3A_300 = arith.constant 1 : i32
      "tpu.region"() ({
        %run_scoped3A_327 = tpu.sem_alloc : memref<!tpu.dma_semaphore, #tpu.memory_space<semaphore_mem>>
        %dma_start3A_328 = arith.constant 0 : i32
        %dma_start3A_329 = arith.constant 128 : i32
        %dma_start3A_330 = tpu.memref_slice %arg8[%dma_start3A_328, %dma_start3A_329] : memref<128x256xi32, #tpu.memory_space<vmem>> -> memref<128x128xi32, #tpu.memory_space<vmem>>
        %dma_start3A_331 = arith.constant 0 : i32
        %dma_start3A_332 = tpu.memref_slice %arg4[%run_scoped3A_300, %add3A_299, %dma_start3A_331] : memref<2x160000x128xi32, #tpu.memory_space<hbm>> -> memref<1x128x128xi32, #tpu.memory_space<hbm>>
        %dma_start3A_333 = tpu.memref_squeeze %dma_start3A_332 : memref<1x128x128xi32, #tpu.memory_space<hbm>> -> memref<128x128xi32, #tpu.memory_space<hbm>>
        %dma_start3A_334 = arith.constant 0 : i32
        %dma_start3A_335 = tpu.memref_slice %arg4[%run_scoped3A_300, %add3A_299, %dma_start3A_334] : memref<2x160000x128xi32, #tpu.memory_space<hbm>> -> memref<1x128x128xi32, #tpu.memory_space<hbm>>
        %dma_start3A_336 = tpu.memref_squeeze %dma_start3A_335 : memref<1x128x128xi32, #tpu.memory_space<hbm>> -> memref<128x128xi32, #tpu.memory_space<hbm>>
        %dma_start3A_337 = arith.constant 0 : i32
        %dma_start3A_338 = arith.constant 128 : i32
        %dma_start3A_339 = tpu.memref_slice %arg8[%dma_start3A_337, %dma_start3A_338] : memref<128x256xi32, #tpu.memory_space<vmem>> -> memref<128x128xi32, #tpu.memory_space<vmem>>
        tpu.enqueue_dma source(%dma_start3A_339 : memref<128x128xi32, #tpu.memory_space<vmem>>) target(%dma_start3A_336 : memref<128x128xi32, #tpu.memory_space<hbm>>) target_semaphore(%run_scoped3A_327 : memref<!tpu.dma_semaphore, #tpu.memory_space<semaphore_mem>>)
        %dma_wait3A_340 = arith.constant 0 : i32
        %dma_wait3A_341 = arith.constant 128 : i32
        %dma_wait3A_342 = tpu.memref_slice %arg8[%dma_wait3A_340, %dma_wait3A_341] : memref<128x256xi32, #tpu.memory_space<vmem>> -> memref<128x128xi32, #tpu.memory_space<vmem>>
        %dma_wait3A_343 = arith.constant 0 : i32
        %dma_wait3A_344 = tpu.memref_slice %arg4[%run_scoped3A_300, %add3A_299, %dma_wait3A_343] : memref<2x160000x128xi32, #tpu.memory_space<hbm>> -> memref<1x128x128xi32, #tpu.memory_space<hbm>>
        %dma_wait3A_345 = tpu.memref_squeeze %dma_wait3A_344 : memref<1x128x128xi32, #tpu.memory_space<hbm>> -> memref<128x128xi32, #tpu.memory_space<hbm>>
        %dma_wait3A_346 = arith.constant 0 : i32
        %dma_wait3A_347 = tpu.memref_slice %arg4[%run_scoped3A_300, %add3A_299, %dma_wait3A_346] : memref<2x160000x128xi32, #tpu.memory_space<hbm>> -> memref<1x128x128xi32, #tpu.memory_space<hbm>>
        %dma_wait3A_348 = tpu.memref_squeeze %dma_wait3A_347 : memref<1x128x128xi32, #tpu.memory_space<hbm>> -> memref<128x128xi32, #tpu.memory_space<hbm>>
        %dma_wait3A_349 = arith.constant 0 : i32
        %dma_wait3A_350 = arith.constant 128 : i32
        %dma_wait3A_351 = tpu.memref_slice %arg8[%dma_wait3A_349, %dma_wait3A_350] : memref<128x256xi32, #tpu.memory_space<vmem>> -> memref<128x128xi32, #tpu.memory_space<vmem>>
        tpu.wait_dma2 semaphore(%run_scoped3A_327 : memref<!tpu.dma_semaphore, #tpu.memory_space<semaphore_mem>>) src(%dma_wait3A_351 : memref<128x128xi32, #tpu.memory_space<vmem>>) dst(%dma_wait3A_348 : memref<128x128xi32, #tpu.memory_space<hbm>>)
        tpu.yield
      }) : () -> ()
      %add3A_301 = arith.constant 2 : i32
      %add3A_302 = arith.addi %add3A_292, %add3A_301 : i32
      %lt3A = arith.constant 40 : i32
      %lt3A_303 = arith.cmpi slt, %add3A_302, %lt3A : i32
      %convert_element_type3A_304 = arith.extui %lt3A_303 : i1 to i32
      %cond3A = arith.constant 0 : i32
      %cond3A_305 = arith.cmpi ne, %convert_element_type3A_304, %cond3A : i32
      scf.if %cond3A_305 {
        %add3A_327 = arith.constant 2 : i32
        %add3A_328 = arith.addi %add3A_292, %add3A_327 : i32
        %mul3A_329 = arith.constant 128 : i32
        %mul3A_330 = arith.muli %add3A_328, %mul3A_329 : i32
        %min3A_331 = arith.constant 4872 : i32
        %min3A_332 = arith.minsi %mul3A_330, %min3A_331 : i32
        %add3A_333 = arith.addi %mul3A_2, %min3A_332 : i32
        "tpu.region"() ({
          %run_scoped3A_473 = tpu.sem_alloc : memref<!tpu.dma_semaphore, #tpu.memory_space<semaphore_mem>>
          %dma_start3A_474 = tpu.memref_slice %arg2[%add3A_333] : memref<160000xf32, #tpu.memory_space<hbm>> -> memref<128xf32, #tpu.memory_space<hbm>>
          %dma_start3A_475 = tpu.memref_slice %arg2[%add3A_333] : memref<160000xf32, #tpu.memory_space<hbm>> -> memref<128xf32, #tpu.memory_space<hbm>>
          tpu.enqueue_dma source(%dma_start3A_475 : memref<128xf32, #tpu.memory_space<hbm>>) target(%arg5 : memref<128xf32, #tpu.memory_space<vmem>>) target_semaphore(%run_scoped3A_473 : memref<!tpu.dma_semaphore, #tpu.memory_space<semaphore_mem>>)
          %dma_wait3A_476 = tpu.memref_slice %arg2[%add3A_333] : memref<160000xf32, #tpu.memory_space<hbm>> -> memref<128xf32, #tpu.memory_space<hbm>>
          %dma_wait3A_477 = tpu.memref_slice %arg2[%add3A_333] : memref<160000xf32, #tpu.memory_space<hbm>> -> memref<128xf32, #tpu.memory_space<hbm>>
          tpu.wait_dma2 semaphore(%run_scoped3A_473 : memref<!tpu.dma_semaphore, #tpu.memory_space<semaphore_mem>>) src(%dma_wait3A_477 : memref<128xf32, #tpu.memory_space<hbm>>) dst(%arg5 : memref<128xf32, #tpu.memory_space<vmem>>)
          tpu.yield
        }) : () -> ()
        %get3A_334 = arith.constant 0 : index
        %get3A_335 = tpu.vector_load %arg5[%get3A_334] {strides = array<i32>} : memref<128xf32, #tpu.memory_space<vmem>>, vector<16xf32>,
        %get3A_336 = vector.shape_cast %get3A_335 : vector<16xf32> to vector<16xf32>
        %mul3A_337 = arith.constant 1.198000e+02 : f32
        %mul3A_338 = vector.broadcast %mul3A_337 : f32 to vector<16xf32>
        %mul3A_339 = arith.mulf %get3A_336, %mul3A_338 : vector<16xf32>
        %convert_element_type3A_340 = arith.fptosi %mul3A_339 : vector<16xf32> to vector<16xi32>
        %max3A_341 = arith.constant 0 : i32
        %max3A_342 = vector.broadcast %max3A_341 : i32 to vector<16xi32>
        %max3A_343 = arith.maxsi %convert_element_type3A_340, %max3A_342 : vector<16xi32>
        %min3A_344 = arith.constant 598 : i32
        %min3A_345 = vector.broadcast %min3A_344 : i32 to vector<16xi32>
        %min3A_346 = arith.minsi %max3A_343, %min3A_345 : vector<16xi32>
        %swap3A_347 = arith.constant 0 : index
        %swap3A_348 = tpu.vector_load %arg6[%swap3A_347] {strides = array<i32>} : memref<128xi32, #tpu.memory_space<vmem>>, vector<16xi32>,
        %swap3A_349 = vector.shape_cast %swap3A_348 : vector<16xi32> to vector<16xi32>
        %swap3A_350 = vector.shape_cast %min3A_346 : vector<16xi32> to vector<16xi32>
        tpu.vector_store %arg6[%swap3A_347], %swap3A_350 {strides = array<i32>} : memref<128xi32, #tpu.memory_space<vmem>>, vector<16xi32>,
        %get3A_351 = arith.constant 16 : index
        %get3A_352 = tpu.vector_load %arg5[%get3A_351] {strides = array<i32>} : memref<128xf32, #tpu.memory_space<vmem>>, vector<16xf32>,
        %get3A_353 = vector.shape_cast %get3A_352 : vector<16xf32> to vector<16xf32>
        %mul3A_354 = arith.constant 1.198000e+02 : f32
        %mul3A_355 = vector.broadcast %mul3A_354 : f32 to vector<16xf32>
        %mul3A_356 = arith.mulf %get3A_353, %mul3A_355 : vector<16xf32>
        %convert_element_type3A_357 = arith.fptosi %mul3A_356 : vector<16xf32> to vector<16xi32>
        %max3A_358 = arith.constant 0 : i32
        %max3A_359 = vector.broadcast %max3A_358 : i32 to vector<16xi32>
        %max3A_360 = arith.maxsi %convert_element_type3A_357, %max3A_359 : vector<16xi32>
        %min3A_361 = arith.constant 598 : i32
        %min3A_362 = vector.broadcast %min3A_361 : i32 to vector<16xi32>
        %min3A_363 = arith.minsi %max3A_360, %min3A_362 : vector<16xi32>
        %swap3A_364 = arith.constant 16 : index
        %swap3A_365 = tpu.vector_load %arg6[%swap3A_364] {strides = array<i32>} : memref<128xi32, #tpu.memory_space<vmem>>, vector<16xi32>,
        %swap3A_366 = vector.shape_cast %swap3A_365 : vector<16xi32> to vector<16xi32>
        %swap3A_367 = vector.shape_cast %min3A_363 : vector<16xi32> to vector<16xi32>
        tpu.vector_store %arg6[%swap3A_364], %swap3A_367 {strides = array<i32>} : memref<128xi32, #tpu.memory_space<vmem>>, vector<16xi32>,
        %get3A_368 = arith.constant 32 : index
        %get3A_369 = tpu.vector_load %arg5[%get3A_368] {strides = array<i32>} : memref<128xf32, #tpu.memory_space<vmem>>, vector<16xf32>,
        %get3A_370 = vector.shape_cast %get3A_369 : vector<16xf32> to vector<16xf32>
        %mul3A_371 = arith.constant 1.198000e+02 : f32
        %mul3A_372 = vector.broadcast %mul3A_371 : f32 to vector<16xf32>
        %mul3A_373 = arith.mulf %get3A_370, %mul3A_372 : vector<16xf32>
        %convert_element_type3A_374 = arith.fptosi %mul3A_373 : vector<16xf32> to vector<16xi32>
        %max3A_375 = arith.constant 0 : i32
        %max3A_376 = vector.broadcast %max3A_375 : i32 to vector<16xi32>
        %max3A_377 = arith.maxsi %convert_element_type3A_374, %max3A_376 : vector<16xi32>
        %min3A_378 = arith.constant 598 : i32
        %min3A_379 = vector.broadcast %min3A_378 : i32 to vector<16xi32>
        %min3A_380 = arith.minsi %max3A_377, %min3A_379 : vector<16xi32>
        %swap3A_381 = arith.constant 32 : index
        %swap3A_382 = tpu.vector_load %arg6[%swap3A_381] {strides = array<i32>} : memref<128xi32, #tpu.memory_space<vmem>>, vector<16xi32>,
        %swap3A_383 = vector.shape_cast %swap3A_382 : vector<16xi32> to vector<16xi32>
        %swap3A_384 = vector.shape_cast %min3A_380 : vector<16xi32> to vector<16xi32>
        tpu.vector_store %arg6[%swap3A_381], %swap3A_384 {strides = array<i32>} : memref<128xi32, #tpu.memory_space<vmem>>, vector<16xi32>,
        %get3A_385 = arith.constant 48 : index
        %get3A_386 = tpu.vector_load %arg5[%get3A_385] {strides = array<i32>} : memref<128xf32, #tpu.memory_space<vmem>>, vector<16xf32>,
        %get3A_387 = vector.shape_cast %get3A_386 : vector<16xf32> to vector<16xf32>
        %mul3A_388 = arith.constant 1.198000e+02 : f32
        %mul3A_389 = vector.broadcast %mul3A_388 : f32 to vector<16xf32>
        %mul3A_390 = arith.mulf %get3A_387, %mul3A_389 : vector<16xf32>
        %convert_element_type3A_391 = arith.fptosi %mul3A_390 : vector<16xf32> to vector<16xi32>
        %max3A_392 = arith.constant 0 : i32
        %max3A_393 = vector.broadcast %max3A_392 : i32 to vector<16xi32>
        %max3A_394 = arith.maxsi %convert_element_type3A_391, %max3A_393 : vector<16xi32>
        %min3A_395 = arith.constant 598 : i32
        %min3A_396 = vector.broadcast %min3A_395 : i32 to vector<16xi32>
        %min3A_397 = arith.minsi %max3A_394, %min3A_396 : vector<16xi32>
        %swap3A_398 = arith.constant 48 : index
        %swap3A_399 = tpu.vector_load %arg6[%swap3A_398] {strides = array<i32>} : memref<128xi32, #tpu.memory_space<vmem>>, vector<16xi32>,
        %swap3A_400 = vector.shape_cast %swap3A_399 : vector<16xi32> to vector<16xi32>
        %swap3A_401 = vector.shape_cast %min3A_397 : vector<16xi32> to vector<16xi32>
        tpu.vector_store %arg6[%swap3A_398], %swap3A_401 {strides = array<i32>} : memref<128xi32, #tpu.memory_space<vmem>>, vector<16xi32>,
        %get3A_402 = arith.constant 64 : index
        %get3A_403 = tpu.vector_load %arg5[%get3A_402] {strides = array<i32>} : memref<128xf32, #tpu.memory_space<vmem>>, vector<16xf32>,
        %get3A_404 = vector.shape_cast %get3A_403 : vector<16xf32> to vector<16xf32>
        %mul3A_405 = arith.constant 1.198000e+02 : f32
        %mul3A_406 = vector.broadcast %mul3A_405 : f32 to vector<16xf32>
        %mul3A_407 = arith.mulf %get3A_404, %mul3A_406 : vector<16xf32>
        %convert_element_type3A_408 = arith.fptosi %mul3A_407 : vector<16xf32> to vector<16xi32>
        %max3A_409 = arith.constant 0 : i32
        %max3A_410 = vector.broadcast %max3A_409 : i32 to vector<16xi32>
        %max3A_411 = arith.maxsi %convert_element_type3A_408, %max3A_410 : vector<16xi32>
        %min3A_412 = arith.constant 598 : i32
        %min3A_413 = vector.broadcast %min3A_412 : i32 to vector<16xi32>
        %min3A_414 = arith.minsi %max3A_411, %min3A_413 : vector<16xi32>
        %swap3A_415 = arith.constant 64 : index
        %swap3A_416 = tpu.vector_load %arg6[%swap3A_415] {strides = array<i32>} : memref<128xi32, #tpu.memory_space<vmem>>, vector<16xi32>,
        %swap3A_417 = vector.shape_cast %swap3A_416 : vector<16xi32> to vector<16xi32>
        %swap3A_418 = vector.shape_cast %min3A_414 : vector<16xi32> to vector<16xi32>
        tpu.vector_store %arg6[%swap3A_415], %swap3A_418 {strides = array<i32>} : memref<128xi32, #tpu.memory_space<vmem>>, vector<16xi32>,
        %get3A_419 = arith.constant 80 : index
        %get3A_420 = tpu.vector_load %arg5[%get3A_419] {strides = array<i32>} : memref<128xf32, #tpu.memory_space<vmem>>, vector<16xf32>,
        %get3A_421 = vector.shape_cast %get3A_420 : vector<16xf32> to vector<16xf32>
        %mul3A_422 = arith.constant 1.198000e+02 : f32
        %mul3A_423 = vector.broadcast %mul3A_422 : f32 to vector<16xf32>
        %mul3A_424 = arith.mulf %get3A_421, %mul3A_423 : vector<16xf32>
        %convert_element_type3A_425 = arith.fptosi %mul3A_424 : vector<16xf32> to vector<16xi32>
        %max3A_426 = arith.constant 0 : i32
        %max3A_427 = vector.broadcast %max3A_426 : i32 to vector<16xi32>
        %max3A_428 = arith.maxsi %convert_element_type3A_425, %max3A_427 : vector<16xi32>
        %min3A_429 = arith.constant 598 : i32
        %min3A_430 = vector.broadcast %min3A_429 : i32 to vector<16xi32>
        %min3A_431 = arith.minsi %max3A_428, %min3A_430 : vector<16xi32>
        %swap3A_432 = arith.constant 80 : index
        %swap3A_433 = tpu.vector_load %arg6[%swap3A_432] {strides = array<i32>} : memref<128xi32, #tpu.memory_space<vmem>>, vector<16xi32>,
        %swap3A_434 = vector.shape_cast %swap3A_433 : vector<16xi32> to vector<16xi32>
        %swap3A_435 = vector.shape_cast %min3A_431 : vector<16xi32> to vector<16xi32>
        tpu.vector_store %arg6[%swap3A_432], %swap3A_435 {strides = array<i32>} : memref<128xi32, #tpu.memory_space<vmem>>, vector<16xi32>,
        %get3A_436 = arith.constant 96 : index
        %get3A_437 = tpu.vector_load %arg5[%get3A_436] {strides = array<i32>} : memref<128xf32, #tpu.memory_space<vmem>>, vector<16xf32>,
        %get3A_438 = vector.shape_cast %get3A_437 : vector<16xf32> to vector<16xf32>
        %mul3A_439 = arith.constant 1.198000e+02 : f32
        %mul3A_440 = vector.broadcast %mul3A_439 : f32 to vector<16xf32>
        %mul3A_441 = arith.mulf %get3A_438, %mul3A_440 : vector<16xf32>
        %convert_element_type3A_442 = arith.fptosi %mul3A_441 : vector<16xf32> to vector<16xi32>
        %max3A_443 = arith.constant 0 : i32
        %max3A_444 = vector.broadcast %max3A_443 : i32 to vector<16xi32>
        %max3A_445 = arith.maxsi %convert_element_type3A_442, %max3A_444 : vector<16xi32>
        %min3A_446 = arith.constant 598 : i32
        %min3A_447 = vector.broadcast %min3A_446 : i32 to vector<16xi32>
        %min3A_448 = arith.minsi %max3A_445, %min3A_447 : vector<16xi32>
        %swap3A_449 = arith.constant 96 : index
        %swap3A_450 = tpu.vector_load %arg6[%swap3A_449] {strides = array<i32>} : memref<128xi32, #tpu.memory_space<vmem>>, vector<16xi32>,
        %swap3A_451 = vector.shape_cast %swap3A_450 : vector<16xi32> to vector<16xi32>
        %swap3A_452 = vector.shape_cast %min3A_448 : vector<16xi32> to vector<16xi32>
        tpu.vector_store %arg6[%swap3A_449], %swap3A_452 {strides = array<i32>} : memref<128xi32, #tpu.memory_space<vmem>>, vector<16xi32>,
        %get3A_453 = arith.constant 112 : index
        %get3A_454 = tpu.vector_load %arg5[%get3A_453] {strides = array<i32>} : memref<128xf32, #tpu.memory_space<vmem>>, vector<16xf32>,
        %get3A_455 = vector.shape_cast %get3A_454 : vector<16xf32> to vector<16xf32>
        %mul3A_456 = arith.constant 1.198000e+02 : f32
        %mul3A_457 = vector.broadcast %mul3A_456 : f32 to vector<16xf32>
        %mul3A_458 = arith.mulf %get3A_455, %mul3A_457 : vector<16xf32>
        %convert_element_type3A_459 = arith.fptosi %mul3A_458 : vector<16xf32> to vector<16xi32>
        %max3A_460 = arith.constant 0 : i32
        %max3A_461 = vector.broadcast %max3A_460 : i32 to vector<16xi32>
        %max3A_462 = arith.maxsi %convert_element_type3A_459, %max3A_461 : vector<16xi32>
        %min3A_463 = arith.constant 598 : i32
        %min3A_464 = vector.broadcast %min3A_463 : i32 to vector<16xi32>
        %min3A_465 = arith.minsi %max3A_462, %min3A_464 : vector<16xi32>
        %swap3A_466 = arith.constant 112 : index
        %swap3A_467 = tpu.vector_load %arg6[%swap3A_466] {strides = array<i32>} : memref<128xi32, #tpu.memory_space<vmem>>, vector<16xi32>,
        %swap3A_468 = vector.shape_cast %swap3A_467 : vector<16xi32> to vector<16xi32>
        %swap3A_469 = vector.shape_cast %min3A_465 : vector<16xi32> to vector<16xi32>
        tpu.vector_store %arg6[%swap3A_466], %swap3A_469 {strides = array<i32>} : memref<128xi32, #tpu.memory_space<vmem>>, vector<16xi32>,
        %dma_start3A_470 = arith.constant 0 : i32
        %dma_start3A_471 = arith.constant 0 : i32
        %dma_start3A_472 = tpu.memref_slice %arg3[%dma_start3A_470, %dma_start3A_471] : memref<600x256xi32, #tpu.memory_space<hbm>> -> memref<600x256xi32, #tpu.memory_space<hbm>>
        tpu.enqueue_indirect_dma source(%dma_start3A_472 : memref<600x256xi32, #tpu.memory_space<hbm>>) target(%arg8 : memref<128x256xi32, #tpu.memory_space<vmem>>) offsets(%arg6 : memref<128xi32, #tpu.memory_space<vmem>>) semaphore(%arg10 : memref<!tpu.dma_semaphore, #tpu.memory_space<semaphore_mem>>)
      } else {
      }
      %mul3A_306 = arith.constant 2 : i32
      %mul3A_307 = arith.muli %mul3A_306, %scan3A_288 : i32
      %add3A_308 = arith.constant 1 : i32
      %add3A_309 = arith.addi %mul3A_307, %add3A_308 : i32
      %dma_wait3A_310 = arith.constant 0 : i32
      %dma_wait3A_311 = arith.constant 0 : i32
      %dma_wait3A_312 = tpu.memref_slice %arg3[%dma_wait3A_310, %dma_wait3A_311] : memref<600x256xi32, #tpu.memory_space<hbm>> -> memref<600x256xi32, #tpu.memory_space<hbm>>
      tpu.wait_indirect_dma semaphore(%arg11 : memref<!tpu.dma_semaphore, #tpu.memory_space<semaphore_mem>>) src(%dma_wait3A_312 : memref<600x256xi32, #tpu.memory_space<hbm>>) dst(%arg9 : memref<128x256xi32, #tpu.memory_space<vmem>>)
      %mul3A_313 = arith.constant 128 : i32
      %mul3A_314 = arith.muli %add3A_309, %mul3A_313 : i32
      %min3A_315 = arith.constant 4872 : i32
      %min3A_316 = arith.minsi %mul3A_314, %min3A_315 : i32
      %add3A_317 = arith.addi %mul3A_2, %min3A_316 : i32
      %run_scoped3A_318 = arith.constant 0 : i32
      "tpu.region"() ({
        %run_scoped3A_327 = tpu.sem_alloc : memref<!tpu.dma_semaphore, #tpu.memory_space<semaphore_mem>>
        %dma_start3A_328 = arith.constant 0 : i32
        %dma_start3A_329 = arith.constant 0 : i32
        %dma_start3A_330 = tpu.memref_slice %arg9[%dma_start3A_328, %dma_start3A_329] : memref<128x256xi32, #tpu.memory_space<vmem>> -> memref<128x128xi32, #tpu.memory_space<vmem>>
        %dma_start3A_331 = arith.constant 0 : i32
        %dma_start3A_332 = tpu.memref_slice %arg4[%run_scoped3A_318, %add3A_317, %dma_start3A_331] : memref<2x160000x128xi32, #tpu.memory_space<hbm>> -> memref<1x128x128xi32, #tpu.memory_space<hbm>>
        %dma_start3A_333 = tpu.memref_squeeze %dma_start3A_332 : memref<1x128x128xi32, #tpu.memory_space<hbm>> -> memref<128x128xi32, #tpu.memory_space<hbm>>
        %dma_start3A_334 = arith.constant 0 : i32
        %dma_start3A_335 = tpu.memref_slice %arg4[%run_scoped3A_318, %add3A_317, %dma_start3A_334] : memref<2x160000x128xi32, #tpu.memory_space<hbm>> -> memref<1x128x128xi32, #tpu.memory_space<hbm>>
        %dma_start3A_336 = tpu.memref_squeeze %dma_start3A_335 : memref<1x128x128xi32, #tpu.memory_space<hbm>> -> memref<128x128xi32, #tpu.memory_space<hbm>>
        %dma_start3A_337 = arith.constant 0 : i32
        %dma_start3A_338 = arith.constant 0 : i32
        %dma_start3A_339 = tpu.memref_slice %arg9[%dma_start3A_337, %dma_start3A_338] : memref<128x256xi32, #tpu.memory_space<vmem>> -> memref<128x128xi32, #tpu.memory_space<vmem>>
        tpu.enqueue_dma source(%dma_start3A_339 : memref<128x128xi32, #tpu.memory_space<vmem>>) target(%dma_start3A_336 : memref<128x128xi32, #tpu.memory_space<hbm>>) target_semaphore(%run_scoped3A_327 : memref<!tpu.dma_semaphore, #tpu.memory_space<semaphore_mem>>)
        %dma_wait3A_340 = arith.constant 0 : i32
        %dma_wait3A_341 = arith.constant 0 : i32
        %dma_wait3A_342 = tpu.memref_slice %arg9[%dma_wait3A_340, %dma_wait3A_341] : memref<128x256xi32, #tpu.memory_space<vmem>> -> memref<128x128xi32, #tpu.memory_space<vmem>>
        %dma_wait3A_343 = arith.constant 0 : i32
        %dma_wait3A_344 = tpu.memref_slice %arg4[%run_scoped3A_318, %add3A_317, %dma_wait3A_343] : memref<2x160000x128xi32, #tpu.memory_space<hbm>> -> memref<1x128x128xi32, #tpu.memory_space<hbm>>
        %dma_wait3A_345 = tpu.memref_squeeze %dma_wait3A_344 : memref<1x128x128xi32, #tpu.memory_space<hbm>> -> memref<128x128xi32, #tpu.memory_space<hbm>>
        %dma_wait3A_346 = arith.constant 0 : i32
        %dma_wait3A_347 = tpu.memref_slice %arg4[%run_scoped3A_318, %add3A_317, %dma_wait3A_346] : memref<2x160000x128xi32, #tpu.memory_space<hbm>> -> memref<1x128x128xi32, #tpu.memory_space<hbm>>
        %dma_wait3A_348 = tpu.memref_squeeze %dma_wait3A_347 : memref<1x128x128xi32, #tpu.memory_space<hbm>> -> memref<128x128xi32, #tpu.memory_space<hbm>>
        %dma_wait3A_349 = arith.constant 0 : i32
        %dma_wait3A_350 = arith.constant 0 : i32
        %dma_wait3A_351 = tpu.memref_slice %arg9[%dma_wait3A_349, %dma_wait3A_350] : memref<128x256xi32, #tpu.memory_space<vmem>> -> memref<128x128xi32, #tpu.memory_space<vmem>>
        tpu.wait_dma2 semaphore(%run_scoped3A_327 : memref<!tpu.dma_semaphore, #tpu.memory_space<semaphore_mem>>) src(%dma_wait3A_351 : memref<128x128xi32, #tpu.memory_space<vmem>>) dst(%dma_wait3A_348 : memref<128x128xi32, #tpu.memory_space<hbm>>)
        tpu.yield
      }) : () -> ()
      %run_scoped3A_319 = arith.constant 1 : i32
      "tpu.region"() ({
        %run_scoped3A_327 = tpu.sem_alloc : memref<!tpu.dma_semaphore, #tpu.memory_space<semaphore_mem>>
        %dma_start3A_328 = arith.constant 0 : i32
        %dma_start3A_329 = arith.constant 128 : i32
        %dma_start3A_330 = tpu.memref_slice %arg9[%dma_start3A_328, %dma_start3A_329] : memref<128x256xi32, #tpu.memory_space<vmem>> -> memref<128x128xi32, #tpu.memory_space<vmem>>
        %dma_start3A_331 = arith.constant 0 : i32
        %dma_start3A_332 = tpu.memref_slice %arg4[%run_scoped3A_319, %add3A_317, %dma_start3A_331] : memref<2x160000x128xi32, #tpu.memory_space<hbm>> -> memref<1x128x128xi32, #tpu.memory_space<hbm>>
        %dma_start3A_333 = tpu.memref_squeeze %dma_start3A_332 : memref<1x128x128xi32, #tpu.memory_space<hbm>> -> memref<128x128xi32, #tpu.memory_space<hbm>>
        %dma_start3A_334 = arith.constant 0 : i32
        %dma_start3A_335 = tpu.memref_slice %arg4[%run_scoped3A_319, %add3A_317, %dma_start3A_334] : memref<2x160000x128xi32, #tpu.memory_space<hbm>> -> memref<1x128x128xi32, #tpu.memory_space<hbm>>
        %dma_start3A_336 = tpu.memref_squeeze %dma_start3A_335 : memref<1x128x128xi32, #tpu.memory_space<hbm>> -> memref<128x128xi32, #tpu.memory_space<hbm>>
        %dma_start3A_337 = arith.constant 0 : i32
        %dma_start3A_338 = arith.constant 128 : i32
        %dma_start3A_339 = tpu.memref_slice %arg9[%dma_start3A_337, %dma_start3A_338] : memref<128x256xi32, #tpu.memory_space<vmem>> -> memref<128x128xi32, #tpu.memory_space<vmem>>
        tpu.enqueue_dma source(%dma_start3A_339 : memref<128x128xi32, #tpu.memory_space<vmem>>) target(%dma_start3A_336 : memref<128x128xi32, #tpu.memory_space<hbm>>) target_semaphore(%run_scoped3A_327 : memref<!tpu.dma_semaphore, #tpu.memory_space<semaphore_mem>>)
        %dma_wait3A_340 = arith.constant 0 : i32
        %dma_wait3A_341 = arith.constant 128 : i32
        %dma_wait3A_342 = tpu.memref_slice %arg9[%dma_wait3A_340, %dma_wait3A_341] : memref<128x256xi32, #tpu.memory_space<vmem>> -> memref<128x128xi32, #tpu.memory_space<vmem>>
        %dma_wait3A_343 = arith.constant 0 : i32
        %dma_wait3A_344 = tpu.memref_slice %arg4[%run_scoped3A_319, %add3A_317, %dma_wait3A_343] : memref<2x160000x128xi32, #tpu.memory_space<hbm>> -> memref<1x128x128xi32, #tpu.memory_space<hbm>>
        %dma_wait3A_345 = tpu.memref_squeeze %dma_wait3A_344 : memref<1x128x128xi32, #tpu.memory_space<hbm>> -> memref<128x128xi32, #tpu.memory_space<hbm>>
        %dma_wait3A_346 = arith.constant 0 : i32
        %dma_wait3A_347 = tpu.memref_slice %arg4[%run_scoped3A_319, %add3A_317, %dma_wait3A_346] : memref<2x160000x128xi32, #tpu.memory_space<hbm>> -> memref<1x128x128xi32, #tpu.memory_space<hbm>>
        %dma_wait3A_348 = tpu.memref_squeeze %dma_wait3A_347 : memref<1x128x128xi32, #tpu.memory_space<hbm>> -> memref<128x128xi32, #tpu.memory_space<hbm>>
        %dma_wait3A_349 = arith.constant 0 : i32
        %dma_wait3A_350 = arith.constant 128 : i32
        %dma_wait3A_351 = tpu.memref_slice %arg9[%dma_wait3A_349, %dma_wait3A_350] : memref<128x256xi32, #tpu.memory_space<vmem>> -> memref<128x128xi32, #tpu.memory_space<vmem>>
        tpu.wait_dma2 semaphore(%run_scoped3A_327 : memref<!tpu.dma_semaphore, #tpu.memory_space<semaphore_mem>>) src(%dma_wait3A_351 : memref<128x128xi32, #tpu.memory_space<vmem>>) dst(%dma_wait3A_348 : memref<128x128xi32, #tpu.memory_space<hbm>>)
        tpu.yield
      }) : () -> ()
      %add3A_320 = arith.constant 2 : i32
      %add3A_321 = arith.addi %add3A_309, %add3A_320 : i32
      %lt3A_322 = arith.constant 40 : i32
      %lt3A_323 = arith.cmpi slt, %add3A_321, %lt3A_322 : i32
      %convert_element_type3A_324 = arith.extui %lt3A_323 : i1 to i32
      %cond3A_325 = arith.constant 0 : i32
      %cond3A_326 = arith.cmpi ne, %convert_element_type3A_324, %cond3A_325 : i32
      scf.if %cond3A_326 {
        %add3A_327 = arith.constant 2 : i32
        %add3A_328 = arith.addi %add3A_309, %add3A_327 : i32
        %mul3A_329 = arith.constant 128 : i32
        %mul3A_330 = arith.muli %add3A_328, %mul3A_329 : i32
        %min3A_331 = arith.constant 4872 : i32
        %min3A_332 = arith.minsi %mul3A_330, %min3A_331 : i32
        %add3A_333 = arith.addi %mul3A_2, %min3A_332 : i32
        "tpu.region"() ({
          %run_scoped3A_473 = tpu.sem_alloc : memref<!tpu.dma_semaphore, #tpu.memory_space<semaphore_mem>>
          %dma_start3A_474 = tpu.memref_slice %arg2[%add3A_333] : memref<160000xf32, #tpu.memory_space<hbm>> -> memref<128xf32, #tpu.memory_space<hbm>>
          %dma_start3A_475 = tpu.memref_slice %arg2[%add3A_333] : memref<160000xf32, #tpu.memory_space<hbm>> -> memref<128xf32, #tpu.memory_space<hbm>>
          tpu.enqueue_dma source(%dma_start3A_475 : memref<128xf32, #tpu.memory_space<hbm>>) target(%arg5 : memref<128xf32, #tpu.memory_space<vmem>>) target_semaphore(%run_scoped3A_473 : memref<!tpu.dma_semaphore, #tpu.memory_space<semaphore_mem>>)
          %dma_wait3A_476 = tpu.memref_slice %arg2[%add3A_333] : memref<160000xf32, #tpu.memory_space<hbm>> -> memref<128xf32, #tpu.memory_space<hbm>>
          %dma_wait3A_477 = tpu.memref_slice %arg2[%add3A_333] : memref<160000xf32, #tpu.memory_space<hbm>> -> memref<128xf32, #tpu.memory_space<hbm>>
          tpu.wait_dma2 semaphore(%run_scoped3A_473 : memref<!tpu.dma_semaphore, #tpu.memory_space<semaphore_mem>>) src(%dma_wait3A_477 : memref<128xf32, #tpu.memory_space<hbm>>) dst(%arg5 : memref<128xf32, #tpu.memory_space<vmem>>)
          tpu.yield
        }) : () -> ()
        %get3A_334 = arith.constant 0 : index
        %get3A_335 = tpu.vector_load %arg5[%get3A_334] {strides = array<i32>} : memref<128xf32, #tpu.memory_space<vmem>>, vector<16xf32>,
        %get3A_336 = vector.shape_cast %get3A_335 : vector<16xf32> to vector<16xf32>
        %mul3A_337 = arith.constant 1.198000e+02 : f32
        %mul3A_338 = vector.broadcast %mul3A_337 : f32 to vector<16xf32>
        %mul3A_339 = arith.mulf %get3A_336, %mul3A_338 : vector<16xf32>
        %convert_element_type3A_340 = arith.fptosi %mul3A_339 : vector<16xf32> to vector<16xi32>
        %max3A_341 = arith.constant 0 : i32
        %max3A_342 = vector.broadcast %max3A_341 : i32 to vector<16xi32>
        %max3A_343 = arith.maxsi %convert_element_type3A_340, %max3A_342 : vector<16xi32>
        %min3A_344 = arith.constant 598 : i32
        %min3A_345 = vector.broadcast %min3A_344 : i32 to vector<16xi32>
        %min3A_346 = arith.minsi %max3A_343, %min3A_345 : vector<16xi32>
        %swap3A_347 = arith.constant 0 : index
        %swap3A_348 = tpu.vector_load %arg7[%swap3A_347] {strides = array<i32>} : memref<128xi32, #tpu.memory_space<vmem>>, vector<16xi32>,
        %swap3A_349 = vector.shape_cast %swap3A_348 : vector<16xi32> to vector<16xi32>
        %swap3A_350 = vector.shape_cast %min3A_346 : vector<16xi32> to vector<16xi32>
        tpu.vector_store %arg7[%swap3A_347], %swap3A_350 {strides = array<i32>} : memref<128xi32, #tpu.memory_space<vmem>>, vector<16xi32>,
        %get3A_351 = arith.constant 16 : index
        %get3A_352 = tpu.vector_load %arg5[%get3A_351] {strides = array<i32>} : memref<128xf32, #tpu.memory_space<vmem>>, vector<16xf32>,
        %get3A_353 = vector.shape_cast %get3A_352 : vector<16xf32> to vector<16xf32>
        %mul3A_354 = arith.constant 1.198000e+02 : f32
        %mul3A_355 = vector.broadcast %mul3A_354 : f32 to vector<16xf32>
        %mul3A_356 = arith.mulf %get3A_353, %mul3A_355 : vector<16xf32>
        %convert_element_type3A_357 = arith.fptosi %mul3A_356 : vector<16xf32> to vector<16xi32>
        %max3A_358 = arith.constant 0 : i32
        %max3A_359 = vector.broadcast %max3A_358 : i32 to vector<16xi32>
        %max3A_360 = arith.maxsi %convert_element_type3A_357, %max3A_359 : vector<16xi32>
        %min3A_361 = arith.constant 598 : i32
        %min3A_362 = vector.broadcast %min3A_361 : i32 to vector<16xi32>
        %min3A_363 = arith.minsi %max3A_360, %min3A_362 : vector<16xi32>
        %swap3A_364 = arith.constant 16 : index
        %swap3A_365 = tpu.vector_load %arg7[%swap3A_364] {strides = array<i32>} : memref<128xi32, #tpu.memory_space<vmem>>, vector<16xi32>,
        %swap3A_366 = vector.shape_cast %swap3A_365 : vector<16xi32> to vector<16xi32>
        %swap3A_367 = vector.shape_cast %min3A_363 : vector<16xi32> to vector<16xi32>
        tpu.vector_store %arg7[%swap3A_364], %swap3A_367 {strides = array<i32>} : memref<128xi32, #tpu.memory_space<vmem>>, vector<16xi32>,
        %get3A_368 = arith.constant 32 : index
        %get3A_369 = tpu.vector_load %arg5[%get3A_368] {strides = array<i32>} : memref<128xf32, #tpu.memory_space<vmem>>, vector<16xf32>,
        %get3A_370 = vector.shape_cast %get3A_369 : vector<16xf32> to vector<16xf32>
        %mul3A_371 = arith.constant 1.198000e+02 : f32
        %mul3A_372 = vector.broadcast %mul3A_371 : f32 to vector<16xf32>
        %mul3A_373 = arith.mulf %get3A_370, %mul3A_372 : vector<16xf32>
        %convert_element_type3A_374 = arith.fptosi %mul3A_373 : vector<16xf32> to vector<16xi32>
        %max3A_375 = arith.constant 0 : i32
        %max3A_376 = vector.broadcast %max3A_375 : i32 to vector<16xi32>
        %max3A_377 = arith.maxsi %convert_element_type3A_374, %max3A_376 : vector<16xi32>
        %min3A_378 = arith.constant 598 : i32
        %min3A_379 = vector.broadcast %min3A_378 : i32 to vector<16xi32>
        %min3A_380 = arith.minsi %max3A_377, %min3A_379 : vector<16xi32>
        %swap3A_381 = arith.constant 32 : index
        %swap3A_382 = tpu.vector_load %arg7[%swap3A_381] {strides = array<i32>} : memref<128xi32, #tpu.memory_space<vmem>>, vector<16xi32>,
        %swap3A_383 = vector.shape_cast %swap3A_382 : vector<16xi32> to vector<16xi32>
        %swap3A_384 = vector.shape_cast %min3A_380 : vector<16xi32> to vector<16xi32>
        tpu.vector_store %arg7[%swap3A_381], %swap3A_384 {strides = array<i32>} : memref<128xi32, #tpu.memory_space<vmem>>, vector<16xi32>,
        %get3A_385 = arith.constant 48 : index
        %get3A_386 = tpu.vector_load %arg5[%get3A_385] {strides = array<i32>} : memref<128xf32, #tpu.memory_space<vmem>>, vector<16xf32>,
        %get3A_387 = vector.shape_cast %get3A_386 : vector<16xf32> to vector<16xf32>
        %mul3A_388 = arith.constant 1.198000e+02 : f32
        %mul3A_389 = vector.broadcast %mul3A_388 : f32 to vector<16xf32>
        %mul3A_390 = arith.mulf %get3A_387, %mul3A_389 : vector<16xf32>
        %convert_element_type3A_391 = arith.fptosi %mul3A_390 : vector<16xf32> to vector<16xi32>
        %max3A_392 = arith.constant 0 : i32
        %max3A_393 = vector.broadcast %max3A_392 : i32 to vector<16xi32>
        %max3A_394 = arith.maxsi %convert_element_type3A_391, %max3A_393 : vector<16xi32>
        %min3A_395 = arith.constant 598 : i32
        %min3A_396 = vector.broadcast %min3A_395 : i32 to vector<16xi32>
        %min3A_397 = arith.minsi %max3A_394, %min3A_396 : vector<16xi32>
        %swap3A_398 = arith.constant 48 : index
        %swap3A_399 = tpu.vector_load %arg7[%swap3A_398] {strides = array<i32>} : memref<128xi32, #tpu.memory_space<vmem>>, vector<16xi32>,
        %swap3A_400 = vector.shape_cast %swap3A_399 : vector<16xi32> to vector<16xi32>
        %swap3A_401 = vector.shape_cast %min3A_397 : vector<16xi32> to vector<16xi32>
        tpu.vector_store %arg7[%swap3A_398], %swap3A_401 {strides = array<i32>} : memref<128xi32, #tpu.memory_space<vmem>>, vector<16xi32>,
        %get3A_402 = arith.constant 64 : index
        %get3A_403 = tpu.vector_load %arg5[%get3A_402] {strides = array<i32>} : memref<128xf32, #tpu.memory_space<vmem>>, vector<16xf32>,
        %get3A_404 = vector.shape_cast %get3A_403 : vector<16xf32> to vector<16xf32>
        %mul3A_405 = arith.constant 1.198000e+02 : f32
        %mul3A_406 = vector.broadcast %mul3A_405 : f32 to vector<16xf32>
        %mul3A_407 = arith.mulf %get3A_404, %mul3A_406 : vector<16xf32>
        %convert_element_type3A_408 = arith.fptosi %mul3A_407 : vector<16xf32> to vector<16xi32>
        %max3A_409 = arith.constant 0 : i32
        %max3A_410 = vector.broadcast %max3A_409 : i32 to vector<16xi32>
        %max3A_411 = arith.maxsi %convert_element_type3A_408, %max3A_410 : vector<16xi32>
        %min3A_412 = arith.constant 598 : i32
        %min3A_413 = vector.broadcast %min3A_412 : i32 to vector<16xi32>
        %min3A_414 = arith.minsi %max3A_411, %min3A_413 : vector<16xi32>
        %swap3A_415 = arith.constant 64 : index
        %swap3A_416 = tpu.vector_load %arg7[%swap3A_415] {strides = array<i32>} : memref<128xi32, #tpu.memory_space<vmem>>, vector<16xi32>,
        %swap3A_417 = vector.shape_cast %swap3A_416 : vector<16xi32> to vector<16xi32>
        %swap3A_418 = vector.shape_cast %min3A_414 : vector<16xi32> to vector<16xi32>
        tpu.vector_store %arg7[%swap3A_415], %swap3A_418 {strides = array<i32>} : memref<128xi32, #tpu.memory_space<vmem>>, vector<16xi32>,
        %get3A_419 = arith.constant 80 : index
        %get3A_420 = tpu.vector_load %arg5[%get3A_419] {strides = array<i32>} : memref<128xf32, #tpu.memory_space<vmem>>, vector<16xf32>,
        %get3A_421 = vector.shape_cast %get3A_420 : vector<16xf32> to vector<16xf32>
        %mul3A_422 = arith.constant 1.198000e+02 : f32
        %mul3A_423 = vector.broadcast %mul3A_422 : f32 to vector<16xf32>
        %mul3A_424 = arith.mulf %get3A_421, %mul3A_423 : vector<16xf32>
        %convert_element_type3A_425 = arith.fptosi %mul3A_424 : vector<16xf32> to vector<16xi32>
        %max3A_426 = arith.constant 0 : i32
        %max3A_427 = vector.broadcast %max3A_426 : i32 to vector<16xi32>
        %max3A_428 = arith.maxsi %convert_element_type3A_425, %max3A_427 : vector<16xi32>
        %min3A_429 = arith.constant 598 : i32
        %min3A_430 = vector.broadcast %min3A_429 : i32 to vector<16xi32>
        %min3A_431 = arith.minsi %max3A_428, %min3A_430 : vector<16xi32>
        %swap3A_432 = arith.constant 80 : index
        %swap3A_433 = tpu.vector_load %arg7[%swap3A_432] {strides = array<i32>} : memref<128xi32, #tpu.memory_space<vmem>>, vector<16xi32>,
        %swap3A_434 = vector.shape_cast %swap3A_433 : vector<16xi32> to vector<16xi32>
        %swap3A_435 = vector.shape_cast %min3A_431 : vector<16xi32> to vector<16xi32>
        tpu.vector_store %arg7[%swap3A_432], %swap3A_435 {strides = array<i32>} : memref<128xi32, #tpu.memory_space<vmem>>, vector<16xi32>,
        %get3A_436 = arith.constant 96 : index
        %get3A_437 = tpu.vector_load %arg5[%get3A_436] {strides = array<i32>} : memref<128xf32, #tpu.memory_space<vmem>>, vector<16xf32>,
        %get3A_438 = vector.shape_cast %get3A_437 : vector<16xf32> to vector<16xf32>
        %mul3A_439 = arith.constant 1.198000e+02 : f32
        %mul3A_440 = vector.broadcast %mul3A_439 : f32 to vector<16xf32>
        %mul3A_441 = arith.mulf %get3A_438, %mul3A_440 : vector<16xf32>
        %convert_element_type3A_442 = arith.fptosi %mul3A_441 : vector<16xf32> to vector<16xi32>
        %max3A_443 = arith.constant 0 : i32
        %max3A_444 = vector.broadcast %max3A_443 : i32 to vector<16xi32>
        %max3A_445 = arith.maxsi %convert_element_type3A_442, %max3A_444 : vector<16xi32>
        %min3A_446 = arith.constant 598 : i32
        %min3A_447 = vector.broadcast %min3A_446 : i32 to vector<16xi32>
        %min3A_448 = arith.minsi %max3A_445, %min3A_447 : vector<16xi32>
        %swap3A_449 = arith.constant 96 : index
        %swap3A_450 = tpu.vector_load %arg7[%swap3A_449] {strides = array<i32>} : memref<128xi32, #tpu.memory_space<vmem>>, vector<16xi32>,
        %swap3A_451 = vector.shape_cast %swap3A_450 : vector<16xi32> to vector<16xi32>
        %swap3A_452 = vector.shape_cast %min3A_448 : vector<16xi32> to vector<16xi32>
        tpu.vector_store %arg7[%swap3A_449], %swap3A_452 {strides = array<i32>} : memref<128xi32, #tpu.memory_space<vmem>>, vector<16xi32>,
        %get3A_453 = arith.constant 112 : index
        %get3A_454 = tpu.vector_load %arg5[%get3A_453] {strides = array<i32>} : memref<128xf32, #tpu.memory_space<vmem>>, vector<16xf32>,
        %get3A_455 = vector.shape_cast %get3A_454 : vector<16xf32> to vector<16xf32>
        %mul3A_456 = arith.constant 1.198000e+02 : f32
        %mul3A_457 = vector.broadcast %mul3A_456 : f32 to vector<16xf32>
        %mul3A_458 = arith.mulf %get3A_455, %mul3A_457 : vector<16xf32>
        %convert_element_type3A_459 = arith.fptosi %mul3A_458 : vector<16xf32> to vector<16xi32>
        %max3A_460 = arith.constant 0 : i32
        %max3A_461 = vector.broadcast %max3A_460 : i32 to vector<16xi32>
        %max3A_462 = arith.maxsi %convert_element_type3A_459, %max3A_461 : vector<16xi32>
        %min3A_463 = arith.constant 598 : i32
        %min3A_464 = vector.broadcast %min3A_463 : i32 to vector<16xi32>
        %min3A_465 = arith.minsi %max3A_462, %min3A_464 : vector<16xi32>
        %swap3A_466 = arith.constant 112 : index
        %swap3A_467 = tpu.vector_load %arg7[%swap3A_466] {strides = array<i32>} : memref<128xi32, #tpu.memory_space<vmem>>, vector<16xi32>,
        %swap3A_468 = vector.shape_cast %swap3A_467 : vector<16xi32> to vector<16xi32>
        %swap3A_469 = vector.shape_cast %min3A_465 : vector<16xi32> to vector<16xi32>
        tpu.vector_store %arg7[%swap3A_466], %swap3A_469 {strides = array<i32>} : memref<128xi32, #tpu.memory_space<vmem>>, vector<16xi32>,
        %dma_start3A_470 = arith.constant 0 : i32
        %dma_start3A_471 = arith.constant 0 : i32
        %dma_start3A_472 = tpu.memref_slice %arg3[%dma_start3A_470, %dma_start3A_471] : memref<600x256xi32, #tpu.memory_space<hbm>> -> memref<600x256xi32, #tpu.memory_space<hbm>>
        tpu.enqueue_indirect_dma source(%dma_start3A_472 : memref<600x256xi32, #tpu.memory_space<hbm>>) target(%arg9 : memref<128x256xi32, #tpu.memory_space<vmem>>) offsets(%arg7 : memref<128xi32, #tpu.memory_space<vmem>>) semaphore(%arg11 : memref<!tpu.dma_semaphore, #tpu.memory_space<semaphore_mem>>)
      } else {
      }
    }
    %scan3A_287 = arith.constant 20 : i32
    return
  }
}

module attributes {stable_mosaic.version = 14 : i64} {
  func.func @_tc_body(%arg0: i32, %arg1: memref<2x1280x128xi32, #tpu.memory_space<vmem>>, %arg2: memref<1x1x1280xf32, #tpu.memory_space<vmem>>, %arg3: memref<1x1x1280xi32, #tpu.memory_space<vmem>>, %arg4: memref<4x128x128xf32, #tpu.memory_space<vmem>>, %arg5: memref<2x4x128x128xf32, #tpu.memory_space<vmem>>, %arg6: memref<4x80x128xf32, #tpu.memory_space<vmem>>, %arg7: memref<4x4xf32, #tpu.memory_space<smem>>, %arg8: memref<20x5x8x128xf32, #tpu.memory_space<vmem>>, %arg9: memref<18x5x8x128xf32, #tpu.memory_space<vmem>>, %arg10: memref<4x2x10x8x128xf32, #tpu.memory_space<vmem>>, %arg11: memref<14x5x8x128xf32, #tpu.memory_space<vmem>>) attributes {dimension_semantics = [#tpu.dimension_semantics<arbitrary>], iteration_bounds = array<i64: 125>, scalar_prefetch = 0 : i64, scratch_operands = 0 : i64, tpu.core_type = #tpu.core_type<tc>, window_params = [{transform_indices = @transform_0, window_bounds = array<i64: 2, 1280, 128>}, {transform_indices = @transform_1, window_bounds = array<i64: 1, 1, 1280>}, {transform_indices = @transform_2, window_bounds = array<i64: 1, 1, 1280>}, {pipeline_mode = #tpu.pipeline_mode<synchronous>, transform_indices = @transform_3, window_bounds = array<i64: 4, 128, 128>}, {pipeline_mode = #tpu.pipeline_mode<synchronous>, transform_indices = @transform_4, window_bounds = array<i64: 2, 4, 128, 128>}, {pipeline_mode = #tpu.pipeline_mode<synchronous>, transform_indices = @transform_5, window_bounds = array<i64: 4, 80, 128>}, {transform_indices = @transform_6, window_bounds = array<i64: 4, 4>}, {transform_indices = @transform_7, window_bounds = array<i64: 20, 5, 8, 128>}, {transform_indices = @transform_8, window_bounds = array<i64: 18, 5, 8, 128>}, {transform_indices = @transform_9, window_bounds = array<i64: 4, 2, 10, 8, 128>}, {transform_indices = @transform_10, window_bounds = array<i64: 14, 5, 8, 128>}]} {
    %get3A = arith.constant 0 : index
    %get3A_0 = arith.constant 0 : index
    %get3A_1 = arith.constant 0 : index
    %get3A_2 = vector.load %arg1[%get3A, %get3A_0, %get3A_1] : memref<2x1280x128xi32, #tpu.memory_space<vmem>>, vector<1x1280x128xi32>
    %get3A_3 = vector.shape_cast %get3A_2 : vector<1x1280x128xi32> to vector<1280x128xi32>
    %transpose3A = tpu.transpose %get3A_3, [1, 0] : vector<1280x128xi32> -> vector<128x1280xi32>
    %get3A_4 = arith.constant 1 : index
    %get3A_5 = arith.constant 0 : index
    %get3A_6 = arith.constant 0 : index
    %get3A_7 = vector.load %arg1[%get3A_4, %get3A_5, %get3A_6] : memref<2x1280x128xi32, #tpu.memory_space<vmem>>, vector<1x1280x128xi32>
    %get3A_8 = vector.shape_cast %get3A_7 : vector<1x1280x128xi32> to vector<1280x128xi32>
    %transpose3A_9 = tpu.transpose %get3A_8, [1, 0] : vector<1280x128xi32> -> vector<128x1280xi32>
    %shift_left3A = arith.constant 16 : i32
    %shift_left3A_10 = vector.broadcast %shift_left3A : i32 to vector<128x1280xi32>
    %shift_left3A_11 = arith.shli %transpose3A, %shift_left3A_10 : vector<128x1280xi32>
    %bitcast_convert_type3A = tpu.bitcast %shift_left3A_11 : vector<128x1280xi32> -> vector<128x1280xf32>
    %and3A = arith.constant -65536 : i32
    %and3A_12 = vector.broadcast %and3A : i32 to vector<128x1280xi32>
    %and3A_13 = arith.andi %transpose3A, %and3A_12 : vector<128x1280xi32>
    %bitcast_convert_type3A_14 = tpu.bitcast %and3A_13 : vector<128x1280xi32> -> vector<128x1280xf32>
    %shift_left3A_15 = arith.constant 16 : i32
    %shift_left3A_16 = vector.broadcast %shift_left3A_15 : i32 to vector<128x1280xi32>
    %shift_left3A_17 = arith.shli %transpose3A_9, %shift_left3A_16 : vector<128x1280xi32>
    %bitcast_convert_type3A_18 = tpu.bitcast %shift_left3A_17 : vector<128x1280xi32> -> vector<128x1280xf32>
    %and3A_19 = arith.constant -65536 : i32
    %and3A_20 = vector.broadcast %and3A_19 : i32 to vector<128x1280xi32>
    %and3A_21 = arith.andi %transpose3A_9, %and3A_20 : vector<128x1280xi32>
    %bitcast_convert_type3A_22 = tpu.bitcast %and3A_21 : vector<128x1280xi32> -> vector<128x1280xf32>
    %get3A_23 = arith.constant 0 : index
    %get3A_24 = arith.constant 0 : index
    %get3A_25 = arith.constant 0 : index
    %get3A_26 = vector.load %arg2[%get3A_23, %get3A_24, %get3A_25] : memref<1x1x1280xf32, #tpu.memory_space<vmem>>, vector<1x1x1280xf32>
    %get3A_27 = vector.shape_cast %get3A_26 : vector<1x1x1280xf32> to vector<1x1280xf32>
    %mul3A = arith.constant 1.198000e+02 : f32
    %mul3A_28 = vector.broadcast %mul3A : f32 to vector<1x1280xf32>
    %mul3A_29 = arith.mulf %get3A_27, %mul3A_28 : vector<1x1280xf32>
    %convert_element_type3A = arith.fptosi %mul3A_29 : vector<1x1280xf32> to vector<1x1280xi32>
    %max3A = arith.constant 0 : i32
    %max3A_30 = vector.broadcast %max3A : i32 to vector<1x1280xi32>
    %max3A_31 = arith.maxsi %convert_element_type3A, %max3A_30 : vector<1x1280xi32>
    %min3A = arith.constant 598 : i32
    %min3A_32 = vector.broadcast %min3A : i32 to vector<1x1280xi32>
    %min3A_33 = arith.minsi %max3A_31, %min3A_32 : vector<1x1280xi32>
    %convert_element_type3A_34 = arith.sitofp %min3A_33 : vector<1x1280xi32> to vector<1x1280xf32>
    %sub3A = arith.subf %mul3A_29, %convert_element_type3A_34 : vector<1x1280xf32>
    %mul3A_35 = arith.mulf %sub3A, %sub3A : vector<1x1280xf32>
    %mul3A_36 = arith.mulf %mul3A_35, %sub3A : vector<1x1280xf32>
    %mul3A_37 = arith.constant 2.000000e+00 : f32
    %mul3A_38 = vector.broadcast %mul3A_37 : f32 to vector<1x1280xf32>
    %mul3A_39 = arith.mulf %mul3A_38, %mul3A_36 : vector<1x1280xf32>
    %mul3A_40 = arith.constant 3.000000e+00 : f32
    %mul3A_41 = vector.broadcast %mul3A_40 : f32 to vector<1x1280xf32>
    %mul3A_42 = arith.mulf %mul3A_41, %mul3A_35 : vector<1x1280xf32>
    %sub3A_43 = arith.subf %mul3A_39, %mul3A_42 : vector<1x1280xf32>
    %add3A = arith.constant 1.000000e+00 : f32
    %add3A_44 = vector.broadcast %add3A : f32 to vector<1x1280xf32>
    %add3A_45 = arith.addf %sub3A_43, %add3A_44 : vector<1x1280xf32>
    %mul3A_46 = arith.constant 2.000000e+00 : f32
    %mul3A_47 = vector.broadcast %mul3A_46 : f32 to vector<1x1280xf32>
    %mul3A_48 = arith.mulf %mul3A_47, %mul3A_35 : vector<1x1280xf32>
    %sub3A_49 = arith.subf %mul3A_36, %mul3A_48 : vector<1x1280xf32>
    %add3A_50 = arith.addf %sub3A_49, %sub3A : vector<1x1280xf32>
    %mul3A_51 = arith.constant 0.00834724586 : f32
    %mul3A_52 = vector.broadcast %mul3A_51 : f32 to vector<1x1280xf32>
    %mul3A_53 = arith.mulf %mul3A_52, %add3A_50 : vector<1x1280xf32>
    %mul3A_54 = arith.constant -2.000000e+00 : f32
    %mul3A_55 = vector.broadcast %mul3A_54 : f32 to vector<1x1280xf32>
    %mul3A_56 = arith.mulf %mul3A_55, %mul3A_36 : vector<1x1280xf32>
    %mul3A_57 = arith.constant 3.000000e+00 : f32
    %mul3A_58 = vector.broadcast %mul3A_57 : f32 to vector<1x1280xf32>
    %mul3A_59 = arith.mulf %mul3A_58, %mul3A_35 : vector<1x1280xf32>
    %add3A_60 = arith.addf %mul3A_56, %mul3A_59 : vector<1x1280xf32>
    %sub3A_61 = arith.subf %mul3A_36, %mul3A_35 : vector<1x1280xf32>
    %mul3A_62 = arith.constant 0.00834724586 : f32
    %mul3A_63 = vector.broadcast %mul3A_62 : f32 to vector<1x1280xf32>
    %mul3A_64 = arith.mulf %mul3A_63, %sub3A_61 : vector<1x1280xf32>
    %mul3A_65 = vector.broadcast %add3A_45 : vector<1x1280xf32> to vector<128x1280xf32>
    %mul3A_66 = arith.mulf %mul3A_65, %bitcast_convert_type3A : vector<128x1280xf32>
    %mul3A_67 = vector.broadcast %mul3A_53 : vector<1x1280xf32> to vector<128x1280xf32>
    %mul3A_68 = arith.mulf %mul3A_67, %bitcast_convert_type3A_18 : vector<128x1280xf32>
    %add3A_69 = arith.addf %mul3A_66, %mul3A_68 : vector<128x1280xf32>
    %mul3A_70 = vector.broadcast %add3A_60 : vector<1x1280xf32> to vector<128x1280xf32>
    %mul3A_71 = arith.mulf %mul3A_70, %bitcast_convert_type3A_14 : vector<128x1280xf32>
    %add3A_72 = arith.addf %add3A_69, %mul3A_71 : vector<128x1280xf32>
    %mul3A_73 = vector.broadcast %mul3A_64 : vector<1x1280xf32> to vector<128x1280xf32>
    %mul3A_74 = arith.mulf %mul3A_73, %bitcast_convert_type3A_22 : vector<128x1280xf32>
    %add3A_75 = arith.addf %add3A_72, %mul3A_74 : vector<128x1280xf32>
    %get3A_76 = arith.constant 0 : index
    %get3A_77 = arith.constant 0 : index
    %get3A_78 = arith.constant 0 : index
    %get3A_79 = vector.load %arg3[%get3A_76, %get3A_77, %get3A_78] : memref<1x1x1280xi32, #tpu.memory_space<vmem>>, vector<1x1x1280xi32>
    %get3A_80 = vector.shape_cast %get3A_79 : vector<1x1x1280xi32> to vector<1x1280xi32>
    %eq3A = arith.constant 0 : i32
    %eq3A_81 = vector.broadcast %eq3A : i32 to vector<1x1280xi32>
    %eq3A_82 = arith.cmpi eq, %get3A_80, %eq3A_81 : vector<1x1280xi32>
    %get3A_83 = arith.constant 0 : index
    %get3A_84 = arith.constant 0 : index
    %get3A_85 = memref.load %arg7[%get3A_83, %get3A_84] : memref<4x4xf32, #tpu.memory_space<smem>>
    %eq3A_86 = arith.constant 1 : i32
    %eq3A_87 = vector.broadcast %eq3A_86 : i32 to vector<1x1280xi32>
    %eq3A_88 = arith.cmpi eq, %get3A_80, %eq3A_87 : vector<1x1280xi32>
    %get3A_89 = arith.constant 0 : index
    %get3A_90 = arith.constant 1 : index
    %get3A_91 = memref.load %arg7[%get3A_89, %get3A_90] : memref<4x4xf32, #tpu.memory_space<smem>>
    %eq3A_92 = arith.constant 2 : i32
    %eq3A_93 = vector.broadcast %eq3A_92 : i32 to vector<1x1280xi32>
    %eq3A_94 = arith.cmpi eq, %get3A_80, %eq3A_93 : vector<1x1280xi32>
    %get3A_95 = arith.constant 0 : index
    %get3A_96 = arith.constant 2 : index
    %get3A_97 = memref.load %arg7[%get3A_95, %get3A_96] : memref<4x4xf32, #tpu.memory_space<smem>>
    %get3A_98 = arith.constant 0 : index
    %get3A_99 = arith.constant 3 : index
    %get3A_100 = memref.load %arg7[%get3A_98, %get3A_99] : memref<4x4xf32, #tpu.memory_space<smem>>
    %broadcast_in_dim3A = vector.broadcast %get3A_97 : f32 to vector<1x1280xf32>
    %broadcast_in_dim3A_101 = vector.broadcast %get3A_100 : f32 to vector<1x1280xf32>
    %select_n3A = arith.select %eq3A_94, %broadcast_in_dim3A, %broadcast_in_dim3A_101 : vector<1x1280xi1>, vector<1x1280xf32>
    %broadcast_in_dim3A_102 = vector.broadcast %get3A_91 : f32 to vector<1x1280xf32>
    %select_n3A_103 = arith.select %eq3A_88, %broadcast_in_dim3A_102, %select_n3A : vector<1x1280xi1>, vector<1x1280xf32>
    %broadcast_in_dim3A_104 = vector.broadcast %get3A_85 : f32 to vector<1x1280xf32>
    %select_n3A_105 = arith.select %eq3A_82, %broadcast_in_dim3A_104, %select_n3A_103 : vector<1x1280xi1>, vector<1x1280xf32>
    %eq3A_106 = arith.constant 0 : i32
    %eq3A_107 = vector.broadcast %eq3A_106 : i32 to vector<1x1280xi32>
    %eq3A_108 = arith.cmpi eq, %get3A_80, %eq3A_107 : vector<1x1280xi32>
    %get3A_109 = arith.constant 1 : index
    %get3A_110 = arith.constant 0 : index
    %get3A_111 = memref.load %arg7[%get3A_109, %get3A_110] : memref<4x4xf32, #tpu.memory_space<smem>>
    %eq3A_112 = arith.constant 1 : i32
    %eq3A_113 = vector.broadcast %eq3A_112 : i32 to vector<1x1280xi32>
    %eq3A_114 = arith.cmpi eq, %get3A_80, %eq3A_113 : vector<1x1280xi32>
    %get3A_115 = arith.constant 1 : index
    %get3A_116 = arith.constant 1 : index
    %get3A_117 = memref.load %arg7[%get3A_115, %get3A_116] : memref<4x4xf32, #tpu.memory_space<smem>>
    %eq3A_118 = arith.constant 2 : i32
    %eq3A_119 = vector.broadcast %eq3A_118 : i32 to vector<1x1280xi32>
    %eq3A_120 = arith.cmpi eq, %get3A_80, %eq3A_119 : vector<1x1280xi32>
    %get3A_121 = arith.constant 1 : index
    %get3A_122 = arith.constant 2 : index
    %get3A_123 = memref.load %arg7[%get3A_121, %get3A_122] : memref<4x4xf32, #tpu.memory_space<smem>>
    %get3A_124 = arith.constant 1 : index
    %get3A_125 = arith.constant 3 : index
    %get3A_126 = memref.load %arg7[%get3A_124, %get3A_125] : memref<4x4xf32, #tpu.memory_space<smem>>
    %broadcast_in_dim3A_127 = vector.broadcast %get3A_123 : f32 to vector<1x1280xf32>
    %broadcast_in_dim3A_128 = vector.broadcast %get3A_126 : f32 to vector<1x1280xf32>
    %select_n3A_129 = arith.select %eq3A_120, %broadcast_in_dim3A_127, %broadcast_in_dim3A_128 : vector<1x1280xi1>, vector<1x1280xf32>
    %broadcast_in_dim3A_130 = vector.broadcast %get3A_117 : f32 to vector<1x1280xf32>
    %select_n3A_131 = arith.select %eq3A_114, %broadcast_in_dim3A_130, %select_n3A_129 : vector<1x1280xi1>, vector<1x1280xf32>
    %broadcast_in_dim3A_132 = vector.broadcast %get3A_111 : f32 to vector<1x1280xf32>
    %select_n3A_133 = arith.select %eq3A_108, %broadcast_in_dim3A_132, %select_n3A_131 : vector<1x1280xi1>, vector<1x1280xf32>
    %eq3A_134 = arith.constant 0 : i32
    %eq3A_135 = vector.broadcast %eq3A_134 : i32 to vector<1x1280xi32>
    %eq3A_136 = arith.cmpi eq, %get3A_80, %eq3A_135 : vector<1x1280xi32>
    %get3A_137 = arith.constant 2 : index
    %get3A_138 = arith.constant 0 : index
    %get3A_139 = memref.load %arg7[%get3A_137, %get3A_138] : memref<4x4xf32, #tpu.memory_space<smem>>
    %eq3A_140 = arith.constant 1 : i32
    %eq3A_141 = vector.broadcast %eq3A_140 : i32 to vector<1x1280xi32>
    %eq3A_142 = arith.cmpi eq, %get3A_80, %eq3A_141 : vector<1x1280xi32>
    %get3A_143 = arith.constant 2 : index
    %get3A_144 = arith.constant 1 : index
    %get3A_145 = memref.load %arg7[%get3A_143, %get3A_144] : memref<4x4xf32, #tpu.memory_space<smem>>
    %eq3A_146 = arith.constant 2 : i32
    %eq3A_147 = vector.broadcast %eq3A_146 : i32 to vector<1x1280xi32>
    %eq3A_148 = arith.cmpi eq, %get3A_80, %eq3A_147 : vector<1x1280xi32>
    %get3A_149 = arith.constant 2 : index
    %get3A_150 = arith.constant 2 : index
    %get3A_151 = memref.load %arg7[%get3A_149, %get3A_150] : memref<4x4xf32, #tpu.memory_space<smem>>
    %get3A_152 = arith.constant 2 : index
    %get3A_153 = arith.constant 3 : index
    %get3A_154 = memref.load %arg7[%get3A_152, %get3A_153] : memref<4x4xf32, #tpu.memory_space<smem>>
    %broadcast_in_dim3A_155 = vector.broadcast %get3A_151 : f32 to vector<1x1280xf32>
    %broadcast_in_dim3A_156 = vector.broadcast %get3A_154 : f32 to vector<1x1280xf32>
    %select_n3A_157 = arith.select %eq3A_148, %broadcast_in_dim3A_155, %broadcast_in_dim3A_156 : vector<1x1280xi1>, vector<1x1280xf32>
    %broadcast_in_dim3A_158 = vector.broadcast %get3A_145 : f32 to vector<1x1280xf32>
    %select_n3A_159 = arith.select %eq3A_142, %broadcast_in_dim3A_158, %select_n3A_157 : vector<1x1280xi1>, vector<1x1280xf32>
    %broadcast_in_dim3A_160 = vector.broadcast %get3A_139 : f32 to vector<1x1280xf32>
    %select_n3A_161 = arith.select %eq3A_136, %broadcast_in_dim3A_160, %select_n3A_159 : vector<1x1280xi1>, vector<1x1280xf32>
    %eq3A_162 = arith.constant 0 : i32
    %eq3A_163 = vector.broadcast %eq3A_162 : i32 to vector<1x1280xi32>
    %eq3A_164 = arith.cmpi eq, %get3A_80, %eq3A_163 : vector<1x1280xi32>
    %get3A_165 = arith.constant 3 : index
    %get3A_166 = arith.constant 0 : index
    %get3A_167 = memref.load %arg7[%get3A_165, %get3A_166] : memref<4x4xf32, #tpu.memory_space<smem>>
    %eq3A_168 = arith.constant 1 : i32
    %eq3A_169 = vector.broadcast %eq3A_168 : i32 to vector<1x1280xi32>
    %eq3A_170 = arith.cmpi eq, %get3A_80, %eq3A_169 : vector<1x1280xi32>
    %get3A_171 = arith.constant 3 : index
    %get3A_172 = arith.constant 1 : index
    %get3A_173 = memref.load %arg7[%get3A_171, %get3A_172] : memref<4x4xf32, #tpu.memory_space<smem>>
    %eq3A_174 = arith.constant 2 : i32
    %eq3A_175 = vector.broadcast %eq3A_174 : i32 to vector<1x1280xi32>
    %eq3A_176 = arith.cmpi eq, %get3A_80, %eq3A_175 : vector<1x1280xi32>
    %get3A_177 = arith.constant 3 : index
    %get3A_178 = arith.constant 2 : index
    %get3A_179 = memref.load %arg7[%get3A_177, %get3A_178] : memref<4x4xf32, #tpu.memory_space<smem>>
    %get3A_180 = arith.constant 3 : index
    %get3A_181 = arith.constant 3 : index
    %get3A_182 = memref.load %arg7[%get3A_180, %get3A_181] : memref<4x4xf32, #tpu.memory_space<smem>>
    %broadcast_in_dim3A_183 = vector.broadcast %get3A_179 : f32 to vector<1x1280xf32>
    %broadcast_in_dim3A_184 = vector.broadcast %get3A_182 : f32 to vector<1x1280xf32>
    %select_n3A_185 = arith.select %eq3A_176, %broadcast_in_dim3A_183, %broadcast_in_dim3A_184 : vector<1x1280xi1>, vector<1x1280xf32>
    %broadcast_in_dim3A_186 = vector.broadcast %get3A_173 : f32 to vector<1x1280xf32>
    %select_n3A_187 = arith.select %eq3A_170, %broadcast_in_dim3A_186, %select_n3A_185 : vector<1x1280xi1>, vector<1x1280xf32>
    %broadcast_in_dim3A_188 = vector.broadcast %get3A_167 : f32 to vector<1x1280xf32>
    %select_n3A_189 = arith.select %eq3A_164, %broadcast_in_dim3A_188, %select_n3A_187 : vector<1x1280xi1>, vector<1x1280xf32>
    %get3A_190 = arith.constant 0 : index
    %get3A_191 = arith.constant 0 : index
    %get3A_192 = arith.constant 0 : index
    %get3A_193 = vector.load %arg4[%get3A_190, %get3A_191, %get3A_192] : memref<4x128x128xf32, #tpu.memory_space<vmem>>, vector<1x128x128xf32>
    %get3A_194 = vector.shape_cast %get3A_193 : vector<1x128x128xf32> to vector<128x128xf32>
    %mul3A_195 = vector.broadcast %select_n3A_105 : vector<1x1280xf32> to vector<128x1280xf32>
    %mul3A_196 = arith.mulf %add3A_75, %mul3A_195 : vector<128x1280xf32>
    %dot_general3A = arith.constant dense<0.000000e+00> : vector<128x1280xf32>
    %dot_general3A_197 = tpu.matmul %get3A_194, %mul3A_196, %dot_general3A {dimension_numbers = #tpu.dot_dimension_numbers<[1], [0], [0], [1], [0, 0, 1, 1], [], []>, transpose_lhs_hint = false} : vector<128x128xf32>, vector<128x1280xf32>, vector<128x1280xf32> -> vector<128x1280xf32>
    %mul3A_198 = arith.constant 5.000000e-01 : f32
    %mul3A_199 = vector.broadcast %mul3A_198 : f32 to vector<128x1280xf32>
    %mul3A_200 = arith.mulf %mul3A_199, %dot_general3A_197 : vector<128x1280xf32>
    %tanh3A = math.tanh %mul3A_200 : vector<128x1280xf32>
    %mul3A_201 = arith.mulf %mul3A_200, %tanh3A : vector<128x1280xf32>
    %add3A_202 = arith.addf %mul3A_201, %mul3A_200 : vector<128x1280xf32>
    %get3A_203 = arith.constant 0 : index
    %get3A_204 = arith.constant 0 : index
    %get3A_205 = arith.constant 0 : index
    %get3A_206 = arith.constant 0 : index
    %get3A_207 = vector.load %arg5[%get3A_203, %get3A_204, %get3A_205, %get3A_206] : memref<2x4x128x128xf32, #tpu.memory_space<vmem>>, vector<1x1x128x128xf32>
    %get3A_208 = vector.shape_cast %get3A_207 : vector<1x1x128x128xf32> to vector<128x128xf32>
    %dot_general3A_209 = arith.constant dense<0.000000e+00> : vector<128x1280xf32>
    %dot_general3A_210 = tpu.matmul %get3A_208, %add3A_202, %dot_general3A_209 {dimension_numbers = #tpu.dot_dimension_numbers<[1], [0], [0], [1], [0, 0, 1, 1], [], []>, transpose_lhs_hint = false} : vector<128x128xf32>, vector<128x1280xf32>, vector<128x1280xf32> -> vector<128x1280xf32>
    %mul3A_211 = arith.constant 5.000000e-01 : f32
    %mul3A_212 = vector.broadcast %mul3A_211 : f32 to vector<128x1280xf32>
    %mul3A_213 = arith.mulf %mul3A_212, %dot_general3A_210 : vector<128x1280xf32>
    %tanh3A_214 = math.tanh %mul3A_213 : vector<128x1280xf32>
    %mul3A_215 = arith.mulf %mul3A_213, %tanh3A_214 : vector<128x1280xf32>
    %add3A_216 = arith.addf %mul3A_215, %mul3A_213 : vector<128x1280xf32>
    %get3A_217 = arith.constant 1 : index
    %get3A_218 = arith.constant 0 : index
    %get3A_219 = arith.constant 0 : index
    %get3A_220 = arith.constant 0 : index
    %get3A_221 = vector.load %arg5[%get3A_217, %get3A_218, %get3A_219, %get3A_220] : memref<2x4x128x128xf32, #tpu.memory_space<vmem>>, vector<1x1x128x128xf32>
    %get3A_222 = vector.shape_cast %get3A_221 : vector<1x1x128x128xf32> to vector<128x128xf32>
    %dot_general3A_223 = arith.constant dense<0.000000e+00> : vector<128x1280xf32>
    %dot_general3A_224 = tpu.matmul %get3A_222, %add3A_216, %dot_general3A_223 {dimension_numbers = #tpu.dot_dimension_numbers<[1], [0], [0], [1], [0, 0, 1, 1], [], []>, transpose_lhs_hint = false} : vector<128x128xf32>, vector<128x1280xf32>, vector<128x1280xf32> -> vector<128x1280xf32>
    %mul3A_225 = arith.constant 5.000000e-01 : f32
    %mul3A_226 = vector.broadcast %mul3A_225 : f32 to vector<128x1280xf32>
    %mul3A_227 = arith.mulf %mul3A_226, %dot_general3A_224 : vector<128x1280xf32>
    %tanh3A_228 = math.tanh %mul3A_227 : vector<128x1280xf32>
    %mul3A_229 = arith.mulf %mul3A_227, %tanh3A_228 : vector<128x1280xf32>
    %add3A_230 = arith.addf %mul3A_229, %mul3A_227 : vector<128x1280xf32>
    %get3A_231 = arith.constant 0 : index
    %get3A_232 = arith.constant 0 : index
    %get3A_233 = arith.constant 0 : index
    %get3A_234 = vector.load %arg6[%get3A_231, %get3A_232, %get3A_233] : memref<4x80x128xf32, #tpu.memory_space<vmem>>, vector<1x80x128xf32>
    %get3A_235 = vector.shape_cast %get3A_234 : vector<1x80x128xf32> to vector<80x128xf32>
    %dot_general3A_236 = arith.constant dense<0.000000e+00> : vector<80x1280xf32>
    %dot_general3A_237 = tpu.matmul %get3A_235, %add3A_230, %dot_general3A_236 {dimension_numbers = #tpu.dot_dimension_numbers<[1], [0], [0], [1], [0, 0, 1, 1], [], []>, transpose_lhs_hint = false} : vector<80x128xf32>, vector<128x1280xf32>, vector<80x1280xf32> -> vector<80x1280xf32>
    %slice3A = vector.extract_strided_slice %dot_general3A_237 {offsets = [0, 0], sizes = [20, 1280], strides = [1, 1]} : vector<80x1280xf32> to vector<20x1280xf32>
    %slice3A_238 = vector.extract_strided_slice %slice3A {offsets = [0, 0], sizes = [20, 128], strides = [1, 1]} : vector<20x1280xf32> to vector<20x128xf32>
    %swap3A = arith.constant 0 : index
    %swap3A_239 = arith.constant 0 : index
    %swap3A_240 = arith.constant 0 : index
    %swap3A_241 = arith.constant 0 : index
    %swap3A_242 = vector.load %arg8[%swap3A, %swap3A_239, %swap3A_240, %swap3A_241] : memref<20x5x8x128xf32, #tpu.memory_space<vmem>>, vector<20x1x1x128xf32>
    %swap3A_243 = vector.shape_cast %swap3A_242 : vector<20x1x1x128xf32> to vector<20x128xf32>
    %swap3A_244 = vector.shape_cast %slice3A_238 : vector<20x128xf32> to vector<20x1x1x128xf32>
    tpu.vector_store %arg8[%swap3A, %swap3A_239, %swap3A_240, %swap3A_241], %swap3A_244 {strides = array<i32>} : memref<20x5x8x128xf32, #tpu.memory_space<vmem>>, vector<20x1x1x128xf32>,
    %slice3A_245 = vector.extract_strided_slice %slice3A {offsets = [0, 128], sizes = [20, 128], strides = [1, 1]} : vector<20x1280xf32> to vector<20x128xf32>
    %swap3A_246 = arith.constant 0 : index
    %swap3A_247 = arith.constant 0 : index
    %swap3A_248 = arith.constant 4 : index
    %swap3A_249 = arith.constant 0 : index
    %swap3A_250 = vector.load %arg8[%swap3A_246, %swap3A_247, %swap3A_248, %swap3A_249] : memref<20x5x8x128xf32, #tpu.memory_space<vmem>>, vector<20x1x1x128xf32>
    %swap3A_251 = vector.shape_cast %swap3A_250 : vector<20x1x1x128xf32> to vector<20x128xf32>
    %swap3A_252 = vector.shape_cast %slice3A_245 : vector<20x128xf32> to vector<20x1x1x128xf32>
    tpu.vector_store %arg8[%swap3A_246, %swap3A_247, %swap3A_248, %swap3A_249], %swap3A_252 {strides = array<i32>} : memref<20x5x8x128xf32, #tpu.memory_space<vmem>>, vector<20x1x1x128xf32>,
    %slice3A_253 = vector.extract_strided_slice %slice3A {offsets = [0, 256], sizes = [20, 128], strides = [1, 1]} : vector<20x1280xf32> to vector<20x128xf32>
    %swap3A_254 = arith.constant 0 : index
    %swap3A_255 = arith.constant 1 : index
    %swap3A_256 = arith.constant 0 : index
    %swap3A_257 = arith.constant 0 : index
    %swap3A_258 = vector.load %arg8[%swap3A_254, %swap3A_255, %swap3A_256, %swap3A_257] : memref<20x5x8x128xf32, #tpu.memory_space<vmem>>, vector<20x1x1x128xf32>
    %swap3A_259 = vector.shape_cast %swap3A_258 : vector<20x1x1x128xf32> to vector<20x128xf32>
    %swap3A_260 = vector.shape_cast %slice3A_253 : vector<20x128xf32> to vector<20x1x1x128xf32>
    tpu.vector_store %arg8[%swap3A_254, %swap3A_255, %swap3A_256, %swap3A_257], %swap3A_260 {strides = array<i32>} : memref<20x5x8x128xf32, #tpu.memory_space<vmem>>, vector<20x1x1x128xf32>,
    %slice3A_261 = vector.extract_strided_slice %slice3A {offsets = [0, 384], sizes = [20, 128], strides = [1, 1]} : vector<20x1280xf32> to vector<20x128xf32>
    %swap3A_262 = arith.constant 0 : index
    %swap3A_263 = arith.constant 1 : index
    %swap3A_264 = arith.constant 4 : index
    %swap3A_265 = arith.constant 0 : index
    %swap3A_266 = vector.load %arg8[%swap3A_262, %swap3A_263, %swap3A_264, %swap3A_265] : memref<20x5x8x128xf32, #tpu.memory_space<vmem>>, vector<20x1x1x128xf32>
    %swap3A_267 = vector.shape_cast %swap3A_266 : vector<20x1x1x128xf32> to vector<20x128xf32>
    %swap3A_268 = vector.shape_cast %slice3A_261 : vector<20x128xf32> to vector<20x1x1x128xf32>
    tpu.vector_store %arg8[%swap3A_262, %swap3A_263, %swap3A_264, %swap3A_265], %swap3A_268 {strides = array<i32>} : memref<20x5x8x128xf32, #tpu.memory_space<vmem>>, vector<20x1x1x128xf32>,
    %slice3A_269 = vector.extract_strided_slice %slice3A {offsets = [0, 512], sizes = [20, 128], strides = [1, 1]} : vector<20x1280xf32> to vector<20x128xf32>
    %swap3A_270 = arith.constant 0 : index
    %swap3A_271 = arith.constant 2 : index
    %swap3A_272 = arith.constant 0 : index
    %swap3A_273 = arith.constant 0 : index
    %swap3A_274 = vector.load %arg8[%swap3A_270, %swap3A_271, %swap3A_272, %swap3A_273] : memref<20x5x8x128xf32, #tpu.memory_space<vmem>>, vector<20x1x1x128xf32>
    %swap3A_275 = vector.shape_cast %swap3A_274 : vector<20x1x1x128xf32> to vector<20x128xf32>
    %swap3A_276 = vector.shape_cast %slice3A_269 : vector<20x128xf32> to vector<20x1x1x128xf32>
    tpu.vector_store %arg8[%swap3A_270, %swap3A_271, %swap3A_272, %swap3A_273], %swap3A_276 {strides = array<i32>} : memref<20x5x8x128xf32, #tpu.memory_space<vmem>>, vector<20x1x1x128xf32>,
    %slice3A_277 = vector.extract_strided_slice %slice3A {offsets = [0, 640], sizes = [20, 128], strides = [1, 1]} : vector<20x1280xf32> to vector<20x128xf32>
    %swap3A_278 = arith.constant 0 : index
    %swap3A_279 = arith.constant 2 : index
    %swap3A_280 = arith.constant 4 : index
    %swap3A_281 = arith.constant 0 : index
    %swap3A_282 = vector.load %arg8[%swap3A_278, %swap3A_279, %swap3A_280, %swap3A_281] : memref<20x5x8x128xf32, #tpu.memory_space<vmem>>, vector<20x1x1x128xf32>
    %swap3A_283 = vector.shape_cast %swap3A_282 : vector<20x1x1x128xf32> to vector<20x128xf32>
    %swap3A_284 = vector.shape_cast %slice3A_277 : vector<20x128xf32> to vector<20x1x1x128xf32>
    tpu.vector_store %arg8[%swap3A_278, %swap3A_279, %swap3A_280, %swap3A_281], %swap3A_284 {strides = array<i32>} : memref<20x5x8x128xf32, #tpu.memory_space<vmem>>, vector<20x1x1x128xf32>,
    %slice3A_285 = vector.extract_strided_slice %slice3A {offsets = [0, 768], sizes = [20, 128], strides = [1, 1]} : vector<20x1280xf32> to vector<20x128xf32>
    %swap3A_286 = arith.constant 0 : index
    %swap3A_287 = arith.constant 3 : index
    %swap3A_288 = arith.constant 0 : index
    %swap3A_289 = arith.constant 0 : index
    %swap3A_290 = vector.load %arg8[%swap3A_286, %swap3A_287, %swap3A_288, %swap3A_289] : memref<20x5x8x128xf32, #tpu.memory_space<vmem>>, vector<20x1x1x128xf32>
    %swap3A_291 = vector.shape_cast %swap3A_290 : vector<20x1x1x128xf32> to vector<20x128xf32>
    %swap3A_292 = vector.shape_cast %slice3A_285 : vector<20x128xf32> to vector<20x1x1x128xf32>
    tpu.vector_store %arg8[%swap3A_286, %swap3A_287, %swap3A_288, %swap3A_289], %swap3A_292 {strides = array<i32>} : memref<20x5x8x128xf32, #tpu.memory_space<vmem>>, vector<20x1x1x128xf32>,
    %slice3A_293 = vector.extract_strided_slice %slice3A {offsets = [0, 896], sizes = [20, 128], strides = [1, 1]} : vector<20x1280xf32> to vector<20x128xf32>
    %swap3A_294 = arith.constant 0 : index
    %swap3A_295 = arith.constant 3 : index
    %swap3A_296 = arith.constant 4 : index
    %swap3A_297 = arith.constant 0 : index
    %swap3A_298 = vector.load %arg8[%swap3A_294, %swap3A_295, %swap3A_296, %swap3A_297] : memref<20x5x8x128xf32, #tpu.memory_space<vmem>>, vector<20x1x1x128xf32>
    %swap3A_299 = vector.shape_cast %swap3A_298 : vector<20x1x1x128xf32> to vector<20x128xf32>
    %swap3A_300 = vector.shape_cast %slice3A_293 : vector<20x128xf32> to vector<20x1x1x128xf32>
    tpu.vector_store %arg8[%swap3A_294, %swap3A_295, %swap3A_296, %swap3A_297], %swap3A_300 {strides = array<i32>} : memref<20x5x8x128xf32, #tpu.memory_space<vmem>>, vector<20x1x1x128xf32>,
    %slice3A_301 = vector.extract_strided_slice %slice3A {offsets = [0, 1024], sizes = [20, 128], strides = [1, 1]} : vector<20x1280xf32> to vector<20x128xf32>
    %swap3A_302 = arith.constant 0 : index
    %swap3A_303 = arith.constant 4 : index
    %swap3A_304 = arith.constant 0 : index
    %swap3A_305 = arith.constant 0 : index
    %swap3A_306 = vector.load %arg8[%swap3A_302, %swap3A_303, %swap3A_304, %swap3A_305] : memref<20x5x8x128xf32, #tpu.memory_space<vmem>>, vector<20x1x1x128xf32>
    %swap3A_307 = vector.shape_cast %swap3A_306 : vector<20x1x1x128xf32> to vector<20x128xf32>
    %swap3A_308 = vector.shape_cast %slice3A_301 : vector<20x128xf32> to vector<20x1x1x128xf32>
    tpu.vector_store %arg8[%swap3A_302, %swap3A_303, %swap3A_304, %swap3A_305], %swap3A_308 {strides = array<i32>} : memref<20x5x8x128xf32, #tpu.memory_space<vmem>>, vector<20x1x1x128xf32>,
    %slice3A_309 = vector.extract_strided_slice %slice3A {offsets = [0, 1152], sizes = [20, 128], strides = [1, 1]} : vector<20x1280xf32> to vector<20x128xf32>
    %swap3A_310 = arith.constant 0 : index
    %swap3A_311 = arith.constant 4 : index
    %swap3A_312 = arith.constant 4 : index
    %swap3A_313 = arith.constant 0 : index
    %swap3A_314 = vector.load %arg8[%swap3A_310, %swap3A_311, %swap3A_312, %swap3A_313] : memref<20x5x8x128xf32, #tpu.memory_space<vmem>>, vector<20x1x1x128xf32>
    %swap3A_315 = vector.shape_cast %swap3A_314 : vector<20x1x1x128xf32> to vector<20x128xf32>
    %swap3A_316 = vector.shape_cast %slice3A_309 : vector<20x128xf32> to vector<20x1x1x128xf32>
    tpu.vector_store %arg8[%swap3A_310, %swap3A_311, %swap3A_312, %swap3A_313], %swap3A_316 {strides = array<i32>} : memref<20x5x8x128xf32, #tpu.memory_space<vmem>>, vector<20x1x1x128xf32>,
    %slice3A_317 = vector.extract_strided_slice %dot_general3A_237 {offsets = [24, 0], sizes = [18, 1280], strides = [1, 1]} : vector<80x1280xf32> to vector<18x1280xf32>
    %slice3A_318 = vector.extract_strided_slice %slice3A_317 {offsets = [0, 0], sizes = [18, 128], strides = [1, 1]} : vector<18x1280xf32> to vector<18x128xf32>
    %swap3A_319 = arith.constant 0 : index
    %swap3A_320 = arith.constant 0 : index
    %swap3A_321 = arith.constant 0 : index
    %swap3A_322 = arith.constant 0 : index
    %swap3A_323 = vector.load %arg9[%swap3A_319, %swap3A_320, %swap3A_321, %swap3A_322] : memref<18x5x8x128xf32, #tpu.memory_space<vmem>>, vector<18x1x1x128xf32>
    %swap3A_324 = vector.shape_cast %swap3A_323 : vector<18x1x1x128xf32> to vector<18x128xf32>
    %swap3A_325 = vector.shape_cast %slice3A_318 : vector<18x128xf32> to vector<18x1x1x128xf32>
    tpu.vector_store %arg9[%swap3A_319, %swap3A_320, %swap3A_321, %swap3A_322], %swap3A_325 {strides = array<i32>} : memref<18x5x8x128xf32, #tpu.memory_space<vmem>>, vector<18x1x1x128xf32>,
    %slice3A_326 = vector.extract_strided_slice %slice3A_317 {offsets = [0, 128], sizes = [18, 128], strides = [1, 1]} : vector<18x1280xf32> to vector<18x128xf32>
    %swap3A_327 = arith.constant 0 : index
    %swap3A_328 = arith.constant 0 : index
    %swap3A_329 = arith.constant 4 : index
    %swap3A_330 = arith.constant 0 : index
    %swap3A_331 = vector.load %arg9[%swap3A_327, %swap3A_328, %swap3A_329, %swap3A_330] : memref<18x5x8x128xf32, #tpu.memory_space<vmem>>, vector<18x1x1x128xf32>
    %swap3A_332 = vector.shape_cast %swap3A_331 : vector<18x1x1x128xf32> to vector<18x128xf32>
    %swap3A_333 = vector.shape_cast %slice3A_326 : vector<18x128xf32> to vector<18x1x1x128xf32>
    tpu.vector_store %arg9[%swap3A_327, %swap3A_328, %swap3A_329, %swap3A_330], %swap3A_333 {strides = array<i32>} : memref<18x5x8x128xf32, #tpu.memory_space<vmem>>, vector<18x1x1x128xf32>,
    %slice3A_334 = vector.extract_strided_slice %slice3A_317 {offsets = [0, 256], sizes = [18, 128], strides = [1, 1]} : vector<18x1280xf32> to vector<18x128xf32>
    %swap3A_335 = arith.constant 0 : index
    %swap3A_336 = arith.constant 1 : index
    %swap3A_337 = arith.constant 0 : index
    %swap3A_338 = arith.constant 0 : index
    %swap3A_339 = vector.load %arg9[%swap3A_335, %swap3A_336, %swap3A_337, %swap3A_338] : memref<18x5x8x128xf32, #tpu.memory_space<vmem>>, vector<18x1x1x128xf32>
    %swap3A_340 = vector.shape_cast %swap3A_339 : vector<18x1x1x128xf32> to vector<18x128xf32>
    %swap3A_341 = vector.shape_cast %slice3A_334 : vector<18x128xf32> to vector<18x1x1x128xf32>
    tpu.vector_store %arg9[%swap3A_335, %swap3A_336, %swap3A_337, %swap3A_338], %swap3A_341 {strides = array<i32>} : memref<18x5x8x128xf32, #tpu.memory_space<vmem>>, vector<18x1x1x128xf32>,
    %slice3A_342 = vector.extract_strided_slice %slice3A_317 {offsets = [0, 384], sizes = [18, 128], strides = [1, 1]} : vector<18x1280xf32> to vector<18x128xf32>
    %swap3A_343 = arith.constant 0 : index
    %swap3A_344 = arith.constant 1 : index
    %swap3A_345 = arith.constant 4 : index
    %swap3A_346 = arith.constant 0 : index
    %swap3A_347 = vector.load %arg9[%swap3A_343, %swap3A_344, %swap3A_345, %swap3A_346] : memref<18x5x8x128xf32, #tpu.memory_space<vmem>>, vector<18x1x1x128xf32>
    %swap3A_348 = vector.shape_cast %swap3A_347 : vector<18x1x1x128xf32> to vector<18x128xf32>
    %swap3A_349 = vector.shape_cast %slice3A_342 : vector<18x128xf32> to vector<18x1x1x128xf32>
    tpu.vector_store %arg9[%swap3A_343, %swap3A_344, %swap3A_345, %swap3A_346], %swap3A_349 {strides = array<i32>} : memref<18x5x8x128xf32, #tpu.memory_space<vmem>>, vector<18x1x1x128xf32>,
    %slice3A_350 = vector.extract_strided_slice %slice3A_317 {offsets = [0, 512], sizes = [18, 128], strides = [1, 1]} : vector<18x1280xf32> to vector<18x128xf32>
    %swap3A_351 = arith.constant 0 : index
    %swap3A_352 = arith.constant 2 : index
    %swap3A_353 = arith.constant 0 : index
    %swap3A_354 = arith.constant 0 : index
    %swap3A_355 = vector.load %arg9[%swap3A_351, %swap3A_352, %swap3A_353, %swap3A_354] : memref<18x5x8x128xf32, #tpu.memory_space<vmem>>, vector<18x1x1x128xf32>
    %swap3A_356 = vector.shape_cast %swap3A_355 : vector<18x1x1x128xf32> to vector<18x128xf32>
    %swap3A_357 = vector.shape_cast %slice3A_350 : vector<18x128xf32> to vector<18x1x1x128xf32>
    tpu.vector_store %arg9[%swap3A_351, %swap3A_352, %swap3A_353, %swap3A_354], %swap3A_357 {strides = array<i32>} : memref<18x5x8x128xf32, #tpu.memory_space<vmem>>, vector<18x1x1x128xf32>,
    %slice3A_358 = vector.extract_strided_slice %slice3A_317 {offsets = [0, 640], sizes = [18, 128], strides = [1, 1]} : vector<18x1280xf32> to vector<18x128xf32>
    %swap3A_359 = arith.constant 0 : index
    %swap3A_360 = arith.constant 2 : index
    %swap3A_361 = arith.constant 4 : index
    %swap3A_362 = arith.constant 0 : index
    %swap3A_363 = vector.load %arg9[%swap3A_359, %swap3A_360, %swap3A_361, %swap3A_362] : memref<18x5x8x128xf32, #tpu.memory_space<vmem>>, vector<18x1x1x128xf32>
    %swap3A_364 = vector.shape_cast %swap3A_363 : vector<18x1x1x128xf32> to vector<18x128xf32>
    %swap3A_365 = vector.shape_cast %slice3A_358 : vector<18x128xf32> to vector<18x1x1x128xf32>
    tpu.vector_store %arg9[%swap3A_359, %swap3A_360, %swap3A_361, %swap3A_362], %swap3A_365 {strides = array<i32>} : memref<18x5x8x128xf32, #tpu.memory_space<vmem>>, vector<18x1x1x128xf32>,
    %slice3A_366 = vector.extract_strided_slice %slice3A_317 {offsets = [0, 768], sizes = [18, 128], strides = [1, 1]} : vector<18x1280xf32> to vector<18x128xf32>
    %swap3A_367 = arith.constant 0 : index
    %swap3A_368 = arith.constant 3 : index
    %swap3A_369 = arith.constant 0 : index
    %swap3A_370 = arith.constant 0 : index
    %swap3A_371 = vector.load %arg9[%swap3A_367, %swap3A_368, %swap3A_369, %swap3A_370] : memref<18x5x8x128xf32, #tpu.memory_space<vmem>>, vector<18x1x1x128xf32>
    %swap3A_372 = vector.shape_cast %swap3A_371 : vector<18x1x1x128xf32> to vector<18x128xf32>
    %swap3A_373 = vector.shape_cast %slice3A_366 : vector<18x128xf32> to vector<18x1x1x128xf32>
    tpu.vector_store %arg9[%swap3A_367, %swap3A_368, %swap3A_369, %swap3A_370], %swap3A_373 {strides = array<i32>} : memref<18x5x8x128xf32, #tpu.memory_space<vmem>>, vector<18x1x1x128xf32>,
    %slice3A_374 = vector.extract_strided_slice %slice3A_317 {offsets = [0, 896], sizes = [18, 128], strides = [1, 1]} : vector<18x1280xf32> to vector<18x128xf32>
    %swap3A_375 = arith.constant 0 : index
    %swap3A_376 = arith.constant 3 : index
    %swap3A_377 = arith.constant 4 : index
    %swap3A_378 = arith.constant 0 : index
    %swap3A_379 = vector.load %arg9[%swap3A_375, %swap3A_376, %swap3A_377, %swap3A_378] : memref<18x5x8x128xf32, #tpu.memory_space<vmem>>, vector<18x1x1x128xf32>
    %swap3A_380 = vector.shape_cast %swap3A_379 : vector<18x1x1x128xf32> to vector<18x128xf32>
    %swap3A_381 = vector.shape_cast %slice3A_374 : vector<18x128xf32> to vector<18x1x1x128xf32>
    tpu.vector_store %arg9[%swap3A_375, %swap3A_376, %swap3A_377, %swap3A_378], %swap3A_381 {strides = array<i32>} : memref<18x5x8x128xf32, #tpu.memory_space<vmem>>, vector<18x1x1x128xf32>,
    %slice3A_382 = vector.extract_strided_slice %slice3A_317 {offsets = [0, 1024], sizes = [18, 128], strides = [1, 1]} : vector<18x1280xf32> to vector<18x128xf32>
    %swap3A_383 = arith.constant 0 : index
    %swap3A_384 = arith.constant 4 : index
    %swap3A_385 = arith.constant 0 : index
    %swap3A_386 = arith.constant 0 : index
    %swap3A_387 = vector.load %arg9[%swap3A_383, %swap3A_384, %swap3A_385, %swap3A_386] : memref<18x5x8x128xf32, #tpu.memory_space<vmem>>, vector<18x1x1x128xf32>
    %swap3A_388 = vector.shape_cast %swap3A_387 : vector<18x1x1x128xf32> to vector<18x128xf32>
    %swap3A_389 = vector.shape_cast %slice3A_382 : vector<18x128xf32> to vector<18x1x1x128xf32>
    tpu.vector_store %arg9[%swap3A_383, %swap3A_384, %swap3A_385, %swap3A_386], %swap3A_389 {strides = array<i32>} : memref<18x5x8x128xf32, #tpu.memory_space<vmem>>, vector<18x1x1x128xf32>,
    %slice3A_390 = vector.extract_strided_slice %slice3A_317 {offsets = [0, 1152], sizes = [18, 128], strides = [1, 1]} : vector<18x1280xf32> to vector<18x128xf32>
    %swap3A_391 = arith.constant 0 : index
    %swap3A_392 = arith.constant 4 : index
    %swap3A_393 = arith.constant 4 : index
    %swap3A_394 = arith.constant 0 : index
    %swap3A_395 = vector.load %arg9[%swap3A_391, %swap3A_392, %swap3A_393, %swap3A_394] : memref<18x5x8x128xf32, #tpu.memory_space<vmem>>, vector<18x1x1x128xf32>
    %swap3A_396 = vector.shape_cast %swap3A_395 : vector<18x1x1x128xf32> to vector<18x128xf32>
    %swap3A_397 = vector.shape_cast %slice3A_390 : vector<18x128xf32> to vector<18x1x1x128xf32>
    tpu.vector_store %arg9[%swap3A_391, %swap3A_392, %swap3A_393, %swap3A_394], %swap3A_397 {strides = array<i32>} : memref<18x5x8x128xf32, #tpu.memory_space<vmem>>, vector<18x1x1x128xf32>,
    %slice3A_398 = vector.extract_strided_slice %dot_general3A_237 {offsets = [48, 0], sizes = [16, 1280], strides = [1, 1]} : vector<80x1280xf32> to vector<16x1280xf32>
    %slice3A_399 = vector.extract_strided_slice %slice3A_398 {offsets = [0, 0], sizes = [8, 128], strides = [1, 1]} : vector<16x1280xf32> to vector<8x128xf32>
    %swap3A_400 = arith.constant 0 : index
    %swap3A_401 = arith.constant 0 : index
    %swap3A_402 = arith.constant 0 : index
    %swap3A_403 = arith.constant 0 : index
    %swap3A_404 = arith.constant 0 : index
    %swap3A_405 = vector.load %arg10[%swap3A_400, %swap3A_401, %swap3A_402, %swap3A_403, %swap3A_404] : memref<4x2x10x8x128xf32, #tpu.memory_space<vmem>>, vector<1x1x1x8x128xf32>
    %swap3A_406 = vector.shape_cast %swap3A_405 : vector<1x1x1x8x128xf32> to vector<8x128xf32>
    %swap3A_407 = vector.shape_cast %slice3A_399 : vector<8x128xf32> to vector<1x1x1x8x128xf32>
    tpu.vector_store %arg10[%swap3A_400, %swap3A_401, %swap3A_402, %swap3A_403, %swap3A_404], %swap3A_407 {strides = array<i32>} : memref<4x2x10x8x128xf32, #tpu.memory_space<vmem>>, vector<1x1x1x8x128xf32>,
    %slice3A_408 = vector.extract_strided_slice %slice3A_398 {offsets = [0, 128], sizes = [8, 128], strides = [1, 1]} : vector<16x1280xf32> to vector<8x128xf32>
    %swap3A_409 = arith.constant 0 : index
    %swap3A_410 = arith.constant 0 : index
    %swap3A_411 = arith.constant 1 : index
    %swap3A_412 = arith.constant 0 : index
    %swap3A_413 = arith.constant 0 : index
    %swap3A_414 = vector.load %arg10[%swap3A_409, %swap3A_410, %swap3A_411, %swap3A_412, %swap3A_413] : memref<4x2x10x8x128xf32, #tpu.memory_space<vmem>>, vector<1x1x1x8x128xf32>
    %swap3A_415 = vector.shape_cast %swap3A_414 : vector<1x1x1x8x128xf32> to vector<8x128xf32>
    %swap3A_416 = vector.shape_cast %slice3A_408 : vector<8x128xf32> to vector<1x1x1x8x128xf32>
    tpu.vector_store %arg10[%swap3A_409, %swap3A_410, %swap3A_411, %swap3A_412, %swap3A_413], %swap3A_416 {strides = array<i32>} : memref<4x2x10x8x128xf32, #tpu.memory_space<vmem>>, vector<1x1x1x8x128xf32>,
    %slice3A_417 = vector.extract_strided_slice %slice3A_398 {offsets = [0, 256], sizes = [8, 128], strides = [1, 1]} : vector<16x1280xf32> to vector<8x128xf32>
    %swap3A_418 = arith.constant 0 : index
    %swap3A_419 = arith.constant 0 : index
    %swap3A_420 = arith.constant 2 : index
    %swap3A_421 = arith.constant 0 : index
    %swap3A_422 = arith.constant 0 : index
    %swap3A_423 = vector.load %arg10[%swap3A_418, %swap3A_419, %swap3A_420, %swap3A_421, %swap3A_422] : memref<4x2x10x8x128xf32, #tpu.memory_space<vmem>>, vector<1x1x1x8x128xf32>
    %swap3A_424 = vector.shape_cast %swap3A_423 : vector<1x1x1x8x128xf32> to vector<8x128xf32>
    %swap3A_425 = vector.shape_cast %slice3A_417 : vector<8x128xf32> to vector<1x1x1x8x128xf32>
    tpu.vector_store %arg10[%swap3A_418, %swap3A_419, %swap3A_420, %swap3A_421, %swap3A_422], %swap3A_425 {strides = array<i32>} : memref<4x2x10x8x128xf32, #tpu.memory_space<vmem>>, vector<1x1x1x8x128xf32>,
    %slice3A_426 = vector.extract_strided_slice %slice3A_398 {offsets = [0, 384], sizes = [8, 128], strides = [1, 1]} : vector<16x1280xf32> to vector<8x128xf32>
    %swap3A_427 = arith.constant 0 : index
    %swap3A_428 = arith.constant 0 : index
    %swap3A_429 = arith.constant 3 : index
    %swap3A_430 = arith.constant 0 : index
    %swap3A_431 = arith.constant 0 : index
    %swap3A_432 = vector.load %arg10[%swap3A_427, %swap3A_428, %swap3A_429, %swap3A_430, %swap3A_431] : memref<4x2x10x8x128xf32, #tpu.memory_space<vmem>>, vector<1x1x1x8x128xf32>
    %swap3A_433 = vector.shape_cast %swap3A_432 : vector<1x1x1x8x128xf32> to vector<8x128xf32>
    %swap3A_434 = vector.shape_cast %slice3A_426 : vector<8x128xf32> to vector<1x1x1x8x128xf32>
    tpu.vector_store %arg10[%swap3A_427, %swap3A_428, %swap3A_429, %swap3A_430, %swap3A_431], %swap3A_434 {strides = array<i32>} : memref<4x2x10x8x128xf32, #tpu.memory_space<vmem>>, vector<1x1x1x8x128xf32>,
    %slice3A_435 = vector.extract_strided_slice %slice3A_398 {offsets = [0, 512], sizes = [8, 128], strides = [1, 1]} : vector<16x1280xf32> to vector<8x128xf32>
    %swap3A_436 = arith.constant 0 : index
    %swap3A_437 = arith.constant 0 : index
    %swap3A_438 = arith.constant 4 : index
    %swap3A_439 = arith.constant 0 : index
    %swap3A_440 = arith.constant 0 : index
    %swap3A_441 = vector.load %arg10[%swap3A_436, %swap3A_437, %swap3A_438, %swap3A_439, %swap3A_440] : memref<4x2x10x8x128xf32, #tpu.memory_space<vmem>>, vector<1x1x1x8x128xf32>
    %swap3A_442 = vector.shape_cast %swap3A_441 : vector<1x1x1x8x128xf32> to vector<8x128xf32>
    %swap3A_443 = vector.shape_cast %slice3A_435 : vector<8x128xf32> to vector<1x1x1x8x128xf32>
    tpu.vector_store %arg10[%swap3A_436, %swap3A_437, %swap3A_438, %swap3A_439, %swap3A_440], %swap3A_443 {strides = array<i32>} : memref<4x2x10x8x128xf32, #tpu.memory_space<vmem>>, vector<1x1x1x8x128xf32>,
    %slice3A_444 = vector.extract_strided_slice %slice3A_398 {offsets = [0, 640], sizes = [8, 128], strides = [1, 1]} : vector<16x1280xf32> to vector<8x128xf32>
    %swap3A_445 = arith.constant 0 : index
    %swap3A_446 = arith.constant 0 : index
    %swap3A_447 = arith.constant 5 : index
    %swap3A_448 = arith.constant 0 : index
    %swap3A_449 = arith.constant 0 : index
    %swap3A_450 = vector.load %arg10[%swap3A_445, %swap3A_446, %swap3A_447, %swap3A_448, %swap3A_449] : memref<4x2x10x8x128xf32, #tpu.memory_space<vmem>>, vector<1x1x1x8x128xf32>
    %swap3A_451 = vector.shape_cast %swap3A_450 : vector<1x1x1x8x128xf32> to vector<8x128xf32>
    %swap3A_452 = vector.shape_cast %slice3A_444 : vector<8x128xf32> to vector<1x1x1x8x128xf32>
    tpu.vector_store %arg10[%swap3A_445, %swap3A_446, %swap3A_447, %swap3A_448, %swap3A_449], %swap3A_452 {strides = array<i32>} : memref<4x2x10x8x128xf32, #tpu.memory_space<vmem>>, vector<1x1x1x8x128xf32>,
    %slice3A_453 = vector.extract_strided_slice %slice3A_398 {offsets = [0, 768], sizes = [8, 128], strides = [1, 1]} : vector<16x1280xf32> to vector<8x128xf32>
    %swap3A_454 = arith.constant 0 : index
    %swap3A_455 = arith.constant 0 : index
    %swap3A_456 = arith.constant 6 : index
    %swap3A_457 = arith.constant 0 : index
    %swap3A_458 = arith.constant 0 : index
    %swap3A_459 = vector.load %arg10[%swap3A_454, %swap3A_455, %swap3A_456, %swap3A_457, %swap3A_458] : memref<4x2x10x8x128xf32, #tpu.memory_space<vmem>>, vector<1x1x1x8x128xf32>
    %swap3A_460 = vector.shape_cast %swap3A_459 : vector<1x1x1x8x128xf32> to vector<8x128xf32>
    %swap3A_461 = vector.shape_cast %slice3A_453 : vector<8x128xf32> to vector<1x1x1x8x128xf32>
    tpu.vector_store %arg10[%swap3A_454, %swap3A_455, %swap3A_456, %swap3A_457, %swap3A_458], %swap3A_461 {strides = array<i32>} : memref<4x2x10x8x128xf32, #tpu.memory_space<vmem>>, vector<1x1x1x8x128xf32>,
    %slice3A_462 = vector.extract_strided_slice %slice3A_398 {offsets = [0, 896], sizes = [8, 128], strides = [1, 1]} : vector<16x1280xf32> to vector<8x128xf32>
    %swap3A_463 = arith.constant 0 : index
    %swap3A_464 = arith.constant 0 : index
    %swap3A_465 = arith.constant 7 : index
    %swap3A_466 = arith.constant 0 : index
    %swap3A_467 = arith.constant 0 : index
    %swap3A_468 = vector.load %arg10[%swap3A_463, %swap3A_464, %swap3A_465, %swap3A_466, %swap3A_467] : memref<4x2x10x8x128xf32, #tpu.memory_space<vmem>>, vector<1x1x1x8x128xf32>
    %swap3A_469 = vector.shape_cast %swap3A_468 : vector<1x1x1x8x128xf32> to vector<8x128xf32>
    %swap3A_470 = vector.shape_cast %slice3A_462 : vector<8x128xf32> to vector<1x1x1x8x128xf32>
    tpu.vector_store %arg10[%swap3A_463, %swap3A_464, %swap3A_465, %swap3A_466, %swap3A_467], %swap3A_470 {strides = array<i32>} : memref<4x2x10x8x128xf32, #tpu.memory_space<vmem>>, vector<1x1x1x8x128xf32>,
    %slice3A_471 = vector.extract_strided_slice %slice3A_398 {offsets = [0, 1024], sizes = [8, 128], strides = [1, 1]} : vector<16x1280xf32> to vector<8x128xf32>
    %swap3A_472 = arith.constant 0 : index
    %swap3A_473 = arith.constant 0 : index
    %swap3A_474 = arith.constant 8 : index
    %swap3A_475 = arith.constant 0 : index
    %swap3A_476 = arith.constant 0 : index
    %swap3A_477 = vector.load %arg10[%swap3A_472, %swap3A_473, %swap3A_474, %swap3A_475, %swap3A_476] : memref<4x2x10x8x128xf32, #tpu.memory_space<vmem>>, vector<1x1x1x8x128xf32>
    %swap3A_478 = vector.shape_cast %swap3A_477 : vector<1x1x1x8x128xf32> to vector<8x128xf32>
    %swap3A_479 = vector.shape_cast %slice3A_471 : vector<8x128xf32> to vector<1x1x1x8x128xf32>
    tpu.vector_store %arg10[%swap3A_472, %swap3A_473, %swap3A_474, %swap3A_475, %swap3A_476], %swap3A_479 {strides = array<i32>} : memref<4x2x10x8x128xf32, #tpu.memory_space<vmem>>, vector<1x1x1x8x128xf32>,
    %slice3A_480 = vector.extract_strided_slice %slice3A_398 {offsets = [0, 1152], sizes = [8, 128], strides = [1, 1]} : vector<16x1280xf32> to vector<8x128xf32>
    %swap3A_481 = arith.constant 0 : index
    %swap3A_482 = arith.constant 0 : index
    %swap3A_483 = arith.constant 9 : index
    %swap3A_484 = arith.constant 0 : index
    %swap3A_485 = arith.constant 0 : index
    %swap3A_486 = vector.load %arg10[%swap3A_481, %swap3A_482, %swap3A_483, %swap3A_484, %swap3A_485] : memref<4x2x10x8x128xf32, #tpu.memory_space<vmem>>, vector<1x1x1x8x128xf32>
    %swap3A_487 = vector.shape_cast %swap3A_486 : vector<1x1x1x8x128xf32> to vector<8x128xf32>
    %swap3A_488 = vector.shape_cast %slice3A_480 : vector<8x128xf32> to vector<1x1x1x8x128xf32>
    tpu.vector_store %arg10[%swap3A_481, %swap3A_482, %swap3A_483, %swap3A_484, %swap3A_485], %swap3A_488 {strides = array<i32>} : memref<4x2x10x8x128xf32, #tpu.memory_space<vmem>>, vector<1x1x1x8x128xf32>,
    %slice3A_489 = vector.extract_strided_slice %slice3A_398 {offsets = [8, 0], sizes = [8, 128], strides = [1, 1]} : vector<16x1280xf32> to vector<8x128xf32>
    %swap3A_490 = arith.constant 0 : index
    %swap3A_491 = arith.constant 1 : index
    %swap3A_492 = arith.constant 0 : index
    %swap3A_493 = arith.constant 0 : index
    %swap3A_494 = arith.constant 0 : index
    %swap3A_495 = vector.load %arg10[%swap3A_490, %swap3A_491, %swap3A_492, %swap3A_493, %swap3A_494] : memref<4x2x10x8x128xf32, #tpu.memory_space<vmem>>, vector<1x1x1x8x128xf32>
    %swap3A_496 = vector.shape_cast %swap3A_495 : vector<1x1x1x8x128xf32> to vector<8x128xf32>
    %swap3A_497 = vector.shape_cast %slice3A_489 : vector<8x128xf32> to vector<1x1x1x8x128xf32>
    tpu.vector_store %arg10[%swap3A_490, %swap3A_491, %swap3A_492, %swap3A_493, %swap3A_494], %swap3A_497 {strides = array<i32>} : memref<4x2x10x8x128xf32, #tpu.memory_space<vmem>>, vector<1x1x1x8x128xf32>,
    %slice3A_498 = vector.extract_strided_slice %slice3A_398 {offsets = [8, 128], sizes = [8, 128], strides = [1, 1]} : vector<16x1280xf32> to vector<8x128xf32>
    %swap3A_499 = arith.constant 0 : index
    %swap3A_500 = arith.constant 1 : index
    %swap3A_501 = arith.constant 1 : index
    %swap3A_502 = arith.constant 0 : index
    %swap3A_503 = arith.constant 0 : index
    %swap3A_504 = vector.load %arg10[%swap3A_499, %swap3A_500, %swap3A_501, %swap3A_502, %swap3A_503] : memref<4x2x10x8x128xf32, #tpu.memory_space<vmem>>, vector<1x1x1x8x128xf32>
    %swap3A_505 = vector.shape_cast %swap3A_504 : vector<1x1x1x8x128xf32> to vector<8x128xf32>
    %swap3A_506 = vector.shape_cast %slice3A_498 : vector<8x128xf32> to vector<1x1x1x8x128xf32>
    tpu.vector_store %arg10[%swap3A_499, %swap3A_500, %swap3A_501, %swap3A_502, %swap3A_503], %swap3A_506 {strides = array<i32>} : memref<4x2x10x8x128xf32, #tpu.memory_space<vmem>>, vector<1x1x1x8x128xf32>,
    %slice3A_507 = vector.extract_strided_slice %slice3A_398 {offsets = [8, 256], sizes = [8, 128], strides = [1, 1]} : vector<16x1280xf32> to vector<8x128xf32>
    %swap3A_508 = arith.constant 0 : index
    %swap3A_509 = arith.constant 1 : index
    %swap3A_510 = arith.constant 2 : index
    %swap3A_511 = arith.constant 0 : index
    %swap3A_512 = arith.constant 0 : index
    %swap3A_513 = vector.load %arg10[%swap3A_508, %swap3A_509, %swap3A_510, %swap3A_511, %swap3A_512] : memref<4x2x10x8x128xf32, #tpu.memory_space<vmem>>, vector<1x1x1x8x128xf32>
    %swap3A_514 = vector.shape_cast %swap3A_513 : vector<1x1x1x8x128xf32> to vector<8x128xf32>
    %swap3A_515 = vector.shape_cast %slice3A_507 : vector<8x128xf32> to vector<1x1x1x8x128xf32>
    tpu.vector_store %arg10[%swap3A_508, %swap3A_509, %swap3A_510, %swap3A_511, %swap3A_512], %swap3A_515 {strides = array<i32>} : memref<4x2x10x8x128xf32, #tpu.memory_space<vmem>>, vector<1x1x1x8x128xf32>,
    %slice3A_516 = vector.extract_strided_slice %slice3A_398 {offsets = [8, 384], sizes = [8, 128], strides = [1, 1]} : vector<16x1280xf32> to vector<8x128xf32>
    %swap3A_517 = arith.constant 0 : index
    %swap3A_518 = arith.constant 1 : index
    %swap3A_519 = arith.constant 3 : index
    %swap3A_520 = arith.constant 0 : index
    %swap3A_521 = arith.constant 0 : index
    %swap3A_522 = vector.load %arg10[%swap3A_517, %swap3A_518, %swap3A_519, %swap3A_520, %swap3A_521] : memref<4x2x10x8x128xf32, #tpu.memory_space<vmem>>, vector<1x1x1x8x128xf32>
    %swap3A_523 = vector.shape_cast %swap3A_522 : vector<1x1x1x8x128xf32> to vector<8x128xf32>
    %swap3A_524 = vector.shape_cast %slice3A_516 : vector<8x128xf32> to vector<1x1x1x8x128xf32>
    tpu.vector_store %arg10[%swap3A_517, %swap3A_518, %swap3A_519, %swap3A_520, %swap3A_521], %swap3A_524 {strides = array<i32>} : memref<4x2x10x8x128xf32, #tpu.memory_space<vmem>>, vector<1x1x1x8x128xf32>,
    %slice3A_525 = vector.extract_strided_slice %slice3A_398 {offsets = [8, 512], sizes = [8, 128], strides = [1, 1]} : vector<16x1280xf32> to vector<8x128xf32>
    %swap3A_526 = arith.constant 0 : index
    %swap3A_527 = arith.constant 1 : index
    %swap3A_528 = arith.constant 4 : index
    %swap3A_529 = arith.constant 0 : index
    %swap3A_530 = arith.constant 0 : index
    %swap3A_531 = vector.load %arg10[%swap3A_526, %swap3A_527, %swap3A_528, %swap3A_529, %swap3A_530] : memref<4x2x10x8x128xf32, #tpu.memory_space<vmem>>, vector<1x1x1x8x128xf32>
    %swap3A_532 = vector.shape_cast %swap3A_531 : vector<1x1x1x8x128xf32> to vector<8x128xf32>
    %swap3A_533 = vector.shape_cast %slice3A_525 : vector<8x128xf32> to vector<1x1x1x8x128xf32>
    tpu.vector_store %arg10[%swap3A_526, %swap3A_527, %swap3A_528, %swap3A_529, %swap3A_530], %swap3A_533 {strides = array<i32>} : memref<4x2x10x8x128xf32, #tpu.memory_space<vmem>>, vector<1x1x1x8x128xf32>,
    %slice3A_534 = vector.extract_strided_slice %slice3A_398 {offsets = [8, 640], sizes = [8, 128], strides = [1, 1]} : vector<16x1280xf32> to vector<8x128xf32>
    %swap3A_535 = arith.constant 0 : index
    %swap3A_536 = arith.constant 1 : index
    %swap3A_537 = arith.constant 5 : index
    %swap3A_538 = arith.constant 0 : index
    %swap3A_539 = arith.constant 0 : index
    %swap3A_540 = vector.load %arg10[%swap3A_535, %swap3A_536, %swap3A_537, %swap3A_538, %swap3A_539] : memref<4x2x10x8x128xf32, #tpu.memory_space<vmem>>, vector<1x1x1x8x128xf32>
    %swap3A_541 = vector.shape_cast %swap3A_540 : vector<1x1x1x8x128xf32> to vector<8x128xf32>
    %swap3A_542 = vector.shape_cast %slice3A_534 : vector<8x128xf32> to vector<1x1x1x8x128xf32>
    tpu.vector_store %arg10[%swap3A_535, %swap3A_536, %swap3A_537, %swap3A_538, %swap3A_539], %swap3A_542 {strides = array<i32>} : memref<4x2x10x8x128xf32, #tpu.memory_space<vmem>>, vector<1x1x1x8x128xf32>,
    %slice3A_543 = vector.extract_strided_slice %slice3A_398 {offsets = [8, 768], sizes = [8, 128], strides = [1, 1]} : vector<16x1280xf32> to vector<8x128xf32>
    %swap3A_544 = arith.constant 0 : index
    %swap3A_545 = arith.constant 1 : index
    %swap3A_546 = arith.constant 6 : index
    %swap3A_547 = arith.constant 0 : index
    %swap3A_548 = arith.constant 0 : index
    %swap3A_549 = vector.load %arg10[%swap3A_544, %swap3A_545, %swap3A_546, %swap3A_547, %swap3A_548] : memref<4x2x10x8x128xf32, #tpu.memory_space<vmem>>, vector<1x1x1x8x128xf32>
    %swap3A_550 = vector.shape_cast %swap3A_549 : vector<1x1x1x8x128xf32> to vector<8x128xf32>
    %swap3A_551 = vector.shape_cast %slice3A_543 : vector<8x128xf32> to vector<1x1x1x8x128xf32>
    tpu.vector_store %arg10[%swap3A_544, %swap3A_545, %swap3A_546, %swap3A_547, %swap3A_548], %swap3A_551 {strides = array<i32>} : memref<4x2x10x8x128xf32, #tpu.memory_space<vmem>>, vector<1x1x1x8x128xf32>,
    %slice3A_552 = vector.extract_strided_slice %slice3A_398 {offsets = [8, 896], sizes = [8, 128], strides = [1, 1]} : vector<16x1280xf32> to vector<8x128xf32>
    %swap3A_553 = arith.constant 0 : index
    %swap3A_554 = arith.constant 1 : index
    %swap3A_555 = arith.constant 7 : index
    %swap3A_556 = arith.constant 0 : index
    %swap3A_557 = arith.constant 0 : index
    %swap3A_558 = vector.load %arg10[%swap3A_553, %swap3A_554, %swap3A_555, %swap3A_556, %swap3A_557] : memref<4x2x10x8x128xf32, #tpu.memory_space<vmem>>, vector<1x1x1x8x128xf32>
    %swap3A_559 = vector.shape_cast %swap3A_558 : vector<1x1x1x8x128xf32> to vector<8x128xf32>
    %swap3A_560 = vector.shape_cast %slice3A_552 : vector<8x128xf32> to vector<1x1x1x8x128xf32>
    tpu.vector_store %arg10[%swap3A_553, %swap3A_554, %swap3A_555, %swap3A_556, %swap3A_557], %swap3A_560 {strides = array<i32>} : memref<4x2x10x8x128xf32, #tpu.memory_space<vmem>>, vector<1x1x1x8x128xf32>,
    %slice3A_561 = vector.extract_strided_slice %slice3A_398 {offsets = [8, 1024], sizes = [8, 128], strides = [1, 1]} : vector<16x1280xf32> to vector<8x128xf32>
    %swap3A_562 = arith.constant 0 : index
    %swap3A_563 = arith.constant 1 : index
    %swap3A_564 = arith.constant 8 : index
    %swap3A_565 = arith.constant 0 : index
    %swap3A_566 = arith.constant 0 : index
    %swap3A_567 = vector.load %arg10[%swap3A_562, %swap3A_563, %swap3A_564, %swap3A_565, %swap3A_566] : memref<4x2x10x8x128xf32, #tpu.memory_space<vmem>>, vector<1x1x1x8x128xf32>
    %swap3A_568 = vector.shape_cast %swap3A_567 : vector<1x1x1x8x128xf32> to vector<8x128xf32>
    %swap3A_569 = vector.shape_cast %slice3A_561 : vector<8x128xf32> to vector<1x1x1x8x128xf32>
    tpu.vector_store %arg10[%swap3A_562, %swap3A_563, %swap3A_564, %swap3A_565, %swap3A_566], %swap3A_569 {strides = array<i32>} : memref<4x2x10x8x128xf32, #tpu.memory_space<vmem>>, vector<1x1x1x8x128xf32>,
    %slice3A_570 = vector.extract_strided_slice %slice3A_398 {offsets = [8, 1152], sizes = [8, 128], strides = [1, 1]} : vector<16x1280xf32> to vector<8x128xf32>
    %swap3A_571 = arith.constant 0 : index
    %swap3A_572 = arith.constant 1 : index
    %swap3A_573 = arith.constant 9 : index
    %swap3A_574 = arith.constant 0 : index
    %swap3A_575 = arith.constant 0 : index
    %swap3A_576 = vector.load %arg10[%swap3A_571, %swap3A_572, %swap3A_573, %swap3A_574, %swap3A_575] : memref<4x2x10x8x128xf32, #tpu.memory_space<vmem>>, vector<1x1x1x8x128xf32>
    %swap3A_577 = vector.shape_cast %swap3A_576 : vector<1x1x1x8x128xf32> to vector<8x128xf32>
    %swap3A_578 = vector.shape_cast %slice3A_570 : vector<8x128xf32> to vector<1x1x1x8x128xf32>
    tpu.vector_store %arg10[%swap3A_571, %swap3A_572, %swap3A_573, %swap3A_574, %swap3A_575], %swap3A_578 {strides = array<i32>} : memref<4x2x10x8x128xf32, #tpu.memory_space<vmem>>, vector<1x1x1x8x128xf32>,
    %slice3A_579 = vector.extract_strided_slice %dot_general3A_237 {offsets = [64, 0], sizes = [14, 1280], strides = [1, 1]} : vector<80x1280xf32> to vector<14x1280xf32>
    %slice3A_580 = vector.extract_strided_slice %slice3A_579 {offsets = [0, 0], sizes = [14, 128], strides = [1, 1]} : vector<14x1280xf32> to vector<14x128xf32>
    %swap3A_581 = arith.constant 0 : index
    %swap3A_582 = arith.constant 0 : index
    %swap3A_583 = arith.constant 0 : index
    %swap3A_584 = arith.constant 0 : index
    %swap3A_585 = vector.load %arg11[%swap3A_581, %swap3A_582, %swap3A_583, %swap3A_584] : memref<14x5x8x128xf32, #tpu.memory_space<vmem>>, vector<14x1x1x128xf32>
    %swap3A_586 = vector.shape_cast %swap3A_585 : vector<14x1x1x128xf32> to vector<14x128xf32>
    %swap3A_587 = vector.shape_cast %slice3A_580 : vector<14x128xf32> to vector<14x1x1x128xf32>
    tpu.vector_store %arg11[%swap3A_581, %swap3A_582, %swap3A_583, %swap3A_584], %swap3A_587 {strides = array<i32>} : memref<14x5x8x128xf32, #tpu.memory_space<vmem>>, vector<14x1x1x128xf32>,
    %slice3A_588 = vector.extract_strided_slice %slice3A_579 {offsets = [0, 128], sizes = [14, 128], strides = [1, 1]} : vector<14x1280xf32> to vector<14x128xf32>
    %swap3A_589 = arith.constant 0 : index
    %swap3A_590 = arith.constant 0 : index
    %swap3A_591 = arith.constant 4 : index
    %swap3A_592 = arith.constant 0 : index
    %swap3A_593 = vector.load %arg11[%swap3A_589, %swap3A_590, %swap3A_591, %swap3A_592] : memref<14x5x8x128xf32, #tpu.memory_space<vmem>>, vector<14x1x1x128xf32>
    %swap3A_594 = vector.shape_cast %swap3A_593 : vector<14x1x1x128xf32> to vector<14x128xf32>
    %swap3A_595 = vector.shape_cast %slice3A_588 : vector<14x128xf32> to vector<14x1x1x128xf32>
    tpu.vector_store %arg11[%swap3A_589, %swap3A_590, %swap3A_591, %swap3A_592], %swap3A_595 {strides = array<i32>} : memref<14x5x8x128xf32, #tpu.memory_space<vmem>>, vector<14x1x1x128xf32>,
    %slice3A_596 = vector.extract_strided_slice %slice3A_579 {offsets = [0, 256], sizes = [14, 128], strides = [1, 1]} : vector<14x1280xf32> to vector<14x128xf32>
    %swap3A_597 = arith.constant 0 : index
    %swap3A_598 = arith.constant 1 : index
    %swap3A_599 = arith.constant 0 : index
    %swap3A_600 = arith.constant 0 : index
    %swap3A_601 = vector.load %arg11[%swap3A_597, %swap3A_598, %swap3A_599, %swap3A_600] : memref<14x5x8x128xf32, #tpu.memory_space<vmem>>, vector<14x1x1x128xf32>
    %swap3A_602 = vector.shape_cast %swap3A_601 : vector<14x1x1x128xf32> to vector<14x128xf32>
    %swap3A_603 = vector.shape_cast %slice3A_596 : vector<14x128xf32> to vector<14x1x1x128xf32>
    tpu.vector_store %arg11[%swap3A_597, %swap3A_598, %swap3A_599, %swap3A_600], %swap3A_603 {strides = array<i32>} : memref<14x5x8x128xf32, #tpu.memory_space<vmem>>, vector<14x1x1x128xf32>,
    %slice3A_604 = vector.extract_strided_slice %slice3A_579 {offsets = [0, 384], sizes = [14, 128], strides = [1, 1]} : vector<14x1280xf32> to vector<14x128xf32>
    %swap3A_605 = arith.constant 0 : index
    %swap3A_606 = arith.constant 1 : index
    %swap3A_607 = arith.constant 4 : index
    %swap3A_608 = arith.constant 0 : index
    %swap3A_609 = vector.load %arg11[%swap3A_605, %swap3A_606, %swap3A_607, %swap3A_608] : memref<14x5x8x128xf32, #tpu.memory_space<vmem>>, vector<14x1x1x128xf32>
    %swap3A_610 = vector.shape_cast %swap3A_609 : vector<14x1x1x128xf32> to vector<14x128xf32>
    %swap3A_611 = vector.shape_cast %slice3A_604 : vector<14x128xf32> to vector<14x1x1x128xf32>
    tpu.vector_store %arg11[%swap3A_605, %swap3A_606, %swap3A_607, %swap3A_608], %swap3A_611 {strides = array<i32>} : memref<14x5x8x128xf32, #tpu.memory_space<vmem>>, vector<14x1x1x128xf32>,
    %slice3A_612 = vector.extract_strided_slice %slice3A_579 {offsets = [0, 512], sizes = [14, 128], strides = [1, 1]} : vector<14x1280xf32> to vector<14x128xf32>
    %swap3A_613 = arith.constant 0 : index
    %swap3A_614 = arith.constant 2 : index
    %swap3A_615 = arith.constant 0 : index
    %swap3A_616 = arith.constant 0 : index
    %swap3A_617 = vector.load %arg11[%swap3A_613, %swap3A_614, %swap3A_615, %swap3A_616] : memref<14x5x8x128xf32, #tpu.memory_space<vmem>>, vector<14x1x1x128xf32>
    %swap3A_618 = vector.shape_cast %swap3A_617 : vector<14x1x1x128xf32> to vector<14x128xf32>
    %swap3A_619 = vector.shape_cast %slice3A_612 : vector<14x128xf32> to vector<14x1x1x128xf32>
    tpu.vector_store %arg11[%swap3A_613, %swap3A_614, %swap3A_615, %swap3A_616], %swap3A_619 {strides = array<i32>} : memref<14x5x8x128xf32, #tpu.memory_space<vmem>>, vector<14x1x1x128xf32>,
    %slice3A_620 = vector.extract_strided_slice %slice3A_579 {offsets = [0, 640], sizes = [14, 128], strides = [1, 1]} : vector<14x1280xf32> to vector<14x128xf32>
    %swap3A_621 = arith.constant 0 : index
    %swap3A_622 = arith.constant 2 : index
    %swap3A_623 = arith.constant 4 : index
    %swap3A_624 = arith.constant 0 : index
    %swap3A_625 = vector.load %arg11[%swap3A_621, %swap3A_622, %swap3A_623, %swap3A_624] : memref<14x5x8x128xf32, #tpu.memory_space<vmem>>, vector<14x1x1x128xf32>
    %swap3A_626 = vector.shape_cast %swap3A_625 : vector<14x1x1x128xf32> to vector<14x128xf32>
    %swap3A_627 = vector.shape_cast %slice3A_620 : vector<14x128xf32> to vector<14x1x1x128xf32>
    tpu.vector_store %arg11[%swap3A_621, %swap3A_622, %swap3A_623, %swap3A_624], %swap3A_627 {strides = array<i32>} : memref<14x5x8x128xf32, #tpu.memory_space<vmem>>, vector<14x1x1x128xf32>,
    %slice3A_628 = vector.extract_strided_slice %slice3A_579 {offsets = [0, 768], sizes = [14, 128], strides = [1, 1]} : vector<14x1280xf32> to vector<14x128xf32>
    %swap3A_629 = arith.constant 0 : index
    %swap3A_630 = arith.constant 3 : index
    %swap3A_631 = arith.constant 0 : index
    %swap3A_632 = arith.constant 0 : index
    %swap3A_633 = vector.load %arg11[%swap3A_629, %swap3A_630, %swap3A_631, %swap3A_632] : memref<14x5x8x128xf32, #tpu.memory_space<vmem>>, vector<14x1x1x128xf32>
    %swap3A_634 = vector.shape_cast %swap3A_633 : vector<14x1x1x128xf32> to vector<14x128xf32>
    %swap3A_635 = vector.shape_cast %slice3A_628 : vector<14x128xf32> to vector<14x1x1x128xf32>
    tpu.vector_store %arg11[%swap3A_629, %swap3A_630, %swap3A_631, %swap3A_632], %swap3A_635 {strides = array<i32>} : memref<14x5x8x128xf32, #tpu.memory_space<vmem>>, vector<14x1x1x128xf32>,
    %slice3A_636 = vector.extract_strided_slice %slice3A_579 {offsets = [0, 896], sizes = [14, 128], strides = [1, 1]} : vector<14x1280xf32> to vector<14x128xf32>
    %swap3A_637 = arith.constant 0 : index
    %swap3A_638 = arith.constant 3 : index
    %swap3A_639 = arith.constant 4 : index
    %swap3A_640 = arith.constant 0 : index
    %swap3A_641 = vector.load %arg11[%swap3A_637, %swap3A_638, %swap3A_639, %swap3A_640] : memref<14x5x8x128xf32, #tpu.memory_space<vmem>>, vector<14x1x1x128xf32>
    %swap3A_642 = vector.shape_cast %swap3A_641 : vector<14x1x1x128xf32> to vector<14x128xf32>
    %swap3A_643 = vector.shape_cast %slice3A_636 : vector<14x128xf32> to vector<14x1x1x128xf32>
    tpu.vector_store %arg11[%swap3A_637, %swap3A_638, %swap3A_639, %swap3A_640], %swap3A_643 {strides = array<i32>} : memref<14x5x8x128xf32, #tpu.memory_space<vmem>>, vector<14x1x1x128xf32>,
    %slice3A_644 = vector.extract_strided_slice %slice3A_579 {offsets = [0, 1024], sizes = [14, 128], strides = [1, 1]} : vector<14x1280xf32> to vector<14x128xf32>
    %swap3A_645 = arith.constant 0 : index
    %swap3A_646 = arith.constant 4 : index
    %swap3A_647 = arith.constant 0 : index
    %swap3A_648 = arith.constant 0 : index
    %swap3A_649 = vector.load %arg11[%swap3A_645, %swap3A_646, %swap3A_647, %swap3A_648] : memref<14x5x8x128xf32, #tpu.memory_space<vmem>>, vector<14x1x1x128xf32>
    %swap3A_650 = vector.shape_cast %swap3A_649 : vector<14x1x1x128xf32> to vector<14x128xf32>
    %swap3A_651 = vector.shape_cast %slice3A_644 : vector<14x128xf32> to vector<14x1x1x128xf32>
    tpu.vector_store %arg11[%swap3A_645, %swap3A_646, %swap3A_647, %swap3A_648], %swap3A_651 {strides = array<i32>} : memref<14x5x8x128xf32, #tpu.memory_space<vmem>>, vector<14x1x1x128xf32>,
    %slice3A_652 = vector.extract_strided_slice %slice3A_579 {offsets = [0, 1152], sizes = [14, 128], strides = [1, 1]} : vector<14x1280xf32> to vector<14x128xf32>
    %swap3A_653 = arith.constant 0 : index
    %swap3A_654 = arith.constant 4 : index
    %swap3A_655 = arith.constant 4 : index
    %swap3A_656 = arith.constant 0 : index
    %swap3A_657 = vector.load %arg11[%swap3A_653, %swap3A_654, %swap3A_655, %swap3A_656] : memref<14x5x8x128xf32, #tpu.memory_space<vmem>>, vector<14x1x1x128xf32>
    %swap3A_658 = vector.shape_cast %swap3A_657 : vector<14x1x1x128xf32> to vector<14x128xf32>
    %swap3A_659 = vector.shape_cast %slice3A_652 : vector<14x128xf32> to vector<14x1x1x128xf32>
    tpu.vector_store %arg11[%swap3A_653, %swap3A_654, %swap3A_655, %swap3A_656], %swap3A_659 {strides = array<i32>} : memref<14x5x8x128xf32, #tpu.memory_space<vmem>>, vector<14x1x1x128xf32>,
    %get3A_660 = arith.constant 1 : index
    %get3A_661 = arith.constant 0 : index
    %get3A_662 = arith.constant 0 : index
    %get3A_663 = vector.load %arg4[%get3A_660, %get3A_661, %get3A_662] : memref<4x128x128xf32, #tpu.memory_space<vmem>>, vector<1x128x128xf32>
    %get3A_664 = vector.shape_cast %get3A_663 : vector<1x128x128xf32> to vector<128x128xf32>
    %mul3A_665 = vector.broadcast %select_n3A_133 : vector<1x1280xf32> to vector<128x1280xf32>
    %mul3A_666 = arith.mulf %add3A_75, %mul3A_665 : vector<128x1280xf32>
    %dot_general3A_667 = arith.constant dense<0.000000e+00> : vector<128x1280xf32>
    %dot_general3A_668 = tpu.matmul %get3A_664, %mul3A_666, %dot_general3A_667 {dimension_numbers = #tpu.dot_dimension_numbers<[1], [0], [0], [1], [0, 0, 1, 1], [], []>, transpose_lhs_hint = false} : vector<128x128xf32>, vector<128x1280xf32>, vector<128x1280xf32> -> vector<128x1280xf32>
    %mul3A_669 = arith.constant 5.000000e-01 : f32
    %mul3A_670 = vector.broadcast %mul3A_669 : f32 to vector<128x1280xf32>
    %mul3A_671 = arith.mulf %mul3A_670, %dot_general3A_668 : vector<128x1280xf32>
    %tanh3A_672 = math.tanh %mul3A_671 : vector<128x1280xf32>
    %mul3A_673 = arith.mulf %mul3A_671, %tanh3A_672 : vector<128x1280xf32>
    %add3A_674 = arith.addf %mul3A_673, %mul3A_671 : vector<128x1280xf32>
    %get3A_675 = arith.constant 0 : index
    %get3A_676 = arith.constant 1 : index
    %get3A_677 = arith.constant 0 : index
    %get3A_678 = arith.constant 0 : index
    %get3A_679 = vector.load %arg5[%get3A_675, %get3A_676, %get3A_677, %get3A_678] : memref<2x4x128x128xf32, #tpu.memory_space<vmem>>, vector<1x1x128x128xf32>
    %get3A_680 = vector.shape_cast %get3A_679 : vector<1x1x128x128xf32> to vector<128x128xf32>
    %dot_general3A_681 = arith.constant dense<0.000000e+00> : vector<128x1280xf32>
    %dot_general3A_682 = tpu.matmul %get3A_680, %add3A_674, %dot_general3A_681 {dimension_numbers = #tpu.dot_dimension_numbers<[1], [0], [0], [1], [0, 0, 1, 1], [], []>, transpose_lhs_hint = false} : vector<128x128xf32>, vector<128x1280xf32>, vector<128x1280xf32> -> vector<128x1280xf32>
    %mul3A_683 = arith.constant 5.000000e-01 : f32
    %mul3A_684 = vector.broadcast %mul3A_683 : f32 to vector<128x1280xf32>
    %mul3A_685 = arith.mulf %mul3A_684, %dot_general3A_682 : vector<128x1280xf32>
    %tanh3A_686 = math.tanh %mul3A_685 : vector<128x1280xf32>
    %mul3A_687 = arith.mulf %mul3A_685, %tanh3A_686 : vector<128x1280xf32>
    %add3A_688 = arith.addf %mul3A_687, %mul3A_685 : vector<128x1280xf32>
    %get3A_689 = arith.constant 1 : index
    %get3A_690 = arith.constant 1 : index
    %get3A_691 = arith.constant 0 : index
    %get3A_692 = arith.constant 0 : index
    %get3A_693 = vector.load %arg5[%get3A_689, %get3A_690, %get3A_691, %get3A_692] : memref<2x4x128x128xf32, #tpu.memory_space<vmem>>, vector<1x1x128x128xf32>
    %get3A_694 = vector.shape_cast %get3A_693 : vector<1x1x128x128xf32> to vector<128x128xf32>
    %dot_general3A_695 = arith.constant dense<0.000000e+00> : vector<128x1280xf32>
    %dot_general3A_696 = tpu.matmul %get3A_694, %add3A_688, %dot_general3A_695 {dimension_numbers = #tpu.dot_dimension_numbers<[1], [0], [0], [1], [0, 0, 1, 1], [], []>, transpose_lhs_hint = false} : vector<128x128xf32>, vector<128x1280xf32>, vector<128x1280xf32> -> vector<128x1280xf32>
    %mul3A_697 = arith.constant 5.000000e-01 : f32
    %mul3A_698 = vector.broadcast %mul3A_697 : f32 to vector<128x1280xf32>
    %mul3A_699 = arith.mulf %mul3A_698, %dot_general3A_696 : vector<128x1280xf32>
    %tanh3A_700 = math.tanh %mul3A_699 : vector<128x1280xf32>
    %mul3A_701 = arith.mulf %mul3A_699, %tanh3A_700 : vector<128x1280xf32>
    %add3A_702 = arith.addf %mul3A_701, %mul3A_699 : vector<128x1280xf32>
    %get3A_703 = arith.constant 1 : index
    %get3A_704 = arith.constant 0 : index
    %get3A_705 = arith.constant 0 : index
    %get3A_706 = vector.load %arg6[%get3A_703, %get3A_704, %get3A_705] : memref<4x80x128xf32, #tpu.memory_space<vmem>>, vector<1x80x128xf32>
    %get3A_707 = vector.shape_cast %get3A_706 : vector<1x80x128xf32> to vector<80x128xf32>
    %dot_general3A_708 = arith.constant dense<0.000000e+00> : vector<80x1280xf32>
    %dot_general3A_709 = tpu.matmul %get3A_707, %add3A_702, %dot_general3A_708 {dimension_numbers = #tpu.dot_dimension_numbers<[1], [0], [0], [1], [0, 0, 1, 1], [], []>, transpose_lhs_hint = false} : vector<80x128xf32>, vector<128x1280xf32>, vector<80x1280xf32> -> vector<80x1280xf32>
    %slice3A_710 = vector.extract_strided_slice %dot_general3A_709 {offsets = [0, 0], sizes = [20, 1280], strides = [1, 1]} : vector<80x1280xf32> to vector<20x1280xf32>
    %slice3A_711 = vector.extract_strided_slice %slice3A_710 {offsets = [0, 0], sizes = [20, 128], strides = [1, 1]} : vector<20x1280xf32> to vector<20x128xf32>
    %swap3A_712 = arith.constant 0 : index
    %swap3A_713 = arith.constant 0 : index
    %swap3A_714 = arith.constant 1 : index
    %swap3A_715 = arith.constant 0 : index
    %swap3A_716 = vector.load %arg8[%swap3A_712, %swap3A_713, %swap3A_714, %swap3A_715] : memref<20x5x8x128xf32, #tpu.memory_space<vmem>>, vector<20x1x1x128xf32>
    %swap3A_717 = vector.shape_cast %swap3A_716 : vector<20x1x1x128xf32> to vector<20x128xf32>
    %swap3A_718 = vector.shape_cast %slice3A_711 : vector<20x128xf32> to vector<20x1x1x128xf32>
    tpu.vector_store %arg8[%swap3A_712, %swap3A_713, %swap3A_714, %swap3A_715], %swap3A_718 {strides = array<i32>} : memref<20x5x8x128xf32, #tpu.memory_space<vmem>>, vector<20x1x1x128xf32>,
    %slice3A_719 = vector.extract_strided_slice %slice3A_710 {offsets = [0, 128], sizes = [20, 128], strides = [1, 1]} : vector<20x1280xf32> to vector<20x128xf32>
    %swap3A_720 = arith.constant 0 : index
    %swap3A_721 = arith.constant 0 : index
    %swap3A_722 = arith.constant 5 : index
    %swap3A_723 = arith.constant 0 : index
    %swap3A_724 = vector.load %arg8[%swap3A_720, %swap3A_721, %swap3A_722, %swap3A_723] : memref<20x5x8x128xf32, #tpu.memory_space<vmem>>, vector<20x1x1x128xf32>
    %swap3A_725 = vector.shape_cast %swap3A_724 : vector<20x1x1x128xf32> to vector<20x128xf32>
    %swap3A_726 = vector.shape_cast %slice3A_719 : vector<20x128xf32> to vector<20x1x1x128xf32>
    tpu.vector_store %arg8[%swap3A_720, %swap3A_721, %swap3A_722, %swap3A_723], %swap3A_726 {strides = array<i32>} : memref<20x5x8x128xf32, #tpu.memory_space<vmem>>, vector<20x1x1x128xf32>,
    %slice3A_727 = vector.extract_strided_slice %slice3A_710 {offsets = [0, 256], sizes = [20, 128], strides = [1, 1]} : vector<20x1280xf32> to vector<20x128xf32>
    %swap3A_728 = arith.constant 0 : index
    %swap3A_729 = arith.constant 1 : index
    %swap3A_730 = arith.constant 1 : index
    %swap3A_731 = arith.constant 0 : index
    %swap3A_732 = vector.load %arg8[%swap3A_728, %swap3A_729, %swap3A_730, %swap3A_731] : memref<20x5x8x128xf32, #tpu.memory_space<vmem>>, vector<20x1x1x128xf32>
    %swap3A_733 = vector.shape_cast %swap3A_732 : vector<20x1x1x128xf32> to vector<20x128xf32>
    %swap3A_734 = vector.shape_cast %slice3A_727 : vector<20x128xf32> to vector<20x1x1x128xf32>
    tpu.vector_store %arg8[%swap3A_728, %swap3A_729, %swap3A_730, %swap3A_731], %swap3A_734 {strides = array<i32>} : memref<20x5x8x128xf32, #tpu.memory_space<vmem>>, vector<20x1x1x128xf32>,
    %slice3A_735 = vector.extract_strided_slice %slice3A_710 {offsets = [0, 384], sizes = [20, 128], strides = [1, 1]} : vector<20x1280xf32> to vector<20x128xf32>
    %swap3A_736 = arith.constant 0 : index
    %swap3A_737 = arith.constant 1 : index
    %swap3A_738 = arith.constant 5 : index
    %swap3A_739 = arith.constant 0 : index
    %swap3A_740 = vector.load %arg8[%swap3A_736, %swap3A_737, %swap3A_738, %swap3A_739] : memref<20x5x8x128xf32, #tpu.memory_space<vmem>>, vector<20x1x1x128xf32>
    %swap3A_741 = vector.shape_cast %swap3A_740 : vector<20x1x1x128xf32> to vector<20x128xf32>
    %swap3A_742 = vector.shape_cast %slice3A_735 : vector<20x128xf32> to vector<20x1x1x128xf32>
    tpu.vector_store %arg8[%swap3A_736, %swap3A_737, %swap3A_738, %swap3A_739], %swap3A_742 {strides = array<i32>} : memref<20x5x8x128xf32, #tpu.memory_space<vmem>>, vector<20x1x1x128xf32>,
    %slice3A_743 = vector.extract_strided_slice %slice3A_710 {offsets = [0, 512], sizes = [20, 128], strides = [1, 1]} : vector<20x1280xf32> to vector<20x128xf32>
    %swap3A_744 = arith.constant 0 : index
    %swap3A_745 = arith.constant 2 : index
    %swap3A_746 = arith.constant 1 : index
    %swap3A_747 = arith.constant 0 : index
    %swap3A_748 = vector.load %arg8[%swap3A_744, %swap3A_745, %swap3A_746, %swap3A_747] : memref<20x5x8x128xf32, #tpu.memory_space<vmem>>, vector<20x1x1x128xf32>
    %swap3A_749 = vector.shape_cast %swap3A_748 : vector<20x1x1x128xf32> to vector<20x128xf32>
    %swap3A_750 = vector.shape_cast %slice3A_743 : vector<20x128xf32> to vector<20x1x1x128xf32>
    tpu.vector_store %arg8[%swap3A_744, %swap3A_745, %swap3A_746, %swap3A_747], %swap3A_750 {strides = array<i32>} : memref<20x5x8x128xf32, #tpu.memory_space<vmem>>, vector<20x1x1x128xf32>,
    %slice3A_751 = vector.extract_strided_slice %slice3A_710 {offsets = [0, 640], sizes = [20, 128], strides = [1, 1]} : vector<20x1280xf32> to vector<20x128xf32>
    %swap3A_752 = arith.constant 0 : index
    %swap3A_753 = arith.constant 2 : index
    %swap3A_754 = arith.constant 5 : index
    %swap3A_755 = arith.constant 0 : index
    %swap3A_756 = vector.load %arg8[%swap3A_752, %swap3A_753, %swap3A_754, %swap3A_755] : memref<20x5x8x128xf32, #tpu.memory_space<vmem>>, vector<20x1x1x128xf32>
    %swap3A_757 = vector.shape_cast %swap3A_756 : vector<20x1x1x128xf32> to vector<20x128xf32>
    %swap3A_758 = vector.shape_cast %slice3A_751 : vector<20x128xf32> to vector<20x1x1x128xf32>
    tpu.vector_store %arg8[%swap3A_752, %swap3A_753, %swap3A_754, %swap3A_755], %swap3A_758 {strides = array<i32>} : memref<20x5x8x128xf32, #tpu.memory_space<vmem>>, vector<20x1x1x128xf32>,
    %slice3A_759 = vector.extract_strided_slice %slice3A_710 {offsets = [0, 768], sizes = [20, 128], strides = [1, 1]} : vector<20x1280xf32> to vector<20x128xf32>
    %swap3A_760 = arith.constant 0 : index
    %swap3A_761 = arith.constant 3 : index
    %swap3A_762 = arith.constant 1 : index
    %swap3A_763 = arith.constant 0 : index
    %swap3A_764 = vector.load %arg8[%swap3A_760, %swap3A_761, %swap3A_762, %swap3A_763] : memref<20x5x8x128xf32, #tpu.memory_space<vmem>>, vector<20x1x1x128xf32>
    %swap3A_765 = vector.shape_cast %swap3A_764 : vector<20x1x1x128xf32> to vector<20x128xf32>
    %swap3A_766 = vector.shape_cast %slice3A_759 : vector<20x128xf32> to vector<20x1x1x128xf32>
    tpu.vector_store %arg8[%swap3A_760, %swap3A_761, %swap3A_762, %swap3A_763], %swap3A_766 {strides = array<i32>} : memref<20x5x8x128xf32, #tpu.memory_space<vmem>>, vector<20x1x1x128xf32>,
    %slice3A_767 = vector.extract_strided_slice %slice3A_710 {offsets = [0, 896], sizes = [20, 128], strides = [1, 1]} : vector<20x1280xf32> to vector<20x128xf32>
    %swap3A_768 = arith.constant 0 : index
    %swap3A_769 = arith.constant 3 : index
    %swap3A_770 = arith.constant 5 : index
    %swap3A_771 = arith.constant 0 : index
    %swap3A_772 = vector.load %arg8[%swap3A_768, %swap3A_769, %swap3A_770, %swap3A_771] : memref<20x5x8x128xf32, #tpu.memory_space<vmem>>, vector<20x1x1x128xf32>
    %swap3A_773 = vector.shape_cast %swap3A_772 : vector<20x1x1x128xf32> to vector<20x128xf32>
    %swap3A_774 = vector.shape_cast %slice3A_767 : vector<20x128xf32> to vector<20x1x1x128xf32>
    tpu.vector_store %arg8[%swap3A_768, %swap3A_769, %swap3A_770, %swap3A_771], %swap3A_774 {strides = array<i32>} : memref<20x5x8x128xf32, #tpu.memory_space<vmem>>, vector<20x1x1x128xf32>,
    %slice3A_775 = vector.extract_strided_slice %slice3A_710 {offsets = [0, 1024], sizes = [20, 128], strides = [1, 1]} : vector<20x1280xf32> to vector<20x128xf32>
    %swap3A_776 = arith.constant 0 : index
    %swap3A_777 = arith.constant 4 : index
    %swap3A_778 = arith.constant 1 : index
    %swap3A_779 = arith.constant 0 : index
    %swap3A_780 = vector.load %arg8[%swap3A_776, %swap3A_777, %swap3A_778, %swap3A_779] : memref<20x5x8x128xf32, #tpu.memory_space<vmem>>, vector<20x1x1x128xf32>
    %swap3A_781 = vector.shape_cast %swap3A_780 : vector<20x1x1x128xf32> to vector<20x128xf32>
    %swap3A_782 = vector.shape_cast %slice3A_775 : vector<20x128xf32> to vector<20x1x1x128xf32>
    tpu.vector_store %arg8[%swap3A_776, %swap3A_777, %swap3A_778, %swap3A_779], %swap3A_782 {strides = array<i32>} : memref<20x5x8x128xf32, #tpu.memory_space<vmem>>, vector<20x1x1x128xf32>,
    %slice3A_783 = vector.extract_strided_slice %slice3A_710 {offsets = [0, 1152], sizes = [20, 128], strides = [1, 1]} : vector<20x1280xf32> to vector<20x128xf32>
    %swap3A_784 = arith.constant 0 : index
    %swap3A_785 = arith.constant 4 : index
    %swap3A_786 = arith.constant 5 : index
    %swap3A_787 = arith.constant 0 : index
    %swap3A_788 = vector.load %arg8[%swap3A_784, %swap3A_785, %swap3A_786, %swap3A_787] : memref<20x5x8x128xf32, #tpu.memory_space<vmem>>, vector<20x1x1x128xf32>
    %swap3A_789 = vector.shape_cast %swap3A_788 : vector<20x1x1x128xf32> to vector<20x128xf32>
    %swap3A_790 = vector.shape_cast %slice3A_783 : vector<20x128xf32> to vector<20x1x1x128xf32>
    tpu.vector_store %arg8[%swap3A_784, %swap3A_785, %swap3A_786, %swap3A_787], %swap3A_790 {strides = array<i32>} : memref<20x5x8x128xf32, #tpu.memory_space<vmem>>, vector<20x1x1x128xf32>,
    %slice3A_791 = vector.extract_strided_slice %dot_general3A_709 {offsets = [24, 0], sizes = [18, 1280], strides = [1, 1]} : vector<80x1280xf32> to vector<18x1280xf32>
    %slice3A_792 = vector.extract_strided_slice %slice3A_791 {offsets = [0, 0], sizes = [18, 128], strides = [1, 1]} : vector<18x1280xf32> to vector<18x128xf32>
    %swap3A_793 = arith.constant 0 : index
    %swap3A_794 = arith.constant 0 : index
    %swap3A_795 = arith.constant 1 : index
    %swap3A_796 = arith.constant 0 : index
    %swap3A_797 = vector.load %arg9[%swap3A_793, %swap3A_794, %swap3A_795, %swap3A_796] : memref<18x5x8x128xf32, #tpu.memory_space<vmem>>, vector<18x1x1x128xf32>
    %swap3A_798 = vector.shape_cast %swap3A_797 : vector<18x1x1x128xf32> to vector<18x128xf32>
    %swap3A_799 = vector.shape_cast %slice3A_792 : vector<18x128xf32> to vector<18x1x1x128xf32>
    tpu.vector_store %arg9[%swap3A_793, %swap3A_794, %swap3A_795, %swap3A_796], %swap3A_799 {strides = array<i32>} : memref<18x5x8x128xf32, #tpu.memory_space<vmem>>, vector<18x1x1x128xf32>,
    %slice3A_800 = vector.extract_strided_slice %slice3A_791 {offsets = [0, 128], sizes = [18, 128], strides = [1, 1]} : vector<18x1280xf32> to vector<18x128xf32>
    %swap3A_801 = arith.constant 0 : index
    %swap3A_802 = arith.constant 0 : index
    %swap3A_803 = arith.constant 5 : index
    %swap3A_804 = arith.constant 0 : index
    %swap3A_805 = vector.load %arg9[%swap3A_801, %swap3A_802, %swap3A_803, %swap3A_804] : memref<18x5x8x128xf32, #tpu.memory_space<vmem>>, vector<18x1x1x128xf32>
    %swap3A_806 = vector.shape_cast %swap3A_805 : vector<18x1x1x128xf32> to vector<18x128xf32>
    %swap3A_807 = vector.shape_cast %slice3A_800 : vector<18x128xf32> to vector<18x1x1x128xf32>
    tpu.vector_store %arg9[%swap3A_801, %swap3A_802, %swap3A_803, %swap3A_804], %swap3A_807 {strides = array<i32>} : memref<18x5x8x128xf32, #tpu.memory_space<vmem>>, vector<18x1x1x128xf32>,
    %slice3A_808 = vector.extract_strided_slice %slice3A_791 {offsets = [0, 256], sizes = [18, 128], strides = [1, 1]} : vector<18x1280xf32> to vector<18x128xf32>
    %swap3A_809 = arith.constant 0 : index
    %swap3A_810 = arith.constant 1 : index
    %swap3A_811 = arith.constant 1 : index
    %swap3A_812 = arith.constant 0 : index
    %swap3A_813 = vector.load %arg9[%swap3A_809, %swap3A_810, %swap3A_811, %swap3A_812] : memref<18x5x8x128xf32, #tpu.memory_space<vmem>>, vector<18x1x1x128xf32>
    %swap3A_814 = vector.shape_cast %swap3A_813 : vector<18x1x1x128xf32> to vector<18x128xf32>
    %swap3A_815 = vector.shape_cast %slice3A_808 : vector<18x128xf32> to vector<18x1x1x128xf32>
    tpu.vector_store %arg9[%swap3A_809, %swap3A_810, %swap3A_811, %swap3A_812], %swap3A_815 {strides = array<i32>} : memref<18x5x8x128xf32, #tpu.memory_space<vmem>>, vector<18x1x1x128xf32>,
    %slice3A_816 = vector.extract_strided_slice %slice3A_791 {offsets = [0, 384], sizes = [18, 128], strides = [1, 1]} : vector<18x1280xf32> to vector<18x128xf32>
    %swap3A_817 = arith.constant 0 : index
    %swap3A_818 = arith.constant 1 : index
    %swap3A_819 = arith.constant 5 : index
    %swap3A_820 = arith.constant 0 : index
    %swap3A_821 = vector.load %arg9[%swap3A_817, %swap3A_818, %swap3A_819, %swap3A_820] : memref<18x5x8x128xf32, #tpu.memory_space<vmem>>, vector<18x1x1x128xf32>
    %swap3A_822 = vector.shape_cast %swap3A_821 : vector<18x1x1x128xf32> to vector<18x128xf32>
    %swap3A_823 = vector.shape_cast %slice3A_816 : vector<18x128xf32> to vector<18x1x1x128xf32>
    tpu.vector_store %arg9[%swap3A_817, %swap3A_818, %swap3A_819, %swap3A_820], %swap3A_823 {strides = array<i32>} : memref<18x5x8x128xf32, #tpu.memory_space<vmem>>, vector<18x1x1x128xf32>,
    %slice3A_824 = vector.extract_strided_slice %slice3A_791 {offsets = [0, 512], sizes = [18, 128], strides = [1, 1]} : vector<18x1280xf32> to vector<18x128xf32>
    %swap3A_825 = arith.constant 0 : index
    %swap3A_826 = arith.constant 2 : index
    %swap3A_827 = arith.constant 1 : index
    %swap3A_828 = arith.constant 0 : index
    %swap3A_829 = vector.load %arg9[%swap3A_825, %swap3A_826, %swap3A_827, %swap3A_828] : memref<18x5x8x128xf32, #tpu.memory_space<vmem>>, vector<18x1x1x128xf32>
    %swap3A_830 = vector.shape_cast %swap3A_829 : vector<18x1x1x128xf32> to vector<18x128xf32>
    %swap3A_831 = vector.shape_cast %slice3A_824 : vector<18x128xf32> to vector<18x1x1x128xf32>
    tpu.vector_store %arg9[%swap3A_825, %swap3A_826, %swap3A_827, %swap3A_828], %swap3A_831 {strides = array<i32>} : memref<18x5x8x128xf32, #tpu.memory_space<vmem>>, vector<18x1x1x128xf32>,
    %slice3A_832 = vector.extract_strided_slice %slice3A_791 {offsets = [0, 640], sizes = [18, 128], strides = [1, 1]} : vector<18x1280xf32> to vector<18x128xf32>
    %swap3A_833 = arith.constant 0 : index
    %swap3A_834 = arith.constant 2 : index
    %swap3A_835 = arith.constant 5 : index
    %swap3A_836 = arith.constant 0 : index
    %swap3A_837 = vector.load %arg9[%swap3A_833, %swap3A_834, %swap3A_835, %swap3A_836] : memref<18x5x8x128xf32, #tpu.memory_space<vmem>>, vector<18x1x1x128xf32>
    %swap3A_838 = vector.shape_cast %swap3A_837 : vector<18x1x1x128xf32> to vector<18x128xf32>
    %swap3A_839 = vector.shape_cast %slice3A_832 : vector<18x128xf32> to vector<18x1x1x128xf32>
    tpu.vector_store %arg9[%swap3A_833, %swap3A_834, %swap3A_835, %swap3A_836], %swap3A_839 {strides = array<i32>} : memref<18x5x8x128xf32, #tpu.memory_space<vmem>>, vector<18x1x1x128xf32>,
    %slice3A_840 = vector.extract_strided_slice %slice3A_791 {offsets = [0, 768], sizes = [18, 128], strides = [1, 1]} : vector<18x1280xf32> to vector<18x128xf32>
    %swap3A_841 = arith.constant 0 : index
    %swap3A_842 = arith.constant 3 : index
    %swap3A_843 = arith.constant 1 : index
    %swap3A_844 = arith.constant 0 : index
    %swap3A_845 = vector.load %arg9[%swap3A_841, %swap3A_842, %swap3A_843, %swap3A_844] : memref<18x5x8x128xf32, #tpu.memory_space<vmem>>, vector<18x1x1x128xf32>
    %swap3A_846 = vector.shape_cast %swap3A_845 : vector<18x1x1x128xf32> to vector<18x128xf32>
    %swap3A_847 = vector.shape_cast %slice3A_840 : vector<18x128xf32> to vector<18x1x1x128xf32>
    tpu.vector_store %arg9[%swap3A_841, %swap3A_842, %swap3A_843, %swap3A_844], %swap3A_847 {strides = array<i32>} : memref<18x5x8x128xf32, #tpu.memory_space<vmem>>, vector<18x1x1x128xf32>,
    %slice3A_848 = vector.extract_strided_slice %slice3A_791 {offsets = [0, 896], sizes = [18, 128], strides = [1, 1]} : vector<18x1280xf32> to vector<18x128xf32>
    %swap3A_849 = arith.constant 0 : index
    %swap3A_850 = arith.constant 3 : index
    %swap3A_851 = arith.constant 5 : index
    %swap3A_852 = arith.constant 0 : index
    %swap3A_853 = vector.load %arg9[%swap3A_849, %swap3A_850, %swap3A_851, %swap3A_852] : memref<18x5x8x128xf32, #tpu.memory_space<vmem>>, vector<18x1x1x128xf32>
    %swap3A_854 = vector.shape_cast %swap3A_853 : vector<18x1x1x128xf32> to vector<18x128xf32>
    %swap3A_855 = vector.shape_cast %slice3A_848 : vector<18x128xf32> to vector<18x1x1x128xf32>
    tpu.vector_store %arg9[%swap3A_849, %swap3A_850, %swap3A_851, %swap3A_852], %swap3A_855 {strides = array<i32>} : memref<18x5x8x128xf32, #tpu.memory_space<vmem>>, vector<18x1x1x128xf32>,
    %slice3A_856 = vector.extract_strided_slice %slice3A_791 {offsets = [0, 1024], sizes = [18, 128], strides = [1, 1]} : vector<18x1280xf32> to vector<18x128xf32>
    %swap3A_857 = arith.constant 0 : index
    %swap3A_858 = arith.constant 4 : index
    %swap3A_859 = arith.constant 1 : index
    %swap3A_860 = arith.constant 0 : index
    %swap3A_861 = vector.load %arg9[%swap3A_857, %swap3A_858, %swap3A_859, %swap3A_860] : memref<18x5x8x128xf32, #tpu.memory_space<vmem>>, vector<18x1x1x128xf32>
    %swap3A_862 = vector.shape_cast %swap3A_861 : vector<18x1x1x128xf32> to vector<18x128xf32>
    %swap3A_863 = vector.shape_cast %slice3A_856 : vector<18x128xf32> to vector<18x1x1x128xf32>
    tpu.vector_store %arg9[%swap3A_857, %swap3A_858, %swap3A_859, %swap3A_860], %swap3A_863 {strides = array<i32>} : memref<18x5x8x128xf32, #tpu.memory_space<vmem>>, vector<18x1x1x128xf32>,
    %slice3A_864 = vector.extract_strided_slice %slice3A_791 {offsets = [0, 1152], sizes = [18, 128], strides = [1, 1]} : vector<18x1280xf32> to vector<18x128xf32>
    %swap3A_865 = arith.constant 0 : index
    %swap3A_866 = arith.constant 4 : index
    %swap3A_867 = arith.constant 5 : index
    %swap3A_868 = arith.constant 0 : index
    %swap3A_869 = vector.load %arg9[%swap3A_865, %swap3A_866, %swap3A_867, %swap3A_868] : memref<18x5x8x128xf32, #tpu.memory_space<vmem>>, vector<18x1x1x128xf32>
    %swap3A_870 = vector.shape_cast %swap3A_869 : vector<18x1x1x128xf32> to vector<18x128xf32>
    %swap3A_871 = vector.shape_cast %slice3A_864 : vector<18x128xf32> to vector<18x1x1x128xf32>
    tpu.vector_store %arg9[%swap3A_865, %swap3A_866, %swap3A_867, %swap3A_868], %swap3A_871 {strides = array<i32>} : memref<18x5x8x128xf32, #tpu.memory_space<vmem>>, vector<18x1x1x128xf32>,
    %slice3A_872 = vector.extract_strided_slice %dot_general3A_709 {offsets = [48, 0], sizes = [16, 1280], strides = [1, 1]} : vector<80x1280xf32> to vector<16x1280xf32>
    %slice3A_873 = vector.extract_strided_slice %slice3A_872 {offsets = [0, 0], sizes = [8, 128], strides = [1, 1]} : vector<16x1280xf32> to vector<8x128xf32>
    %swap3A_874 = arith.constant 1 : index
    %swap3A_875 = arith.constant 0 : index
    %swap3A_876 = arith.constant 0 : index
    %swap3A_877 = arith.constant 0 : index
    %swap3A_878 = arith.constant 0 : index
    %swap3A_879 = vector.load %arg10[%swap3A_874, %swap3A_875, %swap3A_876, %swap3A_877, %swap3A_878] : memref<4x2x10x8x128xf32, #tpu.memory_space<vmem>>, vector<1x1x1x8x128xf32>
    %swap3A_880 = vector.shape_cast %swap3A_879 : vector<1x1x1x8x128xf32> to vector<8x128xf32>
    %swap3A_881 = vector.shape_cast %slice3A_873 : vector<8x128xf32> to vector<1x1x1x8x128xf32>
    tpu.vector_store %arg10[%swap3A_874, %swap3A_875, %swap3A_876, %swap3A_877, %swap3A_878], %swap3A_881 {strides = array<i32>} : memref<4x2x10x8x128xf32, #tpu.memory_space<vmem>>, vector<1x1x1x8x128xf32>,
    %slice3A_882 = vector.extract_strided_slice %slice3A_872 {offsets = [0, 128], sizes = [8, 128], strides = [1, 1]} : vector<16x1280xf32> to vector<8x128xf32>
    %swap3A_883 = arith.constant 1 : index
    %swap3A_884 = arith.constant 0 : index
    %swap3A_885 = arith.constant 1 : index
    %swap3A_886 = arith.constant 0 : index
    %swap3A_887 = arith.constant 0 : index
    %swap3A_888 = vector.load %arg10[%swap3A_883, %swap3A_884, %swap3A_885, %swap3A_886, %swap3A_887] : memref<4x2x10x8x128xf32, #tpu.memory_space<vmem>>, vector<1x1x1x8x128xf32>
    %swap3A_889 = vector.shape_cast %swap3A_888 : vector<1x1x1x8x128xf32> to vector<8x128xf32>
    %swap3A_890 = vector.shape_cast %slice3A_882 : vector<8x128xf32> to vector<1x1x1x8x128xf32>
    tpu.vector_store %arg10[%swap3A_883, %swap3A_884, %swap3A_885, %swap3A_886, %swap3A_887], %swap3A_890 {strides = array<i32>} : memref<4x2x10x8x128xf32, #tpu.memory_space<vmem>>, vector<1x1x1x8x128xf32>,
    %slice3A_891 = vector.extract_strided_slice %slice3A_872 {offsets = [0, 256], sizes = [8, 128], strides = [1, 1]} : vector<16x1280xf32> to vector<8x128xf32>
    %swap3A_892 = arith.constant 1 : index
    %swap3A_893 = arith.constant 0 : index
    %swap3A_894 = arith.constant 2 : index
    %swap3A_895 = arith.constant 0 : index
    %swap3A_896 = arith.constant 0 : index
    %swap3A_897 = vector.load %arg10[%swap3A_892, %swap3A_893, %swap3A_894, %swap3A_895, %swap3A_896] : memref<4x2x10x8x128xf32, #tpu.memory_space<vmem>>, vector<1x1x1x8x128xf32>
    %swap3A_898 = vector.shape_cast %swap3A_897 : vector<1x1x1x8x128xf32> to vector<8x128xf32>
    %swap3A_899 = vector.shape_cast %slice3A_891 : vector<8x128xf32> to vector<1x1x1x8x128xf32>
    tpu.vector_store %arg10[%swap3A_892, %swap3A_893, %swap3A_894, %swap3A_895, %swap3A_896], %swap3A_899 {strides = array<i32>} : memref<4x2x10x8x128xf32, #tpu.memory_space<vmem>>, vector<1x1x1x8x128xf32>,
    %slice3A_900 = vector.extract_strided_slice %slice3A_872 {offsets = [0, 384], sizes = [8, 128], strides = [1, 1]} : vector<16x1280xf32> to vector<8x128xf32>
    %swap3A_901 = arith.constant 1 : index
    %swap3A_902 = arith.constant 0 : index
    %swap3A_903 = arith.constant 3 : index
    %swap3A_904 = arith.constant 0 : index
    %swap3A_905 = arith.constant 0 : index
    %swap3A_906 = vector.load %arg10[%swap3A_901, %swap3A_902, %swap3A_903, %swap3A_904, %swap3A_905] : memref<4x2x10x8x128xf32, #tpu.memory_space<vmem>>, vector<1x1x1x8x128xf32>
    %swap3A_907 = vector.shape_cast %swap3A_906 : vector<1x1x1x8x128xf32> to vector<8x128xf32>
    %swap3A_908 = vector.shape_cast %slice3A_900 : vector<8x128xf32> to vector<1x1x1x8x128xf32>
    tpu.vector_store %arg10[%swap3A_901, %swap3A_902, %swap3A_903, %swap3A_904, %swap3A_905], %swap3A_908 {strides = array<i32>} : memref<4x2x10x8x128xf32, #tpu.memory_space<vmem>>, vector<1x1x1x8x128xf32>,
    %slice3A_909 = vector.extract_strided_slice %slice3A_872 {offsets = [0, 512], sizes = [8, 128], strides = [1, 1]} : vector<16x1280xf32> to vector<8x128xf32>
    %swap3A_910 = arith.constant 1 : index
    %swap3A_911 = arith.constant 0 : index
    %swap3A_912 = arith.constant 4 : index
    %swap3A_913 = arith.constant 0 : index
    %swap3A_914 = arith.constant 0 : index
    %swap3A_915 = vector.load %arg10[%swap3A_910, %swap3A_911, %swap3A_912, %swap3A_913, %swap3A_914] : memref<4x2x10x8x128xf32, #tpu.memory_space<vmem>>, vector<1x1x1x8x128xf32>
    %swap3A_916 = vector.shape_cast %swap3A_915 : vector<1x1x1x8x128xf32> to vector<8x128xf32>
    %swap3A_917 = vector.shape_cast %slice3A_909 : vector<8x128xf32> to vector<1x1x1x8x128xf32>
    tpu.vector_store %arg10[%swap3A_910, %swap3A_911, %swap3A_912, %swap3A_913, %swap3A_914], %swap3A_917 {strides = array<i32>} : memref<4x2x10x8x128xf32, #tpu.memory_space<vmem>>, vector<1x1x1x8x128xf32>,
    %slice3A_918 = vector.extract_strided_slice %slice3A_872 {offsets = [0, 640], sizes = [8, 128], strides = [1, 1]} : vector<16x1280xf32> to vector<8x128xf32>
    %swap3A_919 = arith.constant 1 : index
    %swap3A_920 = arith.constant 0 : index
    %swap3A_921 = arith.constant 5 : index
    %swap3A_922 = arith.constant 0 : index
    %swap3A_923 = arith.constant 0 : index
    %swap3A_924 = vector.load %arg10[%swap3A_919, %swap3A_920, %swap3A_921, %swap3A_922, %swap3A_923] : memref<4x2x10x8x128xf32, #tpu.memory_space<vmem>>, vector<1x1x1x8x128xf32>
    %swap3A_925 = vector.shape_cast %swap3A_924 : vector<1x1x1x8x128xf32> to vector<8x128xf32>
    %swap3A_926 = vector.shape_cast %slice3A_918 : vector<8x128xf32> to vector<1x1x1x8x128xf32>
    tpu.vector_store %arg10[%swap3A_919, %swap3A_920, %swap3A_921, %swap3A_922, %swap3A_923], %swap3A_926 {strides = array<i32>} : memref<4x2x10x8x128xf32, #tpu.memory_space<vmem>>, vector<1x1x1x8x128xf32>,
    %slice3A_927 = vector.extract_strided_slice %slice3A_872 {offsets = [0, 768], sizes = [8, 128], strides = [1, 1]} : vector<16x1280xf32> to vector<8x128xf32>
    %swap3A_928 = arith.constant 1 : index
    %swap3A_929 = arith.constant 0 : index
    %swap3A_930 = arith.constant 6 : index
    %swap3A_931 = arith.constant 0 : index
    %swap3A_932 = arith.constant 0 : index
    %swap3A_933 = vector.load %arg10[%swap3A_928, %swap3A_929, %swap3A_930, %swap3A_931, %swap3A_932] : memref<4x2x10x8x128xf32, #tpu.memory_space<vmem>>, vector<1x1x1x8x128xf32>
    %swap3A_934 = vector.shape_cast %swap3A_933 : vector<1x1x1x8x128xf32> to vector<8x128xf32>
    %swap3A_935 = vector.shape_cast %slice3A_927 : vector<8x128xf32> to vector<1x1x1x8x128xf32>
    tpu.vector_store %arg10[%swap3A_928, %swap3A_929, %swap3A_930, %swap3A_931, %swap3A_932], %swap3A_935 {strides = array<i32>} : memref<4x2x10x8x128xf32, #tpu.memory_space<vmem>>, vector<1x1x1x8x128xf32>,
    %slice3A_936 = vector.extract_strided_slice %slice3A_872 {offsets = [0, 896], sizes = [8, 128], strides = [1, 1]} : vector<16x1280xf32> to vector<8x128xf32>
    %swap3A_937 = arith.constant 1 : index
    %swap3A_938 = arith.constant 0 : index
    %swap3A_939 = arith.constant 7 : index
    %swap3A_940 = arith.constant 0 : index
    %swap3A_941 = arith.constant 0 : index
    %swap3A_942 = vector.load %arg10[%swap3A_937, %swap3A_938, %swap3A_939, %swap3A_940, %swap3A_941] : memref<4x2x10x8x128xf32, #tpu.memory_space<vmem>>, vector<1x1x1x8x128xf32>
    %swap3A_943 = vector.shape_cast %swap3A_942 : vector<1x1x1x8x128xf32> to vector<8x128xf32>
    %swap3A_944 = vector.shape_cast %slice3A_936 : vector<8x128xf32> to vector<1x1x1x8x128xf32>
    tpu.vector_store %arg10[%swap3A_937, %swap3A_938, %swap3A_939, %swap3A_940, %swap3A_941], %swap3A_944 {strides = array<i32>} : memref<4x2x10x8x128xf32, #tpu.memory_space<vmem>>, vector<1x1x1x8x128xf32>,
    %slice3A_945 = vector.extract_strided_slice %slice3A_872 {offsets = [0, 1024], sizes = [8, 128], strides = [1, 1]} : vector<16x1280xf32> to vector<8x128xf32>
    %swap3A_946 = arith.constant 1 : index
    %swap3A_947 = arith.constant 0 : index
    %swap3A_948 = arith.constant 8 : index
    %swap3A_949 = arith.constant 0 : index
    %swap3A_950 = arith.constant 0 : index
    %swap3A_951 = vector.load %arg10[%swap3A_946, %swap3A_947, %swap3A_948, %swap3A_949, %swap3A_950] : memref<4x2x10x8x128xf32, #tpu.memory_space<vmem>>, vector<1x1x1x8x128xf32>
    %swap3A_952 = vector.shape_cast %swap3A_951 : vector<1x1x1x8x128xf32> to vector<8x128xf32>
    %swap3A_953 = vector.shape_cast %slice3A_945 : vector<8x128xf32> to vector<1x1x1x8x128xf32>
    tpu.vector_store %arg10[%swap3A_946, %swap3A_947, %swap3A_948, %swap3A_949, %swap3A_950], %swap3A_953 {strides = array<i32>} : memref<4x2x10x8x128xf32, #tpu.memory_space<vmem>>, vector<1x1x1x8x128xf32>,
    %slice3A_954 = vector.extract_strided_slice %slice3A_872 {offsets = [0, 1152], sizes = [8, 128], strides = [1, 1]} : vector<16x1280xf32> to vector<8x128xf32>
    %swap3A_955 = arith.constant 1 : index
    %swap3A_956 = arith.constant 0 : index
    %swap3A_957 = arith.constant 9 : index
    %swap3A_958 = arith.constant 0 : index
    %swap3A_959 = arith.constant 0 : index
    %swap3A_960 = vector.load %arg10[%swap3A_955, %swap3A_956, %swap3A_957, %swap3A_958, %swap3A_959] : memref<4x2x10x8x128xf32, #tpu.memory_space<vmem>>, vector<1x1x1x8x128xf32>
    %swap3A_961 = vector.shape_cast %swap3A_960 : vector<1x1x1x8x128xf32> to vector<8x128xf32>
    %swap3A_962 = vector.shape_cast %slice3A_954 : vector<8x128xf32> to vector<1x1x1x8x128xf32>
    tpu.vector_store %arg10[%swap3A_955, %swap3A_956, %swap3A_957, %swap3A_958, %swap3A_959], %swap3A_962 {strides = array<i32>} : memref<4x2x10x8x128xf32, #tpu.memory_space<vmem>>, vector<1x1x1x8x128xf32>,
    %slice3A_963 = vector.extract_strided_slice %slice3A_872 {offsets = [8, 0], sizes = [8, 128], strides = [1, 1]} : vector<16x1280xf32> to vector<8x128xf32>
    %swap3A_964 = arith.constant 1 : index
    %swap3A_965 = arith.constant 1 : index
    %swap3A_966 = arith.constant 0 : index
    %swap3A_967 = arith.constant 0 : index
    %swap3A_968 = arith.constant 0 : index
    %swap3A_969 = vector.load %arg10[%swap3A_964, %swap3A_965, %swap3A_966, %swap3A_967, %swap3A_968] : memref<4x2x10x8x128xf32, #tpu.memory_space<vmem>>, vector<1x1x1x8x128xf32>
    %swap3A_970 = vector.shape_cast %swap3A_969 : vector<1x1x1x8x128xf32> to vector<8x128xf32>
    %swap3A_971 = vector.shape_cast %slice3A_963 : vector<8x128xf32> to vector<1x1x1x8x128xf32>
    tpu.vector_store %arg10[%swap3A_964, %swap3A_965, %swap3A_966, %swap3A_967, %swap3A_968], %swap3A_971 {strides = array<i32>} : memref<4x2x10x8x128xf32, #tpu.memory_space<vmem>>, vector<1x1x1x8x128xf32>,
    %slice3A_972 = vector.extract_strided_slice %slice3A_872 {offsets = [8, 128], sizes = [8, 128], strides = [1, 1]} : vector<16x1280xf32> to vector<8x128xf32>
    %swap3A_973 = arith.constant 1 : index
    %swap3A_974 = arith.constant 1 : index
    %swap3A_975 = arith.constant 1 : index
    %swap3A_976 = arith.constant 0 : index
    %swap3A_977 = arith.constant 0 : index
    %swap3A_978 = vector.load %arg10[%swap3A_973, %swap3A_974, %swap3A_975, %swap3A_976, %swap3A_977] : memref<4x2x10x8x128xf32, #tpu.memory_space<vmem>>, vector<1x1x1x8x128xf32>
    %swap3A_979 = vector.shape_cast %swap3A_978 : vector<1x1x1x8x128xf32> to vector<8x128xf32>
    %swap3A_980 = vector.shape_cast %slice3A_972 : vector<8x128xf32> to vector<1x1x1x8x128xf32>
    tpu.vector_store %arg10[%swap3A_973, %swap3A_974, %swap3A_975, %swap3A_976, %swap3A_977], %swap3A_980 {strides = array<i32>} : memref<4x2x10x8x128xf32, #tpu.memory_space<vmem>>, vector<1x1x1x8x128xf32>,
    %slice3A_981 = vector.extract_strided_slice %slice3A_872 {offsets = [8, 256], sizes = [8, 128], strides = [1, 1]} : vector<16x1280xf32> to vector<8x128xf32>
    %swap3A_982 = arith.constant 1 : index
    %swap3A_983 = arith.constant 1 : index
    %swap3A_984 = arith.constant 2 : index
    %swap3A_985 = arith.constant 0 : index
    %swap3A_986 = arith.constant 0 : index
    %swap3A_987 = vector.load %arg10[%swap3A_982, %swap3A_983, %swap3A_984, %swap3A_985, %swap3A_986] : memref<4x2x10x8x128xf32, #tpu.memory_space<vmem>>, vector<1x1x1x8x128xf32>
    %swap3A_988 = vector.shape_cast %swap3A_987 : vector<1x1x1x8x128xf32> to vector<8x128xf32>
    %swap3A_989 = vector.shape_cast %slice3A_981 : vector<8x128xf32> to vector<1x1x1x8x128xf32>
    tpu.vector_store %arg10[%swap3A_982, %swap3A_983, %swap3A_984, %swap3A_985, %swap3A_986], %swap3A_989 {strides = array<i32>} : memref<4x2x10x8x128xf32, #tpu.memory_space<vmem>>, vector<1x1x1x8x128xf32>,
    %slice3A_990 = vector.extract_strided_slice %slice3A_872 {offsets = [8, 384], sizes = [8, 128], strides = [1, 1]} : vector<16x1280xf32> to vector<8x128xf32>
    %swap3A_991 = arith.constant 1 : index
    %swap3A_992 = arith.constant 1 : index
    %swap3A_993 = arith.constant 3 : index
    %swap3A_994 = arith.constant 0 : index
    %swap3A_995 = arith.constant 0 : index
    %swap3A_996 = vector.load %arg10[%swap3A_991, %swap3A_992, %swap3A_993, %swap3A_994, %swap3A_995] : memref<4x2x10x8x128xf32, #tpu.memory_space<vmem>>, vector<1x1x1x8x128xf32>
    %swap3A_997 = vector.shape_cast %swap3A_996 : vector<1x1x1x8x128xf32> to vector<8x128xf32>
    %swap3A_998 = vector.shape_cast %slice3A_990 : vector<8x128xf32> to vector<1x1x1x8x128xf32>
    tpu.vector_store %arg10[%swap3A_991, %swap3A_992, %swap3A_993, %swap3A_994, %swap3A_995], %swap3A_998 {strides = array<i32>} : memref<4x2x10x8x128xf32, #tpu.memory_space<vmem>>, vector<1x1x1x8x128xf32>,
    %slice3A_999 = vector.extract_strided_slice %slice3A_872 {offsets = [8, 512], sizes = [8, 128], strides = [1, 1]} : vector<16x1280xf32> to vector<8x128xf32>
    %swap3A_1000 = arith.constant 1 : index
    %swap3A_1001 = arith.constant 1 : index
    %swap3A_1002 = arith.constant 4 : index
    %swap3A_1003 = arith.constant 0 : index
    %swap3A_1004 = arith.constant 0 : index
    %swap3A_1005 = vector.load %arg10[%swap3A_1000, %swap3A_1001, %swap3A_1002, %swap3A_1003, %swap3A_1004] : memref<4x2x10x8x128xf32, #tpu.memory_space<vmem>>, vector<1x1x1x8x128xf32>
    %swap3A_1006 = vector.shape_cast %swap3A_1005 : vector<1x1x1x8x128xf32> to vector<8x128xf32>
    %swap3A_1007 = vector.shape_cast %slice3A_999 : vector<8x128xf32> to vector<1x1x1x8x128xf32>
    tpu.vector_store %arg10[%swap3A_1000, %swap3A_1001, %swap3A_1002, %swap3A_1003, %swap3A_1004], %swap3A_1007 {strides = array<i32>} : memref<4x2x10x8x128xf32, #tpu.memory_space<vmem>>, vector<1x1x1x8x128xf32>,
    %slice3A_1008 = vector.extract_strided_slice %slice3A_872 {offsets = [8, 640], sizes = [8, 128], strides = [1, 1]} : vector<16x1280xf32> to vector<8x128xf32>
    %swap3A_1009 = arith.constant 1 : index
    %swap3A_1010 = arith.constant 1 : index
    %swap3A_1011 = arith.constant 5 : index
    %swap3A_1012 = arith.constant 0 : index
    %swap3A_1013 = arith.constant 0 : index
    %swap3A_1014 = vector.load %arg10[%swap3A_1009, %swap3A_1010, %swap3A_1011, %swap3A_1012, %swap3A_1013] : memref<4x2x10x8x128xf32, #tpu.memory_space<vmem>>, vector<1x1x1x8x128xf32>
    %swap3A_1015 = vector.shape_cast %swap3A_1014 : vector<1x1x1x8x128xf32> to vector<8x128xf32>
    %swap3A_1016 = vector.shape_cast %slice3A_1008 : vector<8x128xf32> to vector<1x1x1x8x128xf32>
    tpu.vector_store %arg10[%swap3A_1009, %swap3A_1010, %swap3A_1011, %swap3A_1012, %swap3A_1013], %swap3A_1016 {strides = array<i32>} : memref<4x2x10x8x128xf32, #tpu.memory_space<vmem>>, vector<1x1x1x8x128xf32>,
    %slice3A_1017 = vector.extract_strided_slice %slice3A_872 {offsets = [8, 768], sizes = [8, 128], strides = [1, 1]} : vector<16x1280xf32> to vector<8x128xf32>
    %swap3A_1018 = arith.constant 1 : index
    %swap3A_1019 = arith.constant 1 : index
    %swap3A_1020 = arith.constant 6 : index
    %swap3A_1021 = arith.constant 0 : index
    %swap3A_1022 = arith.constant 0 : index
    %swap3A_1023 = vector.load %arg10[%swap3A_1018, %swap3A_1019, %swap3A_1020, %swap3A_1021, %swap3A_1022] : memref<4x2x10x8x128xf32, #tpu.memory_space<vmem>>, vector<1x1x1x8x128xf32>
    %swap3A_1024 = vector.shape_cast %swap3A_1023 : vector<1x1x1x8x128xf32> to vector<8x128xf32>
    %swap3A_1025 = vector.shape_cast %slice3A_1017 : vector<8x128xf32> to vector<1x1x1x8x128xf32>
    tpu.vector_store %arg10[%swap3A_1018, %swap3A_1019, %swap3A_1020, %swap3A_1021, %swap3A_1022], %swap3A_1025 {strides = array<i32>} : memref<4x2x10x8x128xf32, #tpu.memory_space<vmem>>, vector<1x1x1x8x128xf32>,
    %slice3A_1026 = vector.extract_strided_slice %slice3A_872 {offsets = [8, 896], sizes = [8, 128], strides = [1, 1]} : vector<16x1280xf32> to vector<8x128xf32>
    %swap3A_1027 = arith.constant 1 : index
    %swap3A_1028 = arith.constant 1 : index
    %swap3A_1029 = arith.constant 7 : index
    %swap3A_1030 = arith.constant 0 : index
    %swap3A_1031 = arith.constant 0 : index
    %swap3A_1032 = vector.load %arg10[%swap3A_1027, %swap3A_1028, %swap3A_1029, %swap3A_1030, %swap3A_1031] : memref<4x2x10x8x128xf32, #tpu.memory_space<vmem>>, vector<1x1x1x8x128xf32>
    %swap3A_1033 = vector.shape_cast %swap3A_1032 : vector<1x1x1x8x128xf32> to vector<8x128xf32>
    %swap3A_1034 = vector.shape_cast %slice3A_1026 : vector<8x128xf32> to vector<1x1x1x8x128xf32>
    tpu.vector_store %arg10[%swap3A_1027, %swap3A_1028, %swap3A_1029, %swap3A_1030, %swap3A_1031], %swap3A_1034 {strides = array<i32>} : memref<4x2x10x8x128xf32, #tpu.memory_space<vmem>>, vector<1x1x1x8x128xf32>,
    %slice3A_1035 = vector.extract_strided_slice %slice3A_872 {offsets = [8, 1024], sizes = [8, 128], strides = [1, 1]} : vector<16x1280xf32> to vector<8x128xf32>
    %swap3A_1036 = arith.constant 1 : index
    %swap3A_1037 = arith.constant 1 : index
    %swap3A_1038 = arith.constant 8 : index
    %swap3A_1039 = arith.constant 0 : index
    %swap3A_1040 = arith.constant 0 : index
    %swap3A_1041 = vector.load %arg10[%swap3A_1036, %swap3A_1037, %swap3A_1038, %swap3A_1039, %swap3A_1040] : memref<4x2x10x8x128xf32, #tpu.memory_space<vmem>>, vector<1x1x1x8x128xf32>
    %swap3A_1042 = vector.shape_cast %swap3A_1041 : vector<1x1x1x8x128xf32> to vector<8x128xf32>
    %swap3A_1043 = vector.shape_cast %slice3A_1035 : vector<8x128xf32> to vector<1x1x1x8x128xf32>
    tpu.vector_store %arg10[%swap3A_1036, %swap3A_1037, %swap3A_1038, %swap3A_1039, %swap3A_1040], %swap3A_1043 {strides = array<i32>} : memref<4x2x10x8x128xf32, #tpu.memory_space<vmem>>, vector<1x1x1x8x128xf32>,
    %slice3A_1044 = vector.extract_strided_slice %slice3A_872 {offsets = [8, 1152], sizes = [8, 128], strides = [1, 1]} : vector<16x1280xf32> to vector<8x128xf32>
    %swap3A_1045 = arith.constant 1 : index
    %swap3A_1046 = arith.constant 1 : index
    %swap3A_1047 = arith.constant 9 : index
    %swap3A_1048 = arith.constant 0 : index
    %swap3A_1049 = arith.constant 0 : index
    %swap3A_1050 = vector.load %arg10[%swap3A_1045, %swap3A_1046, %swap3A_1047, %swap3A_1048, %swap3A_1049] : memref<4x2x10x8x128xf32, #tpu.memory_space<vmem>>, vector<1x1x1x8x128xf32>
    %swap3A_1051 = vector.shape_cast %swap3A_1050 : vector<1x1x1x8x128xf32> to vector<8x128xf32>
    %swap3A_1052 = vector.shape_cast %slice3A_1044 : vector<8x128xf32> to vector<1x1x1x8x128xf32>
    tpu.vector_store %arg10[%swap3A_1045, %swap3A_1046, %swap3A_1047, %swap3A_1048, %swap3A_1049], %swap3A_1052 {strides = array<i32>} : memref<4x2x10x8x128xf32, #tpu.memory_space<vmem>>, vector<1x1x1x8x128xf32>,
    %slice3A_1053 = vector.extract_strided_slice %dot_general3A_709 {offsets = [64, 0], sizes = [14, 1280], strides = [1, 1]} : vector<80x1280xf32> to vector<14x1280xf32>
    %slice3A_1054 = vector.extract_strided_slice %slice3A_1053 {offsets = [0, 0], sizes = [14, 128], strides = [1, 1]} : vector<14x1280xf32> to vector<14x128xf32>
    %swap3A_1055 = arith.constant 0 : index
    %swap3A_1056 = arith.constant 0 : index
    %swap3A_1057 = arith.constant 1 : index
    %swap3A_1058 = arith.constant 0 : index
    %swap3A_1059 = vector.load %arg11[%swap3A_1055, %swap3A_1056, %swap3A_1057, %swap3A_1058] : memref<14x5x8x128xf32, #tpu.memory_space<vmem>>, vector<14x1x1x128xf32>
    %swap3A_1060 = vector.shape_cast %swap3A_1059 : vector<14x1x1x128xf32> to vector<14x128xf32>
    %swap3A_1061 = vector.shape_cast %slice3A_1054 : vector<14x128xf32> to vector<14x1x1x128xf32>
    tpu.vector_store %arg11[%swap3A_1055, %swap3A_1056, %swap3A_1057, %swap3A_1058], %swap3A_1061 {strides = array<i32>} : memref<14x5x8x128xf32, #tpu.memory_space<vmem>>, vector<14x1x1x128xf32>,
    %slice3A_1062 = vector.extract_strided_slice %slice3A_1053 {offsets = [0, 128], sizes = [14, 128], strides = [1, 1]} : vector<14x1280xf32> to vector<14x128xf32>
    %swap3A_1063 = arith.constant 0 : index
    %swap3A_1064 = arith.constant 0 : index
    %swap3A_1065 = arith.constant 5 : index
    %swap3A_1066 = arith.constant 0 : index
    %swap3A_1067 = vector.load %arg11[%swap3A_1063, %swap3A_1064, %swap3A_1065, %swap3A_1066] : memref<14x5x8x128xf32, #tpu.memory_space<vmem>>, vector<14x1x1x128xf32>
    %swap3A_1068 = vector.shape_cast %swap3A_1067 : vector<14x1x1x128xf32> to vector<14x128xf32>
    %swap3A_1069 = vector.shape_cast %slice3A_1062 : vector<14x128xf32> to vector<14x1x1x128xf32>
    tpu.vector_store %arg11[%swap3A_1063, %swap3A_1064, %swap3A_1065, %swap3A_1066], %swap3A_1069 {strides = array<i32>} : memref<14x5x8x128xf32, #tpu.memory_space<vmem>>, vector<14x1x1x128xf32>,
    %slice3A_1070 = vector.extract_strided_slice %slice3A_1053 {offsets = [0, 256], sizes = [14, 128], strides = [1, 1]} : vector<14x1280xf32> to vector<14x128xf32>
    %swap3A_1071 = arith.constant 0 : index
    %swap3A_1072 = arith.constant 1 : index
    %swap3A_1073 = arith.constant 1 : index
    %swap3A_1074 = arith.constant 0 : index
    %swap3A_1075 = vector.load %arg11[%swap3A_1071, %swap3A_1072, %swap3A_1073, %swap3A_1074] : memref<14x5x8x128xf32, #tpu.memory_space<vmem>>, vector<14x1x1x128xf32>
    %swap3A_1076 = vector.shape_cast %swap3A_1075 : vector<14x1x1x128xf32> to vector<14x128xf32>
    %swap3A_1077 = vector.shape_cast %slice3A_1070 : vector<14x128xf32> to vector<14x1x1x128xf32>
    tpu.vector_store %arg11[%swap3A_1071, %swap3A_1072, %swap3A_1073, %swap3A_1074], %swap3A_1077 {strides = array<i32>} : memref<14x5x8x128xf32, #tpu.memory_space<vmem>>, vector<14x1x1x128xf32>,
    %slice3A_1078 = vector.extract_strided_slice %slice3A_1053 {offsets = [0, 384], sizes = [14, 128], strides = [1, 1]} : vector<14x1280xf32> to vector<14x128xf32>
    %swap3A_1079 = arith.constant 0 : index
    %swap3A_1080 = arith.constant 1 : index
    %swap3A_1081 = arith.constant 5 : index
    %swap3A_1082 = arith.constant 0 : index
    %swap3A_1083 = vector.load %arg11[%swap3A_1079, %swap3A_1080, %swap3A_1081, %swap3A_1082] : memref<14x5x8x128xf32, #tpu.memory_space<vmem>>, vector<14x1x1x128xf32>
    %swap3A_1084 = vector.shape_cast %swap3A_1083 : vector<14x1x1x128xf32> to vector<14x128xf32>
    %swap3A_1085 = vector.shape_cast %slice3A_1078 : vector<14x128xf32> to vector<14x1x1x128xf32>
    tpu.vector_store %arg11[%swap3A_1079, %swap3A_1080, %swap3A_1081, %swap3A_1082], %swap3A_1085 {strides = array<i32>} : memref<14x5x8x128xf32, #tpu.memory_space<vmem>>, vector<14x1x1x128xf32>,
    %slice3A_1086 = vector.extract_strided_slice %slice3A_1053 {offsets = [0, 512], sizes = [14, 128], strides = [1, 1]} : vector<14x1280xf32> to vector<14x128xf32>
    %swap3A_1087 = arith.constant 0 : index
    %swap3A_1088 = arith.constant 2 : index
    %swap3A_1089 = arith.constant 1 : index
    %swap3A_1090 = arith.constant 0 : index
    %swap3A_1091 = vector.load %arg11[%swap3A_1087, %swap3A_1088, %swap3A_1089, %swap3A_1090] : memref<14x5x8x128xf32, #tpu.memory_space<vmem>>, vector<14x1x1x128xf32>
    %swap3A_1092 = vector.shape_cast %swap3A_1091 : vector<14x1x1x128xf32> to vector<14x128xf32>
    %swap3A_1093 = vector.shape_cast %slice3A_1086 : vector<14x128xf32> to vector<14x1x1x128xf32>
    tpu.vector_store %arg11[%swap3A_1087, %swap3A_1088, %swap3A_1089, %swap3A_1090], %swap3A_1093 {strides = array<i32>} : memref<14x5x8x128xf32, #tpu.memory_space<vmem>>, vector<14x1x1x128xf32>,
    %slice3A_1094 = vector.extract_strided_slice %slice3A_1053 {offsets = [0, 640], sizes = [14, 128], strides = [1, 1]} : vector<14x1280xf32> to vector<14x128xf32>
    %swap3A_1095 = arith.constant 0 : index
    %swap3A_1096 = arith.constant 2 : index
    %swap3A_1097 = arith.constant 5 : index
    %swap3A_1098 = arith.constant 0 : index
    %swap3A_1099 = vector.load %arg11[%swap3A_1095, %swap3A_1096, %swap3A_1097, %swap3A_1098] : memref<14x5x8x128xf32, #tpu.memory_space<vmem>>, vector<14x1x1x128xf32>
    %swap3A_1100 = vector.shape_cast %swap3A_1099 : vector<14x1x1x128xf32> to vector<14x128xf32>
    %swap3A_1101 = vector.shape_cast %slice3A_1094 : vector<14x128xf32> to vector<14x1x1x128xf32>
    tpu.vector_store %arg11[%swap3A_1095, %swap3A_1096, %swap3A_1097, %swap3A_1098], %swap3A_1101 {strides = array<i32>} : memref<14x5x8x128xf32, #tpu.memory_space<vmem>>, vector<14x1x1x128xf32>,
    %slice3A_1102 = vector.extract_strided_slice %slice3A_1053 {offsets = [0, 768], sizes = [14, 128], strides = [1, 1]} : vector<14x1280xf32> to vector<14x128xf32>
    %swap3A_1103 = arith.constant 0 : index
    %swap3A_1104 = arith.constant 3 : index
    %swap3A_1105 = arith.constant 1 : index
    %swap3A_1106 = arith.constant 0 : index
    %swap3A_1107 = vector.load %arg11[%swap3A_1103, %swap3A_1104, %swap3A_1105, %swap3A_1106] : memref<14x5x8x128xf32, #tpu.memory_space<vmem>>, vector<14x1x1x128xf32>
    %swap3A_1108 = vector.shape_cast %swap3A_1107 : vector<14x1x1x128xf32> to vector<14x128xf32>
    %swap3A_1109 = vector.shape_cast %slice3A_1102 : vector<14x128xf32> to vector<14x1x1x128xf32>
    tpu.vector_store %arg11[%swap3A_1103, %swap3A_1104, %swap3A_1105, %swap3A_1106], %swap3A_1109 {strides = array<i32>} : memref<14x5x8x128xf32, #tpu.memory_space<vmem>>, vector<14x1x1x128xf32>,
    %slice3A_1110 = vector.extract_strided_slice %slice3A_1053 {offsets = [0, 896], sizes = [14, 128], strides = [1, 1]} : vector<14x1280xf32> to vector<14x128xf32>
    %swap3A_1111 = arith.constant 0 : index
    %swap3A_1112 = arith.constant 3 : index
    %swap3A_1113 = arith.constant 5 : index
    %swap3A_1114 = arith.constant 0 : index
    %swap3A_1115 = vector.load %arg11[%swap3A_1111, %swap3A_1112, %swap3A_1113, %swap3A_1114] : memref<14x5x8x128xf32, #tpu.memory_space<vmem>>, vector<14x1x1x128xf32>
    %swap3A_1116 = vector.shape_cast %swap3A_1115 : vector<14x1x1x128xf32> to vector<14x128xf32>
    %swap3A_1117 = vector.shape_cast %slice3A_1110 : vector<14x128xf32> to vector<14x1x1x128xf32>
    tpu.vector_store %arg11[%swap3A_1111, %swap3A_1112, %swap3A_1113, %swap3A_1114], %swap3A_1117 {strides = array<i32>} : memref<14x5x8x128xf32, #tpu.memory_space<vmem>>, vector<14x1x1x128xf32>,
    %slice3A_1118 = vector.extract_strided_slice %slice3A_1053 {offsets = [0, 1024], sizes = [14, 128], strides = [1, 1]} : vector<14x1280xf32> to vector<14x128xf32>
    %swap3A_1119 = arith.constant 0 : index
    %swap3A_1120 = arith.constant 4 : index
    %swap3A_1121 = arith.constant 1 : index
    %swap3A_1122 = arith.constant 0 : index
    %swap3A_1123 = vector.load %arg11[%swap3A_1119, %swap3A_1120, %swap3A_1121, %swap3A_1122] : memref<14x5x8x128xf32, #tpu.memory_space<vmem>>, vector<14x1x1x128xf32>
    %swap3A_1124 = vector.shape_cast %swap3A_1123 : vector<14x1x1x128xf32> to vector<14x128xf32>
    %swap3A_1125 = vector.shape_cast %slice3A_1118 : vector<14x128xf32> to vector<14x1x1x128xf32>
    tpu.vector_store %arg11[%swap3A_1119, %swap3A_1120, %swap3A_1121, %swap3A_1122], %swap3A_1125 {strides = array<i32>} : memref<14x5x8x128xf32, #tpu.memory_space<vmem>>, vector<14x1x1x128xf32>,
    %slice3A_1126 = vector.extract_strided_slice %slice3A_1053 {offsets = [0, 1152], sizes = [14, 128], strides = [1, 1]} : vector<14x1280xf32> to vector<14x128xf32>
    %swap3A_1127 = arith.constant 0 : index
    %swap3A_1128 = arith.constant 4 : index
    %swap3A_1129 = arith.constant 5 : index
    %swap3A_1130 = arith.constant 0 : index
    %swap3A_1131 = vector.load %arg11[%swap3A_1127, %swap3A_1128, %swap3A_1129, %swap3A_1130] : memref<14x5x8x128xf32, #tpu.memory_space<vmem>>, vector<14x1x1x128xf32>
    %swap3A_1132 = vector.shape_cast %swap3A_1131 : vector<14x1x1x128xf32> to vector<14x128xf32>
    %swap3A_1133 = vector.shape_cast %slice3A_1126 : vector<14x128xf32> to vector<14x1x1x128xf32>
    tpu.vector_store %arg11[%swap3A_1127, %swap3A_1128, %swap3A_1129, %swap3A_1130], %swap3A_1133 {strides = array<i32>} : memref<14x5x8x128xf32, #tpu.memory_space<vmem>>, vector<14x1x1x128xf32>,
    %get3A_1134 = arith.constant 2 : index
    %get3A_1135 = arith.constant 0 : index
    %get3A_1136 = arith.constant 0 : index
    %get3A_1137 = vector.load %arg4[%get3A_1134, %get3A_1135, %get3A_1136] : memref<4x128x128xf32, #tpu.memory_space<vmem>>, vector<1x128x128xf32>
    %get3A_1138 = vector.shape_cast %get3A_1137 : vector<1x128x128xf32> to vector<128x128xf32>
    %mul3A_1139 = vector.broadcast %select_n3A_161 : vector<1x1280xf32> to vector<128x1280xf32>
    %mul3A_1140 = arith.mulf %add3A_75, %mul3A_1139 : vector<128x1280xf32>
    %dot_general3A_1141 = arith.constant dense<0.000000e+00> : vector<128x1280xf32>
    %dot_general3A_1142 = tpu.matmul %get3A_1138, %mul3A_1140, %dot_general3A_1141 {dimension_numbers = #tpu.dot_dimension_numbers<[1], [0], [0], [1], [0, 0, 1, 1], [], []>, transpose_lhs_hint = false} : vector<128x128xf32>, vector<128x1280xf32>, vector<128x1280xf32> -> vector<128x1280xf32>
    %mul3A_1143 = arith.constant 5.000000e-01 : f32
    %mul3A_1144 = vector.broadcast %mul3A_1143 : f32 to vector<128x1280xf32>
    %mul3A_1145 = arith.mulf %mul3A_1144, %dot_general3A_1142 : vector<128x1280xf32>
    %tanh3A_1146 = math.tanh %mul3A_1145 : vector<128x1280xf32>
    %mul3A_1147 = arith.mulf %mul3A_1145, %tanh3A_1146 : vector<128x1280xf32>
    %add3A_1148 = arith.addf %mul3A_1147, %mul3A_1145 : vector<128x1280xf32>
    %get3A_1149 = arith.constant 0 : index
    %get3A_1150 = arith.constant 2 : index
    %get3A_1151 = arith.constant 0 : index
    %get3A_1152 = arith.constant 0 : index
    %get3A_1153 = vector.load %arg5[%get3A_1149, %get3A_1150, %get3A_1151, %get3A_1152] : memref<2x4x128x128xf32, #tpu.memory_space<vmem>>, vector<1x1x128x128xf32>
    %get3A_1154 = vector.shape_cast %get3A_1153 : vector<1x1x128x128xf32> to vector<128x128xf32>
    %dot_general3A_1155 = arith.constant dense<0.000000e+00> : vector<128x1280xf32>
    %dot_general3A_1156 = tpu.matmul %get3A_1154, %add3A_1148, %dot_general3A_1155 {dimension_numbers = #tpu.dot_dimension_numbers<[1], [0], [0], [1], [0, 0, 1, 1], [], []>, transpose_lhs_hint = false} : vector<128x128xf32>, vector<128x1280xf32>, vector<128x1280xf32> -> vector<128x1280xf32>
    %mul3A_1157 = arith.constant 5.000000e-01 : f32
    %mul3A_1158 = vector.broadcast %mul3A_1157 : f32 to vector<128x1280xf32>
    %mul3A_1159 = arith.mulf %mul3A_1158, %dot_general3A_1156 : vector<128x1280xf32>
    %tanh3A_1160 = math.tanh %mul3A_1159 : vector<128x1280xf32>
    %mul3A_1161 = arith.mulf %mul3A_1159, %tanh3A_1160 : vector<128x1280xf32>
    %add3A_1162 = arith.addf %mul3A_1161, %mul3A_1159 : vector<128x1280xf32>
    %get3A_1163 = arith.constant 1 : index
    %get3A_1164 = arith.constant 2 : index
    %get3A_1165 = arith.constant 0 : index
    %get3A_1166 = arith.constant 0 : index
    %get3A_1167 = vector.load %arg5[%get3A_1163, %get3A_1164, %get3A_1165, %get3A_1166] : memref<2x4x128x128xf32, #tpu.memory_space<vmem>>, vector<1x1x128x128xf32>
    %get3A_1168 = vector.shape_cast %get3A_1167 : vector<1x1x128x128xf32> to vector<128x128xf32>
    %dot_general3A_1169 = arith.constant dense<0.000000e+00> : vector<128x1280xf32>
    %dot_general3A_1170 = tpu.matmul %get3A_1168, %add3A_1162, %dot_general3A_1169 {dimension_numbers = #tpu.dot_dimension_numbers<[1], [0], [0], [1], [0, 0, 1, 1], [], []>, transpose_lhs_hint = false} : vector<128x128xf32>, vector<128x1280xf32>, vector<128x1280xf32> -> vector<128x1280xf32>
    %mul3A_1171 = arith.constant 5.000000e-01 : f32
    %mul3A_1172 = vector.broadcast %mul3A_1171 : f32 to vector<128x1280xf32>
    %mul3A_1173 = arith.mulf %mul3A_1172, %dot_general3A_1170 : vector<128x1280xf32>
    %tanh3A_1174 = math.tanh %mul3A_1173 : vector<128x1280xf32>
    %mul3A_1175 = arith.mulf %mul3A_1173, %tanh3A_1174 : vector<128x1280xf32>
    %add3A_1176 = arith.addf %mul3A_1175, %mul3A_1173 : vector<128x1280xf32>
    %get3A_1177 = arith.constant 2 : index
    %get3A_1178 = arith.constant 0 : index
    %get3A_1179 = arith.constant 0 : index
    %get3A_1180 = vector.load %arg6[%get3A_1177, %get3A_1178, %get3A_1179] : memref<4x80x128xf32, #tpu.memory_space<vmem>>, vector<1x80x128xf32>
    %get3A_1181 = vector.shape_cast %get3A_1180 : vector<1x80x128xf32> to vector<80x128xf32>
    %dot_general3A_1182 = arith.constant dense<0.000000e+00> : vector<80x1280xf32>
    %dot_general3A_1183 = tpu.matmul %get3A_1181, %add3A_1176, %dot_general3A_1182 {dimension_numbers = #tpu.dot_dimension_numbers<[1], [0], [0], [1], [0, 0, 1, 1], [], []>, transpose_lhs_hint = false} : vector<80x128xf32>, vector<128x1280xf32>, vector<80x1280xf32> -> vector<80x1280xf32>
    %slice3A_1184 = vector.extract_strided_slice %dot_general3A_1183 {offsets = [0, 0], sizes = [20, 1280], strides = [1, 1]} : vector<80x1280xf32> to vector<20x1280xf32>
    %slice3A_1185 = vector.extract_strided_slice %slice3A_1184 {offsets = [0, 0], sizes = [20, 128], strides = [1, 1]} : vector<20x1280xf32> to vector<20x128xf32>
    %swap3A_1186 = arith.constant 0 : index
    %swap3A_1187 = arith.constant 0 : index
    %swap3A_1188 = arith.constant 2 : index
    %swap3A_1189 = arith.constant 0 : index
    %swap3A_1190 = vector.load %arg8[%swap3A_1186, %swap3A_1187, %swap3A_1188, %swap3A_1189] : memref<20x5x8x128xf32, #tpu.memory_space<vmem>>, vector<20x1x1x128xf32>
    %swap3A_1191 = vector.shape_cast %swap3A_1190 : vector<20x1x1x128xf32> to vector<20x128xf32>
    %swap3A_1192 = vector.shape_cast %slice3A_1185 : vector<20x128xf32> to vector<20x1x1x128xf32>
    tpu.vector_store %arg8[%swap3A_1186, %swap3A_1187, %swap3A_1188, %swap3A_1189], %swap3A_1192 {strides = array<i32>} : memref<20x5x8x128xf32, #tpu.memory_space<vmem>>, vector<20x1x1x128xf32>,
    %slice3A_1193 = vector.extract_strided_slice %slice3A_1184 {offsets = [0, 128], sizes = [20, 128], strides = [1, 1]} : vector<20x1280xf32> to vector<20x128xf32>
    %swap3A_1194 = arith.constant 0 : index
    %swap3A_1195 = arith.constant 0 : index
    %swap3A_1196 = arith.constant 6 : index
    %swap3A_1197 = arith.constant 0 : index
    %swap3A_1198 = vector.load %arg8[%swap3A_1194, %swap3A_1195, %swap3A_1196, %swap3A_1197] : memref<20x5x8x128xf32, #tpu.memory_space<vmem>>, vector<20x1x1x128xf32>
    %swap3A_1199 = vector.shape_cast %swap3A_1198 : vector<20x1x1x128xf32> to vector<20x128xf32>
    %swap3A_1200 = vector.shape_cast %slice3A_1193 : vector<20x128xf32> to vector<20x1x1x128xf32>
    tpu.vector_store %arg8[%swap3A_1194, %swap3A_1195, %swap3A_1196, %swap3A_1197], %swap3A_1200 {strides = array<i32>} : memref<20x5x8x128xf32, #tpu.memory_space<vmem>>, vector<20x1x1x128xf32>,
    %slice3A_1201 = vector.extract_strided_slice %slice3A_1184 {offsets = [0, 256], sizes = [20, 128], strides = [1, 1]} : vector<20x1280xf32> to vector<20x128xf32>
    %swap3A_1202 = arith.constant 0 : index
    %swap3A_1203 = arith.constant 1 : index
    %swap3A_1204 = arith.constant 2 : index
    %swap3A_1205 = arith.constant 0 : index
    %swap3A_1206 = vector.load %arg8[%swap3A_1202, %swap3A_1203, %swap3A_1204, %swap3A_1205] : memref<20x5x8x128xf32, #tpu.memory_space<vmem>>, vector<20x1x1x128xf32>
    %swap3A_1207 = vector.shape_cast %swap3A_1206 : vector<20x1x1x128xf32> to vector<20x128xf32>
    %swap3A_1208 = vector.shape_cast %slice3A_1201 : vector<20x128xf32> to vector<20x1x1x128xf32>
    tpu.vector_store %arg8[%swap3A_1202, %swap3A_1203, %swap3A_1204, %swap3A_1205], %swap3A_1208 {strides = array<i32>} : memref<20x5x8x128xf32, #tpu.memory_space<vmem>>, vector<20x1x1x128xf32>,
    %slice3A_1209 = vector.extract_strided_slice %slice3A_1184 {offsets = [0, 384], sizes = [20, 128], strides = [1, 1]} : vector<20x1280xf32> to vector<20x128xf32>
    %swap3A_1210 = arith.constant 0 : index
    %swap3A_1211 = arith.constant 1 : index
    %swap3A_1212 = arith.constant 6 : index
    %swap3A_1213 = arith.constant 0 : index
    %swap3A_1214 = vector.load %arg8[%swap3A_1210, %swap3A_1211, %swap3A_1212, %swap3A_1213] : memref<20x5x8x128xf32, #tpu.memory_space<vmem>>, vector<20x1x1x128xf32>
    %swap3A_1215 = vector.shape_cast %swap3A_1214 : vector<20x1x1x128xf32> to vector<20x128xf32>
    %swap3A_1216 = vector.shape_cast %slice3A_1209 : vector<20x128xf32> to vector<20x1x1x128xf32>
    tpu.vector_store %arg8[%swap3A_1210, %swap3A_1211, %swap3A_1212, %swap3A_1213], %swap3A_1216 {strides = array<i32>} : memref<20x5x8x128xf32, #tpu.memory_space<vmem>>, vector<20x1x1x128xf32>,
    %slice3A_1217 = vector.extract_strided_slice %slice3A_1184 {offsets = [0, 512], sizes = [20, 128], strides = [1, 1]} : vector<20x1280xf32> to vector<20x128xf32>
    %swap3A_1218 = arith.constant 0 : index
    %swap3A_1219 = arith.constant 2 : index
    %swap3A_1220 = arith.constant 2 : index
    %swap3A_1221 = arith.constant 0 : index
    %swap3A_1222 = vector.load %arg8[%swap3A_1218, %swap3A_1219, %swap3A_1220, %swap3A_1221] : memref<20x5x8x128xf32, #tpu.memory_space<vmem>>, vector<20x1x1x128xf32>
    %swap3A_1223 = vector.shape_cast %swap3A_1222 : vector<20x1x1x128xf32> to vector<20x128xf32>
    %swap3A_1224 = vector.shape_cast %slice3A_1217 : vector<20x128xf32> to vector<20x1x1x128xf32>
    tpu.vector_store %arg8[%swap3A_1218, %swap3A_1219, %swap3A_1220, %swap3A_1221], %swap3A_1224 {strides = array<i32>} : memref<20x5x8x128xf32, #tpu.memory_space<vmem>>, vector<20x1x1x128xf32>,
    %slice3A_1225 = vector.extract_strided_slice %slice3A_1184 {offsets = [0, 640], sizes = [20, 128], strides = [1, 1]} : vector<20x1280xf32> to vector<20x128xf32>
    %swap3A_1226 = arith.constant 0 : index
    %swap3A_1227 = arith.constant 2 : index
    %swap3A_1228 = arith.constant 6 : index
    %swap3A_1229 = arith.constant 0 : index
    %swap3A_1230 = vector.load %arg8[%swap3A_1226, %swap3A_1227, %swap3A_1228, %swap3A_1229] : memref<20x5x8x128xf32, #tpu.memory_space<vmem>>, vector<20x1x1x128xf32>
    %swap3A_1231 = vector.shape_cast %swap3A_1230 : vector<20x1x1x128xf32> to vector<20x128xf32>
    %swap3A_1232 = vector.shape_cast %slice3A_1225 : vector<20x128xf32> to vector<20x1x1x128xf32>
    tpu.vector_store %arg8[%swap3A_1226, %swap3A_1227, %swap3A_1228, %swap3A_1229], %swap3A_1232 {strides = array<i32>} : memref<20x5x8x128xf32, #tpu.memory_space<vmem>>, vector<20x1x1x128xf32>,
    %slice3A_1233 = vector.extract_strided_slice %slice3A_1184 {offsets = [0, 768], sizes = [20, 128], strides = [1, 1]} : vector<20x1280xf32> to vector<20x128xf32>
    %swap3A_1234 = arith.constant 0 : index
    %swap3A_1235 = arith.constant 3 : index
    %swap3A_1236 = arith.constant 2 : index
    %swap3A_1237 = arith.constant 0 : index
    %swap3A_1238 = vector.load %arg8[%swap3A_1234, %swap3A_1235, %swap3A_1236, %swap3A_1237] : memref<20x5x8x128xf32, #tpu.memory_space<vmem>>, vector<20x1x1x128xf32>
    %swap3A_1239 = vector.shape_cast %swap3A_1238 : vector<20x1x1x128xf32> to vector<20x128xf32>
    %swap3A_1240 = vector.shape_cast %slice3A_1233 : vector<20x128xf32> to vector<20x1x1x128xf32>
    tpu.vector_store %arg8[%swap3A_1234, %swap3A_1235, %swap3A_1236, %swap3A_1237], %swap3A_1240 {strides = array<i32>} : memref<20x5x8x128xf32, #tpu.memory_space<vmem>>, vector<20x1x1x128xf32>,
    %slice3A_1241 = vector.extract_strided_slice %slice3A_1184 {offsets = [0, 896], sizes = [20, 128], strides = [1, 1]} : vector<20x1280xf32> to vector<20x128xf32>
    %swap3A_1242 = arith.constant 0 : index
    %swap3A_1243 = arith.constant 3 : index
    %swap3A_1244 = arith.constant 6 : index
    %swap3A_1245 = arith.constant 0 : index
    %swap3A_1246 = vector.load %arg8[%swap3A_1242, %swap3A_1243, %swap3A_1244, %swap3A_1245] : memref<20x5x8x128xf32, #tpu.memory_space<vmem>>, vector<20x1x1x128xf32>
    %swap3A_1247 = vector.shape_cast %swap3A_1246 : vector<20x1x1x128xf32> to vector<20x128xf32>
    %swap3A_1248 = vector.shape_cast %slice3A_1241 : vector<20x128xf32> to vector<20x1x1x128xf32>
    tpu.vector_store %arg8[%swap3A_1242, %swap3A_1243, %swap3A_1244, %swap3A_1245], %swap3A_1248 {strides = array<i32>} : memref<20x5x8x128xf32, #tpu.memory_space<vmem>>, vector<20x1x1x128xf32>,
    %slice3A_1249 = vector.extract_strided_slice %slice3A_1184 {offsets = [0, 1024], sizes = [20, 128], strides = [1, 1]} : vector<20x1280xf32> to vector<20x128xf32>
    %swap3A_1250 = arith.constant 0 : index
    %swap3A_1251 = arith.constant 4 : index
    %swap3A_1252 = arith.constant 2 : index
    %swap3A_1253 = arith.constant 0 : index
    %swap3A_1254 = vector.load %arg8[%swap3A_1250, %swap3A_1251, %swap3A_1252, %swap3A_1253] : memref<20x5x8x128xf32, #tpu.memory_space<vmem>>, vector<20x1x1x128xf32>
    %swap3A_1255 = vector.shape_cast %swap3A_1254 : vector<20x1x1x128xf32> to vector<20x128xf32>
    %swap3A_1256 = vector.shape_cast %slice3A_1249 : vector<20x128xf32> to vector<20x1x1x128xf32>
    tpu.vector_store %arg8[%swap3A_1250, %swap3A_1251, %swap3A_1252, %swap3A_1253], %swap3A_1256 {strides = array<i32>} : memref<20x5x8x128xf32, #tpu.memory_space<vmem>>, vector<20x1x1x128xf32>,
    %slice3A_1257 = vector.extract_strided_slice %slice3A_1184 {offsets = [0, 1152], sizes = [20, 128], strides = [1, 1]} : vector<20x1280xf32> to vector<20x128xf32>
    %swap3A_1258 = arith.constant 0 : index
    %swap3A_1259 = arith.constant 4 : index
    %swap3A_1260 = arith.constant 6 : index
    %swap3A_1261 = arith.constant 0 : index
    %swap3A_1262 = vector.load %arg8[%swap3A_1258, %swap3A_1259, %swap3A_1260, %swap3A_1261] : memref<20x5x8x128xf32, #tpu.memory_space<vmem>>, vector<20x1x1x128xf32>
    %swap3A_1263 = vector.shape_cast %swap3A_1262 : vector<20x1x1x128xf32> to vector<20x128xf32>
    %swap3A_1264 = vector.shape_cast %slice3A_1257 : vector<20x128xf32> to vector<20x1x1x128xf32>
    tpu.vector_store %arg8[%swap3A_1258, %swap3A_1259, %swap3A_1260, %swap3A_1261], %swap3A_1264 {strides = array<i32>} : memref<20x5x8x128xf32, #tpu.memory_space<vmem>>, vector<20x1x1x128xf32>,
    %slice3A_1265 = vector.extract_strided_slice %dot_general3A_1183 {offsets = [24, 0], sizes = [18, 1280], strides = [1, 1]} : vector<80x1280xf32> to vector<18x1280xf32>
    %slice3A_1266 = vector.extract_strided_slice %slice3A_1265 {offsets = [0, 0], sizes = [18, 128], strides = [1, 1]} : vector<18x1280xf32> to vector<18x128xf32>
    %swap3A_1267 = arith.constant 0 : index
    %swap3A_1268 = arith.constant 0 : index
    %swap3A_1269 = arith.constant 2 : index
    %swap3A_1270 = arith.constant 0 : index
    %swap3A_1271 = vector.load %arg9[%swap3A_1267, %swap3A_1268, %swap3A_1269, %swap3A_1270] : memref<18x5x8x128xf32, #tpu.memory_space<vmem>>, vector<18x1x1x128xf32>
    %swap3A_1272 = vector.shape_cast %swap3A_1271 : vector<18x1x1x128xf32> to vector<18x128xf32>
    %swap3A_1273 = vector.shape_cast %slice3A_1266 : vector<18x128xf32> to vector<18x1x1x128xf32>
    tpu.vector_store %arg9[%swap3A_1267, %swap3A_1268, %swap3A_1269, %swap3A_1270], %swap3A_1273 {strides = array<i32>} : memref<18x5x8x128xf32, #tpu.memory_space<vmem>>, vector<18x1x1x128xf32>,
    %slice3A_1274 = vector.extract_strided_slice %slice3A_1265 {offsets = [0, 128], sizes = [18, 128], strides = [1, 1]} : vector<18x1280xf32> to vector<18x128xf32>
    %swap3A_1275 = arith.constant 0 : index
    %swap3A_1276 = arith.constant 0 : index
    %swap3A_1277 = arith.constant 6 : index
    %swap3A_1278 = arith.constant 0 : index
    %swap3A_1279 = vector.load %arg9[%swap3A_1275, %swap3A_1276, %swap3A_1277, %swap3A_1278] : memref<18x5x8x128xf32, #tpu.memory_space<vmem>>, vector<18x1x1x128xf32>
    %swap3A_1280 = vector.shape_cast %swap3A_1279 : vector<18x1x1x128xf32> to vector<18x128xf32>
    %swap3A_1281 = vector.shape_cast %slice3A_1274 : vector<18x128xf32> to vector<18x1x1x128xf32>
    tpu.vector_store %arg9[%swap3A_1275, %swap3A_1276, %swap3A_1277, %swap3A_1278], %swap3A_1281 {strides = array<i32>} : memref<18x5x8x128xf32, #tpu.memory_space<vmem>>, vector<18x1x1x128xf32>,
    %slice3A_1282 = vector.extract_strided_slice %slice3A_1265 {offsets = [0, 256], sizes = [18, 128], strides = [1, 1]} : vector<18x1280xf32> to vector<18x128xf32>
    %swap3A_1283 = arith.constant 0 : index
    %swap3A_1284 = arith.constant 1 : index
    %swap3A_1285 = arith.constant 2 : index
    %swap3A_1286 = arith.constant 0 : index
    %swap3A_1287 = vector.load %arg9[%swap3A_1283, %swap3A_1284, %swap3A_1285, %swap3A_1286] : memref<18x5x8x128xf32, #tpu.memory_space<vmem>>, vector<18x1x1x128xf32>
    %swap3A_1288 = vector.shape_cast %swap3A_1287 : vector<18x1x1x128xf32> to vector<18x128xf32>
    %swap3A_1289 = vector.shape_cast %slice3A_1282 : vector<18x128xf32> to vector<18x1x1x128xf32>
    tpu.vector_store %arg9[%swap3A_1283, %swap3A_1284, %swap3A_1285, %swap3A_1286], %swap3A_1289 {strides = array<i32>} : memref<18x5x8x128xf32, #tpu.memory_space<vmem>>, vector<18x1x1x128xf32>,
    %slice3A_1290 = vector.extract_strided_slice %slice3A_1265 {offsets = [0, 384], sizes = [18, 128], strides = [1, 1]} : vector<18x1280xf32> to vector<18x128xf32>
    %swap3A_1291 = arith.constant 0 : index
    %swap3A_1292 = arith.constant 1 : index
    %swap3A_1293 = arith.constant 6 : index
    %swap3A_1294 = arith.constant 0 : index
    %swap3A_1295 = vector.load %arg9[%swap3A_1291, %swap3A_1292, %swap3A_1293, %swap3A_1294] : memref<18x5x8x128xf32, #tpu.memory_space<vmem>>, vector<18x1x1x128xf32>
    %swap3A_1296 = vector.shape_cast %swap3A_1295 : vector<18x1x1x128xf32> to vector<18x128xf32>
    %swap3A_1297 = vector.shape_cast %slice3A_1290 : vector<18x128xf32> to vector<18x1x1x128xf32>
    tpu.vector_store %arg9[%swap3A_1291, %swap3A_1292, %swap3A_1293, %swap3A_1294], %swap3A_1297 {strides = array<i32>} : memref<18x5x8x128xf32, #tpu.memory_space<vmem>>, vector<18x1x1x128xf32>,
    %slice3A_1298 = vector.extract_strided_slice %slice3A_1265 {offsets = [0, 512], sizes = [18, 128], strides = [1, 1]} : vector<18x1280xf32> to vector<18x128xf32>
    %swap3A_1299 = arith.constant 0 : index
    %swap3A_1300 = arith.constant 2 : index
    %swap3A_1301 = arith.constant 2 : index
    %swap3A_1302 = arith.constant 0 : index
    %swap3A_1303 = vector.load %arg9[%swap3A_1299, %swap3A_1300, %swap3A_1301, %swap3A_1302] : memref<18x5x8x128xf32, #tpu.memory_space<vmem>>, vector<18x1x1x128xf32>
    %swap3A_1304 = vector.shape_cast %swap3A_1303 : vector<18x1x1x128xf32> to vector<18x128xf32>
    %swap3A_1305 = vector.shape_cast %slice3A_1298 : vector<18x128xf32> to vector<18x1x1x128xf32>
    tpu.vector_store %arg9[%swap3A_1299, %swap3A_1300, %swap3A_1301, %swap3A_1302], %swap3A_1305 {strides = array<i32>} : memref<18x5x8x128xf32, #tpu.memory_space<vmem>>, vector<18x1x1x128xf32>,
    %slice3A_1306 = vector.extract_strided_slice %slice3A_1265 {offsets = [0, 640], sizes = [18, 128], strides = [1, 1]} : vector<18x1280xf32> to vector<18x128xf32>
    %swap3A_1307 = arith.constant 0 : index
    %swap3A_1308 = arith.constant 2 : index
    %swap3A_1309 = arith.constant 6 : index
    %swap3A_1310 = arith.constant 0 : index
    %swap3A_1311 = vector.load %arg9[%swap3A_1307, %swap3A_1308, %swap3A_1309, %swap3A_1310] : memref<18x5x8x128xf32, #tpu.memory_space<vmem>>, vector<18x1x1x128xf32>
    %swap3A_1312 = vector.shape_cast %swap3A_1311 : vector<18x1x1x128xf32> to vector<18x128xf32>
    %swap3A_1313 = vector.shape_cast %slice3A_1306 : vector<18x128xf32> to vector<18x1x1x128xf32>
    tpu.vector_store %arg9[%swap3A_1307, %swap3A_1308, %swap3A_1309, %swap3A_1310], %swap3A_1313 {strides = array<i32>} : memref<18x5x8x128xf32, #tpu.memory_space<vmem>>, vector<18x1x1x128xf32>,
    %slice3A_1314 = vector.extract_strided_slice %slice3A_1265 {offsets = [0, 768], sizes = [18, 128], strides = [1, 1]} : vector<18x1280xf32> to vector<18x128xf32>
    %swap3A_1315 = arith.constant 0 : index
    %swap3A_1316 = arith.constant 3 : index
    %swap3A_1317 = arith.constant 2 : index
    %swap3A_1318 = arith.constant 0 : index
    %swap3A_1319 = vector.load %arg9[%swap3A_1315, %swap3A_1316, %swap3A_1317, %swap3A_1318] : memref<18x5x8x128xf32, #tpu.memory_space<vmem>>, vector<18x1x1x128xf32>
    %swap3A_1320 = vector.shape_cast %swap3A_1319 : vector<18x1x1x128xf32> to vector<18x128xf32>
    %swap3A_1321 = vector.shape_cast %slice3A_1314 : vector<18x128xf32> to vector<18x1x1x128xf32>
    tpu.vector_store %arg9[%swap3A_1315, %swap3A_1316, %swap3A_1317, %swap3A_1318], %swap3A_1321 {strides = array<i32>} : memref<18x5x8x128xf32, #tpu.memory_space<vmem>>, vector<18x1x1x128xf32>,
    %slice3A_1322 = vector.extract_strided_slice %slice3A_1265 {offsets = [0, 896], sizes = [18, 128], strides = [1, 1]} : vector<18x1280xf32> to vector<18x128xf32>
    %swap3A_1323 = arith.constant 0 : index
    %swap3A_1324 = arith.constant 3 : index
    %swap3A_1325 = arith.constant 6 : index
    %swap3A_1326 = arith.constant 0 : index
    %swap3A_1327 = vector.load %arg9[%swap3A_1323, %swap3A_1324, %swap3A_1325, %swap3A_1326] : memref<18x5x8x128xf32, #tpu.memory_space<vmem>>, vector<18x1x1x128xf32>
    %swap3A_1328 = vector.shape_cast %swap3A_1327 : vector<18x1x1x128xf32> to vector<18x128xf32>
    %swap3A_1329 = vector.shape_cast %slice3A_1322 : vector<18x128xf32> to vector<18x1x1x128xf32>
    tpu.vector_store %arg9[%swap3A_1323, %swap3A_1324, %swap3A_1325, %swap3A_1326], %swap3A_1329 {strides = array<i32>} : memref<18x5x8x128xf32, #tpu.memory_space<vmem>>, vector<18x1x1x128xf32>,
    %slice3A_1330 = vector.extract_strided_slice %slice3A_1265 {offsets = [0, 1024], sizes = [18, 128], strides = [1, 1]} : vector<18x1280xf32> to vector<18x128xf32>
    %swap3A_1331 = arith.constant 0 : index
    %swap3A_1332 = arith.constant 4 : index
    %swap3A_1333 = arith.constant 2 : index
    %swap3A_1334 = arith.constant 0 : index
    %swap3A_1335 = vector.load %arg9[%swap3A_1331, %swap3A_1332, %swap3A_1333, %swap3A_1334] : memref<18x5x8x128xf32, #tpu.memory_space<vmem>>, vector<18x1x1x128xf32>
    %swap3A_1336 = vector.shape_cast %swap3A_1335 : vector<18x1x1x128xf32> to vector<18x128xf32>
    %swap3A_1337 = vector.shape_cast %slice3A_1330 : vector<18x128xf32> to vector<18x1x1x128xf32>
    tpu.vector_store %arg9[%swap3A_1331, %swap3A_1332, %swap3A_1333, %swap3A_1334], %swap3A_1337 {strides = array<i32>} : memref<18x5x8x128xf32, #tpu.memory_space<vmem>>, vector<18x1x1x128xf32>,
    %slice3A_1338 = vector.extract_strided_slice %slice3A_1265 {offsets = [0, 1152], sizes = [18, 128], strides = [1, 1]} : vector<18x1280xf32> to vector<18x128xf32>
    %swap3A_1339 = arith.constant 0 : index
    %swap3A_1340 = arith.constant 4 : index
    %swap3A_1341 = arith.constant 6 : index
    %swap3A_1342 = arith.constant 0 : index
    %swap3A_1343 = vector.load %arg9[%swap3A_1339, %swap3A_1340, %swap3A_1341, %swap3A_1342] : memref<18x5x8x128xf32, #tpu.memory_space<vmem>>, vector<18x1x1x128xf32>
    %swap3A_1344 = vector.shape_cast %swap3A_1343 : vector<18x1x1x128xf32> to vector<18x128xf32>
    %swap3A_1345 = vector.shape_cast %slice3A_1338 : vector<18x128xf32> to vector<18x1x1x128xf32>
    tpu.vector_store %arg9[%swap3A_1339, %swap3A_1340, %swap3A_1341, %swap3A_1342], %swap3A_1345 {strides = array<i32>} : memref<18x5x8x128xf32, #tpu.memory_space<vmem>>, vector<18x1x1x128xf32>,
    %slice3A_1346 = vector.extract_strided_slice %dot_general3A_1183 {offsets = [48, 0], sizes = [16, 1280], strides = [1, 1]} : vector<80x1280xf32> to vector<16x1280xf32>
    %slice3A_1347 = vector.extract_strided_slice %slice3A_1346 {offsets = [0, 0], sizes = [8, 128], strides = [1, 1]} : vector<16x1280xf32> to vector<8x128xf32>
    %swap3A_1348 = arith.constant 2 : index
    %swap3A_1349 = arith.constant 0 : index
    %swap3A_1350 = arith.constant 0 : index
    %swap3A_1351 = arith.constant 0 : index
    %swap3A_1352 = arith.constant 0 : index
    %swap3A_1353 = vector.load %arg10[%swap3A_1348, %swap3A_1349, %swap3A_1350, %swap3A_1351, %swap3A_1352] : memref<4x2x10x8x128xf32, #tpu.memory_space<vmem>>, vector<1x1x1x8x128xf32>
    %swap3A_1354 = vector.shape_cast %swap3A_1353 : vector<1x1x1x8x128xf32> to vector<8x128xf32>
    %swap3A_1355 = vector.shape_cast %slice3A_1347 : vector<8x128xf32> to vector<1x1x1x8x128xf32>
    tpu.vector_store %arg10[%swap3A_1348, %swap3A_1349, %swap3A_1350, %swap3A_1351, %swap3A_1352], %swap3A_1355 {strides = array<i32>} : memref<4x2x10x8x128xf32, #tpu.memory_space<vmem>>, vector<1x1x1x8x128xf32>,
    %slice3A_1356 = vector.extract_strided_slice %slice3A_1346 {offsets = [0, 128], sizes = [8, 128], strides = [1, 1]} : vector<16x1280xf32> to vector<8x128xf32>
    %swap3A_1357 = arith.constant 2 : index
    %swap3A_1358 = arith.constant 0 : index
    %swap3A_1359 = arith.constant 1 : index
    %swap3A_1360 = arith.constant 0 : index
    %swap3A_1361 = arith.constant 0 : index
    %swap3A_1362 = vector.load %arg10[%swap3A_1357, %swap3A_1358, %swap3A_1359, %swap3A_1360, %swap3A_1361] : memref<4x2x10x8x128xf32, #tpu.memory_space<vmem>>, vector<1x1x1x8x128xf32>
    %swap3A_1363 = vector.shape_cast %swap3A_1362 : vector<1x1x1x8x128xf32> to vector<8x128xf32>
    %swap3A_1364 = vector.shape_cast %slice3A_1356 : vector<8x128xf32> to vector<1x1x1x8x128xf32>
    tpu.vector_store %arg10[%swap3A_1357, %swap3A_1358, %swap3A_1359, %swap3A_1360, %swap3A_1361], %swap3A_1364 {strides = array<i32>} : memref<4x2x10x8x128xf32, #tpu.memory_space<vmem>>, vector<1x1x1x8x128xf32>,
    %slice3A_1365 = vector.extract_strided_slice %slice3A_1346 {offsets = [0, 256], sizes = [8, 128], strides = [1, 1]} : vector<16x1280xf32> to vector<8x128xf32>
    %swap3A_1366 = arith.constant 2 : index
    %swap3A_1367 = arith.constant 0 : index
    %swap3A_1368 = arith.constant 2 : index
    %swap3A_1369 = arith.constant 0 : index
    %swap3A_1370 = arith.constant 0 : index
    %swap3A_1371 = vector.load %arg10[%swap3A_1366, %swap3A_1367, %swap3A_1368, %swap3A_1369, %swap3A_1370] : memref<4x2x10x8x128xf32, #tpu.memory_space<vmem>>, vector<1x1x1x8x128xf32>
    %swap3A_1372 = vector.shape_cast %swap3A_1371 : vector<1x1x1x8x128xf32> to vector<8x128xf32>
    %swap3A_1373 = vector.shape_cast %slice3A_1365 : vector<8x128xf32> to vector<1x1x1x8x128xf32>
    tpu.vector_store %arg10[%swap3A_1366, %swap3A_1367, %swap3A_1368, %swap3A_1369, %swap3A_1370], %swap3A_1373 {strides = array<i32>} : memref<4x2x10x8x128xf32, #tpu.memory_space<vmem>>, vector<1x1x1x8x128xf32>,
    %slice3A_1374 = vector.extract_strided_slice %slice3A_1346 {offsets = [0, 384], sizes = [8, 128], strides = [1, 1]} : vector<16x1280xf32> to vector<8x128xf32>
    %swap3A_1375 = arith.constant 2 : index
    %swap3A_1376 = arith.constant 0 : index
    %swap3A_1377 = arith.constant 3 : index
    %swap3A_1378 = arith.constant 0 : index
    %swap3A_1379 = arith.constant 0 : index
    %swap3A_1380 = vector.load %arg10[%swap3A_1375, %swap3A_1376, %swap3A_1377, %swap3A_1378, %swap3A_1379] : memref<4x2x10x8x128xf32, #tpu.memory_space<vmem>>, vector<1x1x1x8x128xf32>
    %swap3A_1381 = vector.shape_cast %swap3A_1380 : vector<1x1x1x8x128xf32> to vector<8x128xf32>
    %swap3A_1382 = vector.shape_cast %slice3A_1374 : vector<8x128xf32> to vector<1x1x1x8x128xf32>
    tpu.vector_store %arg10[%swap3A_1375, %swap3A_1376, %swap3A_1377, %swap3A_1378, %swap3A_1379], %swap3A_1382 {strides = array<i32>} : memref<4x2x10x8x128xf32, #tpu.memory_space<vmem>>, vector<1x1x1x8x128xf32>,
    %slice3A_1383 = vector.extract_strided_slice %slice3A_1346 {offsets = [0, 512], sizes = [8, 128], strides = [1, 1]} : vector<16x1280xf32> to vector<8x128xf32>
    %swap3A_1384 = arith.constant 2 : index
    %swap3A_1385 = arith.constant 0 : index
    %swap3A_1386 = arith.constant 4 : index
    %swap3A_1387 = arith.constant 0 : index
    %swap3A_1388 = arith.constant 0 : index
    %swap3A_1389 = vector.load %arg10[%swap3A_1384, %swap3A_1385, %swap3A_1386, %swap3A_1387, %swap3A_1388] : memref<4x2x10x8x128xf32, #tpu.memory_space<vmem>>, vector<1x1x1x8x128xf32>
    %swap3A_1390 = vector.shape_cast %swap3A_1389 : vector<1x1x1x8x128xf32> to vector<8x128xf32>
    %swap3A_1391 = vector.shape_cast %slice3A_1383 : vector<8x128xf32> to vector<1x1x1x8x128xf32>
    tpu.vector_store %arg10[%swap3A_1384, %swap3A_1385, %swap3A_1386, %swap3A_1387, %swap3A_1388], %swap3A_1391 {strides = array<i32>} : memref<4x2x10x8x128xf32, #tpu.memory_space<vmem>>, vector<1x1x1x8x128xf32>,
    %slice3A_1392 = vector.extract_strided_slice %slice3A_1346 {offsets = [0, 640], sizes = [8, 128], strides = [1, 1]} : vector<16x1280xf32> to vector<8x128xf32>
    %swap3A_1393 = arith.constant 2 : index
    %swap3A_1394 = arith.constant 0 : index
    %swap3A_1395 = arith.constant 5 : index
    %swap3A_1396 = arith.constant 0 : index
    %swap3A_1397 = arith.constant 0 : index
    %swap3A_1398 = vector.load %arg10[%swap3A_1393, %swap3A_1394, %swap3A_1395, %swap3A_1396, %swap3A_1397] : memref<4x2x10x8x128xf32, #tpu.memory_space<vmem>>, vector<1x1x1x8x128xf32>
    %swap3A_1399 = vector.shape_cast %swap3A_1398 : vector<1x1x1x8x128xf32> to vector<8x128xf32>
    %swap3A_1400 = vector.shape_cast %slice3A_1392 : vector<8x128xf32> to vector<1x1x1x8x128xf32>
    tpu.vector_store %arg10[%swap3A_1393, %swap3A_1394, %swap3A_1395, %swap3A_1396, %swap3A_1397], %swap3A_1400 {strides = array<i32>} : memref<4x2x10x8x128xf32, #tpu.memory_space<vmem>>, vector<1x1x1x8x128xf32>,
    %slice3A_1401 = vector.extract_strided_slice %slice3A_1346 {offsets = [0, 768], sizes = [8, 128], strides = [1, 1]} : vector<16x1280xf32> to vector<8x128xf32>
    %swap3A_1402 = arith.constant 2 : index
    %swap3A_1403 = arith.constant 0 : index
    %swap3A_1404 = arith.constant 6 : index
    %swap3A_1405 = arith.constant 0 : index
    %swap3A_1406 = arith.constant 0 : index
    %swap3A_1407 = vector.load %arg10[%swap3A_1402, %swap3A_1403, %swap3A_1404, %swap3A_1405, %swap3A_1406] : memref<4x2x10x8x128xf32, #tpu.memory_space<vmem>>, vector<1x1x1x8x128xf32>
    %swap3A_1408 = vector.shape_cast %swap3A_1407 : vector<1x1x1x8x128xf32> to vector<8x128xf32>
    %swap3A_1409 = vector.shape_cast %slice3A_1401 : vector<8x128xf32> to vector<1x1x1x8x128xf32>
    tpu.vector_store %arg10[%swap3A_1402, %swap3A_1403, %swap3A_1404, %swap3A_1405, %swap3A_1406], %swap3A_1409 {strides = array<i32>} : memref<4x2x10x8x128xf32, #tpu.memory_space<vmem>>, vector<1x1x1x8x128xf32>,
    %slice3A_1410 = vector.extract_strided_slice %slice3A_1346 {offsets = [0, 896], sizes = [8, 128], strides = [1, 1]} : vector<16x1280xf32> to vector<8x128xf32>
    %swap3A_1411 = arith.constant 2 : index
    %swap3A_1412 = arith.constant 0 : index
    %swap3A_1413 = arith.constant 7 : index
    %swap3A_1414 = arith.constant 0 : index
    %swap3A_1415 = arith.constant 0 : index
    %swap3A_1416 = vector.load %arg10[%swap3A_1411, %swap3A_1412, %swap3A_1413, %swap3A_1414, %swap3A_1415] : memref<4x2x10x8x128xf32, #tpu.memory_space<vmem>>, vector<1x1x1x8x128xf32>
    %swap3A_1417 = vector.shape_cast %swap3A_1416 : vector<1x1x1x8x128xf32> to vector<8x128xf32>
    %swap3A_1418 = vector.shape_cast %slice3A_1410 : vector<8x128xf32> to vector<1x1x1x8x128xf32>
    tpu.vector_store %arg10[%swap3A_1411, %swap3A_1412, %swap3A_1413, %swap3A_1414, %swap3A_1415], %swap3A_1418 {strides = array<i32>} : memref<4x2x10x8x128xf32, #tpu.memory_space<vmem>>, vector<1x1x1x8x128xf32>,
    %slice3A_1419 = vector.extract_strided_slice %slice3A_1346 {offsets = [0, 1024], sizes = [8, 128], strides = [1, 1]} : vector<16x1280xf32> to vector<8x128xf32>
    %swap3A_1420 = arith.constant 2 : index
    %swap3A_1421 = arith.constant 0 : index
    %swap3A_1422 = arith.constant 8 : index
    %swap3A_1423 = arith.constant 0 : index
    %swap3A_1424 = arith.constant 0 : index
    %swap3A_1425 = vector.load %arg10[%swap3A_1420, %swap3A_1421, %swap3A_1422, %swap3A_1423, %swap3A_1424] : memref<4x2x10x8x128xf32, #tpu.memory_space<vmem>>, vector<1x1x1x8x128xf32>
    %swap3A_1426 = vector.shape_cast %swap3A_1425 : vector<1x1x1x8x128xf32> to vector<8x128xf32>
    %swap3A_1427 = vector.shape_cast %slice3A_1419 : vector<8x128xf32> to vector<1x1x1x8x128xf32>
    tpu.vector_store %arg10[%swap3A_1420, %swap3A_1421, %swap3A_1422, %swap3A_1423, %swap3A_1424], %swap3A_1427 {strides = array<i32>} : memref<4x2x10x8x128xf32, #tpu.memory_space<vmem>>, vector<1x1x1x8x128xf32>,
    %slice3A_1428 = vector.extract_strided_slice %slice3A_1346 {offsets = [0, 1152], sizes = [8, 128], strides = [1, 1]} : vector<16x1280xf32> to vector<8x128xf32>
    %swap3A_1429 = arith.constant 2 : index
    %swap3A_1430 = arith.constant 0 : index
    %swap3A_1431 = arith.constant 9 : index
    %swap3A_1432 = arith.constant 0 : index
    %swap3A_1433 = arith.constant 0 : index
    %swap3A_1434 = vector.load %arg10[%swap3A_1429, %swap3A_1430, %swap3A_1431, %swap3A_1432, %swap3A_1433] : memref<4x2x10x8x128xf32, #tpu.memory_space<vmem>>, vector<1x1x1x8x128xf32>
    %swap3A_1435 = vector.shape_cast %swap3A_1434 : vector<1x1x1x8x128xf32> to vector<8x128xf32>
    %swap3A_1436 = vector.shape_cast %slice3A_1428 : vector<8x128xf32> to vector<1x1x1x8x128xf32>
    tpu.vector_store %arg10[%swap3A_1429, %swap3A_1430, %swap3A_1431, %swap3A_1432, %swap3A_1433], %swap3A_1436 {strides = array<i32>} : memref<4x2x10x8x128xf32, #tpu.memory_space<vmem>>, vector<1x1x1x8x128xf32>,
    %slice3A_1437 = vector.extract_strided_slice %slice3A_1346 {offsets = [8, 0], sizes = [8, 128], strides = [1, 1]} : vector<16x1280xf32> to vector<8x128xf32>
    %swap3A_1438 = arith.constant 2 : index
    %swap3A_1439 = arith.constant 1 : index
    %swap3A_1440 = arith.constant 0 : index
    %swap3A_1441 = arith.constant 0 : index
    %swap3A_1442 = arith.constant 0 : index
    %swap3A_1443 = vector.load %arg10[%swap3A_1438, %swap3A_1439, %swap3A_1440, %swap3A_1441, %swap3A_1442] : memref<4x2x10x8x128xf32, #tpu.memory_space<vmem>>, vector<1x1x1x8x128xf32>
    %swap3A_1444 = vector.shape_cast %swap3A_1443 : vector<1x1x1x8x128xf32> to vector<8x128xf32>
    %swap3A_1445 = vector.shape_cast %slice3A_1437 : vector<8x128xf32> to vector<1x1x1x8x128xf32>
    tpu.vector_store %arg10[%swap3A_1438, %swap3A_1439, %swap3A_1440, %swap3A_1441, %swap3A_1442], %swap3A_1445 {strides = array<i32>} : memref<4x2x10x8x128xf32, #tpu.memory_space<vmem>>, vector<1x1x1x8x128xf32>,
    %slice3A_1446 = vector.extract_strided_slice %slice3A_1346 {offsets = [8, 128], sizes = [8, 128], strides = [1, 1]} : vector<16x1280xf32> to vector<8x128xf32>
    %swap3A_1447 = arith.constant 2 : index
    %swap3A_1448 = arith.constant 1 : index
    %swap3A_1449 = arith.constant 1 : index
    %swap3A_1450 = arith.constant 0 : index
    %swap3A_1451 = arith.constant 0 : index
    %swap3A_1452 = vector.load %arg10[%swap3A_1447, %swap3A_1448, %swap3A_1449, %swap3A_1450, %swap3A_1451] : memref<4x2x10x8x128xf32, #tpu.memory_space<vmem>>, vector<1x1x1x8x128xf32>
    %swap3A_1453 = vector.shape_cast %swap3A_1452 : vector<1x1x1x8x128xf32> to vector<8x128xf32>
    %swap3A_1454 = vector.shape_cast %slice3A_1446 : vector<8x128xf32> to vector<1x1x1x8x128xf32>
    tpu.vector_store %arg10[%swap3A_1447, %swap3A_1448, %swap3A_1449, %swap3A_1450, %swap3A_1451], %swap3A_1454 {strides = array<i32>} : memref<4x2x10x8x128xf32, #tpu.memory_space<vmem>>, vector<1x1x1x8x128xf32>,
    %slice3A_1455 = vector.extract_strided_slice %slice3A_1346 {offsets = [8, 256], sizes = [8, 128], strides = [1, 1]} : vector<16x1280xf32> to vector<8x128xf32>
    %swap3A_1456 = arith.constant 2 : index
    %swap3A_1457 = arith.constant 1 : index
    %swap3A_1458 = arith.constant 2 : index
    %swap3A_1459 = arith.constant 0 : index
    %swap3A_1460 = arith.constant 0 : index
    %swap3A_1461 = vector.load %arg10[%swap3A_1456, %swap3A_1457, %swap3A_1458, %swap3A_1459, %swap3A_1460] : memref<4x2x10x8x128xf32, #tpu.memory_space<vmem>>, vector<1x1x1x8x128xf32>
    %swap3A_1462 = vector.shape_cast %swap3A_1461 : vector<1x1x1x8x128xf32> to vector<8x128xf32>
    %swap3A_1463 = vector.shape_cast %slice3A_1455 : vector<8x128xf32> to vector<1x1x1x8x128xf32>
    tpu.vector_store %arg10[%swap3A_1456, %swap3A_1457, %swap3A_1458, %swap3A_1459, %swap3A_1460], %swap3A_1463 {strides = array<i32>} : memref<4x2x10x8x128xf32, #tpu.memory_space<vmem>>, vector<1x1x1x8x128xf32>,
    %slice3A_1464 = vector.extract_strided_slice %slice3A_1346 {offsets = [8, 384], sizes = [8, 128], strides = [1, 1]} : vector<16x1280xf32> to vector<8x128xf32>
    %swap3A_1465 = arith.constant 2 : index
    %swap3A_1466 = arith.constant 1 : index
    %swap3A_1467 = arith.constant 3 : index
    %swap3A_1468 = arith.constant 0 : index
    %swap3A_1469 = arith.constant 0 : index
    %swap3A_1470 = vector.load %arg10[%swap3A_1465, %swap3A_1466, %swap3A_1467, %swap3A_1468, %swap3A_1469] : memref<4x2x10x8x128xf32, #tpu.memory_space<vmem>>, vector<1x1x1x8x128xf32>
    %swap3A_1471 = vector.shape_cast %swap3A_1470 : vector<1x1x1x8x128xf32> to vector<8x128xf32>
    %swap3A_1472 = vector.shape_cast %slice3A_1464 : vector<8x128xf32> to vector<1x1x1x8x128xf32>
    tpu.vector_store %arg10[%swap3A_1465, %swap3A_1466, %swap3A_1467, %swap3A_1468, %swap3A_1469], %swap3A_1472 {strides = array<i32>} : memref<4x2x10x8x128xf32, #tpu.memory_space<vmem>>, vector<1x1x1x8x128xf32>,
    %slice3A_1473 = vector.extract_strided_slice %slice3A_1346 {offsets = [8, 512], sizes = [8, 128], strides = [1, 1]} : vector<16x1280xf32> to vector<8x128xf32>
    %swap3A_1474 = arith.constant 2 : index
    %swap3A_1475 = arith.constant 1 : index
    %swap3A_1476 = arith.constant 4 : index
    %swap3A_1477 = arith.constant 0 : index
    %swap3A_1478 = arith.constant 0 : index
    %swap3A_1479 = vector.load %arg10[%swap3A_1474, %swap3A_1475, %swap3A_1476, %swap3A_1477, %swap3A_1478] : memref<4x2x10x8x128xf32, #tpu.memory_space<vmem>>, vector<1x1x1x8x128xf32>
    %swap3A_1480 = vector.shape_cast %swap3A_1479 : vector<1x1x1x8x128xf32> to vector<8x128xf32>
    %swap3A_1481 = vector.shape_cast %slice3A_1473 : vector<8x128xf32> to vector<1x1x1x8x128xf32>
    tpu.vector_store %arg10[%swap3A_1474, %swap3A_1475, %swap3A_1476, %swap3A_1477, %swap3A_1478], %swap3A_1481 {strides = array<i32>} : memref<4x2x10x8x128xf32, #tpu.memory_space<vmem>>, vector<1x1x1x8x128xf32>,
    %slice3A_1482 = vector.extract_strided_slice %slice3A_1346 {offsets = [8, 640], sizes = [8, 128], strides = [1, 1]} : vector<16x1280xf32> to vector<8x128xf32>
    %swap3A_1483 = arith.constant 2 : index
    %swap3A_1484 = arith.constant 1 : index
    %swap3A_1485 = arith.constant 5 : index
    %swap3A_1486 = arith.constant 0 : index
    %swap3A_1487 = arith.constant 0 : index
    %swap3A_1488 = vector.load %arg10[%swap3A_1483, %swap3A_1484, %swap3A_1485, %swap3A_1486, %swap3A_1487] : memref<4x2x10x8x128xf32, #tpu.memory_space<vmem>>, vector<1x1x1x8x128xf32>
    %swap3A_1489 = vector.shape_cast %swap3A_1488 : vector<1x1x1x8x128xf32> to vector<8x128xf32>
    %swap3A_1490 = vector.shape_cast %slice3A_1482 : vector<8x128xf32> to vector<1x1x1x8x128xf32>
    tpu.vector_store %arg10[%swap3A_1483, %swap3A_1484, %swap3A_1485, %swap3A_1486, %swap3A_1487], %swap3A_1490 {strides = array<i32>} : memref<4x2x10x8x128xf32, #tpu.memory_space<vmem>>, vector<1x1x1x8x128xf32>,
    %slice3A_1491 = vector.extract_strided_slice %slice3A_1346 {offsets = [8, 768], sizes = [8, 128], strides = [1, 1]} : vector<16x1280xf32> to vector<8x128xf32>
    %swap3A_1492 = arith.constant 2 : index
    %swap3A_1493 = arith.constant 1 : index
    %swap3A_1494 = arith.constant 6 : index
    %swap3A_1495 = arith.constant 0 : index
    %swap3A_1496 = arith.constant 0 : index
    %swap3A_1497 = vector.load %arg10[%swap3A_1492, %swap3A_1493, %swap3A_1494, %swap3A_1495, %swap3A_1496] : memref<4x2x10x8x128xf32, #tpu.memory_space<vmem>>, vector<1x1x1x8x128xf32>
    %swap3A_1498 = vector.shape_cast %swap3A_1497 : vector<1x1x1x8x128xf32> to vector<8x128xf32>
    %swap3A_1499 = vector.shape_cast %slice3A_1491 : vector<8x128xf32> to vector<1x1x1x8x128xf32>
    tpu.vector_store %arg10[%swap3A_1492, %swap3A_1493, %swap3A_1494, %swap3A_1495, %swap3A_1496], %swap3A_1499 {strides = array<i32>} : memref<4x2x10x8x128xf32, #tpu.memory_space<vmem>>, vector<1x1x1x8x128xf32>,
    %slice3A_1500 = vector.extract_strided_slice %slice3A_1346 {offsets = [8, 896], sizes = [8, 128], strides = [1, 1]} : vector<16x1280xf32> to vector<8x128xf32>
    %swap3A_1501 = arith.constant 2 : index
    %swap3A_1502 = arith.constant 1 : index
    %swap3A_1503 = arith.constant 7 : index
    %swap3A_1504 = arith.constant 0 : index
    %swap3A_1505 = arith.constant 0 : index
    %swap3A_1506 = vector.load %arg10[%swap3A_1501, %swap3A_1502, %swap3A_1503, %swap3A_1504, %swap3A_1505] : memref<4x2x10x8x128xf32, #tpu.memory_space<vmem>>, vector<1x1x1x8x128xf32>
    %swap3A_1507 = vector.shape_cast %swap3A_1506 : vector<1x1x1x8x128xf32> to vector<8x128xf32>
    %swap3A_1508 = vector.shape_cast %slice3A_1500 : vector<8x128xf32> to vector<1x1x1x8x128xf32>
    tpu.vector_store %arg10[%swap3A_1501, %swap3A_1502, %swap3A_1503, %swap3A_1504, %swap3A_1505], %swap3A_1508 {strides = array<i32>} : memref<4x2x10x8x128xf32, #tpu.memory_space<vmem>>, vector<1x1x1x8x128xf32>,
    %slice3A_1509 = vector.extract_strided_slice %slice3A_1346 {offsets = [8, 1024], sizes = [8, 128], strides = [1, 1]} : vector<16x1280xf32> to vector<8x128xf32>
    %swap3A_1510 = arith.constant 2 : index
    %swap3A_1511 = arith.constant 1 : index
    %swap3A_1512 = arith.constant 8 : index
    %swap3A_1513 = arith.constant 0 : index
    %swap3A_1514 = arith.constant 0 : index
    %swap3A_1515 = vector.load %arg10[%swap3A_1510, %swap3A_1511, %swap3A_1512, %swap3A_1513, %swap3A_1514] : memref<4x2x10x8x128xf32, #tpu.memory_space<vmem>>, vector<1x1x1x8x128xf32>
    %swap3A_1516 = vector.shape_cast %swap3A_1515 : vector<1x1x1x8x128xf32> to vector<8x128xf32>
    %swap3A_1517 = vector.shape_cast %slice3A_1509 : vector<8x128xf32> to vector<1x1x1x8x128xf32>
    tpu.vector_store %arg10[%swap3A_1510, %swap3A_1511, %swap3A_1512, %swap3A_1513, %swap3A_1514], %swap3A_1517 {strides = array<i32>} : memref<4x2x10x8x128xf32, #tpu.memory_space<vmem>>, vector<1x1x1x8x128xf32>,
    %slice3A_1518 = vector.extract_strided_slice %slice3A_1346 {offsets = [8, 1152], sizes = [8, 128], strides = [1, 1]} : vector<16x1280xf32> to vector<8x128xf32>
    %swap3A_1519 = arith.constant 2 : index
    %swap3A_1520 = arith.constant 1 : index
    %swap3A_1521 = arith.constant 9 : index
    %swap3A_1522 = arith.constant 0 : index
    %swap3A_1523 = arith.constant 0 : index
    %swap3A_1524 = vector.load %arg10[%swap3A_1519, %swap3A_1520, %swap3A_1521, %swap3A_1522, %swap3A_1523] : memref<4x2x10x8x128xf32, #tpu.memory_space<vmem>>, vector<1x1x1x8x128xf32>
    %swap3A_1525 = vector.shape_cast %swap3A_1524 : vector<1x1x1x8x128xf32> to vector<8x128xf32>
    %swap3A_1526 = vector.shape_cast %slice3A_1518 : vector<8x128xf32> to vector<1x1x1x8x128xf32>
    tpu.vector_store %arg10[%swap3A_1519, %swap3A_1520, %swap3A_1521, %swap3A_1522, %swap3A_1523], %swap3A_1526 {strides = array<i32>} : memref<4x2x10x8x128xf32, #tpu.memory_space<vmem>>, vector<1x1x1x8x128xf32>,
    %slice3A_1527 = vector.extract_strided_slice %dot_general3A_1183 {offsets = [64, 0], sizes = [14, 1280], strides = [1, 1]} : vector<80x1280xf32> to vector<14x1280xf32>
    %slice3A_1528 = vector.extract_strided_slice %slice3A_1527 {offsets = [0, 0], sizes = [14, 128], strides = [1, 1]} : vector<14x1280xf32> to vector<14x128xf32>
    %swap3A_1529 = arith.constant 0 : index
    %swap3A_1530 = arith.constant 0 : index
    %swap3A_1531 = arith.constant 2 : index
    %swap3A_1532 = arith.constant 0 : index
    %swap3A_1533 = vector.load %arg11[%swap3A_1529, %swap3A_1530, %swap3A_1531, %swap3A_1532] : memref<14x5x8x128xf32, #tpu.memory_space<vmem>>, vector<14x1x1x128xf32>
    %swap3A_1534 = vector.shape_cast %swap3A_1533 : vector<14x1x1x128xf32> to vector<14x128xf32>
    %swap3A_1535 = vector.shape_cast %slice3A_1528 : vector<14x128xf32> to vector<14x1x1x128xf32>
    tpu.vector_store %arg11[%swap3A_1529, %swap3A_1530, %swap3A_1531, %swap3A_1532], %swap3A_1535 {strides = array<i32>} : memref<14x5x8x128xf32, #tpu.memory_space<vmem>>, vector<14x1x1x128xf32>,
    %slice3A_1536 = vector.extract_strided_slice %slice3A_1527 {offsets = [0, 128], sizes = [14, 128], strides = [1, 1]} : vector<14x1280xf32> to vector<14x128xf32>
    %swap3A_1537 = arith.constant 0 : index
    %swap3A_1538 = arith.constant 0 : index
    %swap3A_1539 = arith.constant 6 : index
    %swap3A_1540 = arith.constant 0 : index
    %swap3A_1541 = vector.load %arg11[%swap3A_1537, %swap3A_1538, %swap3A_1539, %swap3A_1540] : memref<14x5x8x128xf32, #tpu.memory_space<vmem>>, vector<14x1x1x128xf32>
    %swap3A_1542 = vector.shape_cast %swap3A_1541 : vector<14x1x1x128xf32> to vector<14x128xf32>
    %swap3A_1543 = vector.shape_cast %slice3A_1536 : vector<14x128xf32> to vector<14x1x1x128xf32>
    tpu.vector_store %arg11[%swap3A_1537, %swap3A_1538, %swap3A_1539, %swap3A_1540], %swap3A_1543 {strides = array<i32>} : memref<14x5x8x128xf32, #tpu.memory_space<vmem>>, vector<14x1x1x128xf32>,
    %slice3A_1544 = vector.extract_strided_slice %slice3A_1527 {offsets = [0, 256], sizes = [14, 128], strides = [1, 1]} : vector<14x1280xf32> to vector<14x128xf32>
    %swap3A_1545 = arith.constant 0 : index
    %swap3A_1546 = arith.constant 1 : index
    %swap3A_1547 = arith.constant 2 : index
    %swap3A_1548 = arith.constant 0 : index
    %swap3A_1549 = vector.load %arg11[%swap3A_1545, %swap3A_1546, %swap3A_1547, %swap3A_1548] : memref<14x5x8x128xf32, #tpu.memory_space<vmem>>, vector<14x1x1x128xf32>
    %swap3A_1550 = vector.shape_cast %swap3A_1549 : vector<14x1x1x128xf32> to vector<14x128xf32>
    %swap3A_1551 = vector.shape_cast %slice3A_1544 : vector<14x128xf32> to vector<14x1x1x128xf32>
    tpu.vector_store %arg11[%swap3A_1545, %swap3A_1546, %swap3A_1547, %swap3A_1548], %swap3A_1551 {strides = array<i32>} : memref<14x5x8x128xf32, #tpu.memory_space<vmem>>, vector<14x1x1x128xf32>,
    %slice3A_1552 = vector.extract_strided_slice %slice3A_1527 {offsets = [0, 384], sizes = [14, 128], strides = [1, 1]} : vector<14x1280xf32> to vector<14x128xf32>
    %swap3A_1553 = arith.constant 0 : index
    %swap3A_1554 = arith.constant 1 : index
    %swap3A_1555 = arith.constant 6 : index
    %swap3A_1556 = arith.constant 0 : index
    %swap3A_1557 = vector.load %arg11[%swap3A_1553, %swap3A_1554, %swap3A_1555, %swap3A_1556] : memref<14x5x8x128xf32, #tpu.memory_space<vmem>>, vector<14x1x1x128xf32>
    %swap3A_1558 = vector.shape_cast %swap3A_1557 : vector<14x1x1x128xf32> to vector<14x128xf32>
    %swap3A_1559 = vector.shape_cast %slice3A_1552 : vector<14x128xf32> to vector<14x1x1x128xf32>
    tpu.vector_store %arg11[%swap3A_1553, %swap3A_1554, %swap3A_1555, %swap3A_1556], %swap3A_1559 {strides = array<i32>} : memref<14x5x8x128xf32, #tpu.memory_space<vmem>>, vector<14x1x1x128xf32>,
    %slice3A_1560 = vector.extract_strided_slice %slice3A_1527 {offsets = [0, 512], sizes = [14, 128], strides = [1, 1]} : vector<14x1280xf32> to vector<14x128xf32>
    %swap3A_1561 = arith.constant 0 : index
    %swap3A_1562 = arith.constant 2 : index
    %swap3A_1563 = arith.constant 2 : index
    %swap3A_1564 = arith.constant 0 : index
    %swap3A_1565 = vector.load %arg11[%swap3A_1561, %swap3A_1562, %swap3A_1563, %swap3A_1564] : memref<14x5x8x128xf32, #tpu.memory_space<vmem>>, vector<14x1x1x128xf32>
    %swap3A_1566 = vector.shape_cast %swap3A_1565 : vector<14x1x1x128xf32> to vector<14x128xf32>
    %swap3A_1567 = vector.shape_cast %slice3A_1560 : vector<14x128xf32> to vector<14x1x1x128xf32>
    tpu.vector_store %arg11[%swap3A_1561, %swap3A_1562, %swap3A_1563, %swap3A_1564], %swap3A_1567 {strides = array<i32>} : memref<14x5x8x128xf32, #tpu.memory_space<vmem>>, vector<14x1x1x128xf32>,
    %slice3A_1568 = vector.extract_strided_slice %slice3A_1527 {offsets = [0, 640], sizes = [14, 128], strides = [1, 1]} : vector<14x1280xf32> to vector<14x128xf32>
    %swap3A_1569 = arith.constant 0 : index
    %swap3A_1570 = arith.constant 2 : index
    %swap3A_1571 = arith.constant 6 : index
    %swap3A_1572 = arith.constant 0 : index
    %swap3A_1573 = vector.load %arg11[%swap3A_1569, %swap3A_1570, %swap3A_1571, %swap3A_1572] : memref<14x5x8x128xf32, #tpu.memory_space<vmem>>, vector<14x1x1x128xf32>
    %swap3A_1574 = vector.shape_cast %swap3A_1573 : vector<14x1x1x128xf32> to vector<14x128xf32>
    %swap3A_1575 = vector.shape_cast %slice3A_1568 : vector<14x128xf32> to vector<14x1x1x128xf32>
    tpu.vector_store %arg11[%swap3A_1569, %swap3A_1570, %swap3A_1571, %swap3A_1572], %swap3A_1575 {strides = array<i32>} : memref<14x5x8x128xf32, #tpu.memory_space<vmem>>, vector<14x1x1x128xf32>,
    %slice3A_1576 = vector.extract_strided_slice %slice3A_1527 {offsets = [0, 768], sizes = [14, 128], strides = [1, 1]} : vector<14x1280xf32> to vector<14x128xf32>
    %swap3A_1577 = arith.constant 0 : index
    %swap3A_1578 = arith.constant 3 : index
    %swap3A_1579 = arith.constant 2 : index
    %swap3A_1580 = arith.constant 0 : index
    %swap3A_1581 = vector.load %arg11[%swap3A_1577, %swap3A_1578, %swap3A_1579, %swap3A_1580] : memref<14x5x8x128xf32, #tpu.memory_space<vmem>>, vector<14x1x1x128xf32>
    %swap3A_1582 = vector.shape_cast %swap3A_1581 : vector<14x1x1x128xf32> to vector<14x128xf32>
    %swap3A_1583 = vector.shape_cast %slice3A_1576 : vector<14x128xf32> to vector<14x1x1x128xf32>
    tpu.vector_store %arg11[%swap3A_1577, %swap3A_1578, %swap3A_1579, %swap3A_1580], %swap3A_1583 {strides = array<i32>} : memref<14x5x8x128xf32, #tpu.memory_space<vmem>>, vector<14x1x1x128xf32>,
    %slice3A_1584 = vector.extract_strided_slice %slice3A_1527 {offsets = [0, 896], sizes = [14, 128], strides = [1, 1]} : vector<14x1280xf32> to vector<14x128xf32>
    %swap3A_1585 = arith.constant 0 : index
    %swap3A_1586 = arith.constant 3 : index
    %swap3A_1587 = arith.constant 6 : index
    %swap3A_1588 = arith.constant 0 : index
    %swap3A_1589 = vector.load %arg11[%swap3A_1585, %swap3A_1586, %swap3A_1587, %swap3A_1588] : memref<14x5x8x128xf32, #tpu.memory_space<vmem>>, vector<14x1x1x128xf32>
    %swap3A_1590 = vector.shape_cast %swap3A_1589 : vector<14x1x1x128xf32> to vector<14x128xf32>
    %swap3A_1591 = vector.shape_cast %slice3A_1584 : vector<14x128xf32> to vector<14x1x1x128xf32>
    tpu.vector_store %arg11[%swap3A_1585, %swap3A_1586, %swap3A_1587, %swap3A_1588], %swap3A_1591 {strides = array<i32>} : memref<14x5x8x128xf32, #tpu.memory_space<vmem>>, vector<14x1x1x128xf32>,
    %slice3A_1592 = vector.extract_strided_slice %slice3A_1527 {offsets = [0, 1024], sizes = [14, 128], strides = [1, 1]} : vector<14x1280xf32> to vector<14x128xf32>
    %swap3A_1593 = arith.constant 0 : index
    %swap3A_1594 = arith.constant 4 : index
    %swap3A_1595 = arith.constant 2 : index
    %swap3A_1596 = arith.constant 0 : index
    %swap3A_1597 = vector.load %arg11[%swap3A_1593, %swap3A_1594, %swap3A_1595, %swap3A_1596] : memref<14x5x8x128xf32, #tpu.memory_space<vmem>>, vector<14x1x1x128xf32>
    %swap3A_1598 = vector.shape_cast %swap3A_1597 : vector<14x1x1x128xf32> to vector<14x128xf32>
    %swap3A_1599 = vector.shape_cast %slice3A_1592 : vector<14x128xf32> to vector<14x1x1x128xf32>
    tpu.vector_store %arg11[%swap3A_1593, %swap3A_1594, %swap3A_1595, %swap3A_1596], %swap3A_1599 {strides = array<i32>} : memref<14x5x8x128xf32, #tpu.memory_space<vmem>>, vector<14x1x1x128xf32>,
    %slice3A_1600 = vector.extract_strided_slice %slice3A_1527 {offsets = [0, 1152], sizes = [14, 128], strides = [1, 1]} : vector<14x1280xf32> to vector<14x128xf32>
    %swap3A_1601 = arith.constant 0 : index
    %swap3A_1602 = arith.constant 4 : index
    %swap3A_1603 = arith.constant 6 : index
    %swap3A_1604 = arith.constant 0 : index
    %swap3A_1605 = vector.load %arg11[%swap3A_1601, %swap3A_1602, %swap3A_1603, %swap3A_1604] : memref<14x5x8x128xf32, #tpu.memory_space<vmem>>, vector<14x1x1x128xf32>
    %swap3A_1606 = vector.shape_cast %swap3A_1605 : vector<14x1x1x128xf32> to vector<14x128xf32>
    %swap3A_1607 = vector.shape_cast %slice3A_1600 : vector<14x128xf32> to vector<14x1x1x128xf32>
    tpu.vector_store %arg11[%swap3A_1601, %swap3A_1602, %swap3A_1603, %swap3A_1604], %swap3A_1607 {strides = array<i32>} : memref<14x5x8x128xf32, #tpu.memory_space<vmem>>, vector<14x1x1x128xf32>,
    %get3A_1608 = arith.constant 3 : index
    %get3A_1609 = arith.constant 0 : index
    %get3A_1610 = arith.constant 0 : index
    %get3A_1611 = vector.load %arg4[%get3A_1608, %get3A_1609, %get3A_1610] : memref<4x128x128xf32, #tpu.memory_space<vmem>>, vector<1x128x128xf32>
    %get3A_1612 = vector.shape_cast %get3A_1611 : vector<1x128x128xf32> to vector<128x128xf32>
    %mul3A_1613 = vector.broadcast %select_n3A_189 : vector<1x1280xf32> to vector<128x1280xf32>
    %mul3A_1614 = arith.mulf %add3A_75, %mul3A_1613 : vector<128x1280xf32>
    %dot_general3A_1615 = arith.constant dense<0.000000e+00> : vector<128x1280xf32>
    %dot_general3A_1616 = tpu.matmul %get3A_1612, %mul3A_1614, %dot_general3A_1615 {dimension_numbers = #tpu.dot_dimension_numbers<[1], [0], [0], [1], [0, 0, 1, 1], [], []>, transpose_lhs_hint = false} : vector<128x128xf32>, vector<128x1280xf32>, vector<128x1280xf32> -> vector<128x1280xf32>
    %mul3A_1617 = arith.constant 5.000000e-01 : f32
    %mul3A_1618 = vector.broadcast %mul3A_1617 : f32 to vector<128x1280xf32>
    %mul3A_1619 = arith.mulf %mul3A_1618, %dot_general3A_1616 : vector<128x1280xf32>
    %tanh3A_1620 = math.tanh %mul3A_1619 : vector<128x1280xf32>
    %mul3A_1621 = arith.mulf %mul3A_1619, %tanh3A_1620 : vector<128x1280xf32>
    %add3A_1622 = arith.addf %mul3A_1621, %mul3A_1619 : vector<128x1280xf32>
    %get3A_1623 = arith.constant 0 : index
    %get3A_1624 = arith.constant 3 : index
    %get3A_1625 = arith.constant 0 : index
    %get3A_1626 = arith.constant 0 : index
    %get3A_1627 = vector.load %arg5[%get3A_1623, %get3A_1624, %get3A_1625, %get3A_1626] : memref<2x4x128x128xf32, #tpu.memory_space<vmem>>, vector<1x1x128x128xf32>
    %get3A_1628 = vector.shape_cast %get3A_1627 : vector<1x1x128x128xf32> to vector<128x128xf32>
    %dot_general3A_1629 = arith.constant dense<0.000000e+00> : vector<128x1280xf32>
    %dot_general3A_1630 = tpu.matmul %get3A_1628, %add3A_1622, %dot_general3A_1629 {dimension_numbers = #tpu.dot_dimension_numbers<[1], [0], [0], [1], [0, 0, 1, 1], [], []>, transpose_lhs_hint = false} : vector<128x128xf32>, vector<128x1280xf32>, vector<128x1280xf32> -> vector<128x1280xf32>
    %mul3A_1631 = arith.constant 5.000000e-01 : f32
    %mul3A_1632 = vector.broadcast %mul3A_1631 : f32 to vector<128x1280xf32>
    %mul3A_1633 = arith.mulf %mul3A_1632, %dot_general3A_1630 : vector<128x1280xf32>
    %tanh3A_1634 = math.tanh %mul3A_1633 : vector<128x1280xf32>
    %mul3A_1635 = arith.mulf %mul3A_1633, %tanh3A_1634 : vector<128x1280xf32>
    %add3A_1636 = arith.addf %mul3A_1635, %mul3A_1633 : vector<128x1280xf32>
    %get3A_1637 = arith.constant 1 : index
    %get3A_1638 = arith.constant 3 : index
    %get3A_1639 = arith.constant 0 : index
    %get3A_1640 = arith.constant 0 : index
    %get3A_1641 = vector.load %arg5[%get3A_1637, %get3A_1638, %get3A_1639, %get3A_1640] : memref<2x4x128x128xf32, #tpu.memory_space<vmem>>, vector<1x1x128x128xf32>
    %get3A_1642 = vector.shape_cast %get3A_1641 : vector<1x1x128x128xf32> to vector<128x128xf32>
    %dot_general3A_1643 = arith.constant dense<0.000000e+00> : vector<128x1280xf32>
    %dot_general3A_1644 = tpu.matmul %get3A_1642, %add3A_1636, %dot_general3A_1643 {dimension_numbers = #tpu.dot_dimension_numbers<[1], [0], [0], [1], [0, 0, 1, 1], [], []>, transpose_lhs_hint = false} : vector<128x128xf32>, vector<128x1280xf32>, vector<128x1280xf32> -> vector<128x1280xf32>
    %mul3A_1645 = arith.constant 5.000000e-01 : f32
    %mul3A_1646 = vector.broadcast %mul3A_1645 : f32 to vector<128x1280xf32>
    %mul3A_1647 = arith.mulf %mul3A_1646, %dot_general3A_1644 : vector<128x1280xf32>
    %tanh3A_1648 = math.tanh %mul3A_1647 : vector<128x1280xf32>
    %mul3A_1649 = arith.mulf %mul3A_1647, %tanh3A_1648 : vector<128x1280xf32>
    %add3A_1650 = arith.addf %mul3A_1649, %mul3A_1647 : vector<128x1280xf32>
    %get3A_1651 = arith.constant 3 : index
    %get3A_1652 = arith.constant 0 : index
    %get3A_1653 = arith.constant 0 : index
    %get3A_1654 = vector.load %arg6[%get3A_1651, %get3A_1652, %get3A_1653] : memref<4x80x128xf32, #tpu.memory_space<vmem>>, vector<1x80x128xf32>
    %get3A_1655 = vector.shape_cast %get3A_1654 : vector<1x80x128xf32> to vector<80x128xf32>
    %dot_general3A_1656 = arith.constant dense<0.000000e+00> : vector<80x1280xf32>
    %dot_general3A_1657 = tpu.matmul %get3A_1655, %add3A_1650, %dot_general3A_1656 {dimension_numbers = #tpu.dot_dimension_numbers<[1], [0], [0], [1], [0, 0, 1, 1], [], []>, transpose_lhs_hint = false} : vector<80x128xf32>, vector<128x1280xf32>, vector<80x1280xf32> -> vector<80x1280xf32>
    %slice3A_1658 = vector.extract_strided_slice %dot_general3A_1657 {offsets = [0, 0], sizes = [20, 1280], strides = [1, 1]} : vector<80x1280xf32> to vector<20x1280xf32>
    %slice3A_1659 = vector.extract_strided_slice %slice3A_1658 {offsets = [0, 0], sizes = [20, 128], strides = [1, 1]} : vector<20x1280xf32> to vector<20x128xf32>
    %swap3A_1660 = arith.constant 0 : index
    %swap3A_1661 = arith.constant 0 : index
    %swap3A_1662 = arith.constant 3 : index
    %swap3A_1663 = arith.constant 0 : index
    %swap3A_1664 = vector.load %arg8[%swap3A_1660, %swap3A_1661, %swap3A_1662, %swap3A_1663] : memref<20x5x8x128xf32, #tpu.memory_space<vmem>>, vector<20x1x1x128xf32>
    %swap3A_1665 = vector.shape_cast %swap3A_1664 : vector<20x1x1x128xf32> to vector<20x128xf32>
    %swap3A_1666 = vector.shape_cast %slice3A_1659 : vector<20x128xf32> to vector<20x1x1x128xf32>
    tpu.vector_store %arg8[%swap3A_1660, %swap3A_1661, %swap3A_1662, %swap3A_1663], %swap3A_1666 {strides = array<i32>} : memref<20x5x8x128xf32, #tpu.memory_space<vmem>>, vector<20x1x1x128xf32>,
    %slice3A_1667 = vector.extract_strided_slice %slice3A_1658 {offsets = [0, 128], sizes = [20, 128], strides = [1, 1]} : vector<20x1280xf32> to vector<20x128xf32>
    %swap3A_1668 = arith.constant 0 : index
    %swap3A_1669 = arith.constant 0 : index
    %swap3A_1670 = arith.constant 7 : index
    %swap3A_1671 = arith.constant 0 : index
    %swap3A_1672 = vector.load %arg8[%swap3A_1668, %swap3A_1669, %swap3A_1670, %swap3A_1671] : memref<20x5x8x128xf32, #tpu.memory_space<vmem>>, vector<20x1x1x128xf32>
    %swap3A_1673 = vector.shape_cast %swap3A_1672 : vector<20x1x1x128xf32> to vector<20x128xf32>
    %swap3A_1674 = vector.shape_cast %slice3A_1667 : vector<20x128xf32> to vector<20x1x1x128xf32>
    tpu.vector_store %arg8[%swap3A_1668, %swap3A_1669, %swap3A_1670, %swap3A_1671], %swap3A_1674 {strides = array<i32>} : memref<20x5x8x128xf32, #tpu.memory_space<vmem>>, vector<20x1x1x128xf32>,
    %slice3A_1675 = vector.extract_strided_slice %slice3A_1658 {offsets = [0, 256], sizes = [20, 128], strides = [1, 1]} : vector<20x1280xf32> to vector<20x128xf32>
    %swap3A_1676 = arith.constant 0 : index
    %swap3A_1677 = arith.constant 1 : index
    %swap3A_1678 = arith.constant 3 : index
    %swap3A_1679 = arith.constant 0 : index
    %swap3A_1680 = vector.load %arg8[%swap3A_1676, %swap3A_1677, %swap3A_1678, %swap3A_1679] : memref<20x5x8x128xf32, #tpu.memory_space<vmem>>, vector<20x1x1x128xf32>
    %swap3A_1681 = vector.shape_cast %swap3A_1680 : vector<20x1x1x128xf32> to vector<20x128xf32>
    %swap3A_1682 = vector.shape_cast %slice3A_1675 : vector<20x128xf32> to vector<20x1x1x128xf32>
    tpu.vector_store %arg8[%swap3A_1676, %swap3A_1677, %swap3A_1678, %swap3A_1679], %swap3A_1682 {strides = array<i32>} : memref<20x5x8x128xf32, #tpu.memory_space<vmem>>, vector<20x1x1x128xf32>,
    %slice3A_1683 = vector.extract_strided_slice %slice3A_1658 {offsets = [0, 384], sizes = [20, 128], strides = [1, 1]} : vector<20x1280xf32> to vector<20x128xf32>
    %swap3A_1684 = arith.constant 0 : index
    %swap3A_1685 = arith.constant 1 : index
    %swap3A_1686 = arith.constant 7 : index
    %swap3A_1687 = arith.constant 0 : index
    %swap3A_1688 = vector.load %arg8[%swap3A_1684, %swap3A_1685, %swap3A_1686, %swap3A_1687] : memref<20x5x8x128xf32, #tpu.memory_space<vmem>>, vector<20x1x1x128xf32>
    %swap3A_1689 = vector.shape_cast %swap3A_1688 : vector<20x1x1x128xf32> to vector<20x128xf32>
    %swap3A_1690 = vector.shape_cast %slice3A_1683 : vector<20x128xf32> to vector<20x1x1x128xf32>
    tpu.vector_store %arg8[%swap3A_1684, %swap3A_1685, %swap3A_1686, %swap3A_1687], %swap3A_1690 {strides = array<i32>} : memref<20x5x8x128xf32, #tpu.memory_space<vmem>>, vector<20x1x1x128xf32>,
    %slice3A_1691 = vector.extract_strided_slice %slice3A_1658 {offsets = [0, 512], sizes = [20, 128], strides = [1, 1]} : vector<20x1280xf32> to vector<20x128xf32>
    %swap3A_1692 = arith.constant 0 : index
    %swap3A_1693 = arith.constant 2 : index
    %swap3A_1694 = arith.constant 3 : index
    %swap3A_1695 = arith.constant 0 : index
    %swap3A_1696 = vector.load %arg8[%swap3A_1692, %swap3A_1693, %swap3A_1694, %swap3A_1695] : memref<20x5x8x128xf32, #tpu.memory_space<vmem>>, vector<20x1x1x128xf32>
    %swap3A_1697 = vector.shape_cast %swap3A_1696 : vector<20x1x1x128xf32> to vector<20x128xf32>
    %swap3A_1698 = vector.shape_cast %slice3A_1691 : vector<20x128xf32> to vector<20x1x1x128xf32>
    tpu.vector_store %arg8[%swap3A_1692, %swap3A_1693, %swap3A_1694, %swap3A_1695], %swap3A_1698 {strides = array<i32>} : memref<20x5x8x128xf32, #tpu.memory_space<vmem>>, vector<20x1x1x128xf32>,
    %slice3A_1699 = vector.extract_strided_slice %slice3A_1658 {offsets = [0, 640], sizes = [20, 128], strides = [1, 1]} : vector<20x1280xf32> to vector<20x128xf32>
    %swap3A_1700 = arith.constant 0 : index
    %swap3A_1701 = arith.constant 2 : index
    %swap3A_1702 = arith.constant 7 : index
    %swap3A_1703 = arith.constant 0 : index
    %swap3A_1704 = vector.load %arg8[%swap3A_1700, %swap3A_1701, %swap3A_1702, %swap3A_1703] : memref<20x5x8x128xf32, #tpu.memory_space<vmem>>, vector<20x1x1x128xf32>
    %swap3A_1705 = vector.shape_cast %swap3A_1704 : vector<20x1x1x128xf32> to vector<20x128xf32>
    %swap3A_1706 = vector.shape_cast %slice3A_1699 : vector<20x128xf32> to vector<20x1x1x128xf32>
    tpu.vector_store %arg8[%swap3A_1700, %swap3A_1701, %swap3A_1702, %swap3A_1703], %swap3A_1706 {strides = array<i32>} : memref<20x5x8x128xf32, #tpu.memory_space<vmem>>, vector<20x1x1x128xf32>,
    %slice3A_1707 = vector.extract_strided_slice %slice3A_1658 {offsets = [0, 768], sizes = [20, 128], strides = [1, 1]} : vector<20x1280xf32> to vector<20x128xf32>
    %swap3A_1708 = arith.constant 0 : index
    %swap3A_1709 = arith.constant 3 : index
    %swap3A_1710 = arith.constant 3 : index
    %swap3A_1711 = arith.constant 0 : index
    %swap3A_1712 = vector.load %arg8[%swap3A_1708, %swap3A_1709, %swap3A_1710, %swap3A_1711] : memref<20x5x8x128xf32, #tpu.memory_space<vmem>>, vector<20x1x1x128xf32>
    %swap3A_1713 = vector.shape_cast %swap3A_1712 : vector<20x1x1x128xf32> to vector<20x128xf32>
    %swap3A_1714 = vector.shape_cast %slice3A_1707 : vector<20x128xf32> to vector<20x1x1x128xf32>
    tpu.vector_store %arg8[%swap3A_1708, %swap3A_1709, %swap3A_1710, %swap3A_1711], %swap3A_1714 {strides = array<i32>} : memref<20x5x8x128xf32, #tpu.memory_space<vmem>>, vector<20x1x1x128xf32>,
    %slice3A_1715 = vector.extract_strided_slice %slice3A_1658 {offsets = [0, 896], sizes = [20, 128], strides = [1, 1]} : vector<20x1280xf32> to vector<20x128xf32>
    %swap3A_1716 = arith.constant 0 : index
    %swap3A_1717 = arith.constant 3 : index
    %swap3A_1718 = arith.constant 7 : index
    %swap3A_1719 = arith.constant 0 : index
    %swap3A_1720 = vector.load %arg8[%swap3A_1716, %swap3A_1717, %swap3A_1718, %swap3A_1719] : memref<20x5x8x128xf32, #tpu.memory_space<vmem>>, vector<20x1x1x128xf32>
    %swap3A_1721 = vector.shape_cast %swap3A_1720 : vector<20x1x1x128xf32> to vector<20x128xf32>
    %swap3A_1722 = vector.shape_cast %slice3A_1715 : vector<20x128xf32> to vector<20x1x1x128xf32>
    tpu.vector_store %arg8[%swap3A_1716, %swap3A_1717, %swap3A_1718, %swap3A_1719], %swap3A_1722 {strides = array<i32>} : memref<20x5x8x128xf32, #tpu.memory_space<vmem>>, vector<20x1x1x128xf32>,
    %slice3A_1723 = vector.extract_strided_slice %slice3A_1658 {offsets = [0, 1024], sizes = [20, 128], strides = [1, 1]} : vector<20x1280xf32> to vector<20x128xf32>
    %swap3A_1724 = arith.constant 0 : index
    %swap3A_1725 = arith.constant 4 : index
    %swap3A_1726 = arith.constant 3 : index
    %swap3A_1727 = arith.constant 0 : index
    %swap3A_1728 = vector.load %arg8[%swap3A_1724, %swap3A_1725, %swap3A_1726, %swap3A_1727] : memref<20x5x8x128xf32, #tpu.memory_space<vmem>>, vector<20x1x1x128xf32>
    %swap3A_1729 = vector.shape_cast %swap3A_1728 : vector<20x1x1x128xf32> to vector<20x128xf32>
    %swap3A_1730 = vector.shape_cast %slice3A_1723 : vector<20x128xf32> to vector<20x1x1x128xf32>
    tpu.vector_store %arg8[%swap3A_1724, %swap3A_1725, %swap3A_1726, %swap3A_1727], %swap3A_1730 {strides = array<i32>} : memref<20x5x8x128xf32, #tpu.memory_space<vmem>>, vector<20x1x1x128xf32>,
    %slice3A_1731 = vector.extract_strided_slice %slice3A_1658 {offsets = [0, 1152], sizes = [20, 128], strides = [1, 1]} : vector<20x1280xf32> to vector<20x128xf32>
    %swap3A_1732 = arith.constant 0 : index
    %swap3A_1733 = arith.constant 4 : index
    %swap3A_1734 = arith.constant 7 : index
    %swap3A_1735 = arith.constant 0 : index
    %swap3A_1736 = vector.load %arg8[%swap3A_1732, %swap3A_1733, %swap3A_1734, %swap3A_1735] : memref<20x5x8x128xf32, #tpu.memory_space<vmem>>, vector<20x1x1x128xf32>
    %swap3A_1737 = vector.shape_cast %swap3A_1736 : vector<20x1x1x128xf32> to vector<20x128xf32>
    %swap3A_1738 = vector.shape_cast %slice3A_1731 : vector<20x128xf32> to vector<20x1x1x128xf32>
    tpu.vector_store %arg8[%swap3A_1732, %swap3A_1733, %swap3A_1734, %swap3A_1735], %swap3A_1738 {strides = array<i32>} : memref<20x5x8x128xf32, #tpu.memory_space<vmem>>, vector<20x1x1x128xf32>,
    %slice3A_1739 = vector.extract_strided_slice %dot_general3A_1657 {offsets = [24, 0], sizes = [18, 1280], strides = [1, 1]} : vector<80x1280xf32> to vector<18x1280xf32>
    %slice3A_1740 = vector.extract_strided_slice %slice3A_1739 {offsets = [0, 0], sizes = [18, 128], strides = [1, 1]} : vector<18x1280xf32> to vector<18x128xf32>
    %swap3A_1741 = arith.constant 0 : index
    %swap3A_1742 = arith.constant 0 : index
    %swap3A_1743 = arith.constant 3 : index
    %swap3A_1744 = arith.constant 0 : index
    %swap3A_1745 = vector.load %arg9[%swap3A_1741, %swap3A_1742, %swap3A_1743, %swap3A_1744] : memref<18x5x8x128xf32, #tpu.memory_space<vmem>>, vector<18x1x1x128xf32>
    %swap3A_1746 = vector.shape_cast %swap3A_1745 : vector<18x1x1x128xf32> to vector<18x128xf32>
    %swap3A_1747 = vector.shape_cast %slice3A_1740 : vector<18x128xf32> to vector<18x1x1x128xf32>
    tpu.vector_store %arg9[%swap3A_1741, %swap3A_1742, %swap3A_1743, %swap3A_1744], %swap3A_1747 {strides = array<i32>} : memref<18x5x8x128xf32, #tpu.memory_space<vmem>>, vector<18x1x1x128xf32>,
    %slice3A_1748 = vector.extract_strided_slice %slice3A_1739 {offsets = [0, 128], sizes = [18, 128], strides = [1, 1]} : vector<18x1280xf32> to vector<18x128xf32>
    %swap3A_1749 = arith.constant 0 : index
    %swap3A_1750 = arith.constant 0 : index
    %swap3A_1751 = arith.constant 7 : index
    %swap3A_1752 = arith.constant 0 : index
    %swap3A_1753 = vector.load %arg9[%swap3A_1749, %swap3A_1750, %swap3A_1751, %swap3A_1752] : memref<18x5x8x128xf32, #tpu.memory_space<vmem>>, vector<18x1x1x128xf32>
    %swap3A_1754 = vector.shape_cast %swap3A_1753 : vector<18x1x1x128xf32> to vector<18x128xf32>
    %swap3A_1755 = vector.shape_cast %slice3A_1748 : vector<18x128xf32> to vector<18x1x1x128xf32>
    tpu.vector_store %arg9[%swap3A_1749, %swap3A_1750, %swap3A_1751, %swap3A_1752], %swap3A_1755 {strides = array<i32>} : memref<18x5x8x128xf32, #tpu.memory_space<vmem>>, vector<18x1x1x128xf32>,
    %slice3A_1756 = vector.extract_strided_slice %slice3A_1739 {offsets = [0, 256], sizes = [18, 128], strides = [1, 1]} : vector<18x1280xf32> to vector<18x128xf32>
    %swap3A_1757 = arith.constant 0 : index
    %swap3A_1758 = arith.constant 1 : index
    %swap3A_1759 = arith.constant 3 : index
    %swap3A_1760 = arith.constant 0 : index
    %swap3A_1761 = vector.load %arg9[%swap3A_1757, %swap3A_1758, %swap3A_1759, %swap3A_1760] : memref<18x5x8x128xf32, #tpu.memory_space<vmem>>, vector<18x1x1x128xf32>
    %swap3A_1762 = vector.shape_cast %swap3A_1761 : vector<18x1x1x128xf32> to vector<18x128xf32>
    %swap3A_1763 = vector.shape_cast %slice3A_1756 : vector<18x128xf32> to vector<18x1x1x128xf32>
    tpu.vector_store %arg9[%swap3A_1757, %swap3A_1758, %swap3A_1759, %swap3A_1760], %swap3A_1763 {strides = array<i32>} : memref<18x5x8x128xf32, #tpu.memory_space<vmem>>, vector<18x1x1x128xf32>,
    %slice3A_1764 = vector.extract_strided_slice %slice3A_1739 {offsets = [0, 384], sizes = [18, 128], strides = [1, 1]} : vector<18x1280xf32> to vector<18x128xf32>
    %swap3A_1765 = arith.constant 0 : index
    %swap3A_1766 = arith.constant 1 : index
    %swap3A_1767 = arith.constant 7 : index
    %swap3A_1768 = arith.constant 0 : index
    %swap3A_1769 = vector.load %arg9[%swap3A_1765, %swap3A_1766, %swap3A_1767, %swap3A_1768] : memref<18x5x8x128xf32, #tpu.memory_space<vmem>>, vector<18x1x1x128xf32>
    %swap3A_1770 = vector.shape_cast %swap3A_1769 : vector<18x1x1x128xf32> to vector<18x128xf32>
    %swap3A_1771 = vector.shape_cast %slice3A_1764 : vector<18x128xf32> to vector<18x1x1x128xf32>
    tpu.vector_store %arg9[%swap3A_1765, %swap3A_1766, %swap3A_1767, %swap3A_1768], %swap3A_1771 {strides = array<i32>} : memref<18x5x8x128xf32, #tpu.memory_space<vmem>>, vector<18x1x1x128xf32>,
    %slice3A_1772 = vector.extract_strided_slice %slice3A_1739 {offsets = [0, 512], sizes = [18, 128], strides = [1, 1]} : vector<18x1280xf32> to vector<18x128xf32>
    %swap3A_1773 = arith.constant 0 : index
    %swap3A_1774 = arith.constant 2 : index
    %swap3A_1775 = arith.constant 3 : index
    %swap3A_1776 = arith.constant 0 : index
    %swap3A_1777 = vector.load %arg9[%swap3A_1773, %swap3A_1774, %swap3A_1775, %swap3A_1776] : memref<18x5x8x128xf32, #tpu.memory_space<vmem>>, vector<18x1x1x128xf32>
    %swap3A_1778 = vector.shape_cast %swap3A_1777 : vector<18x1x1x128xf32> to vector<18x128xf32>
    %swap3A_1779 = vector.shape_cast %slice3A_1772 : vector<18x128xf32> to vector<18x1x1x128xf32>
    tpu.vector_store %arg9[%swap3A_1773, %swap3A_1774, %swap3A_1775, %swap3A_1776], %swap3A_1779 {strides = array<i32>} : memref<18x5x8x128xf32, #tpu.memory_space<vmem>>, vector<18x1x1x128xf32>,
    %slice3A_1780 = vector.extract_strided_slice %slice3A_1739 {offsets = [0, 640], sizes = [18, 128], strides = [1, 1]} : vector<18x1280xf32> to vector<18x128xf32>
    %swap3A_1781 = arith.constant 0 : index
    %swap3A_1782 = arith.constant 2 : index
    %swap3A_1783 = arith.constant 7 : index
    %swap3A_1784 = arith.constant 0 : index
    %swap3A_1785 = vector.load %arg9[%swap3A_1781, %swap3A_1782, %swap3A_1783, %swap3A_1784] : memref<18x5x8x128xf32, #tpu.memory_space<vmem>>, vector<18x1x1x128xf32>
    %swap3A_1786 = vector.shape_cast %swap3A_1785 : vector<18x1x1x128xf32> to vector<18x128xf32>
    %swap3A_1787 = vector.shape_cast %slice3A_1780 : vector<18x128xf32> to vector<18x1x1x128xf32>
    tpu.vector_store %arg9[%swap3A_1781, %swap3A_1782, %swap3A_1783, %swap3A_1784], %swap3A_1787 {strides = array<i32>} : memref<18x5x8x128xf32, #tpu.memory_space<vmem>>, vector<18x1x1x128xf32>,
    %slice3A_1788 = vector.extract_strided_slice %slice3A_1739 {offsets = [0, 768], sizes = [18, 128], strides = [1, 1]} : vector<18x1280xf32> to vector<18x128xf32>
    %swap3A_1789 = arith.constant 0 : index
    %swap3A_1790 = arith.constant 3 : index
    %swap3A_1791 = arith.constant 3 : index
    %swap3A_1792 = arith.constant 0 : index
    %swap3A_1793 = vector.load %arg9[%swap3A_1789, %swap3A_1790, %swap3A_1791, %swap3A_1792] : memref<18x5x8x128xf32, #tpu.memory_space<vmem>>, vector<18x1x1x128xf32>
    %swap3A_1794 = vector.shape_cast %swap3A_1793 : vector<18x1x1x128xf32> to vector<18x128xf32>
    %swap3A_1795 = vector.shape_cast %slice3A_1788 : vector<18x128xf32> to vector<18x1x1x128xf32>
    tpu.vector_store %arg9[%swap3A_1789, %swap3A_1790, %swap3A_1791, %swap3A_1792], %swap3A_1795 {strides = array<i32>} : memref<18x5x8x128xf32, #tpu.memory_space<vmem>>, vector<18x1x1x128xf32>,
    %slice3A_1796 = vector.extract_strided_slice %slice3A_1739 {offsets = [0, 896], sizes = [18, 128], strides = [1, 1]} : vector<18x1280xf32> to vector<18x128xf32>
    %swap3A_1797 = arith.constant 0 : index
    %swap3A_1798 = arith.constant 3 : index
    %swap3A_1799 = arith.constant 7 : index
    %swap3A_1800 = arith.constant 0 : index
    %swap3A_1801 = vector.load %arg9[%swap3A_1797, %swap3A_1798, %swap3A_1799, %swap3A_1800] : memref<18x5x8x128xf32, #tpu.memory_space<vmem>>, vector<18x1x1x128xf32>
    %swap3A_1802 = vector.shape_cast %swap3A_1801 : vector<18x1x1x128xf32> to vector<18x128xf32>
    %swap3A_1803 = vector.shape_cast %slice3A_1796 : vector<18x128xf32> to vector<18x1x1x128xf32>
    tpu.vector_store %arg9[%swap3A_1797, %swap3A_1798, %swap3A_1799, %swap3A_1800], %swap3A_1803 {strides = array<i32>} : memref<18x5x8x128xf32, #tpu.memory_space<vmem>>, vector<18x1x1x128xf32>,
    %slice3A_1804 = vector.extract_strided_slice %slice3A_1739 {offsets = [0, 1024], sizes = [18, 128], strides = [1, 1]} : vector<18x1280xf32> to vector<18x128xf32>
    %swap3A_1805 = arith.constant 0 : index
    %swap3A_1806 = arith.constant 4 : index
    %swap3A_1807 = arith.constant 3 : index
    %swap3A_1808 = arith.constant 0 : index
    %swap3A_1809 = vector.load %arg9[%swap3A_1805, %swap3A_1806, %swap3A_1807, %swap3A_1808] : memref<18x5x8x128xf32, #tpu.memory_space<vmem>>, vector<18x1x1x128xf32>
    %swap3A_1810 = vector.shape_cast %swap3A_1809 : vector<18x1x1x128xf32> to vector<18x128xf32>
    %swap3A_1811 = vector.shape_cast %slice3A_1804 : vector<18x128xf32> to vector<18x1x1x128xf32>
    tpu.vector_store %arg9[%swap3A_1805, %swap3A_1806, %swap3A_1807, %swap3A_1808], %swap3A_1811 {strides = array<i32>} : memref<18x5x8x128xf32, #tpu.memory_space<vmem>>, vector<18x1x1x128xf32>,
    %slice3A_1812 = vector.extract_strided_slice %slice3A_1739 {offsets = [0, 1152], sizes = [18, 128], strides = [1, 1]} : vector<18x1280xf32> to vector<18x128xf32>
    %swap3A_1813 = arith.constant 0 : index
    %swap3A_1814 = arith.constant 4 : index
    %swap3A_1815 = arith.constant 7 : index
    %swap3A_1816 = arith.constant 0 : index
    %swap3A_1817 = vector.load %arg9[%swap3A_1813, %swap3A_1814, %swap3A_1815, %swap3A_1816] : memref<18x5x8x128xf32, #tpu.memory_space<vmem>>, vector<18x1x1x128xf32>
    %swap3A_1818 = vector.shape_cast %swap3A_1817 : vector<18x1x1x128xf32> to vector<18x128xf32>
    %swap3A_1819 = vector.shape_cast %slice3A_1812 : vector<18x128xf32> to vector<18x1x1x128xf32>
    tpu.vector_store %arg9[%swap3A_1813, %swap3A_1814, %swap3A_1815, %swap3A_1816], %swap3A_1819 {strides = array<i32>} : memref<18x5x8x128xf32, #tpu.memory_space<vmem>>, vector<18x1x1x128xf32>,
    %slice3A_1820 = vector.extract_strided_slice %dot_general3A_1657 {offsets = [48, 0], sizes = [16, 1280], strides = [1, 1]} : vector<80x1280xf32> to vector<16x1280xf32>
    %slice3A_1821 = vector.extract_strided_slice %slice3A_1820 {offsets = [0, 0], sizes = [8, 128], strides = [1, 1]} : vector<16x1280xf32> to vector<8x128xf32>
    %swap3A_1822 = arith.constant 3 : index
    %swap3A_1823 = arith.constant 0 : index
    %swap3A_1824 = arith.constant 0 : index
    %swap3A_1825 = arith.constant 0 : index
    %swap3A_1826 = arith.constant 0 : index
    %swap3A_1827 = vector.load %arg10[%swap3A_1822, %swap3A_1823, %swap3A_1824, %swap3A_1825, %swap3A_1826] : memref<4x2x10x8x128xf32, #tpu.memory_space<vmem>>, vector<1x1x1x8x128xf32>
    %swap3A_1828 = vector.shape_cast %swap3A_1827 : vector<1x1x1x8x128xf32> to vector<8x128xf32>
    %swap3A_1829 = vector.shape_cast %slice3A_1821 : vector<8x128xf32> to vector<1x1x1x8x128xf32>
    tpu.vector_store %arg10[%swap3A_1822, %swap3A_1823, %swap3A_1824, %swap3A_1825, %swap3A_1826], %swap3A_1829 {strides = array<i32>} : memref<4x2x10x8x128xf32, #tpu.memory_space<vmem>>, vector<1x1x1x8x128xf32>,
    %slice3A_1830 = vector.extract_strided_slice %slice3A_1820 {offsets = [0, 128], sizes = [8, 128], strides = [1, 1]} : vector<16x1280xf32> to vector<8x128xf32>
    %swap3A_1831 = arith.constant 3 : index
    %swap3A_1832 = arith.constant 0 : index
    %swap3A_1833 = arith.constant 1 : index
    %swap3A_1834 = arith.constant 0 : index
    %swap3A_1835 = arith.constant 0 : index
    %swap3A_1836 = vector.load %arg10[%swap3A_1831, %swap3A_1832, %swap3A_1833, %swap3A_1834, %swap3A_1835] : memref<4x2x10x8x128xf32, #tpu.memory_space<vmem>>, vector<1x1x1x8x128xf32>
    %swap3A_1837 = vector.shape_cast %swap3A_1836 : vector<1x1x1x8x128xf32> to vector<8x128xf32>
    %swap3A_1838 = vector.shape_cast %slice3A_1830 : vector<8x128xf32> to vector<1x1x1x8x128xf32>
    tpu.vector_store %arg10[%swap3A_1831, %swap3A_1832, %swap3A_1833, %swap3A_1834, %swap3A_1835], %swap3A_1838 {strides = array<i32>} : memref<4x2x10x8x128xf32, #tpu.memory_space<vmem>>, vector<1x1x1x8x128xf32>,
    %slice3A_1839 = vector.extract_strided_slice %slice3A_1820 {offsets = [0, 256], sizes = [8, 128], strides = [1, 1]} : vector<16x1280xf32> to vector<8x128xf32>
    %swap3A_1840 = arith.constant 3 : index
    %swap3A_1841 = arith.constant 0 : index
    %swap3A_1842 = arith.constant 2 : index
    %swap3A_1843 = arith.constant 0 : index
    %swap3A_1844 = arith.constant 0 : index
    %swap3A_1845 = vector.load %arg10[%swap3A_1840, %swap3A_1841, %swap3A_1842, %swap3A_1843, %swap3A_1844] : memref<4x2x10x8x128xf32, #tpu.memory_space<vmem>>, vector<1x1x1x8x128xf32>
    %swap3A_1846 = vector.shape_cast %swap3A_1845 : vector<1x1x1x8x128xf32> to vector<8x128xf32>
    %swap3A_1847 = vector.shape_cast %slice3A_1839 : vector<8x128xf32> to vector<1x1x1x8x128xf32>
    tpu.vector_store %arg10[%swap3A_1840, %swap3A_1841, %swap3A_1842, %swap3A_1843, %swap3A_1844], %swap3A_1847 {strides = array<i32>} : memref<4x2x10x8x128xf32, #tpu.memory_space<vmem>>, vector<1x1x1x8x128xf32>,
    %slice3A_1848 = vector.extract_strided_slice %slice3A_1820 {offsets = [0, 384], sizes = [8, 128], strides = [1, 1]} : vector<16x1280xf32> to vector<8x128xf32>
    %swap3A_1849 = arith.constant 3 : index
    %swap3A_1850 = arith.constant 0 : index
    %swap3A_1851 = arith.constant 3 : index
    %swap3A_1852 = arith.constant 0 : index
    %swap3A_1853 = arith.constant 0 : index
    %swap3A_1854 = vector.load %arg10[%swap3A_1849, %swap3A_1850, %swap3A_1851, %swap3A_1852, %swap3A_1853] : memref<4x2x10x8x128xf32, #tpu.memory_space<vmem>>, vector<1x1x1x8x128xf32>
    %swap3A_1855 = vector.shape_cast %swap3A_1854 : vector<1x1x1x8x128xf32> to vector<8x128xf32>
    %swap3A_1856 = vector.shape_cast %slice3A_1848 : vector<8x128xf32> to vector<1x1x1x8x128xf32>
    tpu.vector_store %arg10[%swap3A_1849, %swap3A_1850, %swap3A_1851, %swap3A_1852, %swap3A_1853], %swap3A_1856 {strides = array<i32>} : memref<4x2x10x8x128xf32, #tpu.memory_space<vmem>>, vector<1x1x1x8x128xf32>,
    %slice3A_1857 = vector.extract_strided_slice %slice3A_1820 {offsets = [0, 512], sizes = [8, 128], strides = [1, 1]} : vector<16x1280xf32> to vector<8x128xf32>
    %swap3A_1858 = arith.constant 3 : index
    %swap3A_1859 = arith.constant 0 : index
    %swap3A_1860 = arith.constant 4 : index
    %swap3A_1861 = arith.constant 0 : index
    %swap3A_1862 = arith.constant 0 : index
    %swap3A_1863 = vector.load %arg10[%swap3A_1858, %swap3A_1859, %swap3A_1860, %swap3A_1861, %swap3A_1862] : memref<4x2x10x8x128xf32, #tpu.memory_space<vmem>>, vector<1x1x1x8x128xf32>
    %swap3A_1864 = vector.shape_cast %swap3A_1863 : vector<1x1x1x8x128xf32> to vector<8x128xf32>
    %swap3A_1865 = vector.shape_cast %slice3A_1857 : vector<8x128xf32> to vector<1x1x1x8x128xf32>
    tpu.vector_store %arg10[%swap3A_1858, %swap3A_1859, %swap3A_1860, %swap3A_1861, %swap3A_1862], %swap3A_1865 {strides = array<i32>} : memref<4x2x10x8x128xf32, #tpu.memory_space<vmem>>, vector<1x1x1x8x128xf32>,
    %slice3A_1866 = vector.extract_strided_slice %slice3A_1820 {offsets = [0, 640], sizes = [8, 128], strides = [1, 1]} : vector<16x1280xf32> to vector<8x128xf32>
    %swap3A_1867 = arith.constant 3 : index
    %swap3A_1868 = arith.constant 0 : index
    %swap3A_1869 = arith.constant 5 : index
    %swap3A_1870 = arith.constant 0 : index
    %swap3A_1871 = arith.constant 0 : index
    %swap3A_1872 = vector.load %arg10[%swap3A_1867, %swap3A_1868, %swap3A_1869, %swap3A_1870, %swap3A_1871] : memref<4x2x10x8x128xf32, #tpu.memory_space<vmem>>, vector<1x1x1x8x128xf32>
    %swap3A_1873 = vector.shape_cast %swap3A_1872 : vector<1x1x1x8x128xf32> to vector<8x128xf32>
    %swap3A_1874 = vector.shape_cast %slice3A_1866 : vector<8x128xf32> to vector<1x1x1x8x128xf32>
    tpu.vector_store %arg10[%swap3A_1867, %swap3A_1868, %swap3A_1869, %swap3A_1870, %swap3A_1871], %swap3A_1874 {strides = array<i32>} : memref<4x2x10x8x128xf32, #tpu.memory_space<vmem>>, vector<1x1x1x8x128xf32>,
    %slice3A_1875 = vector.extract_strided_slice %slice3A_1820 {offsets = [0, 768], sizes = [8, 128], strides = [1, 1]} : vector<16x1280xf32> to vector<8x128xf32>
    %swap3A_1876 = arith.constant 3 : index
    %swap3A_1877 = arith.constant 0 : index
    %swap3A_1878 = arith.constant 6 : index
    %swap3A_1879 = arith.constant 0 : index
    %swap3A_1880 = arith.constant 0 : index
    %swap3A_1881 = vector.load %arg10[%swap3A_1876, %swap3A_1877, %swap3A_1878, %swap3A_1879, %swap3A_1880] : memref<4x2x10x8x128xf32, #tpu.memory_space<vmem>>, vector<1x1x1x8x128xf32>
    %swap3A_1882 = vector.shape_cast %swap3A_1881 : vector<1x1x1x8x128xf32> to vector<8x128xf32>
    %swap3A_1883 = vector.shape_cast %slice3A_1875 : vector<8x128xf32> to vector<1x1x1x8x128xf32>
    tpu.vector_store %arg10[%swap3A_1876, %swap3A_1877, %swap3A_1878, %swap3A_1879, %swap3A_1880], %swap3A_1883 {strides = array<i32>} : memref<4x2x10x8x128xf32, #tpu.memory_space<vmem>>, vector<1x1x1x8x128xf32>,
    %slice3A_1884 = vector.extract_strided_slice %slice3A_1820 {offsets = [0, 896], sizes = [8, 128], strides = [1, 1]} : vector<16x1280xf32> to vector<8x128xf32>
    %swap3A_1885 = arith.constant 3 : index
    %swap3A_1886 = arith.constant 0 : index
    %swap3A_1887 = arith.constant 7 : index
    %swap3A_1888 = arith.constant 0 : index
    %swap3A_1889 = arith.constant 0 : index
    %swap3A_1890 = vector.load %arg10[%swap3A_1885, %swap3A_1886, %swap3A_1887, %swap3A_1888, %swap3A_1889] : memref<4x2x10x8x128xf32, #tpu.memory_space<vmem>>, vector<1x1x1x8x128xf32>
    %swap3A_1891 = vector.shape_cast %swap3A_1890 : vector<1x1x1x8x128xf32> to vector<8x128xf32>
    %swap3A_1892 = vector.shape_cast %slice3A_1884 : vector<8x128xf32> to vector<1x1x1x8x128xf32>
    tpu.vector_store %arg10[%swap3A_1885, %swap3A_1886, %swap3A_1887, %swap3A_1888, %swap3A_1889], %swap3A_1892 {strides = array<i32>} : memref<4x2x10x8x128xf32, #tpu.memory_space<vmem>>, vector<1x1x1x8x128xf32>,
    %slice3A_1893 = vector.extract_strided_slice %slice3A_1820 {offsets = [0, 1024], sizes = [8, 128], strides = [1, 1]} : vector<16x1280xf32> to vector<8x128xf32>
    %swap3A_1894 = arith.constant 3 : index
    %swap3A_1895 = arith.constant 0 : index
    %swap3A_1896 = arith.constant 8 : index
    %swap3A_1897 = arith.constant 0 : index
    %swap3A_1898 = arith.constant 0 : index
    %swap3A_1899 = vector.load %arg10[%swap3A_1894, %swap3A_1895, %swap3A_1896, %swap3A_1897, %swap3A_1898] : memref<4x2x10x8x128xf32, #tpu.memory_space<vmem>>, vector<1x1x1x8x128xf32>
    %swap3A_1900 = vector.shape_cast %swap3A_1899 : vector<1x1x1x8x128xf32> to vector<8x128xf32>
    %swap3A_1901 = vector.shape_cast %slice3A_1893 : vector<8x128xf32> to vector<1x1x1x8x128xf32>
    tpu.vector_store %arg10[%swap3A_1894, %swap3A_1895, %swap3A_1896, %swap3A_1897, %swap3A_1898], %swap3A_1901 {strides = array<i32>} : memref<4x2x10x8x128xf32, #tpu.memory_space<vmem>>, vector<1x1x1x8x128xf32>,
    %slice3A_1902 = vector.extract_strided_slice %slice3A_1820 {offsets = [0, 1152], sizes = [8, 128], strides = [1, 1]} : vector<16x1280xf32> to vector<8x128xf32>
    %swap3A_1903 = arith.constant 3 : index
    %swap3A_1904 = arith.constant 0 : index
    %swap3A_1905 = arith.constant 9 : index
    %swap3A_1906 = arith.constant 0 : index
    %swap3A_1907 = arith.constant 0 : index
    %swap3A_1908 = vector.load %arg10[%swap3A_1903, %swap3A_1904, %swap3A_1905, %swap3A_1906, %swap3A_1907] : memref<4x2x10x8x128xf32, #tpu.memory_space<vmem>>, vector<1x1x1x8x128xf32>
    %swap3A_1909 = vector.shape_cast %swap3A_1908 : vector<1x1x1x8x128xf32> to vector<8x128xf32>
    %swap3A_1910 = vector.shape_cast %slice3A_1902 : vector<8x128xf32> to vector<1x1x1x8x128xf32>
    tpu.vector_store %arg10[%swap3A_1903, %swap3A_1904, %swap3A_1905, %swap3A_1906, %swap3A_1907], %swap3A_1910 {strides = array<i32>} : memref<4x2x10x8x128xf32, #tpu.memory_space<vmem>>, vector<1x1x1x8x128xf32>,
    %slice3A_1911 = vector.extract_strided_slice %slice3A_1820 {offsets = [8, 0], sizes = [8, 128], strides = [1, 1]} : vector<16x1280xf32> to vector<8x128xf32>
    %swap3A_1912 = arith.constant 3 : index
    %swap3A_1913 = arith.constant 1 : index
    %swap3A_1914 = arith.constant 0 : index
    %swap3A_1915 = arith.constant 0 : index
    %swap3A_1916 = arith.constant 0 : index
    %swap3A_1917 = vector.load %arg10[%swap3A_1912, %swap3A_1913, %swap3A_1914, %swap3A_1915, %swap3A_1916] : memref<4x2x10x8x128xf32, #tpu.memory_space<vmem>>, vector<1x1x1x8x128xf32>
    %swap3A_1918 = vector.shape_cast %swap3A_1917 : vector<1x1x1x8x128xf32> to vector<8x128xf32>
    %swap3A_1919 = vector.shape_cast %slice3A_1911 : vector<8x128xf32> to vector<1x1x1x8x128xf32>
    tpu.vector_store %arg10[%swap3A_1912, %swap3A_1913, %swap3A_1914, %swap3A_1915, %swap3A_1916], %swap3A_1919 {strides = array<i32>} : memref<4x2x10x8x128xf32, #tpu.memory_space<vmem>>, vector<1x1x1x8x128xf32>,
    %slice3A_1920 = vector.extract_strided_slice %slice3A_1820 {offsets = [8, 128], sizes = [8, 128], strides = [1, 1]} : vector<16x1280xf32> to vector<8x128xf32>
    %swap3A_1921 = arith.constant 3 : index
    %swap3A_1922 = arith.constant 1 : index
    %swap3A_1923 = arith.constant 1 : index
    %swap3A_1924 = arith.constant 0 : index
    %swap3A_1925 = arith.constant 0 : index
    %swap3A_1926 = vector.load %arg10[%swap3A_1921, %swap3A_1922, %swap3A_1923, %swap3A_1924, %swap3A_1925] : memref<4x2x10x8x128xf32, #tpu.memory_space<vmem>>, vector<1x1x1x8x128xf32>
    %swap3A_1927 = vector.shape_cast %swap3A_1926 : vector<1x1x1x8x128xf32> to vector<8x128xf32>
    %swap3A_1928 = vector.shape_cast %slice3A_1920 : vector<8x128xf32> to vector<1x1x1x8x128xf32>
    tpu.vector_store %arg10[%swap3A_1921, %swap3A_1922, %swap3A_1923, %swap3A_1924, %swap3A_1925], %swap3A_1928 {strides = array<i32>} : memref<4x2x10x8x128xf32, #tpu.memory_space<vmem>>, vector<1x1x1x8x128xf32>,
    %slice3A_1929 = vector.extract_strided_slice %slice3A_1820 {offsets = [8, 256], sizes = [8, 128], strides = [1, 1]} : vector<16x1280xf32> to vector<8x128xf32>
    %swap3A_1930 = arith.constant 3 : index
    %swap3A_1931 = arith.constant 1 : index
    %swap3A_1932 = arith.constant 2 : index
    %swap3A_1933 = arith.constant 0 : index
    %swap3A_1934 = arith.constant 0 : index
    %swap3A_1935 = vector.load %arg10[%swap3A_1930, %swap3A_1931, %swap3A_1932, %swap3A_1933, %swap3A_1934] : memref<4x2x10x8x128xf32, #tpu.memory_space<vmem>>, vector<1x1x1x8x128xf32>
    %swap3A_1936 = vector.shape_cast %swap3A_1935 : vector<1x1x1x8x128xf32> to vector<8x128xf32>
    %swap3A_1937 = vector.shape_cast %slice3A_1929 : vector<8x128xf32> to vector<1x1x1x8x128xf32>
    tpu.vector_store %arg10[%swap3A_1930, %swap3A_1931, %swap3A_1932, %swap3A_1933, %swap3A_1934], %swap3A_1937 {strides = array<i32>} : memref<4x2x10x8x128xf32, #tpu.memory_space<vmem>>, vector<1x1x1x8x128xf32>,
    %slice3A_1938 = vector.extract_strided_slice %slice3A_1820 {offsets = [8, 384], sizes = [8, 128], strides = [1, 1]} : vector<16x1280xf32> to vector<8x128xf32>
    %swap3A_1939 = arith.constant 3 : index
    %swap3A_1940 = arith.constant 1 : index
    %swap3A_1941 = arith.constant 3 : index
    %swap3A_1942 = arith.constant 0 : index
    %swap3A_1943 = arith.constant 0 : index
    %swap3A_1944 = vector.load %arg10[%swap3A_1939, %swap3A_1940, %swap3A_1941, %swap3A_1942, %swap3A_1943] : memref<4x2x10x8x128xf32, #tpu.memory_space<vmem>>, vector<1x1x1x8x128xf32>
    %swap3A_1945 = vector.shape_cast %swap3A_1944 : vector<1x1x1x8x128xf32> to vector<8x128xf32>
    %swap3A_1946 = vector.shape_cast %slice3A_1938 : vector<8x128xf32> to vector<1x1x1x8x128xf32>
    tpu.vector_store %arg10[%swap3A_1939, %swap3A_1940, %swap3A_1941, %swap3A_1942, %swap3A_1943], %swap3A_1946 {strides = array<i32>} : memref<4x2x10x8x128xf32, #tpu.memory_space<vmem>>, vector<1x1x1x8x128xf32>,
    %slice3A_1947 = vector.extract_strided_slice %slice3A_1820 {offsets = [8, 512], sizes = [8, 128], strides = [1, 1]} : vector<16x1280xf32> to vector<8x128xf32>
    %swap3A_1948 = arith.constant 3 : index
    %swap3A_1949 = arith.constant 1 : index
    %swap3A_1950 = arith.constant 4 : index
    %swap3A_1951 = arith.constant 0 : index
    %swap3A_1952 = arith.constant 0 : index
    %swap3A_1953 = vector.load %arg10[%swap3A_1948, %swap3A_1949, %swap3A_1950, %swap3A_1951, %swap3A_1952] : memref<4x2x10x8x128xf32, #tpu.memory_space<vmem>>, vector<1x1x1x8x128xf32>
    %swap3A_1954 = vector.shape_cast %swap3A_1953 : vector<1x1x1x8x128xf32> to vector<8x128xf32>
    %swap3A_1955 = vector.shape_cast %slice3A_1947 : vector<8x128xf32> to vector<1x1x1x8x128xf32>
    tpu.vector_store %arg10[%swap3A_1948, %swap3A_1949, %swap3A_1950, %swap3A_1951, %swap3A_1952], %swap3A_1955 {strides = array<i32>} : memref<4x2x10x8x128xf32, #tpu.memory_space<vmem>>, vector<1x1x1x8x128xf32>,
    %slice3A_1956 = vector.extract_strided_slice %slice3A_1820 {offsets = [8, 640], sizes = [8, 128], strides = [1, 1]} : vector<16x1280xf32> to vector<8x128xf32>
    %swap3A_1957 = arith.constant 3 : index
    %swap3A_1958 = arith.constant 1 : index
    %swap3A_1959 = arith.constant 5 : index
    %swap3A_1960 = arith.constant 0 : index
    %swap3A_1961 = arith.constant 0 : index
    %swap3A_1962 = vector.load %arg10[%swap3A_1957, %swap3A_1958, %swap3A_1959, %swap3A_1960, %swap3A_1961] : memref<4x2x10x8x128xf32, #tpu.memory_space<vmem>>, vector<1x1x1x8x128xf32>
    %swap3A_1963 = vector.shape_cast %swap3A_1962 : vector<1x1x1x8x128xf32> to vector<8x128xf32>
    %swap3A_1964 = vector.shape_cast %slice3A_1956 : vector<8x128xf32> to vector<1x1x1x8x128xf32>
    tpu.vector_store %arg10[%swap3A_1957, %swap3A_1958, %swap3A_1959, %swap3A_1960, %swap3A_1961], %swap3A_1964 {strides = array<i32>} : memref<4x2x10x8x128xf32, #tpu.memory_space<vmem>>, vector<1x1x1x8x128xf32>,
    %slice3A_1965 = vector.extract_strided_slice %slice3A_1820 {offsets = [8, 768], sizes = [8, 128], strides = [1, 1]} : vector<16x1280xf32> to vector<8x128xf32>
    %swap3A_1966 = arith.constant 3 : index
    %swap3A_1967 = arith.constant 1 : index
    %swap3A_1968 = arith.constant 6 : index
    %swap3A_1969 = arith.constant 0 : index
    %swap3A_1970 = arith.constant 0 : index
    %swap3A_1971 = vector.load %arg10[%swap3A_1966, %swap3A_1967, %swap3A_1968, %swap3A_1969, %swap3A_1970] : memref<4x2x10x8x128xf32, #tpu.memory_space<vmem>>, vector<1x1x1x8x128xf32>
    %swap3A_1972 = vector.shape_cast %swap3A_1971 : vector<1x1x1x8x128xf32> to vector<8x128xf32>
    %swap3A_1973 = vector.shape_cast %slice3A_1965 : vector<8x128xf32> to vector<1x1x1x8x128xf32>
    tpu.vector_store %arg10[%swap3A_1966, %swap3A_1967, %swap3A_1968, %swap3A_1969, %swap3A_1970], %swap3A_1973 {strides = array<i32>} : memref<4x2x10x8x128xf32, #tpu.memory_space<vmem>>, vector<1x1x1x8x128xf32>,
    %slice3A_1974 = vector.extract_strided_slice %slice3A_1820 {offsets = [8, 896], sizes = [8, 128], strides = [1, 1]} : vector<16x1280xf32> to vector<8x128xf32>
    %swap3A_1975 = arith.constant 3 : index
    %swap3A_1976 = arith.constant 1 : index
    %swap3A_1977 = arith.constant 7 : index
    %swap3A_1978 = arith.constant 0 : index
    %swap3A_1979 = arith.constant 0 : index
    %swap3A_1980 = vector.load %arg10[%swap3A_1975, %swap3A_1976, %swap3A_1977, %swap3A_1978, %swap3A_1979] : memref<4x2x10x8x128xf32, #tpu.memory_space<vmem>>, vector<1x1x1x8x128xf32>
    %swap3A_1981 = vector.shape_cast %swap3A_1980 : vector<1x1x1x8x128xf32> to vector<8x128xf32>
    %swap3A_1982 = vector.shape_cast %slice3A_1974 : vector<8x128xf32> to vector<1x1x1x8x128xf32>
    tpu.vector_store %arg10[%swap3A_1975, %swap3A_1976, %swap3A_1977, %swap3A_1978, %swap3A_1979], %swap3A_1982 {strides = array<i32>} : memref<4x2x10x8x128xf32, #tpu.memory_space<vmem>>, vector<1x1x1x8x128xf32>,
    %slice3A_1983 = vector.extract_strided_slice %slice3A_1820 {offsets = [8, 1024], sizes = [8, 128], strides = [1, 1]} : vector<16x1280xf32> to vector<8x128xf32>
    %swap3A_1984 = arith.constant 3 : index
    %swap3A_1985 = arith.constant 1 : index
    %swap3A_1986 = arith.constant 8 : index
    %swap3A_1987 = arith.constant 0 : index
    %swap3A_1988 = arith.constant 0 : index
    %swap3A_1989 = vector.load %arg10[%swap3A_1984, %swap3A_1985, %swap3A_1986, %swap3A_1987, %swap3A_1988] : memref<4x2x10x8x128xf32, #tpu.memory_space<vmem>>, vector<1x1x1x8x128xf32>
    %swap3A_1990 = vector.shape_cast %swap3A_1989 : vector<1x1x1x8x128xf32> to vector<8x128xf32>
    %swap3A_1991 = vector.shape_cast %slice3A_1983 : vector<8x128xf32> to vector<1x1x1x8x128xf32>
    tpu.vector_store %arg10[%swap3A_1984, %swap3A_1985, %swap3A_1986, %swap3A_1987, %swap3A_1988], %swap3A_1991 {strides = array<i32>} : memref<4x2x10x8x128xf32, #tpu.memory_space<vmem>>, vector<1x1x1x8x128xf32>,
    %slice3A_1992 = vector.extract_strided_slice %slice3A_1820 {offsets = [8, 1152], sizes = [8, 128], strides = [1, 1]} : vector<16x1280xf32> to vector<8x128xf32>
    %swap3A_1993 = arith.constant 3 : index
    %swap3A_1994 = arith.constant 1 : index
    %swap3A_1995 = arith.constant 9 : index
    %swap3A_1996 = arith.constant 0 : index
    %swap3A_1997 = arith.constant 0 : index
    %swap3A_1998 = vector.load %arg10[%swap3A_1993, %swap3A_1994, %swap3A_1995, %swap3A_1996, %swap3A_1997] : memref<4x2x10x8x128xf32, #tpu.memory_space<vmem>>, vector<1x1x1x8x128xf32>
    %swap3A_1999 = vector.shape_cast %swap3A_1998 : vector<1x1x1x8x128xf32> to vector<8x128xf32>
    %swap3A_2000 = vector.shape_cast %slice3A_1992 : vector<8x128xf32> to vector<1x1x1x8x128xf32>
    tpu.vector_store %arg10[%swap3A_1993, %swap3A_1994, %swap3A_1995, %swap3A_1996, %swap3A_1997], %swap3A_2000 {strides = array<i32>} : memref<4x2x10x8x128xf32, #tpu.memory_space<vmem>>, vector<1x1x1x8x128xf32>,
    %slice3A_2001 = vector.extract_strided_slice %dot_general3A_1657 {offsets = [64, 0], sizes = [14, 1280], strides = [1, 1]} : vector<80x1280xf32> to vector<14x1280xf32>
    %slice3A_2002 = vector.extract_strided_slice %slice3A_2001 {offsets = [0, 0], sizes = [14, 128], strides = [1, 1]} : vector<14x1280xf32> to vector<14x128xf32>
    %swap3A_2003 = arith.constant 0 : index
    %swap3A_2004 = arith.constant 0 : index
    %swap3A_2005 = arith.constant 3 : index
    %swap3A_2006 = arith.constant 0 : index
    %swap3A_2007 = vector.load %arg11[%swap3A_2003, %swap3A_2004, %swap3A_2005, %swap3A_2006] : memref<14x5x8x128xf32, #tpu.memory_space<vmem>>, vector<14x1x1x128xf32>
    %swap3A_2008 = vector.shape_cast %swap3A_2007 : vector<14x1x1x128xf32> to vector<14x128xf32>
    %swap3A_2009 = vector.shape_cast %slice3A_2002 : vector<14x128xf32> to vector<14x1x1x128xf32>
    tpu.vector_store %arg11[%swap3A_2003, %swap3A_2004, %swap3A_2005, %swap3A_2006], %swap3A_2009 {strides = array<i32>} : memref<14x5x8x128xf32, #tpu.memory_space<vmem>>, vector<14x1x1x128xf32>,
    %slice3A_2010 = vector.extract_strided_slice %slice3A_2001 {offsets = [0, 128], sizes = [14, 128], strides = [1, 1]} : vector<14x1280xf32> to vector<14x128xf32>
    %swap3A_2011 = arith.constant 0 : index
    %swap3A_2012 = arith.constant 0 : index
    %swap3A_2013 = arith.constant 7 : index
    %swap3A_2014 = arith.constant 0 : index
    %swap3A_2015 = vector.load %arg11[%swap3A_2011, %swap3A_2012, %swap3A_2013, %swap3A_2014] : memref<14x5x8x128xf32, #tpu.memory_space<vmem>>, vector<14x1x1x128xf32>
    %swap3A_2016 = vector.shape_cast %swap3A_2015 : vector<14x1x1x128xf32> to vector<14x128xf32>
    %swap3A_2017 = vector.shape_cast %slice3A_2010 : vector<14x128xf32> to vector<14x1x1x128xf32>
    tpu.vector_store %arg11[%swap3A_2011, %swap3A_2012, %swap3A_2013, %swap3A_2014], %swap3A_2017 {strides = array<i32>} : memref<14x5x8x128xf32, #tpu.memory_space<vmem>>, vector<14x1x1x128xf32>,
    %slice3A_2018 = vector.extract_strided_slice %slice3A_2001 {offsets = [0, 256], sizes = [14, 128], strides = [1, 1]} : vector<14x1280xf32> to vector<14x128xf32>
    %swap3A_2019 = arith.constant 0 : index
    %swap3A_2020 = arith.constant 1 : index
    %swap3A_2021 = arith.constant 3 : index
    %swap3A_2022 = arith.constant 0 : index
    %swap3A_2023 = vector.load %arg11[%swap3A_2019, %swap3A_2020, %swap3A_2021, %swap3A_2022] : memref<14x5x8x128xf32, #tpu.memory_space<vmem>>, vector<14x1x1x128xf32>
    %swap3A_2024 = vector.shape_cast %swap3A_2023 : vector<14x1x1x128xf32> to vector<14x128xf32>
    %swap3A_2025 = vector.shape_cast %slice3A_2018 : vector<14x128xf32> to vector<14x1x1x128xf32>
    tpu.vector_store %arg11[%swap3A_2019, %swap3A_2020, %swap3A_2021, %swap3A_2022], %swap3A_2025 {strides = array<i32>} : memref<14x5x8x128xf32, #tpu.memory_space<vmem>>, vector<14x1x1x128xf32>,
    %slice3A_2026 = vector.extract_strided_slice %slice3A_2001 {offsets = [0, 384], sizes = [14, 128], strides = [1, 1]} : vector<14x1280xf32> to vector<14x128xf32>
    %swap3A_2027 = arith.constant 0 : index
    %swap3A_2028 = arith.constant 1 : index
    %swap3A_2029 = arith.constant 7 : index
    %swap3A_2030 = arith.constant 0 : index
    %swap3A_2031 = vector.load %arg11[%swap3A_2027, %swap3A_2028, %swap3A_2029, %swap3A_2030] : memref<14x5x8x128xf32, #tpu.memory_space<vmem>>, vector<14x1x1x128xf32>
    %swap3A_2032 = vector.shape_cast %swap3A_2031 : vector<14x1x1x128xf32> to vector<14x128xf32>
    %swap3A_2033 = vector.shape_cast %slice3A_2026 : vector<14x128xf32> to vector<14x1x1x128xf32>
    tpu.vector_store %arg11[%swap3A_2027, %swap3A_2028, %swap3A_2029, %swap3A_2030], %swap3A_2033 {strides = array<i32>} : memref<14x5x8x128xf32, #tpu.memory_space<vmem>>, vector<14x1x1x128xf32>,
    %slice3A_2034 = vector.extract_strided_slice %slice3A_2001 {offsets = [0, 512], sizes = [14, 128], strides = [1, 1]} : vector<14x1280xf32> to vector<14x128xf32>
    %swap3A_2035 = arith.constant 0 : index
    %swap3A_2036 = arith.constant 2 : index
    %swap3A_2037 = arith.constant 3 : index
    %swap3A_2038 = arith.constant 0 : index
    %swap3A_2039 = vector.load %arg11[%swap3A_2035, %swap3A_2036, %swap3A_2037, %swap3A_2038] : memref<14x5x8x128xf32, #tpu.memory_space<vmem>>, vector<14x1x1x128xf32>
    %swap3A_2040 = vector.shape_cast %swap3A_2039 : vector<14x1x1x128xf32> to vector<14x128xf32>
    %swap3A_2041 = vector.shape_cast %slice3A_2034 : vector<14x128xf32> to vector<14x1x1x128xf32>
    tpu.vector_store %arg11[%swap3A_2035, %swap3A_2036, %swap3A_2037, %swap3A_2038], %swap3A_2041 {strides = array<i32>} : memref<14x5x8x128xf32, #tpu.memory_space<vmem>>, vector<14x1x1x128xf32>,
    %slice3A_2042 = vector.extract_strided_slice %slice3A_2001 {offsets = [0, 640], sizes = [14, 128], strides = [1, 1]} : vector<14x1280xf32> to vector<14x128xf32>
    %swap3A_2043 = arith.constant 0 : index
    %swap3A_2044 = arith.constant 2 : index
    %swap3A_2045 = arith.constant 7 : index
    %swap3A_2046 = arith.constant 0 : index
    %swap3A_2047 = vector.load %arg11[%swap3A_2043, %swap3A_2044, %swap3A_2045, %swap3A_2046] : memref<14x5x8x128xf32, #tpu.memory_space<vmem>>, vector<14x1x1x128xf32>
    %swap3A_2048 = vector.shape_cast %swap3A_2047 : vector<14x1x1x128xf32> to vector<14x128xf32>
    %swap3A_2049 = vector.shape_cast %slice3A_2042 : vector<14x128xf32> to vector<14x1x1x128xf32>
    tpu.vector_store %arg11[%swap3A_2043, %swap3A_2044, %swap3A_2045, %swap3A_2046], %swap3A_2049 {strides = array<i32>} : memref<14x5x8x128xf32, #tpu.memory_space<vmem>>, vector<14x1x1x128xf32>,
    %slice3A_2050 = vector.extract_strided_slice %slice3A_2001 {offsets = [0, 768], sizes = [14, 128], strides = [1, 1]} : vector<14x1280xf32> to vector<14x128xf32>
    %swap3A_2051 = arith.constant 0 : index
    %swap3A_2052 = arith.constant 3 : index
    %swap3A_2053 = arith.constant 3 : index
    %swap3A_2054 = arith.constant 0 : index
    %swap3A_2055 = vector.load %arg11[%swap3A_2051, %swap3A_2052, %swap3A_2053, %swap3A_2054] : memref<14x5x8x128xf32, #tpu.memory_space<vmem>>, vector<14x1x1x128xf32>
    %swap3A_2056 = vector.shape_cast %swap3A_2055 : vector<14x1x1x128xf32> to vector<14x128xf32>
    %swap3A_2057 = vector.shape_cast %slice3A_2050 : vector<14x128xf32> to vector<14x1x1x128xf32>
    tpu.vector_store %arg11[%swap3A_2051, %swap3A_2052, %swap3A_2053, %swap3A_2054], %swap3A_2057 {strides = array<i32>} : memref<14x5x8x128xf32, #tpu.memory_space<vmem>>, vector<14x1x1x128xf32>,
    %slice3A_2058 = vector.extract_strided_slice %slice3A_2001 {offsets = [0, 896], sizes = [14, 128], strides = [1, 1]} : vector<14x1280xf32> to vector<14x128xf32>
    %swap3A_2059 = arith.constant 0 : index
    %swap3A_2060 = arith.constant 3 : index
    %swap3A_2061 = arith.constant 7 : index
    %swap3A_2062 = arith.constant 0 : index
    %swap3A_2063 = vector.load %arg11[%swap3A_2059, %swap3A_2060, %swap3A_2061, %swap3A_2062] : memref<14x5x8x128xf32, #tpu.memory_space<vmem>>, vector<14x1x1x128xf32>
    %swap3A_2064 = vector.shape_cast %swap3A_2063 : vector<14x1x1x128xf32> to vector<14x128xf32>
    %swap3A_2065 = vector.shape_cast %slice3A_2058 : vector<14x128xf32> to vector<14x1x1x128xf32>
    tpu.vector_store %arg11[%swap3A_2059, %swap3A_2060, %swap3A_2061, %swap3A_2062], %swap3A_2065 {strides = array<i32>} : memref<14x5x8x128xf32, #tpu.memory_space<vmem>>, vector<14x1x1x128xf32>,
    %slice3A_2066 = vector.extract_strided_slice %slice3A_2001 {offsets = [0, 1024], sizes = [14, 128], strides = [1, 1]} : vector<14x1280xf32> to vector<14x128xf32>
    %swap3A_2067 = arith.constant 0 : index
    %swap3A_2068 = arith.constant 4 : index
    %swap3A_2069 = arith.constant 3 : index
    %swap3A_2070 = arith.constant 0 : index
    %swap3A_2071 = vector.load %arg11[%swap3A_2067, %swap3A_2068, %swap3A_2069, %swap3A_2070] : memref<14x5x8x128xf32, #tpu.memory_space<vmem>>, vector<14x1x1x128xf32>
    %swap3A_2072 = vector.shape_cast %swap3A_2071 : vector<14x1x1x128xf32> to vector<14x128xf32>
    %swap3A_2073 = vector.shape_cast %slice3A_2066 : vector<14x128xf32> to vector<14x1x1x128xf32>
    tpu.vector_store %arg11[%swap3A_2067, %swap3A_2068, %swap3A_2069, %swap3A_2070], %swap3A_2073 {strides = array<i32>} : memref<14x5x8x128xf32, #tpu.memory_space<vmem>>, vector<14x1x1x128xf32>,
    %slice3A_2074 = vector.extract_strided_slice %slice3A_2001 {offsets = [0, 1152], sizes = [14, 128], strides = [1, 1]} : vector<14x1280xf32> to vector<14x128xf32>
    %swap3A_2075 = arith.constant 0 : index
    %swap3A_2076 = arith.constant 4 : index
    %swap3A_2077 = arith.constant 7 : index
    %swap3A_2078 = arith.constant 0 : index
    %swap3A_2079 = vector.load %arg11[%swap3A_2075, %swap3A_2076, %swap3A_2077, %swap3A_2078] : memref<14x5x8x128xf32, #tpu.memory_space<vmem>>, vector<14x1x1x128xf32>
    %swap3A_2080 = vector.shape_cast %swap3A_2079 : vector<14x1x1x128xf32> to vector<14x128xf32>
    %swap3A_2081 = vector.shape_cast %slice3A_2074 : vector<14x128xf32> to vector<14x1x1x128xf32>
    tpu.vector_store %arg11[%swap3A_2075, %swap3A_2076, %swap3A_2077, %swap3A_2078], %swap3A_2081 {strides = array<i32>} : memref<14x5x8x128xf32, #tpu.memory_space<vmem>>, vector<14x1x1x128xf32>,
    return
  }
  func.func @transform_0(%arg0: i32) -> (i32, i32, i32) {
    %c0_i32 = arith.constant 0 : i32
    %c0_i32_0 = arith.constant 0 : i32
    %c0_i32_1 = arith.constant 0 : i32
    return %c0_i32, %arg0, %c0_i32_0 : i32, i32, i32
  }
  func.func @transform_1(%arg0: i32) -> (i32, i32, i32) {
    %c0_i32 = arith.constant 0 : i32
    %c0_i32_0 = arith.constant 0 : i32
    %c0_i32_1 = arith.constant 0 : i32
    return %arg0, %c0_i32, %c0_i32_0 : i32, i32, i32
  }
  func.func @transform_2(%arg0: i32) -> (i32, i32, i32) {
    %c0_i32 = arith.constant 0 : i32
    %c0_i32_0 = arith.constant 0 : i32
    %c0_i32_1 = arith.constant 0 : i32
    return %arg0, %c0_i32, %c0_i32_0 : i32, i32, i32
  }
  func.func @transform_3(%arg0: i32) -> (i32, i32, i32) {
    %c0_i32 = arith.constant 0 : i32
    %c0_i32_0 = arith.constant 0 : i32
    %c0_i32_1 = arith.constant 0 : i32
    %c0_i32_2 = arith.constant 0 : i32
    return %c0_i32, %c0_i32_0, %c0_i32_1 : i32, i32, i32
  }
  func.func @transform_4(%arg0: i32) -> (i32, i32, i32, i32) {
    %c0_i32 = arith.constant 0 : i32
    %c0_i32_0 = arith.constant 0 : i32
    %c0_i32_1 = arith.constant 0 : i32
    %c0_i32_2 = arith.constant 0 : i32
    %c0_i32_3 = arith.constant 0 : i32
    return %c0_i32, %c0_i32_0, %c0_i32_1, %c0_i32_2 : i32, i32, i32, i32
  }
  func.func @transform_5(%arg0: i32) -> (i32, i32, i32) {
    %c0_i32 = arith.constant 0 : i32
    %c0_i32_0 = arith.constant 0 : i32
    %c0_i32_1 = arith.constant 0 : i32
    %c0_i32_2 = arith.constant 0 : i32
    return %c0_i32, %c0_i32_0, %c0_i32_1 : i32, i32, i32
  }
  func.func @transform_6(%arg0: i32) -> (i32, i32) {
    %c0_i32 = arith.constant 0 : i32
    %c0_i32_0 = arith.constant 0 : i32
    %c0_i32_1 = arith.constant 0 : i32
    return %c0_i32, %c0_i32_0 : i32, i32
  }
  func.func @transform_7(%arg0: i32) -> (i32, i32, i32, i32) {
    %c0_i32 = arith.constant 0 : i32
    %c0_i32_0 = arith.constant 0 : i32
    %c0_i32_1 = arith.constant 0 : i32
    %c0_i32_2 = arith.constant 0 : i32
    return %c0_i32, %arg0, %c0_i32_0, %c0_i32_1 : i32, i32, i32, i32
  }
  func.func @transform_8(%arg0: i32) -> (i32, i32, i32, i32) {
    %c0_i32 = arith.constant 0 : i32
    %c0_i32_0 = arith.constant 0 : i32
    %c0_i32_1 = arith.constant 0 : i32
    %c0_i32_2 = arith.constant 0 : i32
    return %c0_i32, %arg0, %c0_i32_0, %c0_i32_1 : i32, i32, i32, i32
  }
  func.func @transform_9(%arg0: i32) -> (i32, i32, i32, i32, i32) {
    %c0_i32 = arith.constant 0 : i32
    %c0_i32_0 = arith.constant 0 : i32
    %c0_i32_1 = arith.constant 0 : i32
    %c0_i32_2 = arith.constant 0 : i32
    %c0_i32_3 = arith.constant 0 : i32
    return %c0_i32, %c0_i32_0, %arg0, %c0_i32_1, %c0_i32_2 : i32, i32, i32, i32, i32
  }
  func.func @transform_10(%arg0: i32) -> (i32, i32, i32, i32) {
    %c0_i32 = arith.constant 0 : i32
    %c0_i32_0 = arith.constant 0 : i32
    %c0_i32_1 = arith.constant 0 : i32
    %c0_i32_2 = arith.constant 0 : i32
    return %c0_i32, %arg0, %c0_i32_0, %c0_i32_1 : i32, i32, i32, i32
  }
}

</mosaic_0001>

<sc_bundles>
// kernel: kernel.4.cloned.1.call-start
scs
__scs_entry_jumppad:
0x0: {  	(pc) =	sbr.rel $0x88, $3  }
0x1: {  	(tag) =	ssettag $0x0;
	lr =	simm.s32 $0x1  }
0x2: {  	[smem:$0x3F5C] =	sst lr;
	_ =	strace $0xD0000000  }
0x3: {  	_ = 	snop  }
0x4: {  	_ = 	snop  }
0x5: {  	_ = 	snop  }
0x6: {  	_ = 	snop  }
0x7: {  	_ = 	snop  }
__scs_overlays_trampoline_lowered:
0x8: {  	[smem:$0x3F6B] =	sst s0  }
0x9: {  	[smem:$0x3F6C] =	sst s1  }
0xa: {  	[smem:$0x3F6D] =	sst s2  }
0xb: {  	[smem:$0x3F6E] =	sst s3  }
0xc: {  	[smem:$0x3F6F] =	sst s4  }
0xd: {  	[smem:$0x3F70] =	sst s5  }
0xe: {  	[smem:$0x3F71] =	sst s6  }
0xf: {  	[smem:$0x3F72] =	sst s7  }
0x10: {  	[smem:$0x3F73] =	sst s8  }
0x11: {  	[smem:$0x3F74] =	sst s9;
	s0 =	simm.s32 @!p0 $0x0  }
0x12: {  	s1 =	sld [smem:$0x3F5A];
	s0 =	simm.s32 @p0 $0x1  }
0x13: {  	[smem:$0x3F75] =	sst s0;
	s0 =	simm.s32 @!p1 $0x0  }
0x14: {  	s2 =	sld [smem:$0x3F59];
	s0 =	simm.s32 @p1 $0x1  }
0x15: {  	[smem:$0x3F76] =	sst s0;
	s0 =	simm.s32 @!p2 $0x0  }
0x16: {  	s3 =	sld [smem:$0x3FDB];
	s0 =	simm.s32 @p2 $0x1  }
0x17: {  	s4 =	simm.s32 $0x1BF5;
	[smem:$0x3F78] =	sst s0  }
0x18: {  	s0 =	sld [smem:$0x3F5B];
	_ =	swait.ge [sflag:s4], $0x0  }
0x19: {  	s7 =	sld [smem:$0x3F5C]  }
0x1a: {  	s8 =	sadd.s32 $0xFFFFE003, lr  }
0x1b: {  	s9 =	sadd.s32 $0xFFFFFEF7, lr;
	s5 =	simm.s32 $0xFFFFFFFF;
	p2 =	slt.u32 s8, $0xFFFFF086  }
0x1c: {  	p1 =	slt.u32 s9, $0xF7A;
	s5 =	simm.s32 @!p2 $0x0  }
0x1d: {  	s5 =	simm.s32 @p1 $0x1;
	p0 =	seq.s32 s7, s2  }
0x1e: {  	s7 =	smul.u32 @!p0 $0xF7A, s2;
	p2 =	seq.s32 @!p0 s5, $0x0  }
0x1f: {  	s9 =	smul.u32 $0xF7A, s1;
	s8 =	simm.s32 @!p0 $0x1BF5;
	p2 =	por !p2, p0  }
0x20: {  	[sflag:s8] =	ssyncset.s32 @!p0 $0xFFFFF086;
	s6 =	sadd.s32 @!p0 s3, s7;
	s7 =	simm.s32 @!p0 $0x108  }
0x21: {  	s3 =	sadd.s32 s3, s9;
	s6 =	sadd.s32 @!p0 $0x88, s6;
	s7 =	simm.s32 @p2 $0x1082  }
0x22: {  	[simem:s7], [sflag:s8] =	dma.local @!p0 [hbm:s6], $0xF7A  }
0x23: {  	s9 =	sor.u32 $0xD0000000, s2;
	s6 =	simm.s32 $0x108;
	_ =	swait.ge @!p0 [sflag:s8], $0x0  }
0x24: {  	s3 =	sadd.s32 $0x88, s3;
	s6 =	simm.s32 @!p1 $0x1082;
	[sflag:s4] =	ssyncset.s32 $0xFFFFF086  }
0x25: {  	[simem:s6], [sflag:s4] =	dma.local [hbm:s3], $0xF7A  }
0x26: {  	[smem:$0x3F5C] =	sst s1;
	(tag) =	ssettag s2;
	_ =	strace s9  }
0x27: {  	s1 =	sld [smem:$0x3F6C]  }
0x28: {  	s2 =	sld [smem:$0x3F6D]  }
0x29: {  	s4 =	sld [smem:$0x3F6F]  }
0x2a: {  	p0 =	seq.s32 s5, $0x0;
	s5 =	sld [smem:$0x3F70]  }
0x2b: {  	s6 =	sld [smem:$0x3F71]  }
0x2c: {  	s7 =	sld [smem:$0x3F72]  }
0x2d: {  	s3 =	simm.s32 $0x108;
	s8 =	sld [smem:$0x3F73]  }
0x2e: {  	s3 =	simm.s32 @!p0 $0x1082;
	s9 =	sld [smem:$0x3F74]  }
0x2f: {  	lr =	sadd.s32 s0, s3;
	s0 =	sld [smem:$0x3F6B]  }
0x30: {  	s3 =	sld [smem:$0x3F6E]  }
0x31: {  	[smem:$0x3F77] =	sst s10  }
0x32: {  	s10 =	sld [smem:$0x3F75];
	_ =	sdelay $0x3  }
0x33: {  	p0 =	seq.s32 s10, $0x1;
	s10 =	sld [smem:$0x3F77];
	_ =	sdelay $0x3  }
0x34: {  	[smem:$0x3F77] =	sst s10  }
0x35: {  	s10 =	sld [smem:$0x3F76];
	_ =	sdelay $0x3  }
0x36: {  	p1 =	seq.s32 s10, $0x1;
	s10 =	sld [smem:$0x3F77];
	_ =	sdelay $0x3  }
0x37: {  	[smem:$0x3F77] =	sst s10  }
0x38: {  	s10 =	sld [smem:$0x3F78]  }
0x39: {  	_ = 	snop;
	(pc) =	sbr.ind lr, $3  }
0x3a: {  	_ = 	snop  }
0x3b: {  	_ = 	snop  }
0x3c: {  	p2 =	seq.s32 s10, $0x1;
	s10 =	sld [smem:$0x3F77]  }
0x3d: {  	_ =	shalt  }
0x3e: {  	_ =	shalt  }
0x3f: {  	_ =	shalt  }
0x40: {  	_ =	shalt  }
0x41: {  	_ =	shalt  }
0x42: {  	_ =	shalt  }
0x43: {  	_ =	shalt  }
0x44: {  	_ =	shalt  }
0x45: {  	_ =	shalt  }
0x46: {  	_ =	shalt  }
0x47: {  	_ =	shalt  }
0x48: {  	_ =	shalt  }
0x49: {  	_ =	shalt  }
0x4a: {  	_ =	shalt  }
0x4b: {  	_ =	shalt  }
0x4c: {  	_ =	shalt  }
0x4d: {  	_ =	shalt  }
0x4e: {  	_ =	shalt  }
0x4f: {  	_ =	shalt  }
0x50: {  	_ =	shalt  }
0x51: {  	_ =	shalt  }
0x52: {  	_ =	shalt  }
0x53: {  	_ =	shalt  }
0x54: {  	_ =	shalt  }
0x55: {  	_ =	shalt  }
0x56: {  	_ =	shalt  }
0x57: {  	_ =	shalt  }
0x58: {  	_ =	shalt  }
0x59: {  	_ =	shalt  }
0x5a: {  	_ =	shalt  }
0x5b: {  	_ =	shalt  }
0x5c: {  	_ =	shalt  }
0x5d: {  	_ =	shalt  }
0x5e: {  	_ =	shalt  }
0x5f: {  	_ =	shalt  }
0x60: {  	_ =	shalt  }
0x61: {  	_ =	shalt  }
0x62: {  	_ =	shalt  }
0x63: {  	_ =	shalt  }
0x64: {  	_ =	shalt  }
0x65: {  	_ =	shalt  }
0x66: {  	_ =	shalt  }
0x67: {  	_ =	shalt  }
0x68: {  	_ =	shalt  }
0x69: {  	_ =	shalt  }
0x6a: {  	_ =	shalt  }
0x6b: {  	_ =	shalt  }
0x6c: {  	_ =	shalt  }
0x6d: {  	_ =	shalt  }
0x6e: {  	_ =	shalt  }
0x6f: {  	_ =	shalt  }
0x70: {  	_ =	shalt  }
0x71: {  	_ =	shalt  }
0x72: {  	_ =	shalt  }
0x73: {  	_ =	shalt  }
0x74: {  	_ =	shalt  }
0x75: {  	_ =	shalt  }
0x76: {  	_ =	shalt  }
0x77: {  	_ =	shalt  }
0x78: {  	_ =	shalt  }
0x79: {  	_ =	shalt  }
0x7a: {  	_ =	shalt  }
0x7b: {  	_ =	shalt  }
0x7c: {  	_ =	shalt  }
0x7d: {  	_ =	shalt  }
0x7e: {  	_ =	shalt  }
0x7f: {  	_ =	shalt  }
0x80: {  	_ =	shalt  }
0x81: {  	_ =	shalt  }
0x82: {  	_ =	shalt  }
0x83: {  	_ =	shalt  }
0x84: {  	_ =	shalt  }
0x85: {  	_ =	shalt  }
0x86: {  	_ =	shalt  }
0x87: {  	_ =	shalt  }
.Lfunc_end0:
.L_simem_size_0:
called_computation_lowered:
.L_overlay_start_0:
0x88: {  	s2 =	sld [smem:$0x3FD9]  }
0x89: {  	s3 =	sld [smem:$0x3FFE];
	_ =	sdelay $0x1  }
0x8a: {  	s1 =	srdreg.scid  }
0x8b: {  	s0 =	sand.u32 $0x1, s1  }
0x8c: {  	s14 =	sshll.u32 s0, $0xA;
	s2 =	sadd.s32 s3, s2  }
0x8d: {  	s2 =	sadd.s32 s2, s14  }
0x8e: {  	[smem:$0x3F83] =	sst s2  }
0x8f: {  	_ = 	snop  }
0x90: {  	s2 =	sld [smem:$0x3FD0];
	_ =	sdelay $0x2  }
0x91: {  	s4 =	simm.s32 $0xA;
	s5 =	simm.s32 $0x10;
	s15 =	sld [smem:$0x3FC9]  }
0x92: {  	[smem:s5], [sflag:s4] =	dma.local [hbm:s2], $0x1  }
0x93: {  	_ =	swait.eq [sflag:s4], $0x1  }
0x94: {  	[sflag:s4] =	ssyncset.done $0x0  }
0x95: {  	[sflag:s4] =	ssyncadd.s32 $0xFFFFFFFF  }
0x96: {  	s16 =	sld [smem:$0x13];
	(tm) =	ssettm $0x1  }
0x97: {  	s17 =	sld [smem:$0x3FFB];
	_ =	sdelay $0x3  }
0x98: {  	_ =	strace s17  }
0x99: {  	s4 =	sld [smem:$0x3FFC];
	_ =	sdelay $0x3  }
0x9a: {  	_ =	strace s4  }
0x9b: {  	s4 =	sld [smem:$0x3FFD];
	_ =	sdelay $0x3  }
0x9c: {  	_ =	strace s4  }
0x9d: {  	_ =	strace $0x8FFFFFFF  }
0x9e: {  	s18 =	sld [smem:$0x3FDB];
	_ =	sdelay $0x1  }
0x9f: {  	s19 =	simm.s32 $_scs_section_size  }
0xa0: {  	s6 =	simm.s32 $_size__tile_overlayer_lowered;
	s7 =	simm.s32 $_tile_overlayer_lowered  }
0xa1: {  	s22 =	simm.s32 $0x1BFF;
	s21 =	sshll.u32 s7, $0x1;
	s4 =	sadd.s32 s19, s18  }
0xa2: {  	s8 =	simm.s32 $0x0;
	s20 =	sshll.u32 s6, $0x1;
	s6 =	sadd.s32 s21, s4  }
0xa3: {  	[timem:s8], [sflag:s22] =	dma.local [hbm:s6], s20  }
0xa4: {  	_ =	swait.ge [sflag:s22], s20  }
0xa5: {  	s5 =	ssub.s32 $0x0, s20;
	[sflag:s22] =	ssyncset.done $0x0  }
0xa6: {  	[sflag:s22] =	ssyncadd.s32 s5;
	_ =	sdelay $0x1  }
0xa7: {  	s23 =	simm.s32 $0x1B8B  }
0xa8: {  	_ =	swait.ge [sflag:s23], $0x1  }
0xa9: {  	[sflag:s23] =	ssyncset.done $0x0  }
0xaa: {  	s25 =	simm.s32 $0x1B8E;
	s24 =	sld [smem:$0x3FFE];
	[sflag:s23] =	ssyncadd.s32 $0xFFFFFFFF  }
0xab: {  	s26 =	simm.s32 $execute0_lowered;
	[smem:$0x3FD2] =	sst s25  }
0xac: {  	s6 =	sshll.u32 s26, $0x1;
	_ =	strace $0x80000046;
	[dreg:$0x1] =	wrdreg $0xFFFFFFFF  }
0xad: {  	s28 =	simm.s32 $_size_execute0_lowered;
	s4 =	sadd.s32 s4, s6;
	[dreg:$0x0] =	wrdreg $0x0  }
0xae: {  	s6 =	sshll.u32 s28, $0x1;
	[dreg:$0x2] =	wrdreg s4  }
0xaf: {  	[dreg:$0x3] =	wrdreg s6  }
0xb0: {  	[dreg:$0x4] =	wrdreg $0xC0  }
0xb1: {  	_ =	task [dreg:s8], $0x5FFFF  }
0xb2: {  	[dreg:$0x1] =	wrdreg $0xFFFFFFFF  }
0xb3: {  	[dreg:$0x0] =	wrdreg $0x60  }
0xb4: {  	[dreg:$0x2] =	wrdreg s15  }
0xb5: {  	[dreg:$0x3] =	wrdreg s16  }
0xb6: {  	[dreg:$0x4] =	wrdreg s24  }
0xb7: {  	[dreg:$0x5] =	wrdreg $0x9  }
0xb8: {  	_ =	task.clear_ibuf [dreg:s8], $0x6FFFF;
	_ =	strace $0x90000046  }
0xb9: {  	s29 =	simm.s32 $0x9;
	_ =	strace $0x80000048  }
0xba: {  	_ =	swait.ge [sflag:s29], $0x1  }
0xbb: {  	[sflag:s29] =	ssyncadd.s32 $0xFFFFFFFF  }
0xbc: {  	_ =	strace $0x90000048  }
0xbd: {  	_ =	sfence  }
0xbe: {  	s30 =	sld [smem:$0x0];
	_ =	sdelay $0x2  }
0xbf: {  	s31 =	sshll.u32 s1, $0xD;
	s1 =	sshrl.u32 s1, $0x2  }
0xc0: {  	s3 =	sand.u32 $0x4000, s31;
	s1 =	sadd.s32 s1, s30  }
0xc1: {  	s0 =	sor.u32 s3, s0;
	s1 =	sshll.u32 s1, $0x11  }
0xc2: {  	s0 =	sor.u32 s1, s0  }
0xc3: {  	s0 =	sadd.s32 $0x8F2B, s0  }
0xc4: {  	[sflag:s0] =	ssyncadd.remote.s32 $0x1  }
0xc5: {  	_ =	sfence.sel $0xFFFF  }
0xc6: {  	[dreg:$0x0] =	wrdreg $0xFFFFFFFF;
	(pc) =	sbr.abs _section_cstart, $3  }
0xc7: {  	[dreg:$0x1] =	wrdreg $0xFFFFFFFF  }
0xc8: {  	_ =	task.clear_ibuf [dreg:s8], $0x2FFFF;
	_ =	strace $0x9FFFFFFF  }
0xc9: {  	(tm) =	ssettm $0x7FFFFFFF  }
tec
execute0_lowered:
.L_overlay_start_1:
0x0: {  	(tag) =	ssettag $0x1  }
0x1: {  	s10 =	rddreg [dreg:$0x0]  }
0x2: {  	s3 =	rddreg [dreg:$0x1]  }
0x3: {  	s0 =	srdreg.scid;
	s9 =	stileid.u32  }
0x4: {  	s1 =	rddreg [dreg:$0x2];
	s4 =	simm.s32 $0x0;
	s14 =	simm.s32 $0x3  }
0x5: {  	s31 =	simm.s32 $0x7980;
	s12 =	simm.s32 $0x9980;
	s13 =	simm.s32 $0xA180  }
0x6: {  	s15 =	simm.s32 $0xC180;
	s16 =	simm.s32 $0xC980;
	s17 =	simm.s32 $0xD180  }
0x7: {  	s18 =	simm.s32 $0xD980;
	s19 =	simm.s32 $0xE180;
	s20 =	simm.s32 $0xE980  }
0x8: {  	s21 =	simm.s32 $0xF180;
	s22 =	simm.s32 $0xF980;
	s23 =	simm.s32 $0x1  }
0x9: {  	s24 =	simm.s32 $0x2;
	s0 =	sand.u32 $0x1, s0;
	s2 =	sshll.u32 s9, $0x1  }
0xa: {  	[smem:$0x7FF] =	sst s4;
	s6 =	sadd.s32 $0x6A00, s1;
	s26 =	smul.u32 $0x27100, s9  }
0xb: {  	s9 =	sadd.s32 $0x277A00, s1;
	s1 =	simm.s32 $0xB980;
	s2 =	sor.u32 s0, s2  }
0xc: {  	_ =	strace $0x80000047;
	s25 =	ssub.s32 $0x2, s0;
	s0 =	smul.u32 $0x13880, s0  }
0xd: {  	s5 =	smul.u32 $0x1388, s2;
	s8 =	sshrl.u32 s25, $0x1;
	s30 =	sadd.s32 s26, s6  }
0xe: {  	s26 =	simm.s32 $0x0;
	s2 =	ssub.s32 s25, s8;
	s0 =	sadd.s32 s0, s30  }
0xf: {  	s8 =	simm.s32 $0x9180;
	s7 =	sshrl.u32 s5, $0x3;
	s29 =	sadd.s32 $0x100, s5  }
.Ltmp0:
0x10: {  	s2 =	smax.u32 s2, $0x1;
	[dreg:$0x6] =	wrdreg s29;
	(pc) =	sbr.rel .LBB2_1-.Ltmp0, $4  }
0x11: {  	s11 =	sadd.s32 $0x180, s5;
	s0 =	sadd.s32 $0x271000, s0;
	[dreg:$0x7] =	wrdreg s2  }
0x12: {  	v2 =	vlaneseq.u32;
	s10 =	sadd.s32 s10, s7;
	[dreg:$0x8] =	wrdreg s0;
	s2 =	simm.s32 $0x8180  }
0x13: {  	vm0 =	vmmov $0xffff;
	v1 =	vshrl.u32 v2, $0x3;
	s0 =	simm.s32 $0x8980;
	[dreg:$0x4] =	wrdreg s10;
	s28 =	sadd.s32 $0x10, s10  }
0x14: {  	v0 =	vand.u32 $0x7, v2;
	v2 =	vor.u32 $0x8, v2;
	v1 =	vmul.u32 $0x8, v1;
	s7 =	simm.s32 $0xA980;
	s10 =	simm.s32 $0xB180;
	[dreg:$0x5] =	wrdreg s28  }
.LBB2_6:
0x15: {  	s26 =	rddreg [dreg:$0x9]  }
0x16: {  	s25 =	rddreg [dreg:$0x7];
	s26 =	sadd.s32 $0x1, s26  }
0x17: {  	p0 =	sne.s32 s26, s25  }
.Ltmp1:
0x18: {  	_ = 	snop;
	(pc) =	sbr.rel @!p0 .LBB2_7-.Ltmp1, $1  }
0x19: {  	_ =	sdelay $0x3  }
.LBB2_1:
0x1a: {  	[dreg:$0x9] =	wrdreg s26  }
0x1b: {  	s25 =	rddreg [dreg:$0x4]  }
0x1c: {  	[tilespmem:s4], [sflag:$0x3] =	stream.linear.gather [hbm4b:s25+s4], $0x80, $0x38;
	[tilespmem:$0x10180] =	vst v63  }
0x1d: {  	_ =	swait.ge [sflag:s14], $0x80  }
0x1e: {  	[sflag:s14] =	ssyncset.done $0x0  }
0x1f: {  	[sflag:s14] =	ssyncadd.s32 $0xFFFFFF80  }
0x20: {  	v3 =	vld [tilespmem:$0x0]  }
0x21: {  	v4 =	vld [tilespmem:$0x10]  }
0x22: {  	v5 =	vld [tilespmem:$0x20]  }
0x23: {  	v6 =	vld [tilespmem:$0x30]  }
0x24: {  	v7 =	vld [tilespmem:$0x40]  }
0x25: {  	v8 =	vld [tilespmem:$0x50]  }
0x26: {  	v9 =	vld [tilespmem:$0x60]  }
0x27: {  	v10 =	vld [tilespmem:$0x70]  }
0x28: {  	v3 =	vmul.f32 $1.198000030e+02, v3  }
0x29: {  	v4 =	vmul.f32 $1.198000030e+02, v4;
	v5 =	vmul.f32 $1.198000030e+02, v5  }
0x2a: {  	v6 =	vmul.f32 $1.198000030e+02, v6;
	v7 =	vmul.f32 $1.198000030e+02, v7  }
0x2b: {  	v8 =	vmul.f32 $1.198000030e+02, v8;
	v9 =	vmul.f32 $1.198000030e+02, v9  }
0x2c: {  	v10 =	vmul.f32 $1.198000030e+02, v10;
	v3 =	vtrunc.f32 v3  }
0x2d: {  	v4 =	vtrunc.f32 v4;
	v5 =	vtrunc.f32 v5  }
0x2e: {  	v6 =	vtrunc.f32 v6;
	v7 =	vtrunc.f32 v7  }
0x2f: {  	v8 =	vtrunc.f32 v8;
	v9 =	vtrunc.f32 v9  }
0x30: {  	v24 =	vtrunc.f32 v10;
	v3 =	vcvt.f32.s32 v3  }
0x31: {  	v4 =	vcvt.f32.s32 v4;
	v5 =	vcvt.f32.s32 v5  }
0x32: {  	v6 =	vcvt.f32.s32 v6;
	v7 =	vcvt.f32.s32 v7;
	vm1 =	vgt.s32 v3, $0x0  }
0x33: {  	v8 =	vcvt.f32.s32 v8;
	v3 =	vnsel vm1, $0x0, v3;
	vm1 =	vgt.s32 v4, $0x0  }
0x34: {  	v22 =	vcvt.f32.s32 v9;
	v4 =	vnsel vm1, $0x0, v4;
	vm1 =	vgt.s32 v5, $0x0  }
0x35: {  	v3 =	vmin.u32 v3, $0x256;
	v4 =	vmin.u32 v4, $0x256;
	v5 =	vnsel vm1, $0x0, v5  }
0x36: {  	vm1 =	vgt.s32 v6, $0x0;
	v11 =	vshll.u32 v3, $0x1;
	v12 =	vand.u32 $0x7, v3  }
0x37: {  	v5 =	vmin.u32 v5, $0x256;
	v6 =	vnsel vm1, $0x0, v6;
	v11 =	vand.u32 $0x7F0, v11  }
0x38: {  	vm1 =	vgt.s32 v7, $0x0;
	[tilespmem:$0x90] =	vst v4;
	v4 =	vcvt.f32.s32 v24;
	v23 =	vor.u32 v12, v11  }
0x39: {  	[tilespmem:$0x80] =	vst v3;
	v3 =	vnsel vm1, $0x0, v7;
	vm1 =	vgt.s32 v8, $0x0;
	v25 =	vperm.xlane v23, v0  }
0x3a: {  	v6 =	vmin.u32 v6, $0x256;
	[tilespmem:$0xA0] =	vst v5;
	v3 =	vmin.u32 v3, $0x256;
	v26 =	vnsel vm1, $0x0, v8  }
0x3b: {  	[tilespmem:$0xB0] =	vst v6;
	vm1 =	vgt.s32 v22, $0x0;
	v28 =	vperm.xlane v23, v2;
	v27 =	vadd.s32 v1, v25  }
0x3c: {  	[tilespmem:$0xC0] =	vst v3;
	v3 =	vmin.u32 v26, $0x256;
	v29 =	vnsel vm1, $0x0, v22;
	vm1 =	vgt.s32 v4, $0x0  }
0x3d: {  	[tilespmem:$0xD0] =	vst v3;
	v3 =	vmin.u32 v29, $0x256;
	v4 =	vnsel vm1, $0x0, v4;
	v30 =	vadd.s32 v1, v28  }
0x3e: {  	[tilespmem:$0xE0] =	vst v3;
	v3 =	vmin.u32 v4, $0x256  }
0x3f: {  	s26 =	simm.s32 $0x180;
	[tilespmem:$0xF0] =	vst v3  }
0x40: {  	[tilespmem:s26], [sflag:$0x1] =	stream.indirect_vreg.gather [hbm4b:s3+s4], $0x80, v27, vm0, $0xb8;
	[tilespmem:$0x10180] =	vst v63  }
0x41: {  	s28 =	simm.s32 $0x980  }
0x42: {  	[tilespmem:s28], [sflag:$0x1] =	stream.indirect_vreg.gather [hbm4b:s3+s4], $0x80, v30, vm0, $0xb8;
	[tilespmem:$0x10180] =	vst v63  }
0x43: {  	v3 =	vld [tilespmem:$0x90];
	_ =	sdelay $0x4  }
0x44: {  	v31 =	vshll.u32 v3, $0x1  }
0x45: {  	v3 =	vand.u32 $0x7, v3;
	v4 =	vand.u32 $0xFFFFFFF0, v31  }
0x46: {  	v3 =	vor.u32 v3, v4  }
0x47: {  	v4 =	vperm.xlane v3, v0;
	_ =	sdelay $0x1  }
0x48: {  	v3 =	vperm.xlane v3, v2;
	v4 =	vadd.s32 v1, v4;
	_ =	sdelay $0x1  }
0x49: {  	v3 =	vadd.s32 v1, v3;
	_ =	sdelay $0x1  }
0x4a: {  	s29 =	simm.s32 $0x1180  }
0x4b: {  	[tilespmem:s29], [sflag:$0x1] =	stream.indirect_vreg.gather [hbm4b:s3+s4], $0x80, v4, vm0, $0xb8;
	[tilespmem:$0x10180] =	vst v63  }
0x4c: {  	s30 =	simm.s32 $0x1980  }
0x4d: {  	[tilespmem:s30], [sflag:$0x1] =	stream.indirect_vreg.gather [hbm4b:s3+s4], $0x80, v3, vm0, $0xb8;
	[tilespmem:$0x10180] =	vst v63  }
0x4e: {  	v3 =	vld [tilespmem:$0xA0];
	_ =	sdelay $0x4  }
0x4f: {  	v32 =	vshll.u32 v3, $0x1  }
0x50: {  	v3 =	vand.u32 $0x7, v3;
	v4 =	vand.u32 $0xFFFFFFF0, v32  }
0x51: {  	v3 =	vor.u32 v3, v4  }
0x52: {  	v4 =	vperm.xlane v3, v0;
	_ =	sdelay $0x1  }
0x53: {  	v3 =	vperm.xlane v3, v2;
	v4 =	vadd.s32 v1, v4;
	_ =	sdelay $0x1  }
0x54: {  	v3 =	vadd.s32 v1, v3;
	_ =	sdelay $0x1  }
0x55: {  	s26 =	simm.s32 $0x2180  }
0x56: {  	[tilespmem:s26], [sflag:$0x1] =	stream.indirect_vreg.gather [hbm4b:s3+s4], $0x80, v4, vm0, $0xb8;
	[tilespmem:$0x10180] =	vst v63  }
0x57: {  	s28 =	simm.s32 $0x2980  }
0x58: {  	[tilespmem:s28], [sflag:$0x1] =	stream.indirect_vreg.gather [hbm4b:s3+s4], $0x80, v3, vm0, $0xb8;
	[tilespmem:$0x10180] =	vst v63  }
0x59: {  	v3 =	vld [tilespmem:$0xB0];
	_ =	sdelay $0x4  }
0x5a: {  	v33 =	vshll.u32 v3, $0x1  }
0x5b: {  	v3 =	vand.u32 $0x7, v3;
	v4 =	vand.u32 $0xFFFFFFF0, v33  }
0x5c: {  	v3 =	vor.u32 v3, v4  }
0x5d: {  	v4 =	vperm.xlane v3, v0;
	_ =	sdelay $0x1  }
0x5e: {  	v3 =	vperm.xlane v3, v2;
	v4 =	vadd.s32 v1, v4;
	_ =	sdelay $0x1  }
0x5f: {  	v3 =	vadd.s32 v1, v3;
	_ =	sdelay $0x1  }
0x60: {  	s29 =	simm.s32 $0x3180  }
0x61: {  	[tilespmem:s29], [sflag:$0x1] =	stream.indirect_vreg.gather [hbm4b:s3+s4], $0x80, v4, vm0, $0xb8;
	[tilespmem:$0x10180] =	vst v63  }
0x62: {  	s30 =	simm.s32 $0x3980  }
0x63: {  	[tilespmem:s30], [sflag:$0x1] =	stream.indirect_vreg.gather [hbm4b:s3+s4], $0x80, v3, vm0, $0xb8;
	[tilespmem:$0x10180] =	vst v63  }
0x64: {  	v3 =	vld [tilespmem:$0xC0];
	_ =	sdelay $0x4  }
0x65: {  	v34 =	vshll.u32 v3, $0x1  }
0x66: {  	v3 =	vand.u32 $0x7, v3;
	v4 =	vand.u32 $0xFFFFFFF0, v34  }
0x67: {  	v3 =	vor.u32 v3, v4  }
0x68: {  	v4 =	vperm.xlane v3, v0;
	_ =	sdelay $0x1  }
0x69: {  	v3 =	vperm.xlane v3, v2;
	v4 =	vadd.s32 v1, v4;
	_ =	sdelay $0x1  }
0x6a: {  	v3 =	vadd.s32 v1, v3;
	_ =	sdelay $0x1  }
0x6b: {  	s26 =	simm.s32 $0x4180  }
0x6c: {  	[tilespmem:s26], [sflag:$0x1] =	stream.indirect_vreg.gather [hbm4b:s3+s4], $0x80, v4, vm0, $0xb8;
	[tilespmem:$0x10180] =	vst v63  }
0x6d: {  	s28 =	simm.s32 $0x4980  }
0x6e: {  	[tilespmem:s28], [sflag:$0x1] =	stream.indirect_vreg.gather [hbm4b:s3+s4], $0x80, v3, vm0, $0xb8;
	[tilespmem:$0x10180] =	vst v63  }
0x6f: {  	v3 =	vld [tilespmem:$0xD0];
	_ =	sdelay $0x4  }
0x70: {  	v35 =	vshll.u32 v3, $0x1  }
0x71: {  	v3 =	vand.u32 $0x7, v3;
	v4 =	vand.u32 $0xFFFFFFF0, v35  }
0x72: {  	v3 =	vor.u32 v3, v4  }
0x73: {  	v4 =	vperm.xlane v3, v0;
	_ =	sdelay $0x1  }
0x74: {  	v3 =	vperm.xlane v3, v2;
	v4 =	vadd.s32 v1, v4;
	_ =	sdelay $0x1  }
0x75: {  	v3 =	vadd.s32 v1, v3;
	_ =	sdelay $0x1  }
0x76: {  	s29 =	simm.s32 $0x5180  }
0x77: {  	[tilespmem:s29], [sflag:$0x1] =	stream.indirect_vreg.gather [hbm4b:s3+s4], $0x80, v4, vm0, $0xb8;
	[tilespmem:$0x10180] =	vst v63  }
0x78: {  	s30 =	simm.s32 $0x5980  }
0x79: {  	[tilespmem:s30], [sflag:$0x1] =	stream.indirect_vreg.gather [hbm4b:s3+s4], $0x80, v3, vm0, $0xb8;
	[tilespmem:$0x10180] =	vst v63  }
0x7a: {  	v3 =	vld [tilespmem:$0xE0];
	_ =	sdelay $0x4  }
0x7b: {  	v36 =	vshll.u32 v3, $0x1  }
0x7c: {  	v3 =	vand.u32 $0x7, v3;
	v4 =	vand.u32 $0xFFFFFFF0, v36  }
0x7d: {  	v3 =	vor.u32 v3, v4  }
0x7e: {  	v4 =	vperm.xlane v3, v0;
	_ =	sdelay $0x1  }
0x7f: {  	v3 =	vperm.xlane v3, v2;
	v4 =	vadd.s32 v1, v4;
	_ =	sdelay $0x1  }
0x80: {  	v3 =	vadd.s32 v1, v3;
	_ =	sdelay $0x1  }
0x81: {  	s26 =	simm.s32 $0x6180  }
0x82: {  	[tilespmem:s26], [sflag:$0x1] =	stream.indirect_vreg.gather [hbm4b:s3+s4], $0x80, v4, vm0, $0xb8;
	[tilespmem:$0x10180] =	vst v63  }
0x83: {  	s28 =	simm.s32 $0x6980  }
0x84: {  	[tilespmem:s28], [sflag:$0x1] =	stream.indirect_vreg.gather [hbm4b:s3+s4], $0x80, v3, vm0, $0xb8;
	[tilespmem:$0x10180] =	vst v63  }
0x85: {  	v3 =	vld [tilespmem:$0xF0];
	_ =	sdelay $0x4  }
0x86: {  	v37 =	vshll.u32 v3, $0x1  }
0x87: {  	v3 =	vand.u32 $0x7, v3;
	v4 =	vand.u32 $0xFFFFFFF0, v37  }
0x88: {  	v3 =	vor.u32 v3, v4  }
0x89: {  	v4 =	vperm.xlane v3, v0;
	_ =	sdelay $0x1  }
0x8a: {  	v3 =	vperm.xlane v3, v2;
	v4 =	vadd.s32 v1, v4;
	_ =	sdelay $0x1  }
0x8b: {  	v3 =	vadd.s32 v1, v3;
	_ =	sdelay $0x1  }
0x8c: {  	s29 =	simm.s32 $0x7180  }
0x8d: {  	[tilespmem:s29], [sflag:$0x1] =	stream.indirect_vreg.gather [hbm4b:s3+s4], $0x80, v4, vm0, $0xb8;
	[tilespmem:$0x10180] =	vst v63  }
0x8e: {  	_ = 	snop  }
0x8f: {  	[tilespmem:s31], [sflag:$0x1] =	stream.indirect_vreg.gather [hbm4b:s3+s4], $0x80, v3, vm0, $0xb8;
	[tilespmem:$0x10180] =	vst v63  }
0x90: {  	s30 =	rddreg [dreg:$0x5]  }
0x91: {  	[tilespmem:s4], [sflag:$0x3] =	stream.linear.gather [hbm4b:s30+s4], $0x80, $0x38;
	[tilespmem:$0x10180] =	vst v63  }
0x92: {  	_ =	swait.ge [sflag:s14], $0x80  }
0x93: {  	[sflag:s14] =	ssyncset.done $0x0  }
0x94: {  	[sflag:s14] =	ssyncadd.s32 $0xFFFFFF80  }
0x95: {  	v3 =	vld [tilespmem:$0x0]  }
0x96: {  	v38 =	vld [tilespmem:$0x10]  }
0x97: {  	v39 =	vld [tilespmem:$0x20]  }
0x98: {  	v40 =	vld [tilespmem:$0x30]  }
0x99: {  	v41 =	vld [tilespmem:$0x40]  }
0x9a: {  	v42 =	vld [tilespmem:$0x50]  }
0x9b: {  	v43 =	vld [tilespmem:$0x60]  }
0x9c: {  	v46 =	vld [tilespmem:$0x70]  }
0x9d: {  	v3 =	vmul.f32 $1.198000030e+02, v3  }
0x9e: {  	v4 =	vmul.f32 $1.198000030e+02, v38;
	v5 =	vmul.f32 $1.198000030e+02, v39  }
0x9f: {  	v6 =	vmul.f32 $1.198000030e+02, v40;
	v7 =	vmul.f32 $1.198000030e+02, v41  }
0xa0: {  	v8 =	vmul.f32 $1.198000030e+02, v42;
	v9 =	vmul.f32 $1.198000030e+02, v43  }
0xa1: {  	v11 =	vmul.f32 $1.198000030e+02, v46;
	v3 =	vtrunc.f32 v3  }
0xa2: {  	v4 =	vtrunc.f32 v4;
	v5 =	vtrunc.f32 v5  }
0xa3: {  	v6 =	vtrunc.f32 v6;
	v7 =	vtrunc.f32 v7  }
0xa4: {  	v8 =	vtrunc.f32 v8;
	v9 =	vtrunc.f32 v9  }
0xa5: {  	v49 =	vtrunc.f32 v11;
	v3 =	vcvt.f32.s32 v3  }
0xa6: {  	v4 =	vcvt.f32.s32 v4;
	v5 =	vcvt.f32.s32 v5  }
0xa7: {  	v6 =	vcvt.f32.s32 v6;
	v7 =	vcvt.f32.s32 v7;
	vm1 =	vgt.s32 v3, $0x0  }
0xa8: {  	v8 =	vcvt.f32.s32 v8;
	v47 =	vcvt.f32.s32 v9;
	v3 =	vnsel vm1, $0x0, v3  }
0xa9: {  	v52 =	vcvt.f32.s32 v49;
	vm1 =	vgt.s32 v4, $0x0;
	v3 =	vmin.u32 v3, $0x256  }
0xaa: {  	v4 =	vnsel vm1, $0x0, v4;
	vm1 =	vgt.s32 v5, $0x0;
	v44 =	vshll.u32 v3, $0x1  }
0xab: {  	v45 =	vand.u32 $0x7, v3;
	v4 =	vmin.u32 v4, $0x256;
	v5 =	vnsel vm1, $0x0, v5  }
0xac: {  	vm1 =	vgt.s32 v6, $0x0;
	v10 =	vand.u32 $0x7F0, v44;
	v5 =	vmin.u32 v5, $0x256  }
0xad: {  	[tilespmem:$0x100] =	vst v3;
	v6 =	vnsel vm1, $0x0, v6;
	vm1 =	vgt.s32 v7, $0x0;
	v10 =	vor.u32 v45, v10  }
0xae: {  	[tilespmem:$0x110] =	vst v4;
	v3 =	vnsel vm1, $0x0, v7;
	vm1 =	vgt.s32 v8, $0x0;
	v50 =	vperm.xlane v10, v0  }
0xaf: {  	[tilespmem:$0x120] =	vst v5;
	v51 =	vmin.u32 v6, $0x256;
	v48 =	vnsel vm1, $0x0, v8;
	v3 =	vmin.u32 v3, $0x256  }
0xb0: {  	[tilespmem:$0x130] =	vst v51;
	vm1 =	vgt.s32 v47, $0x0;
	v54 =	vperm.xlane v10, v2;
	v53 =	vadd.s32 v1, v50  }
0xb1: {  	[tilespmem:$0x140] =	vst v3;
	v3 =	vmin.u32 v48, $0x256;
	v55 =	vnsel vm1, $0x0, v47;
	vm1 =	vgt.s32 v52, $0x0  }
0xb2: {  	[tilespmem:$0x150] =	vst v3;
	v3 =	vnsel vm1, $0x0, v52;
	v4 =	vmin.u32 v55, $0x256;
	v56 =	vadd.s32 v1, v54  }
0xb3: {  	[tilespmem:$0x160] =	vst v4;
	v3 =	vmin.u32 v3, $0x256  }
0xb4: {  	[tilespmem:$0x170] =	vst v3  }
0xb5: {  	[tilespmem:s2], [sflag:$0x2] =	stream.indirect_vreg.gather [hbm4b:s3+s4], $0x80, v53, vm0, $0xb8;
	[tilespmem:$0x10180] =	vst v63  }
0xb6: {  	_ = 	snop  }
0xb7: {  	[tilespmem:s0], [sflag:$0x2] =	stream.indirect_vreg.gather [hbm4b:s3+s4], $0x80, v56, vm0, $0xb8;
	[tilespmem:$0x10180] =	vst v63  }
0xb8: {  	v3 =	vld [tilespmem:$0x110];
	_ =	sdelay $0x4  }
0xb9: {  	v57 =	vshll.u32 v3, $0x1  }
0xba: {  	v3 =	vand.u32 $0x7, v3;
	v4 =	vand.u32 $0xFFFFFFF0, v57  }
0xbb: {  	v3 =	vor.u32 v3, v4  }
0xbc: {  	v4 =	vperm.xlane v3, v0;
	_ =	sdelay $0x1  }
0xbd: {  	v3 =	vperm.xlane v3, v2;
	v4 =	vadd.s32 v1, v4;
	_ =	sdelay $0x1  }
0xbe: {  	v3 =	vadd.s32 v1, v3;
	_ =	sdelay $0x2  }
0xbf: {  	[tilespmem:s8], [sflag:$0x2] =	stream.indirect_vreg.gather [hbm4b:s3+s4], $0x80, v4, vm0, $0xb8;
	[tilespmem:$0x10180] =	vst v63  }
0xc0: {  	_ = 	snop  }
0xc1: {  	[tilespmem:s12], [sflag:$0x2] =	stream.indirect_vreg.gather [hbm4b:s3+s4], $0x80, v3, vm0, $0xb8;
	[tilespmem:$0x10180] =	vst v63  }
0xc2: {  	v3 =	vld [tilespmem:$0x120];
	_ =	sdelay $0x4  }
0xc3: {  	v58 =	vshll.u32 v3, $0x1  }
0xc4: {  	v3 =	vand.u32 $0x7, v3;
	v4 =	vand.u32 $0xFFFFFFF0, v58  }
0xc5: {  	v3 =	vor.u32 v3, v4  }
0xc6: {  	v4 =	vperm.xlane v3, v0;
	_ =	sdelay $0x1  }
0xc7: {  	v3 =	vperm.xlane v3, v2;
	v4 =	vadd.s32 v1, v4;
	_ =	sdelay $0x1  }
0xc8: {  	v3 =	vadd.s32 v1, v3;
	_ =	sdelay $0x2  }
0xc9: {  	[tilespmem:s13], [sflag:$0x2] =	stream.indirect_vreg.gather [hbm4b:s3+s4], $0x80, v4, vm0, $0xb8;
	[tilespmem:$0x10180] =	vst v63  }
0xca: {  	_ = 	snop  }
0xcb: {  	[tilespmem:s7], [sflag:$0x2] =	stream.indirect_vreg.gather [hbm4b:s3+s4], $0x80, v3, vm0, $0xb8;
	[tilespmem:$0x10180] =	vst v63  }
0xcc: {  	v3 =	vld [tilespmem:$0x130];
	_ =	sdelay $0x4  }
0xcd: {  	v59 =	vshll.u32 v3, $0x1  }
0xce: {  	v3 =	vand.u32 $0x7, v3;
	v4 =	vand.u32 $0xFFFFFFF0, v59  }
0xcf: {  	v3 =	vor.u32 v3, v4  }
0xd0: {  	v4 =	vperm.xlane v3, v0;
	_ =	sdelay $0x1  }
0xd1: {  	v3 =	vperm.xlane v3, v2;
	v4 =	vadd.s32 v1, v4;
	_ =	sdelay $0x1  }
0xd2: {  	v3 =	vadd.s32 v1, v3;
	_ =	sdelay $0x2  }
0xd3: {  	[tilespmem:s10], [sflag:$0x2] =	stream.indirect_vreg.gather [hbm4b:s3+s4], $0x80, v4, vm0, $0xb8;
	[tilespmem:$0x10180] =	vst v63  }
0xd4: {  	_ = 	snop  }
0xd5: {  	[tilespmem:s1], [sflag:$0x2] =	stream.indirect_vreg.gather [hbm4b:s3+s4], $0x80, v3, vm0, $0xb8;
	[tilespmem:$0x10180] =	vst v63  }
0xd6: {  	v3 =	vld [tilespmem:$0x140];
	_ =	sdelay $0x4  }
0xd7: {  	v60 =	vshll.u32 v3, $0x1  }
0xd8: {  	v3 =	vand.u32 $0x7, v3;
	v4 =	vand.u32 $0xFFFFFFF0, v60  }
0xd9: {  	v3 =	vor.u32 v3, v4  }
0xda: {  	v4 =	vperm.xlane v3, v0;
	_ =	sdelay $0x1  }
0xdb: {  	v3 =	vperm.xlane v3, v2;
	v4 =	vadd.s32 v1, v4;
	_ =	sdelay $0x1  }
0xdc: {  	v3 =	vadd.s32 v1, v3;
	_ =	sdelay $0x2  }
0xdd: {  	[tilespmem:s15], [sflag:$0x2] =	stream.indirect_vreg.gather [hbm4b:s3+s4], $0x80, v4, vm0, $0xb8;
	[tilespmem:$0x10180] =	vst v63  }
0xde: {  	_ = 	snop  }
0xdf: {  	[tilespmem:s16], [sflag:$0x2] =	stream.indirect_vreg.gather [hbm4b:s3+s4], $0x80, v3, vm0, $0xb8;
	[tilespmem:$0x10180] =	vst v63  }
0xe0: {  	v3 =	vld [tilespmem:$0x150];
	_ =	sdelay $0x4  }
0xe1: {  	v61 =	vshll.u32 v3, $0x1  }
0xe2: {  	v3 =	vand.u32 $0x7, v3;
	v4 =	vand.u32 $0xFFFFFFF0, v61  }
0xe3: {  	v3 =	vor.u32 v3, v4  }
0xe4: {  	v4 =	vperm.xlane v3, v0;
	_ =	sdelay $0x1  }
0xe5: {  	v3 =	vperm.xlane v3, v2;
	v4 =	vadd.s32 v1, v4;
	_ =	sdelay $0x1  }
0xe6: {  	v3 =	vadd.s32 v1, v3;
	_ =	sdelay $0x2  }
0xe7: {  	[tilespmem:s17], [sflag:$0x2] =	stream.indirect_vreg.gather [hbm4b:s3+s4], $0x80, v4, vm0, $0xb8;
	[tilespmem:$0x10180] =	vst v63  }
0xe8: {  	_ = 	snop  }
0xe9: {  	[tilespmem:s18], [sflag:$0x2] =	stream.indirect_vreg.gather [hbm4b:s3+s4], $0x80, v3, vm0, $0xb8;
	[tilespmem:$0x10180] =	vst v63  }
0xea: {  	v3 =	vld [tilespmem:$0x160];
	_ =	sdelay $0x4  }
0xeb: {  	v62 =	vshll.u32 v3, $0x1  }
0xec: {  	v3 =	vand.u32 $0x7, v3;
	v4 =	vand.u32 $0xFFFFFFF0, v62  }
0xed: {  	v3 =	vor.u32 v3, v4  }
0xee: {  	v4 =	vperm.xlane v3, v0;
	_ =	sdelay $0x1  }
0xef: {  	v3 =	vperm.xlane v3, v2;
	v4 =	vadd.s32 v1, v4;
	_ =	sdelay $0x1  }
0xf0: {  	v3 =	vadd.s32 v1, v3;
	_ =	sdelay $0x2  }
0xf1: {  	[tilespmem:s19], [sflag:$0x2] =	stream.indirect_vreg.gather [hbm4b:s3+s4], $0x80, v4, vm0, $0xb8;
	[tilespmem:$0x10180] =	vst v63  }
0xf2: {  	_ = 	snop  }
0xf3: {  	[tilespmem:s20], [sflag:$0x2] =	stream.indirect_vreg.gather [hbm4b:s3+s4], $0x80, v3, vm0, $0xb8;
	[tilespmem:$0x10180] =	vst v63  }
0xf4: {  	v3 =	vld [tilespmem:$0x170];
	_ =	sdelay $0x4  }
0xf5: {  	v63 =	vshll.u32 v3, $0x1  }
0xf6: {  	v3 =	vand.u32 $0x7, v3;
	v4 =	vand.u32 $0xFFFFFFF0, v63  }
0xf7: {  	v3 =	vor.u32 v3, v4  }
0xf8: {  	v4 =	vperm.xlane v3, v0;
	_ =	sdelay $0x1  }
0xf9: {  	v3 =	vperm.xlane v3, v2;
	v4 =	vadd.s32 v1, v4;
	_ =	sdelay $0x1  }
0xfa: {  	v3 =	vadd.s32 v1, v3;
	_ =	sdelay $0x2  }
0xfb: {  	[tilespmem:s21], [sflag:$0x2] =	stream.indirect_vreg.gather [hbm4b:s3+s4], $0x80, v4, vm0, $0xb8;
	[tilespmem:$0x10180] =	vst v63  }
0xfc: {  	s25 =	simm.s32 $0x0;
	s26 =	rddreg [dreg:$0x8]  }
0xfd: {  	[tilespmem:s22], [sflag:$0x2] =	stream.indirect_vreg.gather [hbm4b:s3+s4], $0x80, v3, vm0, $0xb8;
	[tilespmem:$0x10180] =	vst v63  }
.LBB2_2:
0xfe: {  	_ =	swait.ge [sflag:s23], $0x8000  }
0xff: {  	[sflag:s23] =	ssyncset.done $0x0  }
0x100: {  	s28 =	sadd.s32 $0xFFD8F000, s26;
	s29 =	simm.s32 $0x180;
	[sflag:s23] =	ssyncadd.s32 $0xFFFF8000  }
0x101: {  	[hbm4b:s28+s4] =	stream.linear.scatter [tilespmem:s29], [sflag:$0x3], $0x400, $0x38;
	[tilespmem:$0x10180] =	vst v63  }
0x102: {  	s30 =	simm.s32 $0x980;
	s29 =	sadd.s32 $0x80, s28  }
0x103: {  	[hbm4b:s29+s4] =	stream.linear.scatter [tilespmem:s30], [sflag:$0x3], $0x400, $0x38;
	[tilespmem:$0x10180] =	vst v63  }
0x104: {  	s29 =	sadd.s32 $0x100, s28;
	s30 =	simm.s32 $0x1180  }
0x105: {  	[hbm4b:s29+s4] =	stream.linear.scatter [tilespmem:s30], [sflag:$0x3], $0x400, $0x38;
	[tilespmem:$0x10180] =	vst v63  }
0x106: {  	s29 =	sadd.s32 $0x180, s28;
	s30 =	simm.s32 $0x1980  }
0x107: {  	[hbm4b:s29+s4] =	stream.linear.scatter [tilespmem:s30], [sflag:$0x3], $0x400, $0x38;
	[tilespmem:$0x10180] =	vst v63  }
0x108: {  	s29 =	sadd.s32 $0x200, s28;
	s30 =	simm.s32 $0x2180  }
0x109: {  	[hbm4b:s29+s4] =	stream.linear.scatter [tilespmem:s30], [sflag:$0x3], $0x400, $0x38;
	[tilespmem:$0x10180] =	vst v63  }
0x10a: {  	s29 =	sadd.s32 $0x280, s28;
	s30 =	simm.s32 $0x2980  }
0x10b: {  	[hbm4b:s29+s4] =	stream.linear.scatter [tilespmem:s30], [sflag:$0x3], $0x400, $0x38;
	[tilespmem:$0x10180] =	vst v63  }
0x10c: {  	s29 =	sadd.s32 $0x300, s28;
	s30 =	simm.s32 $0x3180  }
0x10d: {  	[hbm4b:s29+s4] =	stream.linear.scatter [tilespmem:s30], [sflag:$0x3], $0x400, $0x38;
	[tilespmem:$0x10180] =	vst v63  }
0x10e: {  	s29 =	sadd.s32 $0x380, s28;
	s30 =	simm.s32 $0x3980  }
0x10f: {  	[hbm4b:s29+s4] =	stream.linear.scatter [tilespmem:s30], [sflag:$0x3], $0x400, $0x38;
	[tilespmem:$0x10180] =	vst v63  }
0x110: {  	s29 =	sadd.s32 $0x400, s28;
	s30 =	simm.s32 $0x4180  }
0x111: {  	[hbm4b:s29+s4] =	stream.linear.scatter [tilespmem:s30], [sflag:$0x3], $0x400, $0x38;
	[tilespmem:$0x10180] =	vst v63  }
0x112: {  	s29 =	sadd.s32 $0x480, s28;
	s30 =	simm.s32 $0x4980  }
0x113: {  	[hbm4b:s29+s4] =	stream.linear.scatter [tilespmem:s30], [sflag:$0x3], $0x400, $0x38;
	[tilespmem:$0x10180] =	vst v63  }
0x114: {  	s29 =	sadd.s32 $0x500, s28;
	s30 =	simm.s32 $0x5180  }
0x115: {  	[hbm4b:s29+s4] =	stream.linear.scatter [tilespmem:s30], [sflag:$0x3], $0x400, $0x38;
	[tilespmem:$0x10180] =	vst v63  }
0x116: {  	s29 =	sadd.s32 $0x580, s28;
	s30 =	simm.s32 $0x5980  }
0x117: {  	[hbm4b:s29+s4] =	stream.linear.scatter [tilespmem:s30], [sflag:$0x3], $0x400, $0x38;
	[tilespmem:$0x10180] =	vst v63  }
0x118: {  	s29 =	sadd.s32 $0x600, s28;
	s30 =	simm.s32 $0x6180  }
0x119: {  	[hbm4b:s29+s4] =	stream.linear.scatter [tilespmem:s30], [sflag:$0x3], $0x400, $0x38;
	[tilespmem:$0x10180] =	vst v63  }
0x11a: {  	s29 =	sadd.s32 $0x680, s28;
	s30 =	simm.s32 $0x6980  }
0x11b: {  	[hbm4b:s29+s4] =	stream.linear.scatter [tilespmem:s30], [sflag:$0x3], $0x400, $0x38;
	[tilespmem:$0x10180] =	vst v63  }
0x11c: {  	s29 =	sadd.s32 $0x700, s28;
	s30 =	simm.s32 $0x7180  }
0x11d: {  	[hbm4b:s29+s4] =	stream.linear.scatter [tilespmem:s30], [sflag:$0x3], $0x400, $0x38;
	[tilespmem:$0x10180] =	vst v63  }
0x11e: {  	s28 =	sadd.s32 $0x780, s28  }
0x11f: {  	[hbm4b:s28+s4] =	stream.linear.scatter [tilespmem:s31], [sflag:$0x3], $0x400, $0x38;
	[tilespmem:$0x10180] =	vst v63  }
0x120: {  	_ =	swait.ge [sflag:s14], $0x4000  }
0x121: {  	[sflag:s14] =	ssyncset.done $0x0  }
0x122: {  	s29 =	simm.s32 $0x580;
	[sflag:s14] =	ssyncadd.s32 $0xFFFFC000  }
0x123: {  	[hbm4b:s26+s4] =	stream.linear.scatter [tilespmem:s29], [sflag:$0x3], $0x400, $0x38;
	[tilespmem:$0x10180] =	vst v63  }
0x124: {  	s30 =	simm.s32 $0xD80;
	s28 =	sadd.s32 $0x80, s26  }
0x125: {  	[hbm4b:s28+s4] =	stream.linear.scatter [tilespmem:s30], [sflag:$0x3], $0x400, $0x38;
	[tilespmem:$0x10180] =	vst v63  }
0x126: {  	s28 =	sadd.s32 $0x100, s26;
	s30 =	simm.s32 $0x1580  }
0x127: {  	[hbm4b:s28+s4] =	stream.linear.scatter [tilespmem:s30], [sflag:$0x3], $0x400, $0x38;
	[tilespmem:$0x10180] =	vst v63  }
0x128: {  	s28 =	sadd.s32 $0x180, s26;
	s30 =	simm.s32 $0x1D80  }
0x129: {  	[hbm4b:s28+s4] =	stream.linear.scatter [tilespmem:s30], [sflag:$0x3], $0x400, $0x38;
	[tilespmem:$0x10180] =	vst v63  }
0x12a: {  	s28 =	sadd.s32 $0x200, s26;
	s30 =	simm.s32 $0x2580  }
0x12b: {  	[hbm4b:s28+s4] =	stream.linear.scatter [tilespmem:s30], [sflag:$0x3], $0x400, $0x38;
	[tilespmem:$0x10180] =	vst v63  }
0x12c: {  	s28 =	sadd.s32 $0x280, s26;
	s30 =	simm.s32 $0x2D80  }
0x12d: {  	[hbm4b:s28+s4] =	stream.linear.scatter [tilespmem:s30], [sflag:$0x3], $0x400, $0x38;
	[tilespmem:$0x10180] =	vst v63  }
0x12e: {  	s28 =	sadd.s32 $0x300, s26;
	s30 =	simm.s32 $0x3580  }
0x12f: {  	[hbm4b:s28+s4] =	stream.linear.scatter [tilespmem:s30], [sflag:$0x3], $0x400, $0x38;
	[tilespmem:$0x10180] =	vst v63  }
0x130: {  	s28 =	sadd.s32 $0x380, s26;
	s30 =	simm.s32 $0x3D80  }
0x131: {  	[hbm4b:s28+s4] =	stream.linear.scatter [tilespmem:s30], [sflag:$0x3], $0x400, $0x38;
	[tilespmem:$0x10180] =	vst v63  }
0x132: {  	s28 =	sadd.s32 $0x400, s26;
	s30 =	simm.s32 $0x4580  }
0x133: {  	[hbm4b:s28+s4] =	stream.linear.scatter [tilespmem:s30], [sflag:$0x3], $0x400, $0x38;
	[tilespmem:$0x10180] =	vst v63  }
0x134: {  	s28 =	sadd.s32 $0x480, s26;
	s30 =	simm.s32 $0x4D80  }
0x135: {  	[hbm4b:s28+s4] =	stream.linear.scatter [tilespmem:s30], [sflag:$0x3], $0x400, $0x38;
	[tilespmem:$0x10180] =	vst v63  }
0x136: {  	s28 =	sadd.s32 $0x500, s26;
	s30 =	simm.s32 $0x5580  }
0x137: {  	[hbm4b:s28+s4] =	stream.linear.scatter [tilespmem:s30], [sflag:$0x3], $0x400, $0x38;
	[tilespmem:$0x10180] =	vst v63  }
0x138: {  	s28 =	sadd.s32 $0x580, s26;
	s30 =	simm.s32 $0x5D80  }
0x139: {  	[hbm4b:s28+s4] =	stream.linear.scatter [tilespmem:s30], [sflag:$0x3], $0x400, $0x38;
	[tilespmem:$0x10180] =	vst v63  }
0x13a: {  	s28 =	sadd.s32 $0x600, s26;
	s30 =	simm.s32 $0x6580  }
0x13b: {  	[hbm4b:s28+s4] =	stream.linear.scatter [tilespmem:s30], [sflag:$0x3], $0x400, $0x38;
	[tilespmem:$0x10180] =	vst v63  }
0x13c: {  	s28 =	sadd.s32 $0x680, s26;
	s30 =	simm.s32 $0x6D80  }
0x13d: {  	[hbm4b:s28+s4] =	stream.linear.scatter [tilespmem:s30], [sflag:$0x3], $0x400, $0x38;
	[tilespmem:$0x10180] =	vst v63  }
0x13e: {  	p0 =	seq.s32 s25, $0x1300;
	s28 =	sadd.s32 $0x700, s26;
	s30 =	simm.s32 $0x7580  }
0x13f: {  	[hbm4b:s28+s4] =	stream.linear.scatter [tilespmem:s30], [sflag:$0x3], $0x400, $0x38;
	[tilespmem:$0x10180] =	vst v63  }
.Ltmp2:
0x140: {  	s28 =	sadd.s32 $0x780, s26;
	s30 =	simm.s32 $0x7D80;
	(pc) =	sbr.rel @p0 .LBB2_4-.Ltmp2, $4  }
0x141: {  	[hbm4b:s28+s4] =	stream.linear.scatter [tilespmem:s30], [sflag:$0x3], $0x400, $0x38;
	[tilespmem:$0x10180] =	vst v63  }
0x142: {  	_ =	swait.ge [sflag:s14], $0x4000  }
0x143: {  	[sflag:s14] =	ssyncset.done $0x0  }
0x144: {  	[sflag:s14] =	ssyncadd.s32 $0xFFFFC000  }
0x145: {  	p1 =	slt.s32 s25, $0x1208;
	s28 =	smov.u32 s25  }
0x146: {  	s29 =	rddreg [dreg:$0x6];
	s28 =	simm.s32 @!p1 $0x1208  }
0x147: {  	s28 =	sadd.s32 s28, s29  }
0x148: {  	s30 =	rddreg [dreg:$0x0];
	s28 =	sshrl.u32 s28, $0x3  }
0x149: {  	s28 =	sadd.s32 s30, s28  }
0x14a: {  	[tilespmem:s4], [sflag:$0x3] =	stream.linear.gather [hbm4b:s28+s4], $0x80, $0x38;
	[tilespmem:$0x10180] =	vst v63  }
0x14b: {  	_ =	swait.ge [sflag:s14], $0x80  }
0x14c: {  	[sflag:s14] =	ssyncset.done $0x0  }
0x14d: {  	[sflag:s14] =	ssyncadd.s32 $0xFFFFFF80  }
0x14e: {  	v3 =	vld [tilespmem:$0x0]  }
0x14f: {  	v4 =	vld [tilespmem:$0x10]  }
0x150: {  	v5 =	vld [tilespmem:$0x20]  }
0x151: {  	v6 =	vld [tilespmem:$0x30]  }
0x152: {  	v7 =	vld [tilespmem:$0x40]  }
0x153: {  	v8 =	vld [tilespmem:$0x50]  }
0x154: {  	v9 =	vld [tilespmem:$0x60];
	_ =	sdelay $0x1  }
0x155: {  	v3 =	vmul.f32 $1.198000030e+02, v3;
	v4 =	vmul.f32 $1.198000030e+02, v4  }
0x156: {  	v5 =	vmul.f32 $1.198000030e+02, v5;
	v6 =	vmul.f32 $1.198000030e+02, v6  }
0x157: {  	v7 =	vmul.f32 $1.198000030e+02, v7;
	v8 =	vmul.f32 $1.198000030e+02, v8  }
0x158: {  	v9 =	vmul.f32 $1.198000030e+02, v9;
	v3 =	vtrunc.f32 v3  }
0x159: {  	v4 =	vtrunc.f32 v4;
	v5 =	vtrunc.f32 v5  }
0x15a: {  	v6 =	vtrunc.f32 v6;
	v7 =	vtrunc.f32 v7  }
0x15b: {  	v8 =	vtrunc.f32 v8;
	v3 =	vcvt.f32.s32 v3  }
0x15c: {  	v9 =	vtrunc.f32 v9;
	v4 =	vcvt.f32.s32 v4  }
0x15d: {  	v5 =	vcvt.f32.s32 v5;
	v6 =	vcvt.f32.s32 v6;
	vm1 =	vgt.s32 v3, $0x0  }
0x15e: {  	v46 =	vld [tilespmem:$0x70];
	v7 =	vcvt.f32.s32 v7;
	v8 =	vcvt.f32.s32 v8;
	v3 =	vnsel vm1, $0x0, v3  }
0x15f: {  	v47 =	vcvt.f32.s32 v9;
	vm1 =	vgt.s32 v4, $0x0;
	v3 =	vmin.u32 v3, $0x256  }
0x160: {  	v4 =	vnsel vm1, $0x0, v4;
	vm1 =	vgt.s32 v5, $0x0;
	v10 =	vshll.u32 v3, $0x1  }
0x161: {  	v11 =	vand.u32 $0x7, v3;
	v5 =	vnsel vm1, $0x0, v5;
	vm1 =	vgt.s32 v6, $0x0  }
0x162: {  	v4 =	vmin.u32 v4, $0x256;
	v10 =	vand.u32 $0x7F0, v10;
	v6 =	vnsel vm1, $0x0, v6  }
0x163: {  	vm1 =	vgt.s32 v7, $0x0;
	v10 =	vor.u32 v11, v10;
	v11 =	vmul.f32 $1.198000030e+02, v46  }
0x164: {  	[tilespmem:$0x80] =	vst v3;
	v5 =	vmin.u32 v5, $0x256;
	v3 =	vnsel vm1, $0x0, v7;
	vm1 =	vgt.s32 v8, $0x0  }
0x165: {  	[tilespmem:$0x90] =	vst v4;
	v51 =	vmin.u32 v6, $0x256;
	v50 =	vperm.xlane v10, v0;
	v49 =	vtrunc.f32 v11  }
0x166: {  	[tilespmem:$0xA0] =	vst v5;
	v48 =	vnsel vm1, $0x0, v8;
	v3 =	vmin.u32 v3, $0x256;
	v52 =	vcvt.f32.s32 v49  }
0x167: {  	[tilespmem:$0xB0] =	vst v51;
	vm1 =	vgt.s32 v47, $0x0;
	v54 =	vperm.xlane v10, v2;
	v53 =	vadd.s32 v1, v50  }
0x168: {  	[tilespmem:$0xC0] =	vst v3;
	v3 =	vmin.u32 v48, $0x256;
	v55 =	vnsel vm1, $0x0, v47;
	vm1 =	vgt.s32 v52, $0x0  }
0x169: {  	[tilespmem:$0xD0] =	vst v3;
	v4 =	vmin.u32 v55, $0x256;
	v56 =	vadd.s32 v1, v54;
	v3 =	vnsel vm1, $0x0, v52  }
0x16a: {  	[tilespmem:$0xE0] =	vst v4;
	v3 =	vmin.u32 v3, $0x256  }
0x16b: {  	s30 =	simm.s32 $0x180;
	[tilespmem:$0xF0] =	vst v3  }
0x16c: {  	[tilespmem:s30], [sflag:$0x1] =	stream.indirect_vreg.gather [hbm4b:s3+s4], $0x80, v53, vm0, $0xb8;
	[tilespmem:$0x10180] =	vst v63  }
0x16d: {  	s29 =	simm.s32 $0x980  }
0x16e: {  	[tilespmem:s29], [sflag:$0x1] =	stream.indirect_vreg.gather [hbm4b:s3+s4], $0x80, v56, vm0, $0xb8;
	[tilespmem:$0x10180] =	vst v63  }
0x16f: {  	v3 =	vld [tilespmem:$0x90];
	_ =	sdelay $0x4  }
0x170: {  	v57 =	vshll.u32 v3, $0x1  }
0x171: {  	v3 =	vand.u32 $0x7, v3;
	v4 =	vand.u32 $0xFFFFFFF0, v57  }
0x172: {  	v3 =	vor.u32 v3, v4  }
0x173: {  	v4 =	vperm.xlane v3, v0;
	_ =	sdelay $0x1  }
0x174: {  	v3 =	vperm.xlane v3, v2;
	v4 =	vadd.s32 v1, v4;
	_ =	sdelay $0x1  }
0x175: {  	v3 =	vadd.s32 v1, v3;
	_ =	sdelay $0x1  }
0x176: {  	s30 =	simm.s32 $0x1180  }
0x177: {  	[tilespmem:s30], [sflag:$0x1] =	stream.indirect_vreg.gather [hbm4b:s3+s4], $0x80, v4, vm0, $0xb8;
	[tilespmem:$0x10180] =	vst v63  }
0x178: {  	s29 =	simm.s32 $0x1980  }
0x179: {  	[tilespmem:s29], [sflag:$0x1] =	stream.indirect_vreg.gather [hbm4b:s3+s4], $0x80, v3, vm0, $0xb8;
	[tilespmem:$0x10180] =	vst v63  }
0x17a: {  	v3 =	vld [tilespmem:$0xA0];
	_ =	sdelay $0x4  }
0x17b: {  	v58 =	vshll.u32 v3, $0x1  }
0x17c: {  	v3 =	vand.u32 $0x7, v3;
	v4 =	vand.u32 $0xFFFFFFF0, v58  }
0x17d: {  	v3 =	vor.u32 v3, v4  }
0x17e: {  	v4 =	vperm.xlane v3, v0;
	_ =	sdelay $0x1  }
0x17f: {  	v3 =	vperm.xlane v3, v2;
	v4 =	vadd.s32 v1, v4;
	_ =	sdelay $0x1  }
0x180: {  	v3 =	vadd.s32 v1, v3;
	_ =	sdelay $0x1  }
0x181: {  	s30 =	simm.s32 $0x2180  }
0x182: {  	[tilespmem:s30], [sflag:$0x1] =	stream.indirect_vreg.gather [hbm4b:s3+s4], $0x80, v4, vm0, $0xb8;
	[tilespmem:$0x10180] =	vst v63  }
0x183: {  	s29 =	simm.s32 $0x2980  }
0x184: {  	[tilespmem:s29], [sflag:$0x1] =	stream.indirect_vreg.gather [hbm4b:s3+s4], $0x80, v3, vm0, $0xb8;
	[tilespmem:$0x10180] =	vst v63  }
0x185: {  	v3 =	vld [tilespmem:$0xB0];
	_ =	sdelay $0x4  }
0x186: {  	v59 =	vshll.u32 v3, $0x1  }
0x187: {  	v3 =	vand.u32 $0x7, v3;
	v4 =	vand.u32 $0xFFFFFFF0, v59  }
0x188: {  	v3 =	vor.u32 v3, v4  }
0x189: {  	v4 =	vperm.xlane v3, v0;
	_ =	sdelay $0x1  }
0x18a: {  	v3 =	vperm.xlane v3, v2;
	v4 =	vadd.s32 v1, v4;
	_ =	sdelay $0x1  }
0x18b: {  	v3 =	vadd.s32 v1, v3;
	_ =	sdelay $0x1  }
0x18c: {  	s30 =	simm.s32 $0x3180  }
0x18d: {  	[tilespmem:s30], [sflag:$0x1] =	stream.indirect_vreg.gather [hbm4b:s3+s4], $0x80, v4, vm0, $0xb8;
	[tilespmem:$0x10180] =	vst v63  }
0x18e: {  	s29 =	simm.s32 $0x3980  }
0x18f: {  	[tilespmem:s29], [sflag:$0x1] =	stream.indirect_vreg.gather [hbm4b:s3+s4], $0x80, v3, vm0, $0xb8;
	[tilespmem:$0x10180] =	vst v63  }
0x190: {  	v3 =	vld [tilespmem:$0xC0];
	_ =	sdelay $0x4  }
0x191: {  	v60 =	vshll.u32 v3, $0x1  }
0x192: {  	v3 =	vand.u32 $0x7, v3;
	v4 =	vand.u32 $0xFFFFFFF0, v60  }
0x193: {  	v3 =	vor.u32 v3, v4  }
0x194: {  	v4 =	vperm.xlane v3, v0;
	_ =	sdelay $0x1  }
0x195: {  	v3 =	vperm.xlane v3, v2;
	v4 =	vadd.s32 v1, v4;
	_ =	sdelay $0x1  }
0x196: {  	v3 =	vadd.s32 v1, v3;
	_ =	sdelay $0x1  }
0x197: {  	s30 =	simm.s32 $0x4180  }
0x198: {  	[tilespmem:s30], [sflag:$0x1] =	stream.indirect_vreg.gather [hbm4b:s3+s4], $0x80, v4, vm0, $0xb8;
	[tilespmem:$0x10180] =	vst v63  }
0x199: {  	s29 =	simm.s32 $0x4980  }
0x19a: {  	[tilespmem:s29], [sflag:$0x1] =	stream.indirect_vreg.gather [hbm4b:s3+s4], $0x80, v3, vm0, $0xb8;
	[tilespmem:$0x10180] =	vst v63  }
0x19b: {  	v3 =	vld [tilespmem:$0xD0];
	_ =	sdelay $0x4  }
0x19c: {  	v61 =	vshll.u32 v3, $0x1  }
0x19d: {  	v3 =	vand.u32 $0x7, v3;
	v4 =	vand.u32 $0xFFFFFFF0, v61  }
0x19e: {  	v3 =	vor.u32 v3, v4  }
0x19f: {  	v4 =	vperm.xlane v3, v0;
	_ =	sdelay $0x1  }
0x1a0: {  	v3 =	vperm.xlane v3, v2;
	v4 =	vadd.s32 v1, v4;
	_ =	sdelay $0x1  }
0x1a1: {  	v3 =	vadd.s32 v1, v3;
	_ =	sdelay $0x1  }
0x1a2: {  	s30 =	simm.s32 $0x5180  }
0x1a3: {  	[tilespmem:s30], [sflag:$0x1] =	stream.indirect_vreg.gather [hbm4b:s3+s4], $0x80, v4, vm0, $0xb8;
	[tilespmem:$0x10180] =	vst v63  }
0x1a4: {  	s29 =	simm.s32 $0x5980  }
0x1a5: {  	[tilespmem:s29], [sflag:$0x1] =	stream.indirect_vreg.gather [hbm4b:s3+s4], $0x80, v3, vm0, $0xb8;
	[tilespmem:$0x10180] =	vst v63  }
0x1a6: {  	v3 =	vld [tilespmem:$0xE0];
	_ =	sdelay $0x4  }
0x1a7: {  	v62 =	vshll.u32 v3, $0x1  }
0x1a8: {  	v3 =	vand.u32 $0x7, v3;
	v4 =	vand.u32 $0xFFFFFFF0, v62  }
0x1a9: {  	v3 =	vor.u32 v3, v4  }
0x1aa: {  	v4 =	vperm.xlane v3, v0;
	_ =	sdelay $0x1  }
0x1ab: {  	v3 =	vperm.xlane v3, v2;
	v4 =	vadd.s32 v1, v4;
	_ =	sdelay $0x1  }
0x1ac: {  	v3 =	vadd.s32 v1, v3;
	_ =	sdelay $0x1  }
0x1ad: {  	s30 =	simm.s32 $0x6180  }
0x1ae: {  	[tilespmem:s30], [sflag:$0x1] =	stream.indirect_vreg.gather [hbm4b:s3+s4], $0x80, v4, vm0, $0xb8;
	[tilespmem:$0x10180] =	vst v63  }
0x1af: {  	s29 =	simm.s32 $0x6980  }
0x1b0: {  	[tilespmem:s29], [sflag:$0x1] =	stream.indirect_vreg.gather [hbm4b:s3+s4], $0x80, v3, vm0, $0xb8;
	[tilespmem:$0x10180] =	vst v63  }
0x1b1: {  	v3 =	vld [tilespmem:$0xF0];
	_ =	sdelay $0x4  }
0x1b2: {  	v63 =	vshll.u32 v3, $0x1  }
0x1b3: {  	v3 =	vand.u32 $0x7, v3;
	v4 =	vand.u32 $0xFFFFFFF0, v63  }
0x1b4: {  	v3 =	vor.u32 v3, v4  }
0x1b5: {  	v4 =	vperm.xlane v3, v0;
	_ =	sdelay $0x1  }
0x1b6: {  	v3 =	vperm.xlane v3, v2;
	v4 =	vadd.s32 v1, v4;
	_ =	sdelay $0x1  }
0x1b7: {  	v3 =	vadd.s32 v1, v3;
	_ =	sdelay $0x1  }
0x1b8: {  	s30 =	simm.s32 $0x7180  }
0x1b9: {  	[tilespmem:s30], [sflag:$0x1] =	stream.indirect_vreg.gather [hbm4b:s3+s4], $0x80, v4, vm0, $0xb8;
	[tilespmem:$0x10180] =	vst v63  }
0x1ba: {  	_ = 	snop  }
0x1bb: {  	[tilespmem:s31], [sflag:$0x1] =	stream.indirect_vreg.gather [hbm4b:s3+s4], $0x80, v3, vm0, $0xb8;
	[tilespmem:$0x10180] =	vst v63  }
.LBB2_4:
0x1bc: {  	s28 =	sadd.s32 $0x80, s25  }
0x1bd: {  	p1 =	slt.s32 s28, $0x1308  }
0x1be: {  	s28 =	simm.s32 @!p1 $0x1308  }
0x1bf: {  	_ =	swait.ge [sflag:s24], $0x8000;
	s28 =	sadd.s32 s5, s28  }
0x1c0: {  	[sflag:s24] =	ssyncset.done $0x0;
	s28 =	sshll.u32 s28, $0x4  }
0x1c1: {  	[sflag:s24] =	ssyncadd.s32 $0xFFFF8000;
	s29 =	sadd.s32 s6, s28  }
0x1c2: {  	[hbm4b:s29+s4] =	stream.linear.scatter [tilespmem:s2], [sflag:$0x3], $0x400, $0x38;
	[tilespmem:$0x10180] =	vst v63  }
0x1c3: {  	s30 =	sadd.s32 $0x80, s29  }
0x1c4: {  	[hbm4b:s30+s4] =	stream.linear.scatter [tilespmem:s0], [sflag:$0x3], $0x400, $0x38;
	[tilespmem:$0x10180] =	vst v63  }
0x1c5: {  	s30 =	sadd.s32 $0x100, s29  }
0x1c6: {  	[hbm4b:s30+s4] =	stream.linear.scatter [tilespmem:s8], [sflag:$0x3], $0x400, $0x38;
	[tilespmem:$0x10180] =	vst v63  }
0x1c7: {  	s30 =	sadd.s32 $0x180, s29  }
0x1c8: {  	[hbm4b:s30+s4] =	stream.linear.scatter [tilespmem:s12], [sflag:$0x3], $0x400, $0x38;
	[tilespmem:$0x10180] =	vst v63  }
0x1c9: {  	s30 =	sadd.s32 $0x200, s29  }
0x1ca: {  	[hbm4b:s30+s4] =	stream.linear.scatter [tilespmem:s13], [sflag:$0x3], $0x400, $0x38;
	[tilespmem:$0x10180] =	vst v63  }
0x1cb: {  	s30 =	sadd.s32 $0x280, s29  }
0x1cc: {  	[hbm4b:s30+s4] =	stream.linear.scatter [tilespmem:s7], [sflag:$0x3], $0x400, $0x38;
	[tilespmem:$0x10180] =	vst v63  }
0x1cd: {  	s30 =	sadd.s32 $0x300, s29  }
0x1ce: {  	[hbm4b:s30+s4] =	stream.linear.scatter [tilespmem:s10], [sflag:$0x3], $0x400, $0x38;
	[tilespmem:$0x10180] =	vst v63  }
0x1cf: {  	s30 =	sadd.s32 $0x380, s29  }
0x1d0: {  	[hbm4b:s30+s4] =	stream.linear.scatter [tilespmem:s1], [sflag:$0x3], $0x400, $0x38;
	[tilespmem:$0x10180] =	vst v63  }
0x1d1: {  	s30 =	sadd.s32 $0x400, s29  }
0x1d2: {  	[hbm4b:s30+s4] =	stream.linear.scatter [tilespmem:s15], [sflag:$0x3], $0x400, $0x38;
	[tilespmem:$0x10180] =	vst v63  }
0x1d3: {  	s30 =	sadd.s32 $0x480, s29  }
0x1d4: {  	[hbm4b:s30+s4] =	stream.linear.scatter [tilespmem:s16], [sflag:$0x3], $0x400, $0x38;
	[tilespmem:$0x10180] =	vst v63  }
0x1d5: {  	s30 =	sadd.s32 $0x500, s29  }
0x1d6: {  	[hbm4b:s30+s4] =	stream.linear.scatter [tilespmem:s17], [sflag:$0x3], $0x400, $0x38;
	[tilespmem:$0x10180] =	vst v63  }
0x1d7: {  	s30 =	sadd.s32 $0x580, s29  }
0x1d8: {  	[hbm4b:s30+s4] =	stream.linear.scatter [tilespmem:s18], [sflag:$0x3], $0x400, $0x38;
	[tilespmem:$0x10180] =	vst v63  }
0x1d9: {  	s30 =	sadd.s32 $0x600, s29  }
0x1da: {  	[hbm4b:s30+s4] =	stream.linear.scatter [tilespmem:s19], [sflag:$0x3], $0x400, $0x38;
	[tilespmem:$0x10180] =	vst v63  }
0x1db: {  	s30 =	sadd.s32 $0x680, s29  }
0x1dc: {  	[hbm4b:s30+s4] =	stream.linear.scatter [tilespmem:s20], [sflag:$0x3], $0x400, $0x38;
	[tilespmem:$0x10180] =	vst v63  }
0x1dd: {  	s30 =	sadd.s32 $0x700, s29  }
0x1de: {  	[hbm4b:s30+s4] =	stream.linear.scatter [tilespmem:s21], [sflag:$0x3], $0x400, $0x38;
	[tilespmem:$0x10180] =	vst v63  }
0x1df: {  	s29 =	sadd.s32 $0x780, s29  }
0x1e0: {  	[hbm4b:s29+s4] =	stream.linear.scatter [tilespmem:s22], [sflag:$0x3], $0x400, $0x38;
	[tilespmem:$0x10180] =	vst v63  }
0x1e1: {  	_ =	swait.ge [sflag:s14], $0x4000  }
0x1e2: {  	[sflag:s14] =	ssyncset.done $0x0  }
0x1e3: {  	s28 =	sadd.s32 s28, s9;
	s30 =	simm.s32 $0x8580;
	[sflag:s14] =	ssyncadd.s32 $0xFFFFC000  }
0x1e4: {  	[hbm4b:s28+s4] =	stream.linear.scatter [tilespmem:s30], [sflag:$0x3], $0x400, $0x38;
	[tilespmem:$0x10180] =	vst v63  }
0x1e5: {  	s29 =	sadd.s32 $0x80, s28;
	s30 =	simm.s32 $0x8D80  }
0x1e6: {  	[hbm4b:s29+s4] =	stream.linear.scatter [tilespmem:s30], [sflag:$0x3], $0x400, $0x38;
	[tilespmem:$0x10180] =	vst v63  }
0x1e7: {  	s29 =	sadd.s32 $0x100, s28;
	s30 =	simm.s32 $0x9580  }
0x1e8: {  	[hbm4b:s29+s4] =	stream.linear.scatter [tilespmem:s30], [sflag:$0x3], $0x400, $0x38;
	[tilespmem:$0x10180] =	vst v63  }
0x1e9: {  	s29 =	sadd.s32 $0x180, s28;
	s30 =	simm.s32 $0x9D80  }
0x1ea: {  	[hbm4b:s29+s4] =	stream.linear.scatter [tilespmem:s30], [sflag:$0x3], $0x400, $0x38;
	[tilespmem:$0x10180] =	vst v63  }
0x1eb: {  	s29 =	sadd.s32 $0x200, s28;
	s30 =	simm.s32 $0xA580  }
0x1ec: {  	[hbm4b:s29+s4] =	stream.linear.scatter [tilespmem:s30], [sflag:$0x3], $0x400, $0x38;
	[tilespmem:$0x10180] =	vst v63  }
0x1ed: {  	s29 =	sadd.s32 $0x280, s28;
	s30 =	simm.s32 $0xAD80  }
0x1ee: {  	[hbm4b:s29+s4] =	stream.linear.scatter [tilespmem:s30], [sflag:$0x3], $0x400, $0x38;
	[tilespmem:$0x10180] =	vst v63  }
0x1ef: {  	s29 =	sadd.s32 $0x300, s28;
	s30 =	simm.s32 $0xB580  }
0x1f0: {  	[hbm4b:s29+s4] =	stream.linear.scatter [tilespmem:s30], [sflag:$0x3], $0x400, $0x38;
	[tilespmem:$0x10180] =	vst v63  }
0x1f1: {  	s29 =	sadd.s32 $0x380, s28;
	s30 =	simm.s32 $0xBD80  }
0x1f2: {  	[hbm4b:s29+s4] =	stream.linear.scatter [tilespmem:s30], [sflag:$0x3], $0x400, $0x38;
	[tilespmem:$0x10180] =	vst v63  }
0x1f3: {  	s29 =	sadd.s32 $0x400, s28;
	s30 =	simm.s32 $0xC580  }
0x1f4: {  	[hbm4b:s29+s4] =	stream.linear.scatter [tilespmem:s30], [sflag:$0x3], $0x400, $0x38;
	[tilespmem:$0x10180] =	vst v63  }
0x1f5: {  	s29 =	sadd.s32 $0x480, s28;
	s30 =	simm.s32 $0xCD80  }
0x1f6: {  	[hbm4b:s29+s4] =	stream.linear.scatter [tilespmem:s30], [sflag:$0x3], $0x400, $0x38;
	[tilespmem:$0x10180] =	vst v63  }
0x1f7: {  	s29 =	sadd.s32 $0x500, s28;
	s30 =	simm.s32 $0xD580  }
0x1f8: {  	[hbm4b:s29+s4] =	stream.linear.scatter [tilespmem:s30], [sflag:$0x3], $0x400, $0x38;
	[tilespmem:$0x10180] =	vst v63  }
0x1f9: {  	s29 =	sadd.s32 $0x580, s28;
	s30 =	simm.s32 $0xDD80  }
0x1fa: {  	[hbm4b:s29+s4] =	stream.linear.scatter [tilespmem:s30], [sflag:$0x3], $0x400, $0x38;
	[tilespmem:$0x10180] =	vst v63  }
0x1fb: {  	s29 =	sadd.s32 $0x600, s28;
	s30 =	simm.s32 $0xE580  }
0x1fc: {  	[hbm4b:s29+s4] =	stream.linear.scatter [tilespmem:s30], [sflag:$0x3], $0x400, $0x38;
	[tilespmem:$0x10180] =	vst v63  }
0x1fd: {  	s29 =	sadd.s32 $0x680, s28;
	s30 =	simm.s32 $0xED80  }
0x1fe: {  	[hbm4b:s29+s4] =	stream.linear.scatter [tilespmem:s30], [sflag:$0x3], $0x400, $0x38;
	[tilespmem:$0x10180] =	vst v63  }
0x1ff: {  	s29 =	sadd.s32 $0x700, s28;
	s30 =	simm.s32 $0xF580  }
0x200: {  	[hbm4b:s29+s4] =	stream.linear.scatter [tilespmem:s30], [sflag:$0x3], $0x400, $0x38;
	[tilespmem:$0x10180] =	vst v63  }
.Ltmp3:
0x201: {  	s28 =	sadd.s32 $0x780, s28;
	s30 =	simm.s32 $0xFD80;
	(pc) =	sbr.rel @p0 .LBB2_6-.Ltmp3, $4  }
0x202: {  	[hbm4b:s28+s4] =	stream.linear.scatter [tilespmem:s30], [sflag:$0x3], $0x400, $0x38;
	[tilespmem:$0x10180] =	vst v63  }
0x203: {  	_ =	swait.ge [sflag:s14], $0x4000  }
0x204: {  	[sflag:s14] =	ssyncset.done $0x0  }
0x205: {  	[sflag:s14] =	ssyncadd.s32 $0xFFFFC000  }
0x206: {  	p0 =	slt.s32 s25, $0x1188;
	s28 =	smov.u32 s25  }
0x207: {  	s28 =	simm.s32 @!p0 $0x1188  }
0x208: {  	s28 =	sadd.s32 s28, s11  }
0x209: {  	s29 =	rddreg [dreg:$0x0];
	s28 =	sshrl.u32 s28, $0x3  }
0x20a: {  	s28 =	sadd.s32 s29, s28  }
0x20b: {  	[tilespmem:s4], [sflag:$0x3] =	stream.linear.gather [hbm4b:s28+s4], $0x80, $0x38;
	[tilespmem:$0x10180] =	vst v63  }
0x20c: {  	_ =	swait.ge [sflag:s14], $0x80  }
0x20d: {  	[sflag:s14] =	ssyncset.done $0x0  }
0x20e: {  	[sflag:s14] =	ssyncadd.s32 $0xFFFFFF80  }
0x20f: {  	v3 =	vld [tilespmem:$0x0]  }
0x210: {  	v4 =	vld [tilespmem:$0x10]  }
0x211: {  	v5 =	vld [tilespmem:$0x20]  }
0x212: {  	v6 =	vld [tilespmem:$0x30]  }
0x213: {  	v7 =	vld [tilespmem:$0x40]  }
0x214: {  	v8 =	vld [tilespmem:$0x50]  }
0x215: {  	v9 =	vld [tilespmem:$0x60];
	_ =	sdelay $0x1  }
0x216: {  	v3 =	vmul.f32 $1.198000030e+02, v3;
	v4 =	vmul.f32 $1.198000030e+02, v4  }
0x217: {  	v5 =	vmul.f32 $1.198000030e+02, v5;
	v6 =	vmul.f32 $1.198000030e+02, v6  }
0x218: {  	v7 =	vmul.f32 $1.198000030e+02, v7;
	v8 =	vmul.f32 $1.198000030e+02, v8  }
0x219: {  	v9 =	vmul.f32 $1.198000030e+02, v9;
	v3 =	vtrunc.f32 v3  }
0x21a: {  	v4 =	vtrunc.f32 v4;
	v5 =	vtrunc.f32 v5  }
0x21b: {  	v6 =	vtrunc.f32 v6;
	v7 =	vtrunc.f32 v7  }
0x21c: {  	v8 =	vtrunc.f32 v8;
	v3 =	vcvt.f32.s32 v3  }
0x21d: {  	v9 =	vtrunc.f32 v9;
	v4 =	vcvt.f32.s32 v4  }
0x21e: {  	v5 =	vcvt.f32.s32 v5;
	v6 =	vcvt.f32.s32 v6;
	vm1 =	vgt.s32 v3, $0x0  }
0x21f: {  	v46 =	vld [tilespmem:$0x70];
	v7 =	vcvt.f32.s32 v7;
	v8 =	vcvt.f32.s32 v8;
	v3 =	vnsel vm1, $0x0, v3  }
0x220: {  	v47 =	vcvt.f32.s32 v9;
	vm1 =	vgt.s32 v4, $0x0;
	v3 =	vmin.u32 v3, $0x256  }
0x221: {  	v4 =	vnsel vm1, $0x0, v4;
	vm1 =	vgt.s32 v5, $0x0;
	v10 =	vshll.u32 v3, $0x1  }
0x222: {  	v11 =	vand.u32 $0x7, v3;
	v5 =	vnsel vm1, $0x0, v5;
	vm1 =	vgt.s32 v6, $0x0  }
0x223: {  	v4 =	vmin.u32 v4, $0x256;
	v10 =	vand.u32 $0x7F0, v10;
	v6 =	vnsel vm1, $0x0, v6  }
0x224: {  	vm1 =	vgt.s32 v7, $0x0;
	v10 =	vor.u32 v11, v10;
	v11 =	vmul.f32 $1.198000030e+02, v46  }
0x225: {  	[tilespmem:$0x100] =	vst v3;
	v5 =	vmin.u32 v5, $0x256;
	v3 =	vnsel vm1, $0x0, v7;
	vm1 =	vgt.s32 v8, $0x0  }
0x226: {  	[tilespmem:$0x110] =	vst v4;
	v51 =	vmin.u32 v6, $0x256;
	v50 =	vperm.xlane v10, v0;
	v49 =	vtrunc.f32 v11  }
0x227: {  	[tilespmem:$0x120] =	vst v5;
	v48 =	vnsel vm1, $0x0, v8;
	v3 =	vmin.u32 v3, $0x256;
	v52 =	vcvt.f32.s32 v49  }
0x228: {  	[tilespmem:$0x130] =	vst v51;
	vm1 =	vgt.s32 v47, $0x0;
	v54 =	vperm.xlane v10, v2;
	v53 =	vadd.s32 v1, v50  }
0x229: {  	[tilespmem:$0x140] =	vst v3;
	v3 =	vmin.u32 v48, $0x256;
	v55 =	vnsel vm1, $0x0, v47;
	vm1 =	vgt.s32 v52, $0x0  }
0x22a: {  	[tilespmem:$0x150] =	vst v3;
	v4 =	vmin.u32 v55, $0x256;
	v56 =	vadd.s32 v1, v54;
	v3 =	vnsel vm1, $0x0, v52  }
0x22b: {  	[tilespmem:$0x160] =	vst v4;
	v3 =	vmin.u32 v3, $0x256  }
0x22c: {  	[tilespmem:$0x170] =	vst v3  }
0x22d: {  	[tilespmem:s2], [sflag:$0x2] =	stream.indirect_vreg.gather [hbm4b:s3+s4], $0x80, v53, vm0, $0xb8;
	[tilespmem:$0x10180] =	vst v63  }
0x22e: {  	_ = 	snop  }
0x22f: {  	[tilespmem:s0], [sflag:$0x2] =	stream.indirect_vreg.gather [hbm4b:s3+s4], $0x80, v56, vm0, $0xb8;
	[tilespmem:$0x10180] =	vst v63  }
0x230: {  	v3 =	vld [tilespmem:$0x110];
	_ =	sdelay $0x4  }
0x231: {  	v57 =	vshll.u32 v3, $0x1  }
0x232: {  	v3 =	vand.u32 $0x7, v3;
	v4 =	vand.u32 $0xFFFFFFF0, v57  }
0x233: {  	v3 =	vor.u32 v3, v4  }
0x234: {  	v4 =	vperm.xlane v3, v0;
	_ =	sdelay $0x1  }
0x235: {  	v3 =	vperm.xlane v3, v2;
	v4 =	vadd.s32 v1, v4;
	_ =	sdelay $0x1  }
0x236: {  	v3 =	vadd.s32 v1, v3;
	_ =	sdelay $0x2  }
0x237: {  	[tilespmem:s8], [sflag:$0x2] =	stream.indirect_vreg.gather [hbm4b:s3+s4], $0x80, v4, vm0, $0xb8;
	[tilespmem:$0x10180] =	vst v63  }
0x238: {  	_ = 	snop  }
0x239: {  	[tilespmem:s12], [sflag:$0x2] =	stream.indirect_vreg.gather [hbm4b:s3+s4], $0x80, v3, vm0, $0xb8;
	[tilespmem:$0x10180] =	vst v63  }
0x23a: {  	v3 =	vld [tilespmem:$0x120];
	_ =	sdelay $0x4  }
0x23b: {  	v58 =	vshll.u32 v3, $0x1  }
0x23c: {  	v3 =	vand.u32 $0x7, v3;
	v4 =	vand.u32 $0xFFFFFFF0, v58  }
0x23d: {  	v3 =	vor.u32 v3, v4  }
0x23e: {  	v4 =	vperm.xlane v3, v0;
	_ =	sdelay $0x1  }
0x23f: {  	v3 =	vperm.xlane v3, v2;
	v4 =	vadd.s32 v1, v4;
	_ =	sdelay $0x1  }
0x240: {  	v3 =	vadd.s32 v1, v3;
	_ =	sdelay $0x2  }
0x241: {  	[tilespmem:s13], [sflag:$0x2] =	stream.indirect_vreg.gather [hbm4b:s3+s4], $0x80, v4, vm0, $0xb8;
	[tilespmem:$0x10180] =	vst v63  }
0x242: {  	_ = 	snop  }
0x243: {  	[tilespmem:s7], [sflag:$0x2] =	stream.indirect_vreg.gather [hbm4b:s3+s4], $0x80, v3, vm0, $0xb8;
	[tilespmem:$0x10180] =	vst v63  }
0x244: {  	v3 =	vld [tilespmem:$0x130];
	_ =	sdelay $0x4  }
0x245: {  	v59 =	vshll.u32 v3, $0x1  }
0x246: {  	v3 =	vand.u32 $0x7, v3;
	v4 =	vand.u32 $0xFFFFFFF0, v59  }
0x247: {  	v3 =	vor.u32 v3, v4  }
0x248: {  	v4 =	vperm.xlane v3, v0;
	_ =	sdelay $0x1  }
0x249: {  	v3 =	vperm.xlane v3, v2;
	v4 =	vadd.s32 v1, v4;
	_ =	sdelay $0x1  }
0x24a: {  	v3 =	vadd.s32 v1, v3;
	_ =	sdelay $0x2  }
0x24b: {  	[tilespmem:s10], [sflag:$0x2] =	stream.indirect_vreg.gather [hbm4b:s3+s4], $0x80, v4, vm0, $0xb8;
	[tilespmem:$0x10180] =	vst v63  }
0x24c: {  	_ = 	snop  }
0x24d: {  	[tilespmem:s1], [sflag:$0x2] =	stream.indirect_vreg.gather [hbm4b:s3+s4], $0x80, v3, vm0, $0xb8;
	[tilespmem:$0x10180] =	vst v63  }
0x24e: {  	v3 =	vld [tilespmem:$0x140];
	_ =	sdelay $0x4  }
0x24f: {  	v60 =	vshll.u32 v3, $0x1  }
0x250: {  	v3 =	vand.u32 $0x7, v3;
	v4 =	vand.u32 $0xFFFFFFF0, v60  }
0x251: {  	v3 =	vor.u32 v3, v4  }
0x252: {  	v4 =	vperm.xlane v3, v0;
	_ =	sdelay $0x1  }
0x253: {  	v3 =	vperm.xlane v3, v2;
	v4 =	vadd.s32 v1, v4;
	_ =	sdelay $0x1  }
0x254: {  	v3 =	vadd.s32 v1, v3;
	_ =	sdelay $0x2  }
0x255: {  	[tilespmem:s15], [sflag:$0x2] =	stream.indirect_vreg.gather [hbm4b:s3+s4], $0x80, v4, vm0, $0xb8;
	[tilespmem:$0x10180] =	vst v63  }
0x256: {  	_ = 	snop  }
0x257: {  	[tilespmem:s16], [sflag:$0x2] =	stream.indirect_vreg.gather [hbm4b:s3+s4], $0x80, v3, vm0, $0xb8;
	[tilespmem:$0x10180] =	vst v63  }
0x258: {  	v3 =	vld [tilespmem:$0x150];
	_ =	sdelay $0x4  }
0x259: {  	v61 =	vshll.u32 v3, $0x1  }
0x25a: {  	v3 =	vand.u32 $0x7, v3;
	v4 =	vand.u32 $0xFFFFFFF0, v61  }
0x25b: {  	v3 =	vor.u32 v3, v4  }
0x25c: {  	v4 =	vperm.xlane v3, v0;
	_ =	sdelay $0x1  }
0x25d: {  	v3 =	vperm.xlane v3, v2;
	v4 =	vadd.s32 v1, v4;
	_ =	sdelay $0x1  }
0x25e: {  	v3 =	vadd.s32 v1, v3;
	_ =	sdelay $0x2  }
0x25f: {  	[tilespmem:s17], [sflag:$0x2] =	stream.indirect_vreg.gather [hbm4b:s3+s4], $0x80, v4, vm0, $0xb8;
	[tilespmem:$0x10180] =	vst v63  }
0x260: {  	_ = 	snop  }
0x261: {  	[tilespmem:s18], [sflag:$0x2] =	stream.indirect_vreg.gather [hbm4b:s3+s4], $0x80, v3, vm0, $0xb8;
	[tilespmem:$0x10180] =	vst v63  }
0x262: {  	v3 =	vld [tilespmem:$0x160];
	_ =	sdelay $0x4  }
0x263: {  	v62 =	vshll.u32 v3, $0x1  }
0x264: {  	v3 =	vand.u32 $0x7, v3;
	v4 =	vand.u32 $0xFFFFFFF0, v62  }
0x265: {  	v3 =	vor.u32 v3, v4  }
0x266: {  	v4 =	vperm.xlane v3, v0;
	_ =	sdelay $0x1  }
0x267: {  	v3 =	vperm.xlane v3, v2;
	v4 =	vadd.s32 v1, v4;
	_ =	sdelay $0x1  }
0x268: {  	v3 =	vadd.s32 v1, v3;
	_ =	sdelay $0x2  }
0x269: {  	[tilespmem:s19], [sflag:$0x2] =	stream.indirect_vreg.gather [hbm4b:s3+s4], $0x80, v4, vm0, $0xb8;
	[tilespmem:$0x10180] =	vst v63  }
0x26a: {  	_ = 	snop  }
0x26b: {  	[tilespmem:s20], [sflag:$0x2] =	stream.indirect_vreg.gather [hbm4b:s3+s4], $0x80, v3, vm0, $0xb8;
	[tilespmem:$0x10180] =	vst v63  }
0x26c: {  	v3 =	vld [tilespmem:$0x170];
	_ =	sdelay $0x4  }
0x26d: {  	v63 =	vshll.u32 v3, $0x1  }
0x26e: {  	v3 =	vand.u32 $0x7, v3;
	v4 =	vand.u32 $0xFFFFFFF0, v63  }
0x26f: {  	v3 =	vor.u32 v3, v4  }
0x270: {  	v4 =	vperm.xlane v3, v0;
	_ =	sdelay $0x1  }
0x271: {  	v3 =	vperm.xlane v3, v2;
	v4 =	vadd.s32 v1, v4;
	_ =	sdelay $0x1  }
0x272: {  	v3 =	vadd.s32 v1, v3  }
.Ltmp4:
0x273: {  	_ = 	snop;
	(pc) =	sbr.rel .LBB2_2-.Ltmp4, $4  }
0x274: {  	_ = 	snop  }
0x275: {  	[tilespmem:s21], [sflag:$0x2] =	stream.indirect_vreg.gather [hbm4b:s3+s4], $0x80, v4, vm0, $0xb8;
	[tilespmem:$0x10180] =	vst v63  }
0x276: {  	s26 =	sadd.s32 $0x1000, s26;
	s25 =	sadd.s32 $0x100, s25  }
0x277: {  	[tilespmem:s22], [sflag:$0x2] =	stream.indirect_vreg.gather [hbm4b:s3+s4], $0x80, v3, vm0, $0xb8;
	[tilespmem:$0x10180] =	vst v63  }
.LBB2_7:
0x278: {  	_ =	sfence.sel $0x180000  }
0x279: {  	[bflag:$0x0] =	sbarrier.arrive $0xFFFF  }
0x27a: {  	_ =	strace $0x90000047  }
0x27b: {  	s0 =	stileid.u32;
	[bflag:$0x2] =	sbarrier.arrive $0xFFFF  }
0x27c: {  	p0 =	sne.s32 s0, $0x0;
	s0 =	rddreg [dreg:$0x3]  }
0x27d: {  	s0 =	sadd.s32 @!p0 $0x100000, s0  }
0x27e: {  	[sflag:s0] =	ssyncadd.tile.s32 @!p0 $0x1;
	_ =	shalt  }
.Lfunc_end2:
_tile_overlayer_lowered:
.L_overlay_start_2:
0x27f: {  	(tag) =	ssettag $0x2  }
0x280: {  	s0 =	rddreg [dreg:$0x0];
	s2 =	stileid.u32  }
0x281: {  	s1 =	rddreg [dreg:$0x1];
	p0 =	sne.s32 s2, $0x0  }
0x282: {  	s3 =	rddreg [dreg:$0x2];
	[bflag:$0x3] =	sbarrier.arrive $0xFFFF;
	s2 =	simm.s32 @!p0 $0x1C03  }
0x283: {  	[timem:s3], [sflag:s2] =	dma.local @!p0 [hbm:s0], s1  }
0x284: {  	s0 =	simm.s32 @!p0 $0x3  }
0x285: {  	_ =	swait.ge @!p0 [sflag:s0], s1  }
0x286: {  	s1 =	ssub.s32 @!p0 $0x0, s1;
	[sflag:s0] =	ssyncset.done @!p0 $0x0  }
0x287: {  	[sflag:s0] =	ssyncadd.s32 @!p0 s1  }
0x288: {  	[bflag:$0x3] =	sbarrier.arrive $0xFFFF  }
0x289: {  	_ =	shalt  }

</sc_bundles>
